<compile_context>
chip_gen: v7x
topology: tpu7x:2x2x1
jax: 0.10.2.dev20260603
libtpu: 0.0.44.dev20260713+nightly
codegen_flags: <defaults>
</compile_context>

<pallas_src>
import functools

import jax
import jax.numpy as jnp
from jax import lax
from jax.experimental import pallas as pl
from jax.experimental.pallas import tpu as pltpu
from jax.experimental.pallas import tpu_sc as plsc

XMIN, XMAX, YMIN, YMAX = -1.0, 1.0, -1.0, 1.0

_C = 2048
_NW = 32
_L = 16


def _floor_parts(v):
    ti = v.astype(jnp.int32)
    tf = ti.astype(jnp.float32)
    adj = tf > v
    fi = jnp.where(adj, ti - 1, ti)
    ff = jnp.where(adj, tf - 1.0, tf)
    return fi, ff, v - ff


def _rsqrt(v):
    i = lax.bitcast_convert_type(v, jnp.int32)
    i = jnp.int32(0x5F3759DF) - lax.shift_right_arithmetic(i, 1)
    y = lax.bitcast_convert_type(i, jnp.float32)
    h = 0.5 * v
    for _ in range(3):
        y = y * (1.5 - h * y * y)
    return y


def _sc_body(Hh, Ww, npts, nchunks, x0_hbm, x1_hbm, grid_hbm,
             out0_hbm, out1_hbm, x0buf, x1buf, idxbufs, valbufs, out0buf,
             out1buf, sem):
    wid = lax.axis_index("s") * 2 + lax.axis_index("c")

    nvec = _C // _L

    fWm1 = float(Ww - 1)
    fHm1 = float(Hh - 1)
    sx = 0.5 * float(Ww - 1)
    sy = 0.5 * float(Hh - 1)

    def coords(b, j):
        base = j * _L
        gx_raw = x0buf[b][pl.ds(base, _L)]
        gy_raw = x1buf[b][pl.ds(base, _L)]
        gx = 2.0 * (gx_raw - XMIN) / (XMAX - XMIN) - 1.0
        gy = 2.0 * (gy_raw - YMIN) / (YMAX - YMIN) - 1.0
        ix = (gx + 1.0) * sx
        iy = (gy + 1.0) * sy
        ix0, ix0f, wx = _floor_parts(ix)
        iy0, iy0f, wy = _floor_parts(iy)
        return gx_raw, gy_raw, ix, iy, ix0, ix0f, wx, iy0, iy0f, wy

    def cell_cols(ix0):
        return [jnp.clip(ix0 + d, 0, Ww - 1) for d in (-1, 0, 1, 2)]

    def cell_rows(iy0):
        return [jnp.clip(iy0 + d, 0, Hh - 1) for d in (-1, 0, 1, 2)]

    cells = [(-1, 0), (-1, 1),
             (0, -1), (0, 0), (0, 1), (0, 2),
             (1, -1), (1, 0), (1, 1), (1, 2),
             (2, 0), (2, 1)]

    def pass1(b, j, _):
        (_, _, _, _, ix0, _, _, iy0, _, _) = coords(b, j)
        cols = cell_cols(ix0)
        rows = cell_rows(iy0)
        off = j * _L
        for k, (dr, dc) in enumerate(cells):
            idx = rows[dr + 1] * Ww + cols[dc + 1]
            idxbufs[b][k][pl.ds(off, _L)] = idx
        return 0

    def pass2(b, j, _):
        (gx_raw, gy_raw, ix, iy, ix0, ix0f, wx, iy0, iy0f, wy) = coords(b, j)
        off = j * _L

        v = [valbufs[b][k][pl.ds(off, _L)] for k in range(len(cells))]

        colok = [((ix0 + d) >= 0) & ((ix0 + d) <= (Ww - 1)) for d in (-1, 0, 1, 2)]
        rowok = [((iy0 + d) >= 0) & ((iy0 + d) <= (Hh - 1)) for d in (-1, 0, 1, 2)]
        vm = [jnp.where(rowok[dr + 1] & colok[dc + 1], v[k], 0.0)
              for k, (dr, dc) in enumerate(cells)]

        (A, B, Cc, D, E, F, G, Hc, I, J, K, Lc) = vm
        ixc = jnp.clip(ix, 0.0, fWm1)
        iyc = jnp.clip(iy, 0.0, fHm1)
        wxc = ixc - jnp.clip(ix0f, 0.0, fWm1)
        wyc = iyc - jnp.clip(iy0f, 0.0, fHm1)
        Dr, Er, Hr, Ir = v[3], v[4], v[7], v[8]
        phi = ((1.0 - wyc) * ((1.0 - wxc) * Dr + wxc * Er)
               + wyc * ((1.0 - wxc) * Hr + wxc * Ir))

        omx = 1.0 - wx
        omy = 1.0 - wy
        gx_p = omy * (omx * E + wx * F) + wy * (omx * I + wx * J)
        gx_m = omy * (omx * Cc + wx * D) + wy * (omx * G + wx * Hc)
        gy_p = omy * (omx * Hc + wx * I) + wy * (omx * K + wx * Lc)
        gy_m = omy * (omx * A + wx * B) + wy * (omx * D + wx * E)

        dphidx = (gx_p - gx_m) * (fWm1 / 4.0)
        dphidy = (gy_p - gy_m) * (fHm1 / 4.0)
        g2 = jnp.maximum(dphidx * dphidx + dphidy * dphidy, 1e-12)
        coef = phi / g2 + 0.001 * _rsqrt(g2)
        newx = gx_raw - coef * dphidx
        newy = gy_raw - coef * dphidy
        sel = phi > 0.0
        base = j * _L
        out0buf[b][pl.ds(base, _L)] = jnp.where(sel, newx, gx_raw)
        out1buf[b][pl.ds(base, _L)] = jnp.where(sel, newy, gy_raw)
        return 0

    def chunk_start(t):
        i = jnp.minimum(wid + _NW * t, nchunks - 1)
        return pl.multiple_of(jnp.minimum(i * _C, npts - _C), 8)

    def fire(t, b):
        start = chunk_start(t)
        pltpu.sync_copy(x0_hbm.at[pl.ds(start, _C)], x0buf[b])
        pltpu.sync_copy(x1_hbm.at[pl.ds(start, _C)], x1buf[b])
        lax.fori_loop(0, nvec, functools.partial(pass1, b), 0)
        for k in range(len(cells)):
            pltpu.async_copy(grid_hbm.at[idxbufs[b][k]], valbufs[b][k], sem[b])

    def drain(t, b):
        for k in range(len(cells)):
            pltpu.make_async_copy(
                grid_hbm.at[idxbufs[b][k]], valbufs[b][k], sem[b]
            ).wait()
        lax.fori_loop(0, nvec, functools.partial(pass2, b), 0)
        start = chunk_start(t)
        pltpu.sync_copy(out0buf[b], out0_hbm.at[pl.ds(start, _C)])
        pltpu.sync_copy(out1buf[b], out1_hbm.at[pl.ds(start, _C)])

    def step(s, _):
        t0 = 2 * s
        fire(t0 + 1, 1)
        drain(t0, 0)
        fire(t0 + 2, 0)
        drain(t0 + 1, 1)
        return 0

    t_per_w = -(-nchunks // _NW)
    n_steps = -(-t_per_w // 2)
    fire(0, 0)
    lax.fori_loop(0, n_steps, step, 0)
    drain(2 * n_steps, 0)


def kernel(x, sdf_grid):
    npts = x.shape[0]
    Hh, Ww = sdf_grid.shape[2], sdf_grid.shape[3]
    ncell = 12

    assert npts % 8 == 0 and npts >= _C
    nchunks = -(-npts // _C)

    xt = x.T
    x0_flat = xt[0]
    x1_flat = xt[1]
    grid_flat = sdf_grid.reshape(Hh * Ww)

    mesh = plsc.VectorSubcoreMesh(core_axis_name="c", subcore_axis_name="s")
    body = functools.partial(_sc_body, Hh, Ww, npts, nchunks)
    out0, out1 = pl.kernel(
        body,
        out_type=(
            jax.ShapeDtypeStruct((npts,), jnp.float32),
            jax.ShapeDtypeStruct((npts,), jnp.float32),
        ),
        mesh=mesh,
        compiler_params=pltpu.CompilerParams(needs_layout_passes=False),
        scratch_types=[
            [pltpu.VMEM((_C,), jnp.float32) for _ in range(2)],
            [pltpu.VMEM((_C,), jnp.float32) for _ in range(2)],
            [[pltpu.VMEM((_C,), jnp.int32) for _ in range(ncell)]
             for _ in range(2)],
            [[pltpu.VMEM((_C,), jnp.float32) for _ in range(ncell)]
             for _ in range(2)],
            [pltpu.VMEM((_C,), jnp.float32) for _ in range(2)],
            [pltpu.VMEM((_C,), jnp.float32) for _ in range(2)],
            [pltpu.SemaphoreType.DMA for _ in range(2)],
        ],
    )(x0_flat, x1_flat, grid_flat)
    return jnp.stack([out0, out1], axis=1)

# --- scband reference (transcript-rebuilt; emitter-appended) ---
"""Pipeline reference for scband-sdfprojector-60095182406064 (READ-ONLY COPY).

The authoritative reference and input builder live on the scoring server;
editing this copy changes nothing except your own understanding.
"""

import jax, jax.numpy as jnp
import numpy as np

H = 2048
W = 2048
XMIN, XMAX, YMIN, YMAX = -1.0, 1.0, -1.0, 1.0
N = 2000000


def _sample(img, gx, gy, padding):
    # Faithful port of F.grid_sample(mode='bilinear', align_corners=True) for a
    # single-channel (H, W) image sampled at normalized coords gx, gy in [-1, 1].
    Hh, Ww = img.shape
    ix = (gx + 1.0) * 0.5 * (Ww - 1)
    iy = (gy + 1.0) * 0.5 * (Hh - 1)
    if padding == 'border':
        ix = jnp.clip(ix, 0.0, Ww - 1.0)
        iy = jnp.clip(iy, 0.0, Hh - 1.0)
    ix0 = jnp.floor(ix)
    iy0 = jnp.floor(iy)
    wx = ix - ix0
    wy = iy - iy0

    def corner(xi, yi):
        inb = (xi >= 0) & (xi <= Ww - 1) & (yi >= 0) & (yi <= Hh - 1)
        v = img[jnp.clip(yi, 0, Hh - 1).astype(jnp.int32), jnp.clip(xi, 0, Ww - 1).astype(jnp.int32)]
        return jnp.where(inb, v, 0.0)

    v00 = corner(ix0, iy0)
    v01 = corner(ix0 + 1.0, iy0)
    v10 = corner(ix0, iy0 + 1.0)
    v11 = corner(ix0 + 1.0, iy0 + 1.0)
    return (1.0 - wy) * ((1.0 - wx) * v00 + wx * v01) + wy * ((1.0 - wx) * v10 + wx * v11)


def _project(x, sdf_grid):
    # SDFProjector.project(x, iters=1, push_in=0.001)
    img = sdf_grid[0, 0]
    Hh, Ww = img.shape
    dx = (XMAX - XMIN) / max(1, Ww - 1)
    dy = (YMAX - YMIN) / max(1, Hh - 1)
    epsx = 2.0 / max(1, Ww - 1)
    epsy = 2.0 / max(1, Hh - 1)
    gx = 2.0 * (x[:, 0] - XMIN) / max(1e-12, XMAX - XMIN) - 1.0
    gy = 2.0 * (x[:, 1] - YMIN) / max(1e-12, YMAX - YMIN) - 1.0
    # phi uses padding_mode='border'; the finite-difference samples use the
    # torch default padding_mode='zeros' (as in the original code).
    phi = _sample(img, gx, gy, 'border')
    gx_p = _sample(img, gx + epsx, gy, 'zeros')
    gx_m = _sample(img, gx - epsx, gy, 'zeros')
    gy_p = _sample(img, gx, gy + epsy, 'zeros')
    gy_m = _sample(img, gx, gy - epsy, 'zeros')
    dphidx = (gx_p - gx_m) / (2.0 * dx)
    dphidy = (gy_p - gy_m) / (2.0 * dy)
    grad = jnp.stack([dphidx, dphidy], axis=-1)
    mask = phi > 0
    g2 = jnp.clip(jnp.sum(grad * grad, axis=-1), 1e-12, None)
    push_in = 0.001
    x_new = x - (phi / g2)[:, None] * grad
    x_new = x_new - (push_in / jnp.sqrt(g2))[:, None] * grad
    return jnp.where(mask[:, None], x_new, x)


def setup_inputs(seed: int = 0):
    key = jax.random.key(seed)
    xs = jnp.linspace(XMIN, XMAX, W)
    ys = jnp.linspace(YMIN, YMAX, H)
    X, Y = jnp.meshgrid(xs, ys)
    # Analytic SDF of a circle of radius 0.5 (a genuine signed-distance field,
    # so Newton projection behaves as in production).
    sdf_grid = (jnp.sqrt(X * X + Y * Y) - 0.5).astype(jnp.float32)[None, None]
    x = jax.random.normal(key, (N, 2), dtype=jnp.float32)
    return {"x": x, "sdf_grid": sdf_grid}


def reference(x, sdf_grid):
    return _project(x, sdf_grid)

if __name__ == "__main__":
    import jax
    _d = setup_inputs()
    print(jax.jit(kernel)(*tuple(_d.values())))

</pallas_src>

<mosaic_0001>
#map = affine_map<(d0, d1) -> (0)>
module attributes {stable_mosaic.version = 14 : i64} {
  func.func @_sc_body(%arg0: i32, %arg1: i32, %arg2: memref<2000000xf32, #tpu.memory_space<hbm>>, %arg3: memref<2000000xf32, #tpu.memory_space<hbm>>, %arg4: memref<4194304xf32, #tpu.memory_space<hbm>>, %arg5: memref<2000000xf32, #tpu.memory_space<hbm>>, %arg6: memref<2000000xf32, #tpu.memory_space<hbm>>, %arg7: memref<2048xf32, #tpu.memory_space<vmem>>, %arg8: memref<2048xf32, #tpu.memory_space<vmem>>, %arg9: memref<2048xf32, #tpu.memory_space<vmem>>, %arg10: memref<2048xf32, #tpu.memory_space<vmem>>, %arg11: memref<2048xi32, #tpu.memory_space<vmem>>, %arg12: memref<2048xi32, #tpu.memory_space<vmem>>, %arg13: memref<2048xi32, #tpu.memory_space<vmem>>, %arg14: memref<2048xi32, #tpu.memory_space<vmem>>, %arg15: memref<2048xi32, #tpu.memory_space<vmem>>, %arg16: memref<2048xi32, #tpu.memory_space<vmem>>, %arg17: memref<2048xi32, #tpu.memory_space<vmem>>, %arg18: memref<2048xi32, #tpu.memory_space<vmem>>, %arg19: memref<2048xi32, #tpu.memory_space<vmem>>, %arg20: memref<2048xi32, #tpu.memory_space<vmem>>, %arg21: memref<2048xi32, #tpu.memory_space<vmem>>, %arg22: memref<2048xi32, #tpu.memory_space<vmem>>, %arg23: memref<2048xi32, #tpu.memory_space<vmem>>, %arg24: memref<2048xi32, #tpu.memory_space<vmem>>, %arg25: memref<2048xi32, #tpu.memory_space<vmem>>, %arg26: memref<2048xi32, #tpu.memory_space<vmem>>, %arg27: memref<2048xi32, #tpu.memory_space<vmem>>, %arg28: memref<2048xi32, #tpu.memory_space<vmem>>, %arg29: memref<2048xi32, #tpu.memory_space<vmem>>, %arg30: memref<2048xi32, #tpu.memory_space<vmem>>, %arg31: memref<2048xi32, #tpu.memory_space<vmem>>, %arg32: memref<2048xi32, #tpu.memory_space<vmem>>, %arg33: memref<2048xi32, #tpu.memory_space<vmem>>, %arg34: memref<2048xi32, #tpu.memory_space<vmem>>, %arg35: memref<2048xf32, #tpu.memory_space<vmem>>, %arg36: memref<2048xf32, #tpu.memory_space<vmem>>, %arg37: memref<2048xf32, #tpu.memory_space<vmem>>, %arg38: memref<2048xf32, #tpu.memory_space<vmem>>, %arg39: memref<2048xf32, #tpu.memory_space<vmem>>, %arg40: memref<2048xf32, #tpu.memory_space<vmem>>, %arg41: memref<2048xf32, #tpu.memory_space<vmem>>, %arg42: memref<2048xf32, #tpu.memory_space<vmem>>, %arg43: memref<2048xf32, #tpu.memory_space<vmem>>, %arg44: memref<2048xf32, #tpu.memory_space<vmem>>, %arg45: memref<2048xf32, #tpu.memory_space<vmem>>, %arg46: memref<2048xf32, #tpu.memory_space<vmem>>, %arg47: memref<2048xf32, #tpu.memory_space<vmem>>, %arg48: memref<2048xf32, #tpu.memory_space<vmem>>, %arg49: memref<2048xf32, #tpu.memory_space<vmem>>, %arg50: memref<2048xf32, #tpu.memory_space<vmem>>, %arg51: memref<2048xf32, #tpu.memory_space<vmem>>, %arg52: memref<2048xf32, #tpu.memory_space<vmem>>, %arg53: memref<2048xf32, #tpu.memory_space<vmem>>, %arg54: memref<2048xf32, #tpu.memory_space<vmem>>, %arg55: memref<2048xf32, #tpu.memory_space<vmem>>, %arg56: memref<2048xf32, #tpu.memory_space<vmem>>, %arg57: memref<2048xf32, #tpu.memory_space<vmem>>, %arg58: memref<2048xf32, #tpu.memory_space<vmem>>, %arg59: memref<2048xf32, #tpu.memory_space<vmem>>, %arg60: memref<2048xf32, #tpu.memory_space<vmem>>, %arg61: memref<2048xf32, #tpu.memory_space<vmem>>, %arg62: memref<2048xf32, #tpu.memory_space<vmem>>, %arg63: memref<!tpu.dma_semaphore, #tpu.memory_space<semaphore_mem>>, %arg64: memref<!tpu.dma_semaphore, #tpu.memory_space<semaphore_mem>>) attributes {dimension_semantics = [#tpu.dimension_semantics<core_parallel>, #tpu.dimension_semantics<subcore_parallel>], iteration_bounds = array<i64: 2, 16>, scalar_prefetch = 0 : i64, scratch_operands = 58 : i64, tpu.core_type = #tpu.core_type<sc_vector_subcore>, window_params = [{transform_indices = #map}, {transform_indices = #map}, {transform_indices = #map}, {transform_indices = #map}, {transform_indices = #map}]} {
    %mul3A = arith.constant 2 : i32
    %mul3A_0 = arith.muli %arg1, %mul3A : i32
    %add3A = arith.addi %mul3A_0, %arg0 : i32
    %add3A_1 = arith.constant 0 : i32
    %add3A_2 = arith.addi %add3A, %add3A_1 : i32
    %min3A = arith.constant 976 : i32
    %min3A_3 = arith.minsi %add3A_2, %min3A : i32
    %mul3A_4 = arith.constant 2048 : i32
    %mul3A_5 = arith.muli %min3A_3, %mul3A_4 : i32
    %min3A_6 = arith.constant 1997952 : i32
    %min3A_7 = arith.minsi %mul3A_5, %min3A_6 : i32
    %multiple_of3A = tpu.assume_multiple %min3A_7, 8 : i32
    "tpu.region"() ({
      %run_scoped3A = tpu.sem_alloc : memref<!tpu.dma_semaphore, #tpu.memory_space<semaphore_mem>>
      %dma_start3A_83 = tpu.memref_slice %arg2[%multiple_of3A] : memref<2000000xf32, #tpu.memory_space<hbm>> -> memref<2048xf32, #tpu.memory_space<hbm>>
      %dma_start3A_84 = tpu.memref_slice %arg2[%multiple_of3A] : memref<2000000xf32, #tpu.memory_space<hbm>> -> memref<2048xf32, #tpu.memory_space<hbm>>
      tpu.enqueue_dma source(%dma_start3A_84 : memref<2048xf32, #tpu.memory_space<hbm>>) target(%arg7 : memref<2048xf32, #tpu.memory_space<vmem>>) target_semaphore(%run_scoped3A : memref<!tpu.dma_semaphore, #tpu.memory_space<semaphore_mem>>)
      %dma_wait3A_85 = tpu.memref_slice %arg2[%multiple_of3A] : memref<2000000xf32, #tpu.memory_space<hbm>> -> memref<2048xf32, #tpu.memory_space<hbm>>
      %dma_wait3A_86 = tpu.memref_slice %arg2[%multiple_of3A] : memref<2000000xf32, #tpu.memory_space<hbm>> -> memref<2048xf32, #tpu.memory_space<hbm>>
      tpu.wait_dma2 semaphore(%run_scoped3A : memref<!tpu.dma_semaphore, #tpu.memory_space<semaphore_mem>>) src(%dma_wait3A_86 : memref<2048xf32, #tpu.memory_space<hbm>>) dst(%arg7 : memref<2048xf32, #tpu.memory_space<vmem>>)
      tpu.yield
    }) : () -> ()
    "tpu.region"() ({
      %run_scoped3A = tpu.sem_alloc : memref<!tpu.dma_semaphore, #tpu.memory_space<semaphore_mem>>
      %dma_start3A_83 = tpu.memref_slice %arg3[%multiple_of3A] : memref<2000000xf32, #tpu.memory_space<hbm>> -> memref<2048xf32, #tpu.memory_space<hbm>>
      %dma_start3A_84 = tpu.memref_slice %arg3[%multiple_of3A] : memref<2000000xf32, #tpu.memory_space<hbm>> -> memref<2048xf32, #tpu.memory_space<hbm>>
      tpu.enqueue_dma source(%dma_start3A_84 : memref<2048xf32, #tpu.memory_space<hbm>>) target(%arg9 : memref<2048xf32, #tpu.memory_space<vmem>>) target_semaphore(%run_scoped3A : memref<!tpu.dma_semaphore, #tpu.memory_space<semaphore_mem>>)
      %dma_wait3A_85 = tpu.memref_slice %arg3[%multiple_of3A] : memref<2000000xf32, #tpu.memory_space<hbm>> -> memref<2048xf32, #tpu.memory_space<hbm>>
      %dma_wait3A_86 = tpu.memref_slice %arg3[%multiple_of3A] : memref<2000000xf32, #tpu.memory_space<hbm>> -> memref<2048xf32, #tpu.memory_space<hbm>>
      tpu.wait_dma2 semaphore(%run_scoped3A : memref<!tpu.dma_semaphore, #tpu.memory_space<semaphore_mem>>) src(%dma_wait3A_86 : memref<2048xf32, #tpu.memory_space<hbm>>) dst(%arg9 : memref<2048xf32, #tpu.memory_space<vmem>>)
      tpu.yield
    }) : () -> ()
    %scan3A = arith.constant 0 : i32
    %scan3A_8 = arith.constant 0 : i32
    %scan3A_9 = arith.constant 128 : i32
    %scan3A_10 = arith.addi %scan3A_8, %scan3A_9 : i32
    %scan3A_11 = arith.constant 1 : i32
    %scan3A_12 = scf.for %scan3A_83 = %scan3A_8 to %scan3A_10 step %scan3A_11 iter_args(%scan3A_84 = %scan3A) -> (i32)  : i32 {
      %mul3A_85 = arith.constant 16 : i32
      %mul3A_86 = arith.muli %scan3A_83, %mul3A_85 : i32
      %get3A = arith.index_cast %mul3A_86 : i32 to index
      %get3A_87 = tpu.vector_load %arg7[%get3A] {strides = array<i32>} : memref<2048xf32, #tpu.memory_space<vmem>>, vector<16xf32>,
      %get3A_88 = arith.index_cast %mul3A_86 : i32 to index
      %get3A_89 = tpu.vector_load %arg9[%get3A_88] {strides = array<i32>} : memref<2048xf32, #tpu.memory_space<vmem>>, vector<16xf32>,
      %sub3A = arith.constant -1.000000e+00 : f32
      %sub3A_90 = vector.broadcast %sub3A : f32 to vector<16xf32>
      %sub3A_91 = arith.subf %get3A_87, %sub3A_90 : vector<16xf32>
      %mul3A_92 = arith.constant 2.000000e+00 : f32
      %mul3A_93 = vector.broadcast %mul3A_92 : f32 to vector<16xf32>
      %mul3A_94 = arith.mulf %mul3A_93, %sub3A_91 : vector<16xf32>
      %div3A = arith.constant 2.000000e+00 : f32
      %div3A_95 = vector.broadcast %div3A : f32 to vector<16xf32>
      %div3A_96 = arith.divf %mul3A_94, %div3A_95 : vector<16xf32>
      %sub3A_97 = arith.constant 1.000000e+00 : f32
      %sub3A_98 = vector.broadcast %sub3A_97 : f32 to vector<16xf32>
      %sub3A_99 = arith.subf %div3A_96, %sub3A_98 : vector<16xf32>
      %sub3A_100 = arith.constant -1.000000e+00 : f32
      %sub3A_101 = vector.broadcast %sub3A_100 : f32 to vector<16xf32>
      %sub3A_102 = arith.subf %get3A_89, %sub3A_101 : vector<16xf32>
      %mul3A_103 = arith.constant 2.000000e+00 : f32
      %mul3A_104 = vector.broadcast %mul3A_103 : f32 to vector<16xf32>
      %mul3A_105 = arith.mulf %mul3A_104, %sub3A_102 : vector<16xf32>
      %div3A_106 = arith.constant 2.000000e+00 : f32
      %div3A_107 = vector.broadcast %div3A_106 : f32 to vector<16xf32>
      %div3A_108 = arith.divf %mul3A_105, %div3A_107 : vector<16xf32>
      %sub3A_109 = arith.constant 1.000000e+00 : f32
      %sub3A_110 = vector.broadcast %sub3A_109 : f32 to vector<16xf32>
      %sub3A_111 = arith.subf %div3A_108, %sub3A_110 : vector<16xf32>
      %add3A_112 = arith.constant 1.000000e+00 : f32
      %add3A_113 = vector.broadcast %add3A_112 : f32 to vector<16xf32>
      %add3A_114 = arith.addf %sub3A_99, %add3A_113 : vector<16xf32>
      %mul3A_115 = arith.constant 1.023500e+03 : f32
      %mul3A_116 = vector.broadcast %mul3A_115 : f32 to vector<16xf32>
      %mul3A_117 = arith.mulf %add3A_114, %mul3A_116 : vector<16xf32>
      %add3A_118 = arith.constant 1.000000e+00 : f32
      %add3A_119 = vector.broadcast %add3A_118 : f32 to vector<16xf32>
      %add3A_120 = arith.addf %sub3A_111, %add3A_119 : vector<16xf32>
      %mul3A_121 = arith.constant 1.023500e+03 : f32
      %mul3A_122 = vector.broadcast %mul3A_121 : f32 to vector<16xf32>
      %mul3A_123 = arith.mulf %add3A_120, %mul3A_122 : vector<16xf32>
      %convert_element_type3A = arith.fptosi %mul3A_117 : vector<16xf32> to vector<16xi32>
      %convert_element_type3A_124 = arith.sitofp %convert_element_type3A : vector<16xi32> to vector<16xf32>
      %gt3A = arith.cmpf ogt, %convert_element_type3A_124, %mul3A_117 : vector<16xf32>
      %sub3A_125 = arith.constant 1 : i32
      %sub3A_126 = vector.broadcast %sub3A_125 : i32 to vector<16xi32>
      %sub3A_127 = arith.subi %convert_element_type3A, %sub3A_126 : vector<16xi32>
      %select_n3A = arith.select %gt3A, %sub3A_127, %convert_element_type3A : vector<16xi1>, vector<16xi32>
      %sub3A_128 = arith.constant 1.000000e+00 : f32
      %sub3A_129 = vector.broadcast %sub3A_128 : f32 to vector<16xf32>
      %sub3A_130 = arith.subf %convert_element_type3A_124, %sub3A_129 : vector<16xf32>
      %select_n3A_131 = arith.select %gt3A, %sub3A_130, %convert_element_type3A_124 : vector<16xi1>, vector<16xf32>
      %sub3A_132 = arith.subf %mul3A_117, %select_n3A_131 : vector<16xf32>
      %convert_element_type3A_133 = arith.fptosi %mul3A_123 : vector<16xf32> to vector<16xi32>
      %convert_element_type3A_134 = arith.sitofp %convert_element_type3A_133 : vector<16xi32> to vector<16xf32>
      %gt3A_135 = arith.cmpf ogt, %convert_element_type3A_134, %mul3A_123 : vector<16xf32>
      %sub3A_136 = arith.constant 1 : i32
      %sub3A_137 = vector.broadcast %sub3A_136 : i32 to vector<16xi32>
      %sub3A_138 = arith.subi %convert_element_type3A_133, %sub3A_137 : vector<16xi32>
      %select_n3A_139 = arith.select %gt3A_135, %sub3A_138, %convert_element_type3A_133 : vector<16xi1>, vector<16xi32>
      %sub3A_140 = arith.constant 1.000000e+00 : f32
      %sub3A_141 = vector.broadcast %sub3A_140 : f32 to vector<16xf32>
      %sub3A_142 = arith.subf %convert_element_type3A_134, %sub3A_141 : vector<16xf32>
      %select_n3A_143 = arith.select %gt3A_135, %sub3A_142, %convert_element_type3A_134 : vector<16xi1>, vector<16xf32>
      %sub3A_144 = arith.subf %mul3A_123, %select_n3A_143 : vector<16xf32>
      %add3A_145 = arith.constant -1 : i32
      %add3A_146 = vector.broadcast %add3A_145 : i32 to vector<16xi32>
      %add3A_147 = arith.addi %select_n3A, %add3A_146 : vector<16xi32>
      %jit3A = arith.constant 0 : i32
      %jit3A_148 = arith.constant 2047 : i32
      %max3A = vector.broadcast %jit3A : i32 to vector<16xi32>
      %max3A_149 = arith.maxsi %max3A, %add3A_147 : vector<16xi32>
      %min3A_150 = vector.broadcast %jit3A_148 : i32 to vector<16xi32>
      %min3A_151 = arith.minsi %min3A_150, %max3A_149 : vector<16xi32>
      %add3A_152 = arith.constant 0 : i32
      %add3A_153 = vector.broadcast %add3A_152 : i32 to vector<16xi32>
      %add3A_154 = arith.addi %select_n3A, %add3A_153 : vector<16xi32>
      %jit3A_155 = arith.constant 0 : i32
      %jit3A_156 = arith.constant 2047 : i32
      %max3A_157 = vector.broadcast %jit3A_155 : i32 to vector<16xi32>
      %max3A_158 = arith.maxsi %max3A_157, %add3A_154 : vector<16xi32>
      %min3A_159 = vector.broadcast %jit3A_156 : i32 to vector<16xi32>
      %min3A_160 = arith.minsi %min3A_159, %max3A_158 : vector<16xi32>
      %add3A_161 = arith.constant 1 : i32
      %add3A_162 = vector.broadcast %add3A_161 : i32 to vector<16xi32>
      %add3A_163 = arith.addi %select_n3A, %add3A_162 : vector<16xi32>
      %jit3A_164 = arith.constant 0 : i32
      %jit3A_165 = arith.constant 2047 : i32
      %max3A_166 = vector.broadcast %jit3A_164 : i32 to vector<16xi32>
      %max3A_167 = arith.maxsi %max3A_166, %add3A_163 : vector<16xi32>
      %min3A_168 = vector.broadcast %jit3A_165 : i32 to vector<16xi32>
      %min3A_169 = arith.minsi %min3A_168, %max3A_167 : vector<16xi32>
      %add3A_170 = arith.constant 2 : i32
      %add3A_171 = vector.broadcast %add3A_170 : i32 to vector<16xi32>
      %add3A_172 = arith.addi %select_n3A, %add3A_171 : vector<16xi32>
      %jit3A_173 = arith.constant 0 : i32
      %jit3A_174 = arith.constant 2047 : i32
      %max3A_175 = vector.broadcast %jit3A_173 : i32 to vector<16xi32>
      %max3A_176 = arith.maxsi %max3A_175, %add3A_172 : vector<16xi32>
      %min3A_177 = vector.broadcast %jit3A_174 : i32 to vector<16xi32>
      %min3A_178 = arith.minsi %min3A_177, %max3A_176 : vector<16xi32>
      %add3A_179 = arith.constant -1 : i32
      %add3A_180 = vector.broadcast %add3A_179 : i32 to vector<16xi32>
      %add3A_181 = arith.addi %select_n3A_139, %add3A_180 : vector<16xi32>
      %jit3A_182 = arith.constant 0 : i32
      %jit3A_183 = arith.constant 2047 : i32
      %max3A_184 = vector.broadcast %jit3A_182 : i32 to vector<16xi32>
      %max3A_185 = arith.maxsi %max3A_184, %add3A_181 : vector<16xi32>
      %min3A_186 = vector.broadcast %jit3A_183 : i32 to vector<16xi32>
      %min3A_187 = arith.minsi %min3A_186, %max3A_185 : vector<16xi32>
      %add3A_188 = arith.constant 0 : i32
      %add3A_189 = vector.broadcast %add3A_188 : i32 to vector<16xi32>
      %add3A_190 = arith.addi %select_n3A_139, %add3A_189 : vector<16xi32>
      %jit3A_191 = arith.constant 0 : i32
      %jit3A_192 = arith.constant 2047 : i32
      %max3A_193 = vector.broadcast %jit3A_191 : i32 to vector<16xi32>
      %max3A_194 = arith.maxsi %max3A_193, %add3A_190 : vector<16xi32>
      %min3A_195 = vector.broadcast %jit3A_192 : i32 to vector<16xi32>
      %min3A_196 = arith.minsi %min3A_195, %max3A_194 : vector<16xi32>
      %add3A_197 = arith.constant 1 : i32
      %add3A_198 = vector.broadcast %add3A_197 : i32 to vector<16xi32>
      %add3A_199 = arith.addi %select_n3A_139, %add3A_198 : vector<16xi32>
      %jit3A_200 = arith.constant 0 : i32
      %jit3A_201 = arith.constant 2047 : i32
      %max3A_202 = vector.broadcast %jit3A_200 : i32 to vector<16xi32>
      %max3A_203 = arith.maxsi %max3A_202, %add3A_199 : vector<16xi32>
      %min3A_204 = vector.broadcast %jit3A_201 : i32 to vector<16xi32>
      %min3A_205 = arith.minsi %min3A_204, %max3A_203 : vector<16xi32>
      %add3A_206 = arith.constant 2 : i32
      %add3A_207 = vector.broadcast %add3A_206 : i32 to vector<16xi32>
      %add3A_208 = arith.addi %select_n3A_139, %add3A_207 : vector<16xi32>
      %jit3A_209 = arith.constant 0 : i32
      %jit3A_210 = arith.constant 2047 : i32
      %max3A_211 = vector.broadcast %jit3A_209 : i32 to vector<16xi32>
      %max3A_212 = arith.maxsi %max3A_211, %add3A_208 : vector<16xi32>
      %min3A_213 = vector.broadcast %jit3A_210 : i32 to vector<16xi32>
      %min3A_214 = arith.minsi %min3A_213, %max3A_212 : vector<16xi32>
      %mul3A_215 = arith.constant 16 : i32
      %mul3A_216 = arith.muli %scan3A_83, %mul3A_215 : i32
      %mul3A_217 = arith.constant 2048 : i32
      %mul3A_218 = vector.broadcast %mul3A_217 : i32 to vector<16xi32>
      %mul3A_219 = arith.muli %min3A_187, %mul3A_218 : vector<16xi32>
      %add3A_220 = arith.addi %mul3A_219, %min3A_160 : vector<16xi32>
      %swap3A = arith.index_cast %mul3A_216 : i32 to index
      %swap3A_221 = tpu.vector_load %arg11[%swap3A] {strides = array<i32>} : memref<2048xi32, #tpu.memory_space<vmem>>, vector<16xi32>,
      tpu.vector_store %arg11[%swap3A], %add3A_220 {strides = array<i32>} : memref<2048xi32, #tpu.memory_space<vmem>>, vector<16xi32>,
      %mul3A_222 = arith.constant 2048 : i32
      %mul3A_223 = vector.broadcast %mul3A_222 : i32 to vector<16xi32>
      %mul3A_224 = arith.muli %min3A_187, %mul3A_223 : vector<16xi32>
      %add3A_225 = arith.addi %mul3A_224, %min3A_169 : vector<16xi32>
      %swap3A_226 = arith.index_cast %mul3A_216 : i32 to index
      %swap3A_227 = tpu.vector_load %arg12[%swap3A_226] {strides = array<i32>} : memref<2048xi32, #tpu.memory_space<vmem>>, vector<16xi32>,
      tpu.vector_store %arg12[%swap3A_226], %add3A_225 {strides = array<i32>} : memref<2048xi32, #tpu.memory_space<vmem>>, vector<16xi32>,
      %mul3A_228 = arith.constant 2048 : i32
      %mul3A_229 = vector.broadcast %mul3A_228 : i32 to vector<16xi32>
      %mul3A_230 = arith.muli %min3A_196, %mul3A_229 : vector<16xi32>
      %add3A_231 = arith.addi %mul3A_230, %min3A_151 : vector<16xi32>
      %swap3A_232 = arith.index_cast %mul3A_216 : i32 to index
      %swap3A_233 = tpu.vector_load %arg13[%swap3A_232] {strides = array<i32>} : memref<2048xi32, #tpu.memory_space<vmem>>, vector<16xi32>,
      tpu.vector_store %arg13[%swap3A_232], %add3A_231 {strides = array<i32>} : memref<2048xi32, #tpu.memory_space<vmem>>, vector<16xi32>,
      %mul3A_234 = arith.constant 2048 : i32
      %mul3A_235 = vector.broadcast %mul3A_234 : i32 to vector<16xi32>
      %mul3A_236 = arith.muli %min3A_196, %mul3A_235 : vector<16xi32>
      %add3A_237 = arith.addi %mul3A_236, %min3A_160 : vector<16xi32>
      %swap3A_238 = arith.index_cast %mul3A_216 : i32 to index
      %swap3A_239 = tpu.vector_load %arg14[%swap3A_238] {strides = array<i32>} : memref<2048xi32, #tpu.memory_space<vmem>>, vector<16xi32>,
      tpu.vector_store %arg14[%swap3A_238], %add3A_237 {strides = array<i32>} : memref<2048xi32, #tpu.memory_space<vmem>>, vector<16xi32>,
      %mul3A_240 = arith.constant 2048 : i32
      %mul3A_241 = vector.broadcast %mul3A_240 : i32 to vector<16xi32>
      %mul3A_242 = arith.muli %min3A_196, %mul3A_241 : vector<16xi32>
      %add3A_243 = arith.addi %mul3A_242, %min3A_169 : vector<16xi32>
      %swap3A_244 = arith.index_cast %mul3A_216 : i32 to index
      %swap3A_245 = tpu.vector_load %arg15[%swap3A_244] {strides = array<i32>} : memref<2048xi32, #tpu.memory_space<vmem>>, vector<16xi32>,
      tpu.vector_store %arg15[%swap3A_244], %add3A_243 {strides = array<i32>} : memref<2048xi32, #tpu.memory_space<vmem>>, vector<16xi32>,
      %mul3A_246 = arith.constant 2048 : i32
      %mul3A_247 = vector.broadcast %mul3A_246 : i32 to vector<16xi32>
      %mul3A_248 = arith.muli %min3A_196, %mul3A_247 : vector<16xi32>
      %add3A_249 = arith.addi %mul3A_248, %min3A_178 : vector<16xi32>
      %swap3A_250 = arith.index_cast %mul3A_216 : i32 to index
      %swap3A_251 = tpu.vector_load %arg16[%swap3A_250] {strides = array<i32>} : memref<2048xi32, #tpu.memory_space<vmem>>, vector<16xi32>,
      tpu.vector_store %arg16[%swap3A_250], %add3A_249 {strides = array<i32>} : memref<2048xi32, #tpu.memory_space<vmem>>, vector<16xi32>,
      %mul3A_252 = arith.constant 2048 : i32
      %mul3A_253 = vector.broadcast %mul3A_252 : i32 to vector<16xi32>
      %mul3A_254 = arith.muli %min3A_205, %mul3A_253 : vector<16xi32>
      %add3A_255 = arith.addi %mul3A_254, %min3A_151 : vector<16xi32>
      %swap3A_256 = arith.index_cast %mul3A_216 : i32 to index
      %swap3A_257 = tpu.vector_load %arg17[%swap3A_256] {strides = array<i32>} : memref<2048xi32, #tpu.memory_space<vmem>>, vector<16xi32>,
      tpu.vector_store %arg17[%swap3A_256], %add3A_255 {strides = array<i32>} : memref<2048xi32, #tpu.memory_space<vmem>>, vector<16xi32>,
      %mul3A_258 = arith.constant 2048 : i32
      %mul3A_259 = vector.broadcast %mul3A_258 : i32 to vector<16xi32>
      %mul3A_260 = arith.muli %min3A_205, %mul3A_259 : vector<16xi32>
      %add3A_261 = arith.addi %mul3A_260, %min3A_160 : vector<16xi32>
      %swap3A_262 = arith.index_cast %mul3A_216 : i32 to index
      %swap3A_263 = tpu.vector_load %arg18[%swap3A_262] {strides = array<i32>} : memref<2048xi32, #tpu.memory_space<vmem>>, vector<16xi32>,
      tpu.vector_store %arg18[%swap3A_262], %add3A_261 {strides = array<i32>} : memref<2048xi32, #tpu.memory_space<vmem>>, vector<16xi32>,
      %mul3A_264 = arith.constant 2048 : i32
      %mul3A_265 = vector.broadcast %mul3A_264 : i32 to vector<16xi32>
      %mul3A_266 = arith.muli %min3A_205, %mul3A_265 : vector<16xi32>
      %add3A_267 = arith.addi %mul3A_266, %min3A_169 : vector<16xi32>
      %swap3A_268 = arith.index_cast %mul3A_216 : i32 to index
      %swap3A_269 = tpu.vector_load %arg19[%swap3A_268] {strides = array<i32>} : memref<2048xi32, #tpu.memory_space<vmem>>, vector<16xi32>,
      tpu.vector_store %arg19[%swap3A_268], %add3A_267 {strides = array<i32>} : memref<2048xi32, #tpu.memory_space<vmem>>, vector<16xi32>,
      %mul3A_270 = arith.constant 2048 : i32
      %mul3A_271 = vector.broadcast %mul3A_270 : i32 to vector<16xi32>
      %mul3A_272 = arith.muli %min3A_205, %mul3A_271 : vector<16xi32>
      %add3A_273 = arith.addi %mul3A_272, %min3A_178 : vector<16xi32>
      %swap3A_274 = arith.index_cast %mul3A_216 : i32 to index
      %swap3A_275 = tpu.vector_load %arg20[%swap3A_274] {strides = array<i32>} : memref<2048xi32, #tpu.memory_space<vmem>>, vector<16xi32>,
      tpu.vector_store %arg20[%swap3A_274], %add3A_273 {strides = array<i32>} : memref<2048xi32, #tpu.memory_space<vmem>>, vector<16xi32>,
      %mul3A_276 = arith.constant 2048 : i32
      %mul3A_277 = vector.broadcast %mul3A_276 : i32 to vector<16xi32>
      %mul3A_278 = arith.muli %min3A_214, %mul3A_277 : vector<16xi32>
      %add3A_279 = arith.addi %mul3A_278, %min3A_160 : vector<16xi32>
      %swap3A_280 = arith.index_cast %mul3A_216 : i32 to index
      %swap3A_281 = tpu.vector_load %arg21[%swap3A_280] {strides = array<i32>} : memref<2048xi32, #tpu.memory_space<vmem>>, vector<16xi32>,
      tpu.vector_store %arg21[%swap3A_280], %add3A_279 {strides = array<i32>} : memref<2048xi32, #tpu.memory_space<vmem>>, vector<16xi32>,
      %mul3A_282 = arith.constant 2048 : i32
      %mul3A_283 = vector.broadcast %mul3A_282 : i32 to vector<16xi32>
      %mul3A_284 = arith.muli %min3A_214, %mul3A_283 : vector<16xi32>
      %add3A_285 = arith.addi %mul3A_284, %min3A_169 : vector<16xi32>
      %swap3A_286 = arith.index_cast %mul3A_216 : i32 to index
      %swap3A_287 = tpu.vector_load %arg22[%swap3A_286] {strides = array<i32>} : memref<2048xi32, #tpu.memory_space<vmem>>, vector<16xi32>,
      tpu.vector_store %arg22[%swap3A_286], %add3A_285 {strides = array<i32>} : memref<2048xi32, #tpu.memory_space<vmem>>, vector<16xi32>,
      %scan3A_288 = arith.constant 0 : i32
      scf.yield %scan3A_288 : i32
    }
    %scan3A_13 = arith.constant 128 : i32
    %dma_start3A = arith.constant 0 : i32
    %dma_start3A_14 = tpu.memref_slice %arg4[%dma_start3A] : memref<4194304xf32, #tpu.memory_space<hbm>> -> memref<4194304xf32, #tpu.memory_space<hbm>>
    tpu.enqueue_indirect_dma source(%dma_start3A_14 : memref<4194304xf32, #tpu.memory_space<hbm>>) target(%arg35 : memref<2048xf32, #tpu.memory_space<vmem>>) offsets(%arg11 : memref<2048xi32, #tpu.memory_space<vmem>>) semaphore(%arg63 : memref<!tpu.dma_semaphore, #tpu.memory_space<semaphore_mem>>)
    %dma_start3A_15 = arith.constant 0 : i32
    %dma_start3A_16 = tpu.memref_slice %arg4[%dma_start3A_15] : memref<4194304xf32, #tpu.memory_space<hbm>> -> memref<4194304xf32, #tpu.memory_space<hbm>>
    tpu.enqueue_indirect_dma source(%dma_start3A_16 : memref<4194304xf32, #tpu.memory_space<hbm>>) target(%arg36 : memref<2048xf32, #tpu.memory_space<vmem>>) offsets(%arg12 : memref<2048xi32, #tpu.memory_space<vmem>>) semaphore(%arg63 : memref<!tpu.dma_semaphore, #tpu.memory_space<semaphore_mem>>)
    %dma_start3A_17 = arith.constant 0 : i32
    %dma_start3A_18 = tpu.memref_slice %arg4[%dma_start3A_17] : memref<4194304xf32, #tpu.memory_space<hbm>> -> memref<4194304xf32, #tpu.memory_space<hbm>>
    tpu.enqueue_indirect_dma source(%dma_start3A_18 : memref<4194304xf32, #tpu.memory_space<hbm>>) target(%arg37 : memref<2048xf32, #tpu.memory_space<vmem>>) offsets(%arg13 : memref<2048xi32, #tpu.memory_space<vmem>>) semaphore(%arg63 : memref<!tpu.dma_semaphore, #tpu.memory_space<semaphore_mem>>)
    %dma_start3A_19 = arith.constant 0 : i32
    %dma_start3A_20 = tpu.memref_slice %arg4[%dma_start3A_19] : memref<4194304xf32, #tpu.memory_space<hbm>> -> memref<4194304xf32, #tpu.memory_space<hbm>>
    tpu.enqueue_indirect_dma source(%dma_start3A_20 : memref<4194304xf32, #tpu.memory_space<hbm>>) target(%arg38 : memref<2048xf32, #tpu.memory_space<vmem>>) offsets(%arg14 : memref<2048xi32, #tpu.memory_space<vmem>>) semaphore(%arg63 : memref<!tpu.dma_semaphore, #tpu.memory_space<semaphore_mem>>)
    %dma_start3A_21 = arith.constant 0 : i32
    %dma_start3A_22 = tpu.memref_slice %arg4[%dma_start3A_21] : memref<4194304xf32, #tpu.memory_space<hbm>> -> memref<4194304xf32, #tpu.memory_space<hbm>>
    tpu.enqueue_indirect_dma source(%dma_start3A_22 : memref<4194304xf32, #tpu.memory_space<hbm>>) target(%arg39 : memref<2048xf32, #tpu.memory_space<vmem>>) offsets(%arg15 : memref<2048xi32, #tpu.memory_space<vmem>>) semaphore(%arg63 : memref<!tpu.dma_semaphore, #tpu.memory_space<semaphore_mem>>)
    %dma_start3A_23 = arith.constant 0 : i32
    %dma_start3A_24 = tpu.memref_slice %arg4[%dma_start3A_23] : memref<4194304xf32, #tpu.memory_space<hbm>> -> memref<4194304xf32, #tpu.memory_space<hbm>>
    tpu.enqueue_indirect_dma source(%dma_start3A_24 : memref<4194304xf32, #tpu.memory_space<hbm>>) target(%arg40 : memref<2048xf32, #tpu.memory_space<vmem>>) offsets(%arg16 : memref<2048xi32, #tpu.memory_space<vmem>>) semaphore(%arg63 : memref<!tpu.dma_semaphore, #tpu.memory_space<semaphore_mem>>)
    %dma_start3A_25 = arith.constant 0 : i32
    %dma_start3A_26 = tpu.memref_slice %arg4[%dma_start3A_25] : memref<4194304xf32, #tpu.memory_space<hbm>> -> memref<4194304xf32, #tpu.memory_space<hbm>>
    tpu.enqueue_indirect_dma source(%dma_start3A_26 : memref<4194304xf32, #tpu.memory_space<hbm>>) target(%arg41 : memref<2048xf32, #tpu.memory_space<vmem>>) offsets(%arg17 : memref<2048xi32, #tpu.memory_space<vmem>>) semaphore(%arg63 : memref<!tpu.dma_semaphore, #tpu.memory_space<semaphore_mem>>)
    %dma_start3A_27 = arith.constant 0 : i32
    %dma_start3A_28 = tpu.memref_slice %arg4[%dma_start3A_27] : memref<4194304xf32, #tpu.memory_space<hbm>> -> memref<4194304xf32, #tpu.memory_space<hbm>>
    tpu.enqueue_indirect_dma source(%dma_start3A_28 : memref<4194304xf32, #tpu.memory_space<hbm>>) target(%arg42 : memref<2048xf32, #tpu.memory_space<vmem>>) offsets(%arg18 : memref<2048xi32, #tpu.memory_space<vmem>>) semaphore(%arg63 : memref<!tpu.dma_semaphore, #tpu.memory_space<semaphore_mem>>)
    %dma_start3A_29 = arith.constant 0 : i32
    %dma_start3A_30 = tpu.memref_slice %arg4[%dma_start3A_29] : memref<4194304xf32, #tpu.memory_space<hbm>> -> memref<4194304xf32, #tpu.memory_space<hbm>>
    tpu.enqueue_indirect_dma source(%dma_start3A_30 : memref<4194304xf32, #tpu.memory_space<hbm>>) target(%arg43 : memref<2048xf32, #tpu.memory_space<vmem>>) offsets(%arg19 : memref<2048xi32, #tpu.memory_space<vmem>>) semaphore(%arg63 : memref<!tpu.dma_semaphore, #tpu.memory_space<semaphore_mem>>)
    %dma_start3A_31 = arith.constant 0 : i32
    %dma_start3A_32 = tpu.memref_slice %arg4[%dma_start3A_31] : memref<4194304xf32, #tpu.memory_space<hbm>> -> memref<4194304xf32, #tpu.memory_space<hbm>>
    tpu.enqueue_indirect_dma source(%dma_start3A_32 : memref<4194304xf32, #tpu.memory_space<hbm>>) target(%arg44 : memref<2048xf32, #tpu.memory_space<vmem>>) offsets(%arg20 : memref<2048xi32, #tpu.memory_space<vmem>>) semaphore(%arg63 : memref<!tpu.dma_semaphore, #tpu.memory_space<semaphore_mem>>)
    %dma_start3A_33 = arith.constant 0 : i32
    %dma_start3A_34 = tpu.memref_slice %arg4[%dma_start3A_33] : memref<4194304xf32, #tpu.memory_space<hbm>> -> memref<4194304xf32, #tpu.memory_space<hbm>>
    tpu.enqueue_indirect_dma source(%dma_start3A_34 : memref<4194304xf32, #tpu.memory_space<hbm>>) target(%arg45 : memref<2048xf32, #tpu.memory_space<vmem>>) offsets(%arg21 : memref<2048xi32, #tpu.memory_space<vmem>>) semaphore(%arg63 : memref<!tpu.dma_semaphore, #tpu.memory_space<semaphore_mem>>)
    %dma_start3A_35 = arith.constant 0 : i32
    %dma_start3A_36 = tpu.memref_slice %arg4[%dma_start3A_35] : memref<4194304xf32, #tpu.memory_space<hbm>> -> memref<4194304xf32, #tpu.memory_space<hbm>>
    tpu.enqueue_indirect_dma source(%dma_start3A_36 : memref<4194304xf32, #tpu.memory_space<hbm>>) target(%arg46 : memref<2048xf32, #tpu.memory_space<vmem>>) offsets(%arg22 : memref<2048xi32, #tpu.memory_space<vmem>>) semaphore(%arg63 : memref<!tpu.dma_semaphore, #tpu.memory_space<semaphore_mem>>)
    %scan3A_37 = arith.constant 0 : i32
    %scan3A_38 = arith.constant 0 : i32
    %scan3A_39 = arith.constant 16 : i32
    %scan3A_40 = arith.addi %scan3A_38, %scan3A_39 : i32
    %scan3A_41 = arith.constant 1 : i32
    %scan3A_42 = scf.for %scan3A_83 = %scan3A_38 to %scan3A_40 step %scan3A_41 iter_args(%scan3A_84 = %scan3A_37) -> (i32)  : i32 {
      %mul3A_85 = arith.constant 2 : i32
      %mul3A_86 = arith.muli %mul3A_85, %scan3A_83 : i32
      %add3A_87 = arith.constant 1 : i32
      %add3A_88 = arith.addi %mul3A_86, %add3A_87 : i32
      %mul3A_89 = arith.constant 32 : i32
      %mul3A_90 = arith.muli %mul3A_89, %add3A_88 : i32
      %add3A_91 = arith.addi %add3A, %mul3A_90 : i32
      %min3A_92 = arith.constant 976 : i32
      %min3A_93 = arith.minsi %add3A_91, %min3A_92 : i32
      %mul3A_94 = arith.constant 2048 : i32
      %mul3A_95 = arith.muli %min3A_93, %mul3A_94 : i32
      %min3A_96 = arith.constant 1997952 : i32
      %min3A_97 = arith.minsi %mul3A_95, %min3A_96 : i32
      %multiple_of3A_98 = tpu.assume_multiple %min3A_97, 8 : i32
      "tpu.region"() ({
        %run_scoped3A = tpu.sem_alloc : memref<!tpu.dma_semaphore, #tpu.memory_space<semaphore_mem>>
        %dma_start3A_258 = tpu.memref_slice %arg2[%multiple_of3A_98] : memref<2000000xf32, #tpu.memory_space<hbm>> -> memref<2048xf32, #tpu.memory_space<hbm>>
        %dma_start3A_259 = tpu.memref_slice %arg2[%multiple_of3A_98] : memref<2000000xf32, #tpu.memory_space<hbm>> -> memref<2048xf32, #tpu.memory_space<hbm>>
        tpu.enqueue_dma source(%dma_start3A_259 : memref<2048xf32, #tpu.memory_space<hbm>>) target(%arg8 : memref<2048xf32, #tpu.memory_space<vmem>>) target_semaphore(%run_scoped3A : memref<!tpu.dma_semaphore, #tpu.memory_space<semaphore_mem>>)
        %dma_wait3A_260 = tpu.memref_slice %arg2[%multiple_of3A_98] : memref<2000000xf32, #tpu.memory_space<hbm>> -> memref<2048xf32, #tpu.memory_space<hbm>>
        %dma_wait3A_261 = tpu.memref_slice %arg2[%multiple_of3A_98] : memref<2000000xf32, #tpu.memory_space<hbm>> -> memref<2048xf32, #tpu.memory_space<hbm>>
        tpu.wait_dma2 semaphore(%run_scoped3A : memref<!tpu.dma_semaphore, #tpu.memory_space<semaphore_mem>>) src(%dma_wait3A_261 : memref<2048xf32, #tpu.memory_space<hbm>>) dst(%arg8 : memref<2048xf32, #tpu.memory_space<vmem>>)
        tpu.yield
      }) : () -> ()
      "tpu.region"() ({
        %run_scoped3A = tpu.sem_alloc : memref<!tpu.dma_semaphore, #tpu.memory_space<semaphore_mem>>
        %dma_start3A_258 = tpu.memref_slice %arg3[%multiple_of3A_98] : memref<2000000xf32, #tpu.memory_space<hbm>> -> memref<2048xf32, #tpu.memory_space<hbm>>
        %dma_start3A_259 = tpu.memref_slice %arg3[%multiple_of3A_98] : memref<2000000xf32, #tpu.memory_space<hbm>> -> memref<2048xf32, #tpu.memory_space<hbm>>
        tpu.enqueue_dma source(%dma_start3A_259 : memref<2048xf32, #tpu.memory_space<hbm>>) target(%arg10 : memref<2048xf32, #tpu.memory_space<vmem>>) target_semaphore(%run_scoped3A : memref<!tpu.dma_semaphore, #tpu.memory_space<semaphore_mem>>)
        %dma_wait3A_260 = tpu.memref_slice %arg3[%multiple_of3A_98] : memref<2000000xf32, #tpu.memory_space<hbm>> -> memref<2048xf32, #tpu.memory_space<hbm>>
        %dma_wait3A_261 = tpu.memref_slice %arg3[%multiple_of3A_98] : memref<2000000xf32, #tpu.memory_space<hbm>> -> memref<2048xf32, #tpu.memory_space<hbm>>
        tpu.wait_dma2 semaphore(%run_scoped3A : memref<!tpu.dma_semaphore, #tpu.memory_space<semaphore_mem>>) src(%dma_wait3A_261 : memref<2048xf32, #tpu.memory_space<hbm>>) dst(%arg10 : memref<2048xf32, #tpu.memory_space<vmem>>)
        tpu.yield
      }) : () -> ()
      %scan3A_99 = arith.constant 0 : i32
      %scan3A_100 = arith.constant 0 : i32
      %scan3A_101 = arith.constant 128 : i32
      %scan3A_102 = arith.addi %scan3A_100, %scan3A_101 : i32
      %scan3A_103 = arith.constant 1 : i32
      %scan3A_104 = scf.for %scan3A_258 = %scan3A_100 to %scan3A_102 step %scan3A_103 iter_args(%scan3A_259 = %scan3A_99) -> (i32)  : i32 {
        %mul3A_260 = arith.constant 16 : i32
        %mul3A_261 = arith.muli %scan3A_258, %mul3A_260 : i32
        %get3A = arith.index_cast %mul3A_261 : i32 to index
        %get3A_262 = tpu.vector_load %arg8[%get3A] {strides = array<i32>} : memref<2048xf32, #tpu.memory_space<vmem>>, vector<16xf32>,
        %get3A_263 = arith.index_cast %mul3A_261 : i32 to index
        %get3A_264 = tpu.vector_load %arg10[%get3A_263] {strides = array<i32>} : memref<2048xf32, #tpu.memory_space<vmem>>, vector<16xf32>,
        %sub3A = arith.constant -1.000000e+00 : f32
        %sub3A_265 = vector.broadcast %sub3A : f32 to vector<16xf32>
        %sub3A_266 = arith.subf %get3A_262, %sub3A_265 : vector<16xf32>
        %mul3A_267 = arith.constant 2.000000e+00 : f32
        %mul3A_268 = vector.broadcast %mul3A_267 : f32 to vector<16xf32>
        %mul3A_269 = arith.mulf %mul3A_268, %sub3A_266 : vector<16xf32>
        %div3A = arith.constant 2.000000e+00 : f32
        %div3A_270 = vector.broadcast %div3A : f32 to vector<16xf32>
        %div3A_271 = arith.divf %mul3A_269, %div3A_270 : vector<16xf32>
        %sub3A_272 = arith.constant 1.000000e+00 : f32
        %sub3A_273 = vector.broadcast %sub3A_272 : f32 to vector<16xf32>
        %sub3A_274 = arith.subf %div3A_271, %sub3A_273 : vector<16xf32>
        %sub3A_275 = arith.constant -1.000000e+00 : f32
        %sub3A_276 = vector.broadcast %sub3A_275 : f32 to vector<16xf32>
        %sub3A_277 = arith.subf %get3A_264, %sub3A_276 : vector<16xf32>
        %mul3A_278 = arith.constant 2.000000e+00 : f32
        %mul3A_279 = vector.broadcast %mul3A_278 : f32 to vector<16xf32>
        %mul3A_280 = arith.mulf %mul3A_279, %sub3A_277 : vector<16xf32>
        %div3A_281 = arith.constant 2.000000e+00 : f32
        %div3A_282 = vector.broadcast %div3A_281 : f32 to vector<16xf32>
        %div3A_283 = arith.divf %mul3A_280, %div3A_282 : vector<16xf32>
        %sub3A_284 = arith.constant 1.000000e+00 : f32
        %sub3A_285 = vector.broadcast %sub3A_284 : f32 to vector<16xf32>
        %sub3A_286 = arith.subf %div3A_283, %sub3A_285 : vector<16xf32>
        %add3A_287 = arith.constant 1.000000e+00 : f32
        %add3A_288 = vector.broadcast %add3A_287 : f32 to vector<16xf32>
        %add3A_289 = arith.addf %sub3A_274, %add3A_288 : vector<16xf32>
        %mul3A_290 = arith.constant 1.023500e+03 : f32
        %mul3A_291 = vector.broadcast %mul3A_290 : f32 to vector<16xf32>
        %mul3A_292 = arith.mulf %add3A_289, %mul3A_291 : vector<16xf32>
        %add3A_293 = arith.constant 1.000000e+00 : f32
        %add3A_294 = vector.broadcast %add3A_293 : f32 to vector<16xf32>
        %add3A_295 = arith.addf %sub3A_286, %add3A_294 : vector<16xf32>
        %mul3A_296 = arith.constant 1.023500e+03 : f32
        %mul3A_297 = vector.broadcast %mul3A_296 : f32 to vector<16xf32>
        %mul3A_298 = arith.mulf %add3A_295, %mul3A_297 : vector<16xf32>
        %convert_element_type3A = arith.fptosi %mul3A_292 : vector<16xf32> to vector<16xi32>
        %convert_element_type3A_299 = arith.sitofp %convert_element_type3A : vector<16xi32> to vector<16xf32>
        %gt3A = arith.cmpf ogt, %convert_element_type3A_299, %mul3A_292 : vector<16xf32>
        %sub3A_300 = arith.constant 1 : i32
        %sub3A_301 = vector.broadcast %sub3A_300 : i32 to vector<16xi32>
        %sub3A_302 = arith.subi %convert_element_type3A, %sub3A_301 : vector<16xi32>
        %select_n3A = arith.select %gt3A, %sub3A_302, %convert_element_type3A : vector<16xi1>, vector<16xi32>
        %sub3A_303 = arith.constant 1.000000e+00 : f32
        %sub3A_304 = vector.broadcast %sub3A_303 : f32 to vector<16xf32>
        %sub3A_305 = arith.subf %convert_element_type3A_299, %sub3A_304 : vector<16xf32>
        %select_n3A_306 = arith.select %gt3A, %sub3A_305, %convert_element_type3A_299 : vector<16xi1>, vector<16xf32>
        %sub3A_307 = arith.subf %mul3A_292, %select_n3A_306 : vector<16xf32>
        %convert_element_type3A_308 = arith.fptosi %mul3A_298 : vector<16xf32> to vector<16xi32>
        %convert_element_type3A_309 = arith.sitofp %convert_element_type3A_308 : vector<16xi32> to vector<16xf32>
        %gt3A_310 = arith.cmpf ogt, %convert_element_type3A_309, %mul3A_298 : vector<16xf32>
        %sub3A_311 = arith.constant 1 : i32
        %sub3A_312 = vector.broadcast %sub3A_311 : i32 to vector<16xi32>
        %sub3A_313 = arith.subi %convert_element_type3A_308, %sub3A_312 : vector<16xi32>
        %select_n3A_314 = arith.select %gt3A_310, %sub3A_313, %convert_element_type3A_308 : vector<16xi1>, vector<16xi32>
        %sub3A_315 = arith.constant 1.000000e+00 : f32
        %sub3A_316 = vector.broadcast %sub3A_315 : f32 to vector<16xf32>
        %sub3A_317 = arith.subf %convert_element_type3A_309, %sub3A_316 : vector<16xf32>
        %select_n3A_318 = arith.select %gt3A_310, %sub3A_317, %convert_element_type3A_309 : vector<16xi1>, vector<16xf32>
        %sub3A_319 = arith.subf %mul3A_298, %select_n3A_318 : vector<16xf32>
        %add3A_320 = arith.constant -1 : i32
        %add3A_321 = vector.broadcast %add3A_320 : i32 to vector<16xi32>
        %add3A_322 = arith.addi %select_n3A, %add3A_321 : vector<16xi32>
        %jit3A = arith.constant 0 : i32
        %jit3A_323 = arith.constant 2047 : i32
        %max3A = vector.broadcast %jit3A : i32 to vector<16xi32>
        %max3A_324 = arith.maxsi %max3A, %add3A_322 : vector<16xi32>
        %min3A_325 = vector.broadcast %jit3A_323 : i32 to vector<16xi32>
        %min3A_326 = arith.minsi %min3A_325, %max3A_324 : vector<16xi32>
        %add3A_327 = arith.constant 0 : i32
        %add3A_328 = vector.broadcast %add3A_327 : i32 to vector<16xi32>
        %add3A_329 = arith.addi %select_n3A, %add3A_328 : vector<16xi32>
        %jit3A_330 = arith.constant 0 : i32
        %jit3A_331 = arith.constant 2047 : i32
        %max3A_332 = vector.broadcast %jit3A_330 : i32 to vector<16xi32>
        %max3A_333 = arith.maxsi %max3A_332, %add3A_329 : vector<16xi32>
        %min3A_334 = vector.broadcast %jit3A_331 : i32 to vector<16xi32>
        %min3A_335 = arith.minsi %min3A_334, %max3A_333 : vector<16xi32>
        %add3A_336 = arith.constant 1 : i32
        %add3A_337 = vector.broadcast %add3A_336 : i32 to vector<16xi32>
        %add3A_338 = arith.addi %select_n3A, %add3A_337 : vector<16xi32>
        %jit3A_339 = arith.constant 0 : i32
        %jit3A_340 = arith.constant 2047 : i32
        %max3A_341 = vector.broadcast %jit3A_339 : i32 to vector<16xi32>
        %max3A_342 = arith.maxsi %max3A_341, %add3A_338 : vector<16xi32>
        %min3A_343 = vector.broadcast %jit3A_340 : i32 to vector<16xi32>
        %min3A_344 = arith.minsi %min3A_343, %max3A_342 : vector<16xi32>
        %add3A_345 = arith.constant 2 : i32
        %add3A_346 = vector.broadcast %add3A_345 : i32 to vector<16xi32>
        %add3A_347 = arith.addi %select_n3A, %add3A_346 : vector<16xi32>
        %jit3A_348 = arith.constant 0 : i32
        %jit3A_349 = arith.constant 2047 : i32
        %max3A_350 = vector.broadcast %jit3A_348 : i32 to vector<16xi32>
        %max3A_351 = arith.maxsi %max3A_350, %add3A_347 : vector<16xi32>
        %min3A_352 = vector.broadcast %jit3A_349 : i32 to vector<16xi32>
        %min3A_353 = arith.minsi %min3A_352, %max3A_351 : vector<16xi32>
        %add3A_354 = arith.constant -1 : i32
        %add3A_355 = vector.broadcast %add3A_354 : i32 to vector<16xi32>
        %add3A_356 = arith.addi %select_n3A_314, %add3A_355 : vector<16xi32>
        %jit3A_357 = arith.constant 0 : i32
        %jit3A_358 = arith.constant 2047 : i32
        %max3A_359 = vector.broadcast %jit3A_357 : i32 to vector<16xi32>
        %max3A_360 = arith.maxsi %max3A_359, %add3A_356 : vector<16xi32>
        %min3A_361 = vector.broadcast %jit3A_358 : i32 to vector<16xi32>
        %min3A_362 = arith.minsi %min3A_361, %max3A_360 : vector<16xi32>
        %add3A_363 = arith.constant 0 : i32
        %add3A_364 = vector.broadcast %add3A_363 : i32 to vector<16xi32>
        %add3A_365 = arith.addi %select_n3A_314, %add3A_364 : vector<16xi32>
        %jit3A_366 = arith.constant 0 : i32
        %jit3A_367 = arith.constant 2047 : i32
        %max3A_368 = vector.broadcast %jit3A_366 : i32 to vector<16xi32>
        %max3A_369 = arith.maxsi %max3A_368, %add3A_365 : vector<16xi32>
        %min3A_370 = vector.broadcast %jit3A_367 : i32 to vector<16xi32>
        %min3A_371 = arith.minsi %min3A_370, %max3A_369 : vector<16xi32>
        %add3A_372 = arith.constant 1 : i32
        %add3A_373 = vector.broadcast %add3A_372 : i32 to vector<16xi32>
        %add3A_374 = arith.addi %select_n3A_314, %add3A_373 : vector<16xi32>
        %jit3A_375 = arith.constant 0 : i32
        %jit3A_376 = arith.constant 2047 : i32
        %max3A_377 = vector.broadcast %jit3A_375 : i32 to vector<16xi32>
        %max3A_378 = arith.maxsi %max3A_377, %add3A_374 : vector<16xi32>
        %min3A_379 = vector.broadcast %jit3A_376 : i32 to vector<16xi32>
        %min3A_380 = arith.minsi %min3A_379, %max3A_378 : vector<16xi32>
        %add3A_381 = arith.constant 2 : i32
        %add3A_382 = vector.broadcast %add3A_381 : i32 to vector<16xi32>
        %add3A_383 = arith.addi %select_n3A_314, %add3A_382 : vector<16xi32>
        %jit3A_384 = arith.constant 0 : i32
        %jit3A_385 = arith.constant 2047 : i32
        %max3A_386 = vector.broadcast %jit3A_384 : i32 to vector<16xi32>
        %max3A_387 = arith.maxsi %max3A_386, %add3A_383 : vector<16xi32>
        %min3A_388 = vector.broadcast %jit3A_385 : i32 to vector<16xi32>
        %min3A_389 = arith.minsi %min3A_388, %max3A_387 : vector<16xi32>
        %mul3A_390 = arith.constant 16 : i32
        %mul3A_391 = arith.muli %scan3A_258, %mul3A_390 : i32
        %mul3A_392 = arith.constant 2048 : i32
        %mul3A_393 = vector.broadcast %mul3A_392 : i32 to vector<16xi32>
        %mul3A_394 = arith.muli %min3A_362, %mul3A_393 : vector<16xi32>
        %add3A_395 = arith.addi %mul3A_394, %min3A_335 : vector<16xi32>
        %swap3A = arith.index_cast %mul3A_391 : i32 to index
        %swap3A_396 = tpu.vector_load %arg23[%swap3A] {strides = array<i32>} : memref<2048xi32, #tpu.memory_space<vmem>>, vector<16xi32>,
        tpu.vector_store %arg23[%swap3A], %add3A_395 {strides = array<i32>} : memref<2048xi32, #tpu.memory_space<vmem>>, vector<16xi32>,
        %mul3A_397 = arith.constant 2048 : i32
        %mul3A_398 = vector.broadcast %mul3A_397 : i32 to vector<16xi32>
        %mul3A_399 = arith.muli %min3A_362, %mul3A_398 : vector<16xi32>
        %add3A_400 = arith.addi %mul3A_399, %min3A_344 : vector<16xi32>
        %swap3A_401 = arith.index_cast %mul3A_391 : i32 to index
        %swap3A_402 = tpu.vector_load %arg24[%swap3A_401] {strides = array<i32>} : memref<2048xi32, #tpu.memory_space<vmem>>, vector<16xi32>,
        tpu.vector_store %arg24[%swap3A_401], %add3A_400 {strides = array<i32>} : memref<2048xi32, #tpu.memory_space<vmem>>, vector<16xi32>,
        %mul3A_403 = arith.constant 2048 : i32
        %mul3A_404 = vector.broadcast %mul3A_403 : i32 to vector<16xi32>
        %mul3A_405 = arith.muli %min3A_371, %mul3A_404 : vector<16xi32>
        %add3A_406 = arith.addi %mul3A_405, %min3A_326 : vector<16xi32>
        %swap3A_407 = arith.index_cast %mul3A_391 : i32 to index
        %swap3A_408 = tpu.vector_load %arg25[%swap3A_407] {strides = array<i32>} : memref<2048xi32, #tpu.memory_space<vmem>>, vector<16xi32>,
        tpu.vector_store %arg25[%swap3A_407], %add3A_406 {strides = array<i32>} : memref<2048xi32, #tpu.memory_space<vmem>>, vector<16xi32>,
        %mul3A_409 = arith.constant 2048 : i32
        %mul3A_410 = vector.broadcast %mul3A_409 : i32 to vector<16xi32>
        %mul3A_411 = arith.muli %min3A_371, %mul3A_410 : vector<16xi32>
        %add3A_412 = arith.addi %mul3A_411, %min3A_335 : vector<16xi32>
        %swap3A_413 = arith.index_cast %mul3A_391 : i32 to index
        %swap3A_414 = tpu.vector_load %arg26[%swap3A_413] {strides = array<i32>} : memref<2048xi32, #tpu.memory_space<vmem>>, vector<16xi32>,
        tpu.vector_store %arg26[%swap3A_413], %add3A_412 {strides = array<i32>} : memref<2048xi32, #tpu.memory_space<vmem>>, vector<16xi32>,
        %mul3A_415 = arith.constant 2048 : i32
        %mul3A_416 = vector.broadcast %mul3A_415 : i32 to vector<16xi32>
        %mul3A_417 = arith.muli %min3A_371, %mul3A_416 : vector<16xi32>
        %add3A_418 = arith.addi %mul3A_417, %min3A_344 : vector<16xi32>
        %swap3A_419 = arith.index_cast %mul3A_391 : i32 to index
        %swap3A_420 = tpu.vector_load %arg27[%swap3A_419] {strides = array<i32>} : memref<2048xi32, #tpu.memory_space<vmem>>, vector<16xi32>,
        tpu.vector_store %arg27[%swap3A_419], %add3A_418 {strides = array<i32>} : memref<2048xi32, #tpu.memory_space<vmem>>, vector<16xi32>,
        %mul3A_421 = arith.constant 2048 : i32
        %mul3A_422 = vector.broadcast %mul3A_421 : i32 to vector<16xi32>
        %mul3A_423 = arith.muli %min3A_371, %mul3A_422 : vector<16xi32>
        %add3A_424 = arith.addi %mul3A_423, %min3A_353 : vector<16xi32>
        %swap3A_425 = arith.index_cast %mul3A_391 : i32 to index
        %swap3A_426 = tpu.vector_load %arg28[%swap3A_425] {strides = array<i32>} : memref<2048xi32, #tpu.memory_space<vmem>>, vector<16xi32>,
        tpu.vector_store %arg28[%swap3A_425], %add3A_424 {strides = array<i32>} : memref<2048xi32, #tpu.memory_space<vmem>>, vector<16xi32>,
        %mul3A_427 = arith.constant 2048 : i32
        %mul3A_428 = vector.broadcast %mul3A_427 : i32 to vector<16xi32>
        %mul3A_429 = arith.muli %min3A_380, %mul3A_428 : vector<16xi32>
        %add3A_430 = arith.addi %mul3A_429, %min3A_326 : vector<16xi32>
        %swap3A_431 = arith.index_cast %mul3A_391 : i32 to index
        %swap3A_432 = tpu.vector_load %arg29[%swap3A_431] {strides = array<i32>} : memref<2048xi32, #tpu.memory_space<vmem>>, vector<16xi32>,
        tpu.vector_store %arg29[%swap3A_431], %add3A_430 {strides = array<i32>} : memref<2048xi32, #tpu.memory_space<vmem>>, vector<16xi32>,
        %mul3A_433 = arith.constant 2048 : i32
        %mul3A_434 = vector.broadcast %mul3A_433 : i32 to vector<16xi32>
        %mul3A_435 = arith.muli %min3A_380, %mul3A_434 : vector<16xi32>
        %add3A_436 = arith.addi %mul3A_435, %min3A_335 : vector<16xi32>
        %swap3A_437 = arith.index_cast %mul3A_391 : i32 to index
        %swap3A_438 = tpu.vector_load %arg30[%swap3A_437] {strides = array<i32>} : memref<2048xi32, #tpu.memory_space<vmem>>, vector<16xi32>,
        tpu.vector_store %arg30[%swap3A_437], %add3A_436 {strides = array<i32>} : memref<2048xi32, #tpu.memory_space<vmem>>, vector<16xi32>,
        %mul3A_439 = arith.constant 2048 : i32
        %mul3A_440 = vector.broadcast %mul3A_439 : i32 to vector<16xi32>
        %mul3A_441 = arith.muli %min3A_380, %mul3A_440 : vector<16xi32>
        %add3A_442 = arith.addi %mul3A_441, %min3A_344 : vector<16xi32>
        %swap3A_443 = arith.index_cast %mul3A_391 : i32 to index
        %swap3A_444 = tpu.vector_load %arg31[%swap3A_443] {strides = array<i32>} : memref<2048xi32, #tpu.memory_space<vmem>>, vector<16xi32>,
        tpu.vector_store %arg31[%swap3A_443], %add3A_442 {strides = array<i32>} : memref<2048xi32, #tpu.memory_space<vmem>>, vector<16xi32>,
        %mul3A_445 = arith.constant 2048 : i32
        %mul3A_446 = vector.broadcast %mul3A_445 : i32 to vector<16xi32>
        %mul3A_447 = arith.muli %min3A_380, %mul3A_446 : vector<16xi32>
        %add3A_448 = arith.addi %mul3A_447, %min3A_353 : vector<16xi32>
        %swap3A_449 = arith.index_cast %mul3A_391 : i32 to index
        %swap3A_450 = tpu.vector_load %arg32[%swap3A_449] {strides = array<i32>} : memref<2048xi32, #tpu.memory_space<vmem>>, vector<16xi32>,
        tpu.vector_store %arg32[%swap3A_449], %add3A_448 {strides = array<i32>} : memref<2048xi32, #tpu.memory_space<vmem>>, vector<16xi32>,
        %mul3A_451 = arith.constant 2048 : i32
        %mul3A_452 = vector.broadcast %mul3A_451 : i32 to vector<16xi32>
        %mul3A_453 = arith.muli %min3A_389, %mul3A_452 : vector<16xi32>
        %add3A_454 = arith.addi %mul3A_453, %min3A_335 : vector<16xi32>
        %swap3A_455 = arith.index_cast %mul3A_391 : i32 to index
        %swap3A_456 = tpu.vector_load %arg33[%swap3A_455] {strides = array<i32>} : memref<2048xi32, #tpu.memory_space<vmem>>, vector<16xi32>,
        tpu.vector_store %arg33[%swap3A_455], %add3A_454 {strides = array<i32>} : memref<2048xi32, #tpu.memory_space<vmem>>, vector<16xi32>,
        %mul3A_457 = arith.constant 2048 : i32
        %mul3A_458 = vector.broadcast %mul3A_457 : i32 to vector<16xi32>
        %mul3A_459 = arith.muli %min3A_389, %mul3A_458 : vector<16xi32>
        %add3A_460 = arith.addi %mul3A_459, %min3A_344 : vector<16xi32>
        %swap3A_461 = arith.index_cast %mul3A_391 : i32 to index
        %swap3A_462 = tpu.vector_load %arg34[%swap3A_461] {strides = array<i32>} : memref<2048xi32, #tpu.memory_space<vmem>>, vector<16xi32>,
        tpu.vector_store %arg34[%swap3A_461], %add3A_460 {strides = array<i32>} : memref<2048xi32, #tpu.memory_space<vmem>>, vector<16xi32>,
        %scan3A_463 = arith.constant 0 : i32
        scf.yield %scan3A_463 : i32
      }
      %scan3A_105 = arith.constant 128 : i32
      %dma_start3A_106 = arith.constant 0 : i32
      %dma_start3A_107 = tpu.memref_slice %arg4[%dma_start3A_106] : memref<4194304xf32, #tpu.memory_space<hbm>> -> memref<4194304xf32, #tpu.memory_space<hbm>>
      tpu.enqueue_indirect_dma source(%dma_start3A_107 : memref<4194304xf32, #tpu.memory_space<hbm>>) target(%arg47 : memref<2048xf32, #tpu.memory_space<vmem>>) offsets(%arg23 : memref<2048xi32, #tpu.memory_space<vmem>>) semaphore(%arg64 : memref<!tpu.dma_semaphore, #tpu.memory_space<semaphore_mem>>)
      %dma_start3A_108 = arith.constant 0 : i32
      %dma_start3A_109 = tpu.memref_slice %arg4[%dma_start3A_108] : memref<4194304xf32, #tpu.memory_space<hbm>> -> memref<4194304xf32, #tpu.memory_space<hbm>>
      tpu.enqueue_indirect_dma source(%dma_start3A_109 : memref<4194304xf32, #tpu.memory_space<hbm>>) target(%arg48 : memref<2048xf32, #tpu.memory_space<vmem>>) offsets(%arg24 : memref<2048xi32, #tpu.memory_space<vmem>>) semaphore(%arg64 : memref<!tpu.dma_semaphore, #tpu.memory_space<semaphore_mem>>)
      %dma_start3A_110 = arith.constant 0 : i32
      %dma_start3A_111 = tpu.memref_slice %arg4[%dma_start3A_110] : memref<4194304xf32, #tpu.memory_space<hbm>> -> memref<4194304xf32, #tpu.memory_space<hbm>>
      tpu.enqueue_indirect_dma source(%dma_start3A_111 : memref<4194304xf32, #tpu.memory_space<hbm>>) target(%arg49 : memref<2048xf32, #tpu.memory_space<vmem>>) offsets(%arg25 : memref<2048xi32, #tpu.memory_space<vmem>>) semaphore(%arg64 : memref<!tpu.dma_semaphore, #tpu.memory_space<semaphore_mem>>)
      %dma_start3A_112 = arith.constant 0 : i32
      %dma_start3A_113 = tpu.memref_slice %arg4[%dma_start3A_112] : memref<4194304xf32, #tpu.memory_space<hbm>> -> memref<4194304xf32, #tpu.memory_space<hbm>>
      tpu.enqueue_indirect_dma source(%dma_start3A_113 : memref<4194304xf32, #tpu.memory_space<hbm>>) target(%arg50 : memref<2048xf32, #tpu.memory_space<vmem>>) offsets(%arg26 : memref<2048xi32, #tpu.memory_space<vmem>>) semaphore(%arg64 : memref<!tpu.dma_semaphore, #tpu.memory_space<semaphore_mem>>)
      %dma_start3A_114 = arith.constant 0 : i32
      %dma_start3A_115 = tpu.memref_slice %arg4[%dma_start3A_114] : memref<4194304xf32, #tpu.memory_space<hbm>> -> memref<4194304xf32, #tpu.memory_space<hbm>>
      tpu.enqueue_indirect_dma source(%dma_start3A_115 : memref<4194304xf32, #tpu.memory_space<hbm>>) target(%arg51 : memref<2048xf32, #tpu.memory_space<vmem>>) offsets(%arg27 : memref<2048xi32, #tpu.memory_space<vmem>>) semaphore(%arg64 : memref<!tpu.dma_semaphore, #tpu.memory_space<semaphore_mem>>)
      %dma_start3A_116 = arith.constant 0 : i32
      %dma_start3A_117 = tpu.memref_slice %arg4[%dma_start3A_116] : memref<4194304xf32, #tpu.memory_space<hbm>> -> memref<4194304xf32, #tpu.memory_space<hbm>>
      tpu.enqueue_indirect_dma source(%dma_start3A_117 : memref<4194304xf32, #tpu.memory_space<hbm>>) target(%arg52 : memref<2048xf32, #tpu.memory_space<vmem>>) offsets(%arg28 : memref<2048xi32, #tpu.memory_space<vmem>>) semaphore(%arg64 : memref<!tpu.dma_semaphore, #tpu.memory_space<semaphore_mem>>)
      %dma_start3A_118 = arith.constant 0 : i32
      %dma_start3A_119 = tpu.memref_slice %arg4[%dma_start3A_118] : memref<4194304xf32, #tpu.memory_space<hbm>> -> memref<4194304xf32, #tpu.memory_space<hbm>>
      tpu.enqueue_indirect_dma source(%dma_start3A_119 : memref<4194304xf32, #tpu.memory_space<hbm>>) target(%arg53 : memref<2048xf32, #tpu.memory_space<vmem>>) offsets(%arg29 : memref<2048xi32, #tpu.memory_space<vmem>>) semaphore(%arg64 : memref<!tpu.dma_semaphore, #tpu.memory_space<semaphore_mem>>)
      %dma_start3A_120 = arith.constant 0 : i32
      %dma_start3A_121 = tpu.memref_slice %arg4[%dma_start3A_120] : memref<4194304xf32, #tpu.memory_space<hbm>> -> memref<4194304xf32, #tpu.memory_space<hbm>>
      tpu.enqueue_indirect_dma source(%dma_start3A_121 : memref<4194304xf32, #tpu.memory_space<hbm>>) target(%arg54 : memref<2048xf32, #tpu.memory_space<vmem>>) offsets(%arg30 : memref<2048xi32, #tpu.memory_space<vmem>>) semaphore(%arg64 : memref<!tpu.dma_semaphore, #tpu.memory_space<semaphore_mem>>)
      %dma_start3A_122 = arith.constant 0 : i32
      %dma_start3A_123 = tpu.memref_slice %arg4[%dma_start3A_122] : memref<4194304xf32, #tpu.memory_space<hbm>> -> memref<4194304xf32, #tpu.memory_space<hbm>>
      tpu.enqueue_indirect_dma source(%dma_start3A_123 : memref<4194304xf32, #tpu.memory_space<hbm>>) target(%arg55 : memref<2048xf32, #tpu.memory_space<vmem>>) offsets(%arg31 : memref<2048xi32, #tpu.memory_space<vmem>>) semaphore(%arg64 : memref<!tpu.dma_semaphore, #tpu.memory_space<semaphore_mem>>)
      %dma_start3A_124 = arith.constant 0 : i32
      %dma_start3A_125 = tpu.memref_slice %arg4[%dma_start3A_124] : memref<4194304xf32, #tpu.memory_space<hbm>> -> memref<4194304xf32, #tpu.memory_space<hbm>>
      tpu.enqueue_indirect_dma source(%dma_start3A_125 : memref<4194304xf32, #tpu.memory_space<hbm>>) target(%arg56 : memref<2048xf32, #tpu.memory_space<vmem>>) offsets(%arg32 : memref<2048xi32, #tpu.memory_space<vmem>>) semaphore(%arg64 : memref<!tpu.dma_semaphore, #tpu.memory_space<semaphore_mem>>)
      %dma_start3A_126 = arith.constant 0 : i32
      %dma_start3A_127 = tpu.memref_slice %arg4[%dma_start3A_126] : memref<4194304xf32, #tpu.memory_space<hbm>> -> memref<4194304xf32, #tpu.memory_space<hbm>>
      tpu.enqueue_indirect_dma source(%dma_start3A_127 : memref<4194304xf32, #tpu.memory_space<hbm>>) target(%arg57 : memref<2048xf32, #tpu.memory_space<vmem>>) offsets(%arg33 : memref<2048xi32, #tpu.memory_space<vmem>>) semaphore(%arg64 : memref<!tpu.dma_semaphore, #tpu.memory_space<semaphore_mem>>)
      %dma_start3A_128 = arith.constant 0 : i32
      %dma_start3A_129 = tpu.memref_slice %arg4[%dma_start3A_128] : memref<4194304xf32, #tpu.memory_space<hbm>> -> memref<4194304xf32, #tpu.memory_space<hbm>>
      tpu.enqueue_indirect_dma source(%dma_start3A_129 : memref<4194304xf32, #tpu.memory_space<hbm>>) target(%arg58 : memref<2048xf32, #tpu.memory_space<vmem>>) offsets(%arg34 : memref<2048xi32, #tpu.memory_space<vmem>>) semaphore(%arg64 : memref<!tpu.dma_semaphore, #tpu.memory_space<semaphore_mem>>)
      %dma_wait3A_130 = arith.constant 0 : i32
      %dma_wait3A_131 = tpu.memref_slice %arg4[%dma_wait3A_130] : memref<4194304xf32, #tpu.memory_space<hbm>> -> memref<4194304xf32, #tpu.memory_space<hbm>>
      tpu.wait_indirect_dma semaphore(%arg63 : memref<!tpu.dma_semaphore, #tpu.memory_space<semaphore_mem>>) src(%dma_wait3A_131 : memref<4194304xf32, #tpu.memory_space<hbm>>) dst(%arg35 : memref<2048xf32, #tpu.memory_space<vmem>>)
      %dma_wait3A_132 = arith.constant 0 : i32
      %dma_wait3A_133 = tpu.memref_slice %arg4[%dma_wait3A_132] : memref<4194304xf32, #tpu.memory_space<hbm>> -> memref<4194304xf32, #tpu.memory_space<hbm>>
      tpu.wait_indirect_dma semaphore(%arg63 : memref<!tpu.dma_semaphore, #tpu.memory_space<semaphore_mem>>) src(%dma_wait3A_133 : memref<4194304xf32, #tpu.memory_space<hbm>>) dst(%arg36 : memref<2048xf32, #tpu.memory_space<vmem>>)
      %dma_wait3A_134 = arith.constant 0 : i32
      %dma_wait3A_135 = tpu.memref_slice %arg4[%dma_wait3A_134] : memref<4194304xf32, #tpu.memory_space<hbm>> -> memref<4194304xf32, #tpu.memory_space<hbm>>
      tpu.wait_indirect_dma semaphore(%arg63 : memref<!tpu.dma_semaphore, #tpu.memory_space<semaphore_mem>>) src(%dma_wait3A_135 : memref<4194304xf32, #tpu.memory_space<hbm>>) dst(%arg37 : memref<2048xf32, #tpu.memory_space<vmem>>)
      %dma_wait3A_136 = arith.constant 0 : i32
      %dma_wait3A_137 = tpu.memref_slice %arg4[%dma_wait3A_136] : memref<4194304xf32, #tpu.memory_space<hbm>> -> memref<4194304xf32, #tpu.memory_space<hbm>>
      tpu.wait_indirect_dma semaphore(%arg63 : memref<!tpu.dma_semaphore, #tpu.memory_space<semaphore_mem>>) src(%dma_wait3A_137 : memref<4194304xf32, #tpu.memory_space<hbm>>) dst(%arg38 : memref<2048xf32, #tpu.memory_space<vmem>>)
      %dma_wait3A_138 = arith.constant 0 : i32
      %dma_wait3A_139 = tpu.memref_slice %arg4[%dma_wait3A_138] : memref<4194304xf32, #tpu.memory_space<hbm>> -> memref<4194304xf32, #tpu.memory_space<hbm>>
      tpu.wait_indirect_dma semaphore(%arg63 : memref<!tpu.dma_semaphore, #tpu.memory_space<semaphore_mem>>) src(%dma_wait3A_139 : memref<4194304xf32, #tpu.memory_space<hbm>>) dst(%arg39 : memref<2048xf32, #tpu.memory_space<vmem>>)
      %dma_wait3A_140 = arith.constant 0 : i32
      %dma_wait3A_141 = tpu.memref_slice %arg4[%dma_wait3A_140] : memref<4194304xf32, #tpu.memory_space<hbm>> -> memref<4194304xf32, #tpu.memory_space<hbm>>
      tpu.wait_indirect_dma semaphore(%arg63 : memref<!tpu.dma_semaphore, #tpu.memory_space<semaphore_mem>>) src(%dma_wait3A_141 : memref<4194304xf32, #tpu.memory_space<hbm>>) dst(%arg40 : memref<2048xf32, #tpu.memory_space<vmem>>)
      %dma_wait3A_142 = arith.constant 0 : i32
      %dma_wait3A_143 = tpu.memref_slice %arg4[%dma_wait3A_142] : memref<4194304xf32, #tpu.memory_space<hbm>> -> memref<4194304xf32, #tpu.memory_space<hbm>>
      tpu.wait_indirect_dma semaphore(%arg63 : memref<!tpu.dma_semaphore, #tpu.memory_space<semaphore_mem>>) src(%dma_wait3A_143 : memref<4194304xf32, #tpu.memory_space<hbm>>) dst(%arg41 : memref<2048xf32, #tpu.memory_space<vmem>>)
      %dma_wait3A_144 = arith.constant 0 : i32
      %dma_wait3A_145 = tpu.memref_slice %arg4[%dma_wait3A_144] : memref<4194304xf32, #tpu.memory_space<hbm>> -> memref<4194304xf32, #tpu.memory_space<hbm>>
      tpu.wait_indirect_dma semaphore(%arg63 : memref<!tpu.dma_semaphore, #tpu.memory_space<semaphore_mem>>) src(%dma_wait3A_145 : memref<4194304xf32, #tpu.memory_space<hbm>>) dst(%arg42 : memref<2048xf32, #tpu.memory_space<vmem>>)
      %dma_wait3A_146 = arith.constant 0 : i32
      %dma_wait3A_147 = tpu.memref_slice %arg4[%dma_wait3A_146] : memref<4194304xf32, #tpu.memory_space<hbm>> -> memref<4194304xf32, #tpu.memory_space<hbm>>
      tpu.wait_indirect_dma semaphore(%arg63 : memref<!tpu.dma_semaphore, #tpu.memory_space<semaphore_mem>>) src(%dma_wait3A_147 : memref<4194304xf32, #tpu.memory_space<hbm>>) dst(%arg43 : memref<2048xf32, #tpu.memory_space<vmem>>)
      %dma_wait3A_148 = arith.constant 0 : i32
      %dma_wait3A_149 = tpu.memref_slice %arg4[%dma_wait3A_148] : memref<4194304xf32, #tpu.memory_space<hbm>> -> memref<4194304xf32, #tpu.memory_space<hbm>>
      tpu.wait_indirect_dma semaphore(%arg63 : memref<!tpu.dma_semaphore, #tpu.memory_space<semaphore_mem>>) src(%dma_wait3A_149 : memref<4194304xf32, #tpu.memory_space<hbm>>) dst(%arg44 : memref<2048xf32, #tpu.memory_space<vmem>>)
      %dma_wait3A_150 = arith.constant 0 : i32
      %dma_wait3A_151 = tpu.memref_slice %arg4[%dma_wait3A_150] : memref<4194304xf32, #tpu.memory_space<hbm>> -> memref<4194304xf32, #tpu.memory_space<hbm>>
      tpu.wait_indirect_dma semaphore(%arg63 : memref<!tpu.dma_semaphore, #tpu.memory_space<semaphore_mem>>) src(%dma_wait3A_151 : memref<4194304xf32, #tpu.memory_space<hbm>>) dst(%arg45 : memref<2048xf32, #tpu.memory_space<vmem>>)
      %dma_wait3A_152 = arith.constant 0 : i32
      %dma_wait3A_153 = tpu.memref_slice %arg4[%dma_wait3A_152] : memref<4194304xf32, #tpu.memory_space<hbm>> -> memref<4194304xf32, #tpu.memory_space<hbm>>
      tpu.wait_indirect_dma semaphore(%arg63 : memref<!tpu.dma_semaphore, #tpu.memory_space<semaphore_mem>>) src(%dma_wait3A_153 : memref<4194304xf32, #tpu.memory_space<hbm>>) dst(%arg46 : memref<2048xf32, #tpu.memory_space<vmem>>)
      %scan3A_154 = arith.constant 0 : i32
      %scan3A_155 = arith.constant 0 : i32
      %scan3A_156 = arith.constant 128 : i32
      %scan3A_157 = arith.addi %scan3A_155, %scan3A_156 : i32
      %scan3A_158 = arith.constant 1 : i32
      %scan3A_159 = scf.for %scan3A_258 = %scan3A_155 to %scan3A_157 step %scan3A_158 iter_args(%scan3A_259 = %scan3A_154) -> (i32)  : i32 {
        %mul3A_260 = arith.constant 16 : i32
        %mul3A_261 = arith.muli %scan3A_258, %mul3A_260 : i32
        %get3A = arith.index_cast %mul3A_261 : i32 to index
        %get3A_262 = tpu.vector_load %arg7[%get3A] {strides = array<i32>} : memref<2048xf32, #tpu.memory_space<vmem>>, vector<16xf32>,
        %get3A_263 = arith.index_cast %mul3A_261 : i32 to index
        %get3A_264 = tpu.vector_load %arg9[%get3A_263] {strides = array<i32>} : memref<2048xf32, #tpu.memory_space<vmem>>, vector<16xf32>,
        %sub3A = arith.constant -1.000000e+00 : f32
        %sub3A_265 = vector.broadcast %sub3A : f32 to vector<16xf32>
        %sub3A_266 = arith.subf %get3A_262, %sub3A_265 : vector<16xf32>
        %mul3A_267 = arith.constant 2.000000e+00 : f32
        %mul3A_268 = vector.broadcast %mul3A_267 : f32 to vector<16xf32>
        %mul3A_269 = arith.mulf %mul3A_268, %sub3A_266 : vector<16xf32>
        %div3A = arith.constant 2.000000e+00 : f32
        %div3A_270 = vector.broadcast %div3A : f32 to vector<16xf32>
        %div3A_271 = arith.divf %mul3A_269, %div3A_270 : vector<16xf32>
        %sub3A_272 = arith.constant 1.000000e+00 : f32
        %sub3A_273 = vector.broadcast %sub3A_272 : f32 to vector<16xf32>
        %sub3A_274 = arith.subf %div3A_271, %sub3A_273 : vector<16xf32>
        %sub3A_275 = arith.constant -1.000000e+00 : f32
        %sub3A_276 = vector.broadcast %sub3A_275 : f32 to vector<16xf32>
        %sub3A_277 = arith.subf %get3A_264, %sub3A_276 : vector<16xf32>
        %mul3A_278 = arith.constant 2.000000e+00 : f32
        %mul3A_279 = vector.broadcast %mul3A_278 : f32 to vector<16xf32>
        %mul3A_280 = arith.mulf %mul3A_279, %sub3A_277 : vector<16xf32>
        %div3A_281 = arith.constant 2.000000e+00 : f32
        %div3A_282 = vector.broadcast %div3A_281 : f32 to vector<16xf32>
        %div3A_283 = arith.divf %mul3A_280, %div3A_282 : vector<16xf32>
        %sub3A_284 = arith.constant 1.000000e+00 : f32
        %sub3A_285 = vector.broadcast %sub3A_284 : f32 to vector<16xf32>
        %sub3A_286 = arith.subf %div3A_283, %sub3A_285 : vector<16xf32>
        %add3A_287 = arith.constant 1.000000e+00 : f32
        %add3A_288 = vector.broadcast %add3A_287 : f32 to vector<16xf32>
        %add3A_289 = arith.addf %sub3A_274, %add3A_288 : vector<16xf32>
        %mul3A_290 = arith.constant 1.023500e+03 : f32
        %mul3A_291 = vector.broadcast %mul3A_290 : f32 to vector<16xf32>
        %mul3A_292 = arith.mulf %add3A_289, %mul3A_291 : vector<16xf32>
        %add3A_293 = arith.constant 1.000000e+00 : f32
        %add3A_294 = vector.broadcast %add3A_293 : f32 to vector<16xf32>
        %add3A_295 = arith.addf %sub3A_286, %add3A_294 : vector<16xf32>
        %mul3A_296 = arith.constant 1.023500e+03 : f32
        %mul3A_297 = vector.broadcast %mul3A_296 : f32 to vector<16xf32>
        %mul3A_298 = arith.mulf %add3A_295, %mul3A_297 : vector<16xf32>
        %convert_element_type3A = arith.fptosi %mul3A_292 : vector<16xf32> to vector<16xi32>
        %convert_element_type3A_299 = arith.sitofp %convert_element_type3A : vector<16xi32> to vector<16xf32>
        %gt3A = arith.cmpf ogt, %convert_element_type3A_299, %mul3A_292 : vector<16xf32>
        %sub3A_300 = arith.constant 1 : i32
        %sub3A_301 = vector.broadcast %sub3A_300 : i32 to vector<16xi32>
        %sub3A_302 = arith.subi %convert_element_type3A, %sub3A_301 : vector<16xi32>
        %select_n3A = arith.select %gt3A, %sub3A_302, %convert_element_type3A : vector<16xi1>, vector<16xi32>
        %sub3A_303 = arith.constant 1.000000e+00 : f32
        %sub3A_304 = vector.broadcast %sub3A_303 : f32 to vector<16xf32>
        %sub3A_305 = arith.subf %convert_element_type3A_299, %sub3A_304 : vector<16xf32>
        %select_n3A_306 = arith.select %gt3A, %sub3A_305, %convert_element_type3A_299 : vector<16xi1>, vector<16xf32>
        %sub3A_307 = arith.subf %mul3A_292, %select_n3A_306 : vector<16xf32>
        %convert_element_type3A_308 = arith.fptosi %mul3A_298 : vector<16xf32> to vector<16xi32>
        %convert_element_type3A_309 = arith.sitofp %convert_element_type3A_308 : vector<16xi32> to vector<16xf32>
        %gt3A_310 = arith.cmpf ogt, %convert_element_type3A_309, %mul3A_298 : vector<16xf32>
        %sub3A_311 = arith.constant 1 : i32
        %sub3A_312 = vector.broadcast %sub3A_311 : i32 to vector<16xi32>
        %sub3A_313 = arith.subi %convert_element_type3A_308, %sub3A_312 : vector<16xi32>
        %select_n3A_314 = arith.select %gt3A_310, %sub3A_313, %convert_element_type3A_308 : vector<16xi1>, vector<16xi32>
        %sub3A_315 = arith.constant 1.000000e+00 : f32
        %sub3A_316 = vector.broadcast %sub3A_315 : f32 to vector<16xf32>
        %sub3A_317 = arith.subf %convert_element_type3A_309, %sub3A_316 : vector<16xf32>
        %select_n3A_318 = arith.select %gt3A_310, %sub3A_317, %convert_element_type3A_309 : vector<16xi1>, vector<16xf32>
        %sub3A_319 = arith.subf %mul3A_298, %select_n3A_318 : vector<16xf32>
        %mul3A_320 = arith.constant 16 : i32
        %mul3A_321 = arith.muli %scan3A_258, %mul3A_320 : i32
        %get3A_322 = arith.index_cast %mul3A_321 : i32 to index
        %get3A_323 = tpu.vector_load %arg35[%get3A_322] {strides = array<i32>} : memref<2048xf32, #tpu.memory_space<vmem>>, vector<16xf32>,
        %get3A_324 = arith.index_cast %mul3A_321 : i32 to index
        %get3A_325 = tpu.vector_load %arg36[%get3A_324] {strides = array<i32>} : memref<2048xf32, #tpu.memory_space<vmem>>, vector<16xf32>,
        %get3A_326 = arith.index_cast %mul3A_321 : i32 to index
        %get3A_327 = tpu.vector_load %arg37[%get3A_326] {strides = array<i32>} : memref<2048xf32, #tpu.memory_space<vmem>>, vector<16xf32>,
        %get3A_328 = arith.index_cast %mul3A_321 : i32 to index
        %get3A_329 = tpu.vector_load %arg38[%get3A_328] {strides = array<i32>} : memref<2048xf32, #tpu.memory_space<vmem>>, vector<16xf32>,
        %get3A_330 = arith.index_cast %mul3A_321 : i32 to index
        %get3A_331 = tpu.vector_load %arg39[%get3A_330] {strides = array<i32>} : memref<2048xf32, #tpu.memory_space<vmem>>, vector<16xf32>,
        %get3A_332 = arith.index_cast %mul3A_321 : i32 to index
        %get3A_333 = tpu.vector_load %arg40[%get3A_332] {strides = array<i32>} : memref<2048xf32, #tpu.memory_space<vmem>>, vector<16xf32>,
        %get3A_334 = arith.index_cast %mul3A_321 : i32 to index
        %get3A_335 = tpu.vector_load %arg41[%get3A_334] {strides = array<i32>} : memref<2048xf32, #tpu.memory_space<vmem>>, vector<16xf32>,
        %get3A_336 = arith.index_cast %mul3A_321 : i32 to index
        %get3A_337 = tpu.vector_load %arg42[%get3A_336] {strides = array<i32>} : memref<2048xf32, #tpu.memory_space<vmem>>, vector<16xf32>,
        %get3A_338 = arith.index_cast %mul3A_321 : i32 to index
        %get3A_339 = tpu.vector_load %arg43[%get3A_338] {strides = array<i32>} : memref<2048xf32, #tpu.memory_space<vmem>>, vector<16xf32>,
        %get3A_340 = arith.index_cast %mul3A_321 : i32 to index
        %get3A_341 = tpu.vector_load %arg44[%get3A_340] {strides = array<i32>} : memref<2048xf32, #tpu.memory_space<vmem>>, vector<16xf32>,
        %get3A_342 = arith.index_cast %mul3A_321 : i32 to index
        %get3A_343 = tpu.vector_load %arg45[%get3A_342] {strides = array<i32>} : memref<2048xf32, #tpu.memory_space<vmem>>, vector<16xf32>,
        %get3A_344 = arith.index_cast %mul3A_321 : i32 to index
        %get3A_345 = tpu.vector_load %arg46[%get3A_344] {strides = array<i32>} : memref<2048xf32, #tpu.memory_space<vmem>>, vector<16xf32>,
        %add3A_346 = arith.constant -1 : i32
        %add3A_347 = vector.broadcast %add3A_346 : i32 to vector<16xi32>
        %add3A_348 = arith.addi %select_n3A, %add3A_347 : vector<16xi32>
        %ge3A = arith.constant 0 : i32
        %ge3A_349 = vector.broadcast %ge3A : i32 to vector<16xi32>
        %ge3A_350 = arith.cmpi sge, %add3A_348, %ge3A_349 : vector<16xi32>
        %add3A_351 = arith.constant -1 : i32
        %add3A_352 = vector.broadcast %add3A_351 : i32 to vector<16xi32>
        %add3A_353 = arith.addi %select_n3A, %add3A_352 : vector<16xi32>
        %le3A = arith.constant 2047 : i32
        %le3A_354 = vector.broadcast %le3A : i32 to vector<16xi32>
        %le3A_355 = arith.cmpi sle, %add3A_353, %le3A_354 : vector<16xi32>
        %and3A = arith.andi %ge3A_350, %le3A_355 : vector<16xi1>
        %add3A_356 = arith.constant 0 : i32
        %add3A_357 = vector.broadcast %add3A_356 : i32 to vector<16xi32>
        %add3A_358 = arith.addi %select_n3A, %add3A_357 : vector<16xi32>
        %ge3A_359 = arith.constant 0 : i32
        %ge3A_360 = vector.broadcast %ge3A_359 : i32 to vector<16xi32>
        %ge3A_361 = arith.cmpi sge, %add3A_358, %ge3A_360 : vector<16xi32>
        %add3A_362 = arith.constant 0 : i32
        %add3A_363 = vector.broadcast %add3A_362 : i32 to vector<16xi32>
        %add3A_364 = arith.addi %select_n3A, %add3A_363 : vector<16xi32>
        %le3A_365 = arith.constant 2047 : i32
        %le3A_366 = vector.broadcast %le3A_365 : i32 to vector<16xi32>
        %le3A_367 = arith.cmpi sle, %add3A_364, %le3A_366 : vector<16xi32>
        %and3A_368 = arith.andi %ge3A_361, %le3A_367 : vector<16xi1>
        %add3A_369 = arith.constant 1 : i32
        %add3A_370 = vector.broadcast %add3A_369 : i32 to vector<16xi32>
        %add3A_371 = arith.addi %select_n3A, %add3A_370 : vector<16xi32>
        %ge3A_372 = arith.constant 0 : i32
        %ge3A_373 = vector.broadcast %ge3A_372 : i32 to vector<16xi32>
        %ge3A_374 = arith.cmpi sge, %add3A_371, %ge3A_373 : vector<16xi32>
        %add3A_375 = arith.constant 1 : i32
        %add3A_376 = vector.broadcast %add3A_375 : i32 to vector<16xi32>
        %add3A_377 = arith.addi %select_n3A, %add3A_376 : vector<16xi32>
        %le3A_378 = arith.constant 2047 : i32
        %le3A_379 = vector.broadcast %le3A_378 : i32 to vector<16xi32>
        %le3A_380 = arith.cmpi sle, %add3A_377, %le3A_379 : vector<16xi32>
        %and3A_381 = arith.andi %ge3A_374, %le3A_380 : vector<16xi1>
        %add3A_382 = arith.constant 2 : i32
        %add3A_383 = vector.broadcast %add3A_382 : i32 to vector<16xi32>
        %add3A_384 = arith.addi %select_n3A, %add3A_383 : vector<16xi32>
        %ge3A_385 = arith.constant 0 : i32
        %ge3A_386 = vector.broadcast %ge3A_385 : i32 to vector<16xi32>
        %ge3A_387 = arith.cmpi sge, %add3A_384, %ge3A_386 : vector<16xi32>
        %add3A_388 = arith.constant 2 : i32
        %add3A_389 = vector.broadcast %add3A_388 : i32 to vector<16xi32>
        %add3A_390 = arith.addi %select_n3A, %add3A_389 : vector<16xi32>
        %le3A_391 = arith.constant 2047 : i32
        %le3A_392 = vector.broadcast %le3A_391 : i32 to vector<16xi32>
        %le3A_393 = arith.cmpi sle, %add3A_390, %le3A_392 : vector<16xi32>
        %and3A_394 = arith.andi %ge3A_387, %le3A_393 : vector<16xi1>
        %add3A_395 = arith.constant -1 : i32
        %add3A_396 = vector.broadcast %add3A_395 : i32 to vector<16xi32>
        %add3A_397 = arith.addi %select_n3A_314, %add3A_396 : vector<16xi32>
        %ge3A_398 = arith.constant 0 : i32
        %ge3A_399 = vector.broadcast %ge3A_398 : i32 to vector<16xi32>
        %ge3A_400 = arith.cmpi sge, %add3A_397, %ge3A_399 : vector<16xi32>
        %add3A_401 = arith.constant -1 : i32
        %add3A_402 = vector.broadcast %add3A_401 : i32 to vector<16xi32>
        %add3A_403 = arith.addi %select_n3A_314, %add3A_402 : vector<16xi32>
        %le3A_404 = arith.constant 2047 : i32
        %le3A_405 = vector.broadcast %le3A_404 : i32 to vector<16xi32>
        %le3A_406 = arith.cmpi sle, %add3A_403, %le3A_405 : vector<16xi32>
        %and3A_407 = arith.andi %ge3A_400, %le3A_406 : vector<16xi1>
        %add3A_408 = arith.constant 0 : i32
        %add3A_409 = vector.broadcast %add3A_408 : i32 to vector<16xi32>
        %add3A_410 = arith.addi %select_n3A_314, %add3A_409 : vector<16xi32>
        %ge3A_411 = arith.constant 0 : i32
        %ge3A_412 = vector.broadcast %ge3A_411 : i32 to vector<16xi32>
        %ge3A_413 = arith.cmpi sge, %add3A_410, %ge3A_412 : vector<16xi32>
        %add3A_414 = arith.constant 0 : i32
        %add3A_415 = vector.broadcast %add3A_414 : i32 to vector<16xi32>
        %add3A_416 = arith.addi %select_n3A_314, %add3A_415 : vector<16xi32>
        %le3A_417 = arith.constant 2047 : i32
        %le3A_418 = vector.broadcast %le3A_417 : i32 to vector<16xi32>
        %le3A_419 = arith.cmpi sle, %add3A_416, %le3A_418 : vector<16xi32>
        %and3A_420 = arith.andi %ge3A_413, %le3A_419 : vector<16xi1>
        %add3A_421 = arith.constant 1 : i32
        %add3A_422 = vector.broadcast %add3A_421 : i32 to vector<16xi32>
        %add3A_423 = arith.addi %select_n3A_314, %add3A_422 : vector<16xi32>
        %ge3A_424 = arith.constant 0 : i32
        %ge3A_425 = vector.broadcast %ge3A_424 : i32 to vector<16xi32>
        %ge3A_426 = arith.cmpi sge, %add3A_423, %ge3A_425 : vector<16xi32>
        %add3A_427 = arith.constant 1 : i32
        %add3A_428 = vector.broadcast %add3A_427 : i32 to vector<16xi32>
        %add3A_429 = arith.addi %select_n3A_314, %add3A_428 : vector<16xi32>
        %le3A_430 = arith.constant 2047 : i32
        %le3A_431 = vector.broadcast %le3A_430 : i32 to vector<16xi32>
        %le3A_432 = arith.cmpi sle, %add3A_429, %le3A_431 : vector<16xi32>
        %and3A_433 = arith.andi %ge3A_426, %le3A_432 : vector<16xi1>
        %add3A_434 = arith.constant 2 : i32
        %add3A_435 = vector.broadcast %add3A_434 : i32 to vector<16xi32>
        %add3A_436 = arith.addi %select_n3A_314, %add3A_435 : vector<16xi32>
        %ge3A_437 = arith.constant 0 : i32
        %ge3A_438 = vector.broadcast %ge3A_437 : i32 to vector<16xi32>
        %ge3A_439 = arith.cmpi sge, %add3A_436, %ge3A_438 : vector<16xi32>
        %add3A_440 = arith.constant 2 : i32
        %add3A_441 = vector.broadcast %add3A_440 : i32 to vector<16xi32>
        %add3A_442 = arith.addi %select_n3A_314, %add3A_441 : vector<16xi32>
        %le3A_443 = arith.constant 2047 : i32
        %le3A_444 = vector.broadcast %le3A_443 : i32 to vector<16xi32>
        %le3A_445 = arith.cmpi sle, %add3A_442, %le3A_444 : vector<16xi32>
        %and3A_446 = arith.andi %ge3A_439, %le3A_445 : vector<16xi1>
        %and3A_447 = arith.andi %and3A_407, %and3A_368 : vector<16xi1>
        %jit3A = arith.constant 0.000000e+00 : f32
        %broadcast_in_dim3A = vector.broadcast %jit3A : f32 to vector<16xf32>
        %select_n3A_448 = arith.select %and3A_447, %get3A_323, %broadcast_in_dim3A : vector<16xi1>, vector<16xf32>
        %and3A_449 = arith.andi %and3A_407, %and3A_381 : vector<16xi1>
        %jit3A_450 = arith.constant 0.000000e+00 : f32
        %broadcast_in_dim3A_451 = vector.broadcast %jit3A_450 : f32 to vector<16xf32>
        %select_n3A_452 = arith.select %and3A_449, %get3A_325, %broadcast_in_dim3A_451 : vector<16xi1>, vector<16xf32>
        %and3A_453 = arith.andi %and3A_420, %and3A : vector<16xi1>
        %jit3A_454 = arith.constant 0.000000e+00 : f32
        %broadcast_in_dim3A_455 = vector.broadcast %jit3A_454 : f32 to vector<16xf32>
        %select_n3A_456 = arith.select %and3A_453, %get3A_327, %broadcast_in_dim3A_455 : vector<16xi1>, vector<16xf32>
        %and3A_457 = arith.andi %and3A_420, %and3A_368 : vector<16xi1>
        %jit3A_458 = arith.constant 0.000000e+00 : f32
        %broadcast_in_dim3A_459 = vector.broadcast %jit3A_458 : f32 to vector<16xf32>
        %select_n3A_460 = arith.select %and3A_457, %get3A_329, %broadcast_in_dim3A_459 : vector<16xi1>, vector<16xf32>
        %and3A_461 = arith.andi %and3A_420, %and3A_381 : vector<16xi1>
        %jit3A_462 = arith.constant 0.000000e+00 : f32
        %broadcast_in_dim3A_463 = vector.broadcast %jit3A_462 : f32 to vector<16xf32>
        %select_n3A_464 = arith.select %and3A_461, %get3A_331, %broadcast_in_dim3A_463 : vector<16xi1>, vector<16xf32>
        %and3A_465 = arith.andi %and3A_420, %and3A_394 : vector<16xi1>
        %jit3A_466 = arith.constant 0.000000e+00 : f32
        %broadcast_in_dim3A_467 = vector.broadcast %jit3A_466 : f32 to vector<16xf32>
        %select_n3A_468 = arith.select %and3A_465, %get3A_333, %broadcast_in_dim3A_467 : vector<16xi1>, vector<16xf32>
        %and3A_469 = arith.andi %and3A_433, %and3A : vector<16xi1>
        %jit3A_470 = arith.constant 0.000000e+00 : f32
        %broadcast_in_dim3A_471 = vector.broadcast %jit3A_470 : f32 to vector<16xf32>
        %select_n3A_472 = arith.select %and3A_469, %get3A_335, %broadcast_in_dim3A_471 : vector<16xi1>, vector<16xf32>
        %and3A_473 = arith.andi %and3A_433, %and3A_368 : vector<16xi1>
        %jit3A_474 = arith.constant 0.000000e+00 : f32
        %broadcast_in_dim3A_475 = vector.broadcast %jit3A_474 : f32 to vector<16xf32>
        %select_n3A_476 = arith.select %and3A_473, %get3A_337, %broadcast_in_dim3A_475 : vector<16xi1>, vector<16xf32>
        %and3A_477 = arith.andi %and3A_433, %and3A_381 : vector<16xi1>
        %jit3A_478 = arith.constant 0.000000e+00 : f32
        %broadcast_in_dim3A_479 = vector.broadcast %jit3A_478 : f32 to vector<16xf32>
        %select_n3A_480 = arith.select %and3A_477, %get3A_339, %broadcast_in_dim3A_479 : vector<16xi1>, vector<16xf32>
        %and3A_481 = arith.andi %and3A_433, %and3A_394 : vector<16xi1>
        %jit3A_482 = arith.constant 0.000000e+00 : f32
        %broadcast_in_dim3A_483 = vector.broadcast %jit3A_482 : f32 to vector<16xf32>
        %select_n3A_484 = arith.select %and3A_481, %get3A_341, %broadcast_in_dim3A_483 : vector<16xi1>, vector<16xf32>
        %and3A_485 = arith.andi %and3A_446, %and3A_368 : vector<16xi1>
        %jit3A_486 = arith.constant 0.000000e+00 : f32
        %broadcast_in_dim3A_487 = vector.broadcast %jit3A_486 : f32 to vector<16xf32>
        %select_n3A_488 = arith.select %and3A_485, %get3A_343, %broadcast_in_dim3A_487 : vector<16xi1>, vector<16xf32>
        %and3A_489 = arith.andi %and3A_446, %and3A_381 : vector<16xi1>
        %jit3A_490 = arith.constant 0.000000e+00 : f32
        %broadcast_in_dim3A_491 = vector.broadcast %jit3A_490 : f32 to vector<16xf32>
        %select_n3A_492 = arith.select %and3A_489, %get3A_345, %broadcast_in_dim3A_491 : vector<16xi1>, vector<16xf32>
        %jit3A_493 = arith.constant 0.000000e+00 : f32
        %jit3A_494 = arith.constant 2.047000e+03 : f32
        %max3A = vector.broadcast %jit3A_493 : f32 to vector<16xf32>
        %max3A_495 = arith.maximumf %max3A, %mul3A_292 : vector<16xf32>
        %min3A_496 = vector.broadcast %jit3A_494 : f32 to vector<16xf32>
        %min3A_497 = arith.minimumf %min3A_496, %max3A_495 : vector<16xf32>
        %jit3A_498 = arith.constant 0.000000e+00 : f32
        %jit3A_499 = arith.constant 2.047000e+03 : f32
        %max3A_500 = vector.broadcast %jit3A_498 : f32 to vector<16xf32>
        %max3A_501 = arith.maximumf %max3A_500, %mul3A_298 : vector<16xf32>
        %min3A_502 = vector.broadcast %jit3A_499 : f32 to vector<16xf32>
        %min3A_503 = arith.minimumf %min3A_502, %max3A_501 : vector<16xf32>
        %jit3A_504 = arith.constant 0.000000e+00 : f32
        %jit3A_505 = arith.constant 2.047000e+03 : f32
        %max3A_506 = vector.broadcast %jit3A_504 : f32 to vector<16xf32>
        %max3A_507 = arith.maximumf %max3A_506, %select_n3A_306 : vector<16xf32>
        %min3A_508 = vector.broadcast %jit3A_505 : f32 to vector<16xf32>
        %min3A_509 = arith.minimumf %min3A_508, %max3A_507 : vector<16xf32>
        %sub3A_510 = arith.subf %min3A_497, %min3A_509 : vector<16xf32>
        %jit3A_511 = arith.constant 0.000000e+00 : f32
        %jit3A_512 = arith.constant 2.047000e+03 : f32
        %max3A_513 = vector.broadcast %jit3A_511 : f32 to vector<16xf32>
        %max3A_514 = arith.maximumf %max3A_513, %select_n3A_318 : vector<16xf32>
        %min3A_515 = vector.broadcast %jit3A_512 : f32 to vector<16xf32>
        %min3A_516 = arith.minimumf %min3A_515, %max3A_514 : vector<16xf32>
        %sub3A_517 = arith.subf %min3A_503, %min3A_516 : vector<16xf32>
        %sub3A_518 = arith.constant 1.000000e+00 : f32
        %sub3A_519 = vector.broadcast %sub3A_518 : f32 to vector<16xf32>
        %sub3A_520 = arith.subf %sub3A_519, %sub3A_517 : vector<16xf32>
        %sub3A_521 = arith.constant 1.000000e+00 : f32
        %sub3A_522 = vector.broadcast %sub3A_521 : f32 to vector<16xf32>
        %sub3A_523 = arith.subf %sub3A_522, %sub3A_510 : vector<16xf32>
        %mul3A_524 = arith.mulf %sub3A_523, %get3A_329 : vector<16xf32>
        %mul3A_525 = arith.mulf %sub3A_510, %get3A_331 : vector<16xf32>
        %add3A_526 = arith.addf %mul3A_524, %mul3A_525 : vector<16xf32>
        %mul3A_527 = arith.mulf %sub3A_520, %add3A_526 : vector<16xf32>
        %sub3A_528 = arith.constant 1.000000e+00 : f32
        %sub3A_529 = vector.broadcast %sub3A_528 : f32 to vector<16xf32>
        %sub3A_530 = arith.subf %sub3A_529, %sub3A_510 : vector<16xf32>
        %mul3A_531 = arith.mulf %sub3A_530, %get3A_337 : vector<16xf32>
        %mul3A_532 = arith.mulf %sub3A_510, %get3A_339 : vector<16xf32>
        %add3A_533 = arith.addf %mul3A_531, %mul3A_532 : vector<16xf32>
        %mul3A_534 = arith.mulf %sub3A_517, %add3A_533 : vector<16xf32>
        %add3A_535 = arith.addf %mul3A_527, %mul3A_534 : vector<16xf32>
        %sub3A_536 = arith.constant 1.000000e+00 : f32
        %sub3A_537 = vector.broadcast %sub3A_536 : f32 to vector<16xf32>
        %sub3A_538 = arith.subf %sub3A_537, %sub3A_307 : vector<16xf32>
        %sub3A_539 = arith.constant 1.000000e+00 : f32
        %sub3A_540 = vector.broadcast %sub3A_539 : f32 to vector<16xf32>
        %sub3A_541 = arith.subf %sub3A_540, %sub3A_319 : vector<16xf32>
        %mul3A_542 = arith.mulf %sub3A_538, %select_n3A_464 : vector<16xf32>
        %mul3A_543 = arith.mulf %sub3A_307, %select_n3A_468 : vector<16xf32>
        %add3A_544 = arith.addf %mul3A_542, %mul3A_543 : vector<16xf32>
        %mul3A_545 = arith.mulf %sub3A_541, %add3A_544 : vector<16xf32>
        %mul3A_546 = arith.mulf %sub3A_538, %select_n3A_480 : vector<16xf32>
        %mul3A_547 = arith.mulf %sub3A_307, %select_n3A_484 : vector<16xf32>
        %add3A_548 = arith.addf %mul3A_546, %mul3A_547 : vector<16xf32>
        %mul3A_549 = arith.mulf %sub3A_319, %add3A_548 : vector<16xf32>
        %add3A_550 = arith.addf %mul3A_545, %mul3A_549 : vector<16xf32>
        %mul3A_551 = arith.mulf %sub3A_538, %select_n3A_456 : vector<16xf32>
        %mul3A_552 = arith.mulf %sub3A_307, %select_n3A_460 : vector<16xf32>
        %add3A_553 = arith.addf %mul3A_551, %mul3A_552 : vector<16xf32>
        %mul3A_554 = arith.mulf %sub3A_541, %add3A_553 : vector<16xf32>
        %mul3A_555 = arith.mulf %sub3A_538, %select_n3A_472 : vector<16xf32>
        %mul3A_556 = arith.mulf %sub3A_307, %select_n3A_476 : vector<16xf32>
        %add3A_557 = arith.addf %mul3A_555, %mul3A_556 : vector<16xf32>
        %mul3A_558 = arith.mulf %sub3A_319, %add3A_557 : vector<16xf32>
        %add3A_559 = arith.addf %mul3A_554, %mul3A_558 : vector<16xf32>
        %mul3A_560 = arith.mulf %sub3A_538, %select_n3A_476 : vector<16xf32>
        %mul3A_561 = arith.mulf %sub3A_307, %select_n3A_480 : vector<16xf32>
        %add3A_562 = arith.addf %mul3A_560, %mul3A_561 : vector<16xf32>
        %mul3A_563 = arith.mulf %sub3A_541, %add3A_562 : vector<16xf32>
        %mul3A_564 = arith.mulf %sub3A_538, %select_n3A_488 : vector<16xf32>
        %mul3A_565 = arith.mulf %sub3A_307, %select_n3A_492 : vector<16xf32>
        %add3A_566 = arith.addf %mul3A_564, %mul3A_565 : vector<16xf32>
        %mul3A_567 = arith.mulf %sub3A_319, %add3A_566 : vector<16xf32>
        %add3A_568 = arith.addf %mul3A_563, %mul3A_567 : vector<16xf32>
        %mul3A_569 = arith.mulf %sub3A_538, %select_n3A_448 : vector<16xf32>
        %mul3A_570 = arith.mulf %sub3A_307, %select_n3A_452 : vector<16xf32>
        %add3A_571 = arith.addf %mul3A_569, %mul3A_570 : vector<16xf32>
        %mul3A_572 = arith.mulf %sub3A_541, %add3A_571 : vector<16xf32>
        %mul3A_573 = arith.mulf %sub3A_538, %select_n3A_460 : vector<16xf32>
        %mul3A_574 = arith.mulf %sub3A_307, %select_n3A_464 : vector<16xf32>
        %add3A_575 = arith.addf %mul3A_573, %mul3A_574 : vector<16xf32>
        %mul3A_576 = arith.mulf %sub3A_319, %add3A_575 : vector<16xf32>
        %add3A_577 = arith.addf %mul3A_572, %mul3A_576 : vector<16xf32>
        %sub3A_578 = arith.subf %add3A_550, %add3A_559 : vector<16xf32>
        %mul3A_579 = arith.constant 5.117500e+02 : f32
        %mul3A_580 = vector.broadcast %mul3A_579 : f32 to vector<16xf32>
        %mul3A_581 = arith.mulf %sub3A_578, %mul3A_580 : vector<16xf32>
        %sub3A_582 = arith.subf %add3A_568, %add3A_577 : vector<16xf32>
        %mul3A_583 = arith.constant 5.117500e+02 : f32
        %mul3A_584 = vector.broadcast %mul3A_583 : f32 to vector<16xf32>
        %mul3A_585 = arith.mulf %sub3A_582, %mul3A_584 : vector<16xf32>
        %mul3A_586 = arith.mulf %mul3A_581, %mul3A_581 : vector<16xf32>
        %mul3A_587 = arith.mulf %mul3A_585, %mul3A_585 : vector<16xf32>
        %add3A_588 = arith.addf %mul3A_586, %mul3A_587 : vector<16xf32>
        %max3A_589 = arith.constant 9.99999996E-13 : f32
        %max3A_590 = vector.broadcast %max3A_589 : f32 to vector<16xf32>
        %max3A_591 = arith.maximumf %add3A_588, %max3A_590 : vector<16xf32>
        %div3A_592 = arith.divf %add3A_535, %max3A_591 : vector<16xf32>
        %bitcast_convert_type3A = tpu.bitcast %max3A_591 : vector<16xf32> -> vector<16xi32>
        %shift_right_arithmetic3A = arith.constant 1 : i32
        %shift_right_arithmetic3A_593 = vector.broadcast %shift_right_arithmetic3A : i32 to vector<16xi32>
        %shift_right_arithmetic3A_594 = arith.shrsi %bitcast_convert_type3A, %shift_right_arithmetic3A_593 : vector<16xi32>
        %sub3A_595 = arith.constant 1597463007 : i32
        %sub3A_596 = vector.broadcast %sub3A_595 : i32 to vector<16xi32>
        %sub3A_597 = arith.subi %sub3A_596, %shift_right_arithmetic3A_594 : vector<16xi32>
        %bitcast_convert_type3A_598 = tpu.bitcast %sub3A_597 : vector<16xi32> -> vector<16xf32>
        %mul3A_599 = arith.constant 5.000000e-01 : f32
        %mul3A_600 = vector.broadcast %mul3A_599 : f32 to vector<16xf32>
        %mul3A_601 = arith.mulf %mul3A_600, %max3A_591 : vector<16xf32>
        %mul3A_602 = arith.mulf %mul3A_601, %bitcast_convert_type3A_598 : vector<16xf32>
        %mul3A_603 = arith.mulf %mul3A_602, %bitcast_convert_type3A_598 : vector<16xf32>
        %sub3A_604 = arith.constant 1.500000e+00 : f32
        %sub3A_605 = vector.broadcast %sub3A_604 : f32 to vector<16xf32>
        %sub3A_606 = arith.subf %sub3A_605, %mul3A_603 : vector<16xf32>
        %mul3A_607 = arith.mulf %bitcast_convert_type3A_598, %sub3A_606 : vector<16xf32>
        %mul3A_608 = arith.mulf %mul3A_601, %mul3A_607 : vector<16xf32>
        %mul3A_609 = arith.mulf %mul3A_608, %mul3A_607 : vector<16xf32>
        %sub3A_610 = arith.constant 1.500000e+00 : f32
        %sub3A_611 = vector.broadcast %sub3A_610 : f32 to vector<16xf32>
        %sub3A_612 = arith.subf %sub3A_611, %mul3A_609 : vector<16xf32>
        %mul3A_613 = arith.mulf %mul3A_607, %sub3A_612 : vector<16xf32>
        %mul3A_614 = arith.mulf %mul3A_601, %mul3A_613 : vector<16xf32>
        %mul3A_615 = arith.mulf %mul3A_614, %mul3A_613 : vector<16xf32>
        %sub3A_616 = arith.constant 1.500000e+00 : f32
        %sub3A_617 = vector.broadcast %sub3A_616 : f32 to vector<16xf32>
        %sub3A_618 = arith.subf %sub3A_617, %mul3A_615 : vector<16xf32>
        %mul3A_619 = arith.mulf %mul3A_613, %sub3A_618 : vector<16xf32>
        %mul3A_620 = arith.constant 1.000000e-03 : f32
        %mul3A_621 = vector.broadcast %mul3A_620 : f32 to vector<16xf32>
        %mul3A_622 = arith.mulf %mul3A_621, %mul3A_619 : vector<16xf32>
        %add3A_623 = arith.addf %div3A_592, %mul3A_622 : vector<16xf32>
        %mul3A_624 = arith.mulf %add3A_623, %mul3A_581 : vector<16xf32>
        %sub3A_625 = arith.subf %get3A_262, %mul3A_624 : vector<16xf32>
        %mul3A_626 = arith.mulf %add3A_623, %mul3A_585 : vector<16xf32>
        %sub3A_627 = arith.subf %get3A_264, %mul3A_626 : vector<16xf32>
        %gt3A_628 = arith.constant 0.000000e+00 : f32
        %gt3A_629 = vector.broadcast %gt3A_628 : f32 to vector<16xf32>
        %gt3A_630 = arith.cmpf ogt, %add3A_535, %gt3A_629 : vector<16xf32>
        %mul3A_631 = arith.constant 16 : i32
        %mul3A_632 = arith.muli %scan3A_258, %mul3A_631 : i32
        %select_n3A_633 = arith.select %gt3A_630, %sub3A_625, %get3A_262 : vector<16xi1>, vector<16xf32>
        %swap3A = arith.index_cast %mul3A_632 : i32 to index
        %swap3A_634 = tpu.vector_load %arg59[%swap3A] {strides = array<i32>} : memref<2048xf32, #tpu.memory_space<vmem>>, vector<16xf32>,
        tpu.vector_store %arg59[%swap3A], %select_n3A_633 {strides = array<i32>} : memref<2048xf32, #tpu.memory_space<vmem>>, vector<16xf32>,
        %select_n3A_635 = arith.select %gt3A_630, %sub3A_627, %get3A_264 : vector<16xi1>, vector<16xf32>
        %swap3A_636 = arith.index_cast %mul3A_632 : i32 to index
        %swap3A_637 = tpu.vector_load %arg61[%swap3A_636] {strides = array<i32>} : memref<2048xf32, #tpu.memory_space<vmem>>, vector<16xf32>,
        tpu.vector_store %arg61[%swap3A_636], %select_n3A_635 {strides = array<i32>} : memref<2048xf32, #tpu.memory_space<vmem>>, vector<16xf32>,
        %scan3A_638 = arith.constant 0 : i32
        scf.yield %scan3A_638 : i32
      }
      %scan3A_160 = arith.constant 128 : i32
      %mul3A_161 = arith.constant 32 : i32
      %mul3A_162 = arith.muli %mul3A_161, %mul3A_86 : i32
      %add3A_163 = arith.addi %add3A, %mul3A_162 : i32
      %min3A_164 = arith.constant 976 : i32
      %min3A_165 = arith.minsi %add3A_163, %min3A_164 : i32
      %mul3A_166 = arith.constant 2048 : i32
      %mul3A_167 = arith.muli %min3A_165, %mul3A_166 : i32
      %min3A_168 = arith.constant 1997952 : i32
      %min3A_169 = arith.minsi %mul3A_167, %min3A_168 : i32
      %multiple_of3A_170 = tpu.assume_multiple %min3A_169, 8 : i32
      "tpu.region"() ({
        %run_scoped3A = tpu.sem_alloc : memref<!tpu.dma_semaphore, #tpu.memory_space<semaphore_mem>>
        %dma_start3A_258 = tpu.memref_slice %arg5[%multiple_of3A_170] : memref<2000000xf32, #tpu.memory_space<hbm>> -> memref<2048xf32, #tpu.memory_space<hbm>>
        %dma_start3A_259 = tpu.memref_slice %arg5[%multiple_of3A_170] : memref<2000000xf32, #tpu.memory_space<hbm>> -> memref<2048xf32, #tpu.memory_space<hbm>>
        tpu.enqueue_dma source(%arg59 : memref<2048xf32, #tpu.memory_space<vmem>>) target(%dma_start3A_259 : memref<2048xf32, #tpu.memory_space<hbm>>) target_semaphore(%run_scoped3A : memref<!tpu.dma_semaphore, #tpu.memory_space<semaphore_mem>>)
        %dma_wait3A_260 = tpu.memref_slice %arg5[%multiple_of3A_170] : memref<2000000xf32, #tpu.memory_space<hbm>> -> memref<2048xf32, #tpu.memory_space<hbm>>
        %dma_wait3A_261 = tpu.memref_slice %arg5[%multiple_of3A_170] : memref<2000000xf32, #tpu.memory_space<hbm>> -> memref<2048xf32, #tpu.memory_space<hbm>>
        tpu.wait_dma2 semaphore(%run_scoped3A : memref<!tpu.dma_semaphore, #tpu.memory_space<semaphore_mem>>) src(%arg59 : memref<2048xf32, #tpu.memory_space<vmem>>) dst(%dma_wait3A_261 : memref<2048xf32, #tpu.memory_space<hbm>>)
        tpu.yield
      }) : () -> ()
      "tpu.region"() ({
        %run_scoped3A = tpu.sem_alloc : memref<!tpu.dma_semaphore, #tpu.memory_space<semaphore_mem>>
        %dma_start3A_258 = tpu.memref_slice %arg6[%multiple_of3A_170] : memref<2000000xf32, #tpu.memory_space<hbm>> -> memref<2048xf32, #tpu.memory_space<hbm>>
        %dma_start3A_259 = tpu.memref_slice %arg6[%multiple_of3A_170] : memref<2000000xf32, #tpu.memory_space<hbm>> -> memref<2048xf32, #tpu.memory_space<hbm>>
        tpu.enqueue_dma source(%arg61 : memref<2048xf32, #tpu.memory_space<vmem>>) target(%dma_start3A_259 : memref<2048xf32, #tpu.memory_space<hbm>>) target_semaphore(%run_scoped3A : memref<!tpu.dma_semaphore, #tpu.memory_space<semaphore_mem>>)
        %dma_wait3A_260 = tpu.memref_slice %arg6[%multiple_of3A_170] : memref<2000000xf32, #tpu.memory_space<hbm>> -> memref<2048xf32, #tpu.memory_space<hbm>>
        %dma_wait3A_261 = tpu.memref_slice %arg6[%multiple_of3A_170] : memref<2000000xf32, #tpu.memory_space<hbm>> -> memref<2048xf32, #tpu.memory_space<hbm>>
        tpu.wait_dma2 semaphore(%run_scoped3A : memref<!tpu.dma_semaphore, #tpu.memory_space<semaphore_mem>>) src(%arg61 : memref<2048xf32, #tpu.memory_space<vmem>>) dst(%dma_wait3A_261 : memref<2048xf32, #tpu.memory_space<hbm>>)
        tpu.yield
      }) : () -> ()
      %add3A_171 = arith.constant 2 : i32
      %add3A_172 = arith.addi %mul3A_86, %add3A_171 : i32
      %mul3A_173 = arith.constant 32 : i32
      %mul3A_174 = arith.muli %mul3A_173, %add3A_172 : i32
      %add3A_175 = arith.addi %add3A, %mul3A_174 : i32
      %min3A_176 = arith.constant 976 : i32
      %min3A_177 = arith.minsi %add3A_175, %min3A_176 : i32
      %mul3A_178 = arith.constant 2048 : i32
      %mul3A_179 = arith.muli %min3A_177, %mul3A_178 : i32
      %min3A_180 = arith.constant 1997952 : i32
      %min3A_181 = arith.minsi %mul3A_179, %min3A_180 : i32
      %multiple_of3A_182 = tpu.assume_multiple %min3A_181, 8 : i32
      "tpu.region"() ({
        %run_scoped3A = tpu.sem_alloc : memref<!tpu.dma_semaphore, #tpu.memory_space<semaphore_mem>>
        %dma_start3A_258 = tpu.memref_slice %arg2[%multiple_of3A_182] : memref<2000000xf32, #tpu.memory_space<hbm>> -> memref<2048xf32, #tpu.memory_space<hbm>>
        %dma_start3A_259 = tpu.memref_slice %arg2[%multiple_of3A_182] : memref<2000000xf32, #tpu.memory_space<hbm>> -> memref<2048xf32, #tpu.memory_space<hbm>>
        tpu.enqueue_dma source(%dma_start3A_259 : memref<2048xf32, #tpu.memory_space<hbm>>) target(%arg7 : memref<2048xf32, #tpu.memory_space<vmem>>) target_semaphore(%run_scoped3A : memref<!tpu.dma_semaphore, #tpu.memory_space<semaphore_mem>>)
        %dma_wait3A_260 = tpu.memref_slice %arg2[%multiple_of3A_182] : memref<2000000xf32, #tpu.memory_space<hbm>> -> memref<2048xf32, #tpu.memory_space<hbm>>
        %dma_wait3A_261 = tpu.memref_slice %arg2[%multiple_of3A_182] : memref<2000000xf32, #tpu.memory_space<hbm>> -> memref<2048xf32, #tpu.memory_space<hbm>>
        tpu.wait_dma2 semaphore(%run_scoped3A : memref<!tpu.dma_semaphore, #tpu.memory_space<semaphore_mem>>) src(%dma_wait3A_261 : memref<2048xf32, #tpu.memory_space<hbm>>) dst(%arg7 : memref<2048xf32, #tpu.memory_space<vmem>>)
        tpu.yield
      }) : () -> ()
      "tpu.region"() ({
        %run_scoped3A = tpu.sem_alloc : memref<!tpu.dma_semaphore, #tpu.memory_space<semaphore_mem>>
        %dma_start3A_258 = tpu.memref_slice %arg3[%multiple_of3A_182] : memref<2000000xf32, #tpu.memory_space<hbm>> -> memref<2048xf32, #tpu.memory_space<hbm>>
        %dma_start3A_259 = tpu.memref_slice %arg3[%multiple_of3A_182] : memref<2000000xf32, #tpu.memory_space<hbm>> -> memref<2048xf32, #tpu.memory_space<hbm>>
        tpu.enqueue_dma source(%dma_start3A_259 : memref<2048xf32, #tpu.memory_space<hbm>>) target(%arg9 : memref<2048xf32, #tpu.memory_space<vmem>>) target_semaphore(%run_scoped3A : memref<!tpu.dma_semaphore, #tpu.memory_space<semaphore_mem>>)
        %dma_wait3A_260 = tpu.memref_slice %arg3[%multiple_of3A_182] : memref<2000000xf32, #tpu.memory_space<hbm>> -> memref<2048xf32, #tpu.memory_space<hbm>>
        %dma_wait3A_261 = tpu.memref_slice %arg3[%multiple_of3A_182] : memref<2000000xf32, #tpu.memory_space<hbm>> -> memref<2048xf32, #tpu.memory_space<hbm>>
        tpu.wait_dma2 semaphore(%run_scoped3A : memref<!tpu.dma_semaphore, #tpu.memory_space<semaphore_mem>>) src(%dma_wait3A_261 : memref<2048xf32, #tpu.memory_space<hbm>>) dst(%arg9 : memref<2048xf32, #tpu.memory_space<vmem>>)
        tpu.yield
      }) : () -> ()
      %scan3A_183 = arith.constant 0 : i32
      %scan3A_184 = arith.constant 0 : i32
      %scan3A_185 = arith.constant 128 : i32
      %scan3A_186 = arith.addi %scan3A_184, %scan3A_185 : i32
      %scan3A_187 = arith.constant 1 : i32
      %scan3A_188 = scf.for %scan3A_258 = %scan3A_184 to %scan3A_186 step %scan3A_187 iter_args(%scan3A_259 = %scan3A_183) -> (i32)  : i32 {
        %mul3A_260 = arith.constant 16 : i32
        %mul3A_261 = arith.muli %scan3A_258, %mul3A_260 : i32
        %get3A = arith.index_cast %mul3A_261 : i32 to index
        %get3A_262 = tpu.vector_load %arg7[%get3A] {strides = array<i32>} : memref<2048xf32, #tpu.memory_space<vmem>>, vector<16xf32>,
        %get3A_263 = arith.index_cast %mul3A_261 : i32 to index
        %get3A_264 = tpu.vector_load %arg9[%get3A_263] {strides = array<i32>} : memref<2048xf32, #tpu.memory_space<vmem>>, vector<16xf32>,
        %sub3A = arith.constant -1.000000e+00 : f32
        %sub3A_265 = vector.broadcast %sub3A : f32 to vector<16xf32>
        %sub3A_266 = arith.subf %get3A_262, %sub3A_265 : vector<16xf32>
        %mul3A_267 = arith.constant 2.000000e+00 : f32
        %mul3A_268 = vector.broadcast %mul3A_267 : f32 to vector<16xf32>
        %mul3A_269 = arith.mulf %mul3A_268, %sub3A_266 : vector<16xf32>
        %div3A = arith.constant 2.000000e+00 : f32
        %div3A_270 = vector.broadcast %div3A : f32 to vector<16xf32>
        %div3A_271 = arith.divf %mul3A_269, %div3A_270 : vector<16xf32>
        %sub3A_272 = arith.constant 1.000000e+00 : f32
        %sub3A_273 = vector.broadcast %sub3A_272 : f32 to vector<16xf32>
        %sub3A_274 = arith.subf %div3A_271, %sub3A_273 : vector<16xf32>
        %sub3A_275 = arith.constant -1.000000e+00 : f32
        %sub3A_276 = vector.broadcast %sub3A_275 : f32 to vector<16xf32>
        %sub3A_277 = arith.subf %get3A_264, %sub3A_276 : vector<16xf32>
        %mul3A_278 = arith.constant 2.000000e+00 : f32
        %mul3A_279 = vector.broadcast %mul3A_278 : f32 to vector<16xf32>
        %mul3A_280 = arith.mulf %mul3A_279, %sub3A_277 : vector<16xf32>
        %div3A_281 = arith.constant 2.000000e+00 : f32
        %div3A_282 = vector.broadcast %div3A_281 : f32 to vector<16xf32>
        %div3A_283 = arith.divf %mul3A_280, %div3A_282 : vector<16xf32>
        %sub3A_284 = arith.constant 1.000000e+00 : f32
        %sub3A_285 = vector.broadcast %sub3A_284 : f32 to vector<16xf32>
        %sub3A_286 = arith.subf %div3A_283, %sub3A_285 : vector<16xf32>
        %add3A_287 = arith.constant 1.000000e+00 : f32
        %add3A_288 = vector.broadcast %add3A_287 : f32 to vector<16xf32>
        %add3A_289 = arith.addf %sub3A_274, %add3A_288 : vector<16xf32>
        %mul3A_290 = arith.constant 1.023500e+03 : f32
        %mul3A_291 = vector.broadcast %mul3A_290 : f32 to vector<16xf32>
        %mul3A_292 = arith.mulf %add3A_289, %mul3A_291 : vector<16xf32>
        %add3A_293 = arith.constant 1.000000e+00 : f32
        %add3A_294 = vector.broadcast %add3A_293 : f32 to vector<16xf32>
        %add3A_295 = arith.addf %sub3A_286, %add3A_294 : vector<16xf32>
        %mul3A_296 = arith.constant 1.023500e+03 : f32
        %mul3A_297 = vector.broadcast %mul3A_296 : f32 to vector<16xf32>
        %mul3A_298 = arith.mulf %add3A_295, %mul3A_297 : vector<16xf32>
        %convert_element_type3A = arith.fptosi %mul3A_292 : vector<16xf32> to vector<16xi32>
        %convert_element_type3A_299 = arith.sitofp %convert_element_type3A : vector<16xi32> to vector<16xf32>
        %gt3A = arith.cmpf ogt, %convert_element_type3A_299, %mul3A_292 : vector<16xf32>
        %sub3A_300 = arith.constant 1 : i32
        %sub3A_301 = vector.broadcast %sub3A_300 : i32 to vector<16xi32>
        %sub3A_302 = arith.subi %convert_element_type3A, %sub3A_301 : vector<16xi32>
        %select_n3A = arith.select %gt3A, %sub3A_302, %convert_element_type3A : vector<16xi1>, vector<16xi32>
        %sub3A_303 = arith.constant 1.000000e+00 : f32
        %sub3A_304 = vector.broadcast %sub3A_303 : f32 to vector<16xf32>
        %sub3A_305 = arith.subf %convert_element_type3A_299, %sub3A_304 : vector<16xf32>
        %select_n3A_306 = arith.select %gt3A, %sub3A_305, %convert_element_type3A_299 : vector<16xi1>, vector<16xf32>
        %sub3A_307 = arith.subf %mul3A_292, %select_n3A_306 : vector<16xf32>
        %convert_element_type3A_308 = arith.fptosi %mul3A_298 : vector<16xf32> to vector<16xi32>
        %convert_element_type3A_309 = arith.sitofp %convert_element_type3A_308 : vector<16xi32> to vector<16xf32>
        %gt3A_310 = arith.cmpf ogt, %convert_element_type3A_309, %mul3A_298 : vector<16xf32>
        %sub3A_311 = arith.constant 1 : i32
        %sub3A_312 = vector.broadcast %sub3A_311 : i32 to vector<16xi32>
        %sub3A_313 = arith.subi %convert_element_type3A_308, %sub3A_312 : vector<16xi32>
        %select_n3A_314 = arith.select %gt3A_310, %sub3A_313, %convert_element_type3A_308 : vector<16xi1>, vector<16xi32>
        %sub3A_315 = arith.constant 1.000000e+00 : f32
        %sub3A_316 = vector.broadcast %sub3A_315 : f32 to vector<16xf32>
        %sub3A_317 = arith.subf %convert_element_type3A_309, %sub3A_316 : vector<16xf32>
        %select_n3A_318 = arith.select %gt3A_310, %sub3A_317, %convert_element_type3A_309 : vector<16xi1>, vector<16xf32>
        %sub3A_319 = arith.subf %mul3A_298, %select_n3A_318 : vector<16xf32>
        %add3A_320 = arith.constant -1 : i32
        %add3A_321 = vector.broadcast %add3A_320 : i32 to vector<16xi32>
        %add3A_322 = arith.addi %select_n3A, %add3A_321 : vector<16xi32>
        %jit3A = arith.constant 0 : i32
        %jit3A_323 = arith.constant 2047 : i32
        %max3A = vector.broadcast %jit3A : i32 to vector<16xi32>
        %max3A_324 = arith.maxsi %max3A, %add3A_322 : vector<16xi32>
        %min3A_325 = vector.broadcast %jit3A_323 : i32 to vector<16xi32>
        %min3A_326 = arith.minsi %min3A_325, %max3A_324 : vector<16xi32>
        %add3A_327 = arith.constant 0 : i32
        %add3A_328 = vector.broadcast %add3A_327 : i32 to vector<16xi32>
        %add3A_329 = arith.addi %select_n3A, %add3A_328 : vector<16xi32>
        %jit3A_330 = arith.constant 0 : i32
        %jit3A_331 = arith.constant 2047 : i32
        %max3A_332 = vector.broadcast %jit3A_330 : i32 to vector<16xi32>
        %max3A_333 = arith.maxsi %max3A_332, %add3A_329 : vector<16xi32>
        %min3A_334 = vector.broadcast %jit3A_331 : i32 to vector<16xi32>
        %min3A_335 = arith.minsi %min3A_334, %max3A_333 : vector<16xi32>
        %add3A_336 = arith.constant 1 : i32
        %add3A_337 = vector.broadcast %add3A_336 : i32 to vector<16xi32>
        %add3A_338 = arith.addi %select_n3A, %add3A_337 : vector<16xi32>
        %jit3A_339 = arith.constant 0 : i32
        %jit3A_340 = arith.constant 2047 : i32
        %max3A_341 = vector.broadcast %jit3A_339 : i32 to vector<16xi32>
        %max3A_342 = arith.maxsi %max3A_341, %add3A_338 : vector<16xi32>
        %min3A_343 = vector.broadcast %jit3A_340 : i32 to vector<16xi32>
        %min3A_344 = arith.minsi %min3A_343, %max3A_342 : vector<16xi32>
        %add3A_345 = arith.constant 2 : i32
        %add3A_346 = vector.broadcast %add3A_345 : i32 to vector<16xi32>
        %add3A_347 = arith.addi %select_n3A, %add3A_346 : vector<16xi32>
        %jit3A_348 = arith.constant 0 : i32
        %jit3A_349 = arith.constant 2047 : i32
        %max3A_350 = vector.broadcast %jit3A_348 : i32 to vector<16xi32>
        %max3A_351 = arith.maxsi %max3A_350, %add3A_347 : vector<16xi32>
        %min3A_352 = vector.broadcast %jit3A_349 : i32 to vector<16xi32>
        %min3A_353 = arith.minsi %min3A_352, %max3A_351 : vector<16xi32>
        %add3A_354 = arith.constant -1 : i32
        %add3A_355 = vector.broadcast %add3A_354 : i32 to vector<16xi32>
        %add3A_356 = arith.addi %select_n3A_314, %add3A_355 : vector<16xi32>
        %jit3A_357 = arith.constant 0 : i32
        %jit3A_358 = arith.constant 2047 : i32
        %max3A_359 = vector.broadcast %jit3A_357 : i32 to vector<16xi32>
        %max3A_360 = arith.maxsi %max3A_359, %add3A_356 : vector<16xi32>
        %min3A_361 = vector.broadcast %jit3A_358 : i32 to vector<16xi32>
        %min3A_362 = arith.minsi %min3A_361, %max3A_360 : vector<16xi32>
        %add3A_363 = arith.constant 0 : i32
        %add3A_364 = vector.broadcast %add3A_363 : i32 to vector<16xi32>
        %add3A_365 = arith.addi %select_n3A_314, %add3A_364 : vector<16xi32>
        %jit3A_366 = arith.constant 0 : i32
        %jit3A_367 = arith.constant 2047 : i32
        %max3A_368 = vector.broadcast %jit3A_366 : i32 to vector<16xi32>
        %max3A_369 = arith.maxsi %max3A_368, %add3A_365 : vector<16xi32>
        %min3A_370 = vector.broadcast %jit3A_367 : i32 to vector<16xi32>
        %min3A_371 = arith.minsi %min3A_370, %max3A_369 : vector<16xi32>
        %add3A_372 = arith.constant 1 : i32
        %add3A_373 = vector.broadcast %add3A_372 : i32 to vector<16xi32>
        %add3A_374 = arith.addi %select_n3A_314, %add3A_373 : vector<16xi32>
        %jit3A_375 = arith.constant 0 : i32
        %jit3A_376 = arith.constant 2047 : i32
        %max3A_377 = vector.broadcast %jit3A_375 : i32 to vector<16xi32>
        %max3A_378 = arith.maxsi %max3A_377, %add3A_374 : vector<16xi32>
        %min3A_379 = vector.broadcast %jit3A_376 : i32 to vector<16xi32>
        %min3A_380 = arith.minsi %min3A_379, %max3A_378 : vector<16xi32>
        %add3A_381 = arith.constant 2 : i32
        %add3A_382 = vector.broadcast %add3A_381 : i32 to vector<16xi32>
        %add3A_383 = arith.addi %select_n3A_314, %add3A_382 : vector<16xi32>
        %jit3A_384 = arith.constant 0 : i32
        %jit3A_385 = arith.constant 2047 : i32
        %max3A_386 = vector.broadcast %jit3A_384 : i32 to vector<16xi32>
        %max3A_387 = arith.maxsi %max3A_386, %add3A_383 : vector<16xi32>
        %min3A_388 = vector.broadcast %jit3A_385 : i32 to vector<16xi32>
        %min3A_389 = arith.minsi %min3A_388, %max3A_387 : vector<16xi32>
        %mul3A_390 = arith.constant 16 : i32
        %mul3A_391 = arith.muli %scan3A_258, %mul3A_390 : i32
        %mul3A_392 = arith.constant 2048 : i32
        %mul3A_393 = vector.broadcast %mul3A_392 : i32 to vector<16xi32>
        %mul3A_394 = arith.muli %min3A_362, %mul3A_393 : vector<16xi32>
        %add3A_395 = arith.addi %mul3A_394, %min3A_335 : vector<16xi32>
        %swap3A = arith.index_cast %mul3A_391 : i32 to index
        %swap3A_396 = tpu.vector_load %arg11[%swap3A] {strides = array<i32>} : memref<2048xi32, #tpu.memory_space<vmem>>, vector<16xi32>,
        tpu.vector_store %arg11[%swap3A], %add3A_395 {strides = array<i32>} : memref<2048xi32, #tpu.memory_space<vmem>>, vector<16xi32>,
        %mul3A_397 = arith.constant 2048 : i32
        %mul3A_398 = vector.broadcast %mul3A_397 : i32 to vector<16xi32>
        %mul3A_399 = arith.muli %min3A_362, %mul3A_398 : vector<16xi32>
        %add3A_400 = arith.addi %mul3A_399, %min3A_344 : vector<16xi32>
        %swap3A_401 = arith.index_cast %mul3A_391 : i32 to index
        %swap3A_402 = tpu.vector_load %arg12[%swap3A_401] {strides = array<i32>} : memref<2048xi32, #tpu.memory_space<vmem>>, vector<16xi32>,
        tpu.vector_store %arg12[%swap3A_401], %add3A_400 {strides = array<i32>} : memref<2048xi32, #tpu.memory_space<vmem>>, vector<16xi32>,
        %mul3A_403 = arith.constant 2048 : i32
        %mul3A_404 = vector.broadcast %mul3A_403 : i32 to vector<16xi32>
        %mul3A_405 = arith.muli %min3A_371, %mul3A_404 : vector<16xi32>
        %add3A_406 = arith.addi %mul3A_405, %min3A_326 : vector<16xi32>
        %swap3A_407 = arith.index_cast %mul3A_391 : i32 to index
        %swap3A_408 = tpu.vector_load %arg13[%swap3A_407] {strides = array<i32>} : memref<2048xi32, #tpu.memory_space<vmem>>, vector<16xi32>,
        tpu.vector_store %arg13[%swap3A_407], %add3A_406 {strides = array<i32>} : memref<2048xi32, #tpu.memory_space<vmem>>, vector<16xi32>,
        %mul3A_409 = arith.constant 2048 : i32
        %mul3A_410 = vector.broadcast %mul3A_409 : i32 to vector<16xi32>
        %mul3A_411 = arith.muli %min3A_371, %mul3A_410 : vector<16xi32>
        %add3A_412 = arith.addi %mul3A_411, %min3A_335 : vector<16xi32>
        %swap3A_413 = arith.index_cast %mul3A_391 : i32 to index
        %swap3A_414 = tpu.vector_load %arg14[%swap3A_413] {strides = array<i32>} : memref<2048xi32, #tpu.memory_space<vmem>>, vector<16xi32>,
        tpu.vector_store %arg14[%swap3A_413], %add3A_412 {strides = array<i32>} : memref<2048xi32, #tpu.memory_space<vmem>>, vector<16xi32>,
        %mul3A_415 = arith.constant 2048 : i32
        %mul3A_416 = vector.broadcast %mul3A_415 : i32 to vector<16xi32>
        %mul3A_417 = arith.muli %min3A_371, %mul3A_416 : vector<16xi32>
        %add3A_418 = arith.addi %mul3A_417, %min3A_344 : vector<16xi32>
        %swap3A_419 = arith.index_cast %mul3A_391 : i32 to index
        %swap3A_420 = tpu.vector_load %arg15[%swap3A_419] {strides = array<i32>} : memref<2048xi32, #tpu.memory_space<vmem>>, vector<16xi32>,
        tpu.vector_store %arg15[%swap3A_419], %add3A_418 {strides = array<i32>} : memref<2048xi32, #tpu.memory_space<vmem>>, vector<16xi32>,
        %mul3A_421 = arith.constant 2048 : i32
        %mul3A_422 = vector.broadcast %mul3A_421 : i32 to vector<16xi32>
        %mul3A_423 = arith.muli %min3A_371, %mul3A_422 : vector<16xi32>
        %add3A_424 = arith.addi %mul3A_423, %min3A_353 : vector<16xi32>
        %swap3A_425 = arith.index_cast %mul3A_391 : i32 to index
        %swap3A_426 = tpu.vector_load %arg16[%swap3A_425] {strides = array<i32>} : memref<2048xi32, #tpu.memory_space<vmem>>, vector<16xi32>,
        tpu.vector_store %arg16[%swap3A_425], %add3A_424 {strides = array<i32>} : memref<2048xi32, #tpu.memory_space<vmem>>, vector<16xi32>,
        %mul3A_427 = arith.constant 2048 : i32
        %mul3A_428 = vector.broadcast %mul3A_427 : i32 to vector<16xi32>
        %mul3A_429 = arith.muli %min3A_380, %mul3A_428 : vector<16xi32>
        %add3A_430 = arith.addi %mul3A_429, %min3A_326 : vector<16xi32>
        %swap3A_431 = arith.index_cast %mul3A_391 : i32 to index
        %swap3A_432 = tpu.vector_load %arg17[%swap3A_431] {strides = array<i32>} : memref<2048xi32, #tpu.memory_space<vmem>>, vector<16xi32>,
        tpu.vector_store %arg17[%swap3A_431], %add3A_430 {strides = array<i32>} : memref<2048xi32, #tpu.memory_space<vmem>>, vector<16xi32>,
        %mul3A_433 = arith.constant 2048 : i32
        %mul3A_434 = vector.broadcast %mul3A_433 : i32 to vector<16xi32>
        %mul3A_435 = arith.muli %min3A_380, %mul3A_434 : vector<16xi32>
        %add3A_436 = arith.addi %mul3A_435, %min3A_335 : vector<16xi32>
        %swap3A_437 = arith.index_cast %mul3A_391 : i32 to index
        %swap3A_438 = tpu.vector_load %arg18[%swap3A_437] {strides = array<i32>} : memref<2048xi32, #tpu.memory_space<vmem>>, vector<16xi32>,
        tpu.vector_store %arg18[%swap3A_437], %add3A_436 {strides = array<i32>} : memref<2048xi32, #tpu.memory_space<vmem>>, vector<16xi32>,
        %mul3A_439 = arith.constant 2048 : i32
        %mul3A_440 = vector.broadcast %mul3A_439 : i32 to vector<16xi32>
        %mul3A_441 = arith.muli %min3A_380, %mul3A_440 : vector<16xi32>
        %add3A_442 = arith.addi %mul3A_441, %min3A_344 : vector<16xi32>
        %swap3A_443 = arith.index_cast %mul3A_391 : i32 to index
        %swap3A_444 = tpu.vector_load %arg19[%swap3A_443] {strides = array<i32>} : memref<2048xi32, #tpu.memory_space<vmem>>, vector<16xi32>,
        tpu.vector_store %arg19[%swap3A_443], %add3A_442 {strides = array<i32>} : memref<2048xi32, #tpu.memory_space<vmem>>, vector<16xi32>,
        %mul3A_445 = arith.constant 2048 : i32
        %mul3A_446 = vector.broadcast %mul3A_445 : i32 to vector<16xi32>
        %mul3A_447 = arith.muli %min3A_380, %mul3A_446 : vector<16xi32>
        %add3A_448 = arith.addi %mul3A_447, %min3A_353 : vector<16xi32>
        %swap3A_449 = arith.index_cast %mul3A_391 : i32 to index
        %swap3A_450 = tpu.vector_load %arg20[%swap3A_449] {strides = array<i32>} : memref<2048xi32, #tpu.memory_space<vmem>>, vector<16xi32>,
        tpu.vector_store %arg20[%swap3A_449], %add3A_448 {strides = array<i32>} : memref<2048xi32, #tpu.memory_space<vmem>>, vector<16xi32>,
        %mul3A_451 = arith.constant 2048 : i32
        %mul3A_452 = vector.broadcast %mul3A_451 : i32 to vector<16xi32>
        %mul3A_453 = arith.muli %min3A_389, %mul3A_452 : vector<16xi32>
        %add3A_454 = arith.addi %mul3A_453, %min3A_335 : vector<16xi32>
        %swap3A_455 = arith.index_cast %mul3A_391 : i32 to index
        %swap3A_456 = tpu.vector_load %arg21[%swap3A_455] {strides = array<i32>} : memref<2048xi32, #tpu.memory_space<vmem>>, vector<16xi32>,
        tpu.vector_store %arg21[%swap3A_455], %add3A_454 {strides = array<i32>} : memref<2048xi32, #tpu.memory_space<vmem>>, vector<16xi32>,
        %mul3A_457 = arith.constant 2048 : i32
        %mul3A_458 = vector.broadcast %mul3A_457 : i32 to vector<16xi32>
        %mul3A_459 = arith.muli %min3A_389, %mul3A_458 : vector<16xi32>
        %add3A_460 = arith.addi %mul3A_459, %min3A_344 : vector<16xi32>
        %swap3A_461 = arith.index_cast %mul3A_391 : i32 to index
        %swap3A_462 = tpu.vector_load %arg22[%swap3A_461] {strides = array<i32>} : memref<2048xi32, #tpu.memory_space<vmem>>, vector<16xi32>,
        tpu.vector_store %arg22[%swap3A_461], %add3A_460 {strides = array<i32>} : memref<2048xi32, #tpu.memory_space<vmem>>, vector<16xi32>,
        %scan3A_463 = arith.constant 0 : i32
        scf.yield %scan3A_463 : i32
      }
      %scan3A_189 = arith.constant 128 : i32
      %dma_start3A_190 = arith.constant 0 : i32
      %dma_start3A_191 = tpu.memref_slice %arg4[%dma_start3A_190] : memref<4194304xf32, #tpu.memory_space<hbm>> -> memref<4194304xf32, #tpu.memory_space<hbm>>
      tpu.enqueue_indirect_dma source(%dma_start3A_191 : memref<4194304xf32, #tpu.memory_space<hbm>>) target(%arg35 : memref<2048xf32, #tpu.memory_space<vmem>>) offsets(%arg11 : memref<2048xi32, #tpu.memory_space<vmem>>) semaphore(%arg63 : memref<!tpu.dma_semaphore, #tpu.memory_space<semaphore_mem>>)
      %dma_start3A_192 = arith.constant 0 : i32
      %dma_start3A_193 = tpu.memref_slice %arg4[%dma_start3A_192] : memref<4194304xf32, #tpu.memory_space<hbm>> -> memref<4194304xf32, #tpu.memory_space<hbm>>
      tpu.enqueue_indirect_dma source(%dma_start3A_193 : memref<4194304xf32, #tpu.memory_space<hbm>>) target(%arg36 : memref<2048xf32, #tpu.memory_space<vmem>>) offsets(%arg12 : memref<2048xi32, #tpu.memory_space<vmem>>) semaphore(%arg63 : memref<!tpu.dma_semaphore, #tpu.memory_space<semaphore_mem>>)
      %dma_start3A_194 = arith.constant 0 : i32
      %dma_start3A_195 = tpu.memref_slice %arg4[%dma_start3A_194] : memref<4194304xf32, #tpu.memory_space<hbm>> -> memref<4194304xf32, #tpu.memory_space<hbm>>
      tpu.enqueue_indirect_dma source(%dma_start3A_195 : memref<4194304xf32, #tpu.memory_space<hbm>>) target(%arg37 : memref<2048xf32, #tpu.memory_space<vmem>>) offsets(%arg13 : memref<2048xi32, #tpu.memory_space<vmem>>) semaphore(%arg63 : memref<!tpu.dma_semaphore, #tpu.memory_space<semaphore_mem>>)
      %dma_start3A_196 = arith.constant 0 : i32
      %dma_start3A_197 = tpu.memref_slice %arg4[%dma_start3A_196] : memref<4194304xf32, #tpu.memory_space<hbm>> -> memref<4194304xf32, #tpu.memory_space<hbm>>
      tpu.enqueue_indirect_dma source(%dma_start3A_197 : memref<4194304xf32, #tpu.memory_space<hbm>>) target(%arg38 : memref<2048xf32, #tpu.memory_space<vmem>>) offsets(%arg14 : memref<2048xi32, #tpu.memory_space<vmem>>) semaphore(%arg63 : memref<!tpu.dma_semaphore, #tpu.memory_space<semaphore_mem>>)
      %dma_start3A_198 = arith.constant 0 : i32
      %dma_start3A_199 = tpu.memref_slice %arg4[%dma_start3A_198] : memref<4194304xf32, #tpu.memory_space<hbm>> -> memref<4194304xf32, #tpu.memory_space<hbm>>
      tpu.enqueue_indirect_dma source(%dma_start3A_199 : memref<4194304xf32, #tpu.memory_space<hbm>>) target(%arg39 : memref<2048xf32, #tpu.memory_space<vmem>>) offsets(%arg15 : memref<2048xi32, #tpu.memory_space<vmem>>) semaphore(%arg63 : memref<!tpu.dma_semaphore, #tpu.memory_space<semaphore_mem>>)
      %dma_start3A_200 = arith.constant 0 : i32
      %dma_start3A_201 = tpu.memref_slice %arg4[%dma_start3A_200] : memref<4194304xf32, #tpu.memory_space<hbm>> -> memref<4194304xf32, #tpu.memory_space<hbm>>
      tpu.enqueue_indirect_dma source(%dma_start3A_201 : memref<4194304xf32, #tpu.memory_space<hbm>>) target(%arg40 : memref<2048xf32, #tpu.memory_space<vmem>>) offsets(%arg16 : memref<2048xi32, #tpu.memory_space<vmem>>) semaphore(%arg63 : memref<!tpu.dma_semaphore, #tpu.memory_space<semaphore_mem>>)
      %dma_start3A_202 = arith.constant 0 : i32
      %dma_start3A_203 = tpu.memref_slice %arg4[%dma_start3A_202] : memref<4194304xf32, #tpu.memory_space<hbm>> -> memref<4194304xf32, #tpu.memory_space<hbm>>
      tpu.enqueue_indirect_dma source(%dma_start3A_203 : memref<4194304xf32, #tpu.memory_space<hbm>>) target(%arg41 : memref<2048xf32, #tpu.memory_space<vmem>>) offsets(%arg17 : memref<2048xi32, #tpu.memory_space<vmem>>) semaphore(%arg63 : memref<!tpu.dma_semaphore, #tpu.memory_space<semaphore_mem>>)
      %dma_start3A_204 = arith.constant 0 : i32
      %dma_start3A_205 = tpu.memref_slice %arg4[%dma_start3A_204] : memref<4194304xf32, #tpu.memory_space<hbm>> -> memref<4194304xf32, #tpu.memory_space<hbm>>
      tpu.enqueue_indirect_dma source(%dma_start3A_205 : memref<4194304xf32, #tpu.memory_space<hbm>>) target(%arg42 : memref<2048xf32, #tpu.memory_space<vmem>>) offsets(%arg18 : memref<2048xi32, #tpu.memory_space<vmem>>) semaphore(%arg63 : memref<!tpu.dma_semaphore, #tpu.memory_space<semaphore_mem>>)
      %dma_start3A_206 = arith.constant 0 : i32
      %dma_start3A_207 = tpu.memref_slice %arg4[%dma_start3A_206] : memref<4194304xf32, #tpu.memory_space<hbm>> -> memref<4194304xf32, #tpu.memory_space<hbm>>
      tpu.enqueue_indirect_dma source(%dma_start3A_207 : memref<4194304xf32, #tpu.memory_space<hbm>>) target(%arg43 : memref<2048xf32, #tpu.memory_space<vmem>>) offsets(%arg19 : memref<2048xi32, #tpu.memory_space<vmem>>) semaphore(%arg63 : memref<!tpu.dma_semaphore, #tpu.memory_space<semaphore_mem>>)
      %dma_start3A_208 = arith.constant 0 : i32
      %dma_start3A_209 = tpu.memref_slice %arg4[%dma_start3A_208] : memref<4194304xf32, #tpu.memory_space<hbm>> -> memref<4194304xf32, #tpu.memory_space<hbm>>
      tpu.enqueue_indirect_dma source(%dma_start3A_209 : memref<4194304xf32, #tpu.memory_space<hbm>>) target(%arg44 : memref<2048xf32, #tpu.memory_space<vmem>>) offsets(%arg20 : memref<2048xi32, #tpu.memory_space<vmem>>) semaphore(%arg63 : memref<!tpu.dma_semaphore, #tpu.memory_space<semaphore_mem>>)
      %dma_start3A_210 = arith.constant 0 : i32
      %dma_start3A_211 = tpu.memref_slice %arg4[%dma_start3A_210] : memref<4194304xf32, #tpu.memory_space<hbm>> -> memref<4194304xf32, #tpu.memory_space<hbm>>
      tpu.enqueue_indirect_dma source(%dma_start3A_211 : memref<4194304xf32, #tpu.memory_space<hbm>>) target(%arg45 : memref<2048xf32, #tpu.memory_space<vmem>>) offsets(%arg21 : memref<2048xi32, #tpu.memory_space<vmem>>) semaphore(%arg63 : memref<!tpu.dma_semaphore, #tpu.memory_space<semaphore_mem>>)
      %dma_start3A_212 = arith.constant 0 : i32
      %dma_start3A_213 = tpu.memref_slice %arg4[%dma_start3A_212] : memref<4194304xf32, #tpu.memory_space<hbm>> -> memref<4194304xf32, #tpu.memory_space<hbm>>
      tpu.enqueue_indirect_dma source(%dma_start3A_213 : memref<4194304xf32, #tpu.memory_space<hbm>>) target(%arg46 : memref<2048xf32, #tpu.memory_space<vmem>>) offsets(%arg22 : memref<2048xi32, #tpu.memory_space<vmem>>) semaphore(%arg63 : memref<!tpu.dma_semaphore, #tpu.memory_space<semaphore_mem>>)
      %add3A_214 = arith.constant 1 : i32
      %add3A_215 = arith.addi %mul3A_86, %add3A_214 : i32
      %dma_wait3A_216 = arith.constant 0 : i32
      %dma_wait3A_217 = tpu.memref_slice %arg4[%dma_wait3A_216] : memref<4194304xf32, #tpu.memory_space<hbm>> -> memref<4194304xf32, #tpu.memory_space<hbm>>
      tpu.wait_indirect_dma semaphore(%arg64 : memref<!tpu.dma_semaphore, #tpu.memory_space<semaphore_mem>>) src(%dma_wait3A_217 : memref<4194304xf32, #tpu.memory_space<hbm>>) dst(%arg47 : memref<2048xf32, #tpu.memory_space<vmem>>)
      %dma_wait3A_218 = arith.constant 0 : i32
      %dma_wait3A_219 = tpu.memref_slice %arg4[%dma_wait3A_218] : memref<4194304xf32, #tpu.memory_space<hbm>> -> memref<4194304xf32, #tpu.memory_space<hbm>>
      tpu.wait_indirect_dma semaphore(%arg64 : memref<!tpu.dma_semaphore, #tpu.memory_space<semaphore_mem>>) src(%dma_wait3A_219 : memref<4194304xf32, #tpu.memory_space<hbm>>) dst(%arg48 : memref<2048xf32, #tpu.memory_space<vmem>>)
      %dma_wait3A_220 = arith.constant 0 : i32
      %dma_wait3A_221 = tpu.memref_slice %arg4[%dma_wait3A_220] : memref<4194304xf32, #tpu.memory_space<hbm>> -> memref<4194304xf32, #tpu.memory_space<hbm>>
      tpu.wait_indirect_dma semaphore(%arg64 : memref<!tpu.dma_semaphore, #tpu.memory_space<semaphore_mem>>) src(%dma_wait3A_221 : memref<4194304xf32, #tpu.memory_space<hbm>>) dst(%arg49 : memref<2048xf32, #tpu.memory_space<vmem>>)
      %dma_wait3A_222 = arith.constant 0 : i32
      %dma_wait3A_223 = tpu.memref_slice %arg4[%dma_wait3A_222] : memref<4194304xf32, #tpu.memory_space<hbm>> -> memref<4194304xf32, #tpu.memory_space<hbm>>
      tpu.wait_indirect_dma semaphore(%arg64 : memref<!tpu.dma_semaphore, #tpu.memory_space<semaphore_mem>>) src(%dma_wait3A_223 : memref<4194304xf32, #tpu.memory_space<hbm>>) dst(%arg50 : memref<2048xf32, #tpu.memory_space<vmem>>)
      %dma_wait3A_224 = arith.constant 0 : i32
      %dma_wait3A_225 = tpu.memref_slice %arg4[%dma_wait3A_224] : memref<4194304xf32, #tpu.memory_space<hbm>> -> memref<4194304xf32, #tpu.memory_space<hbm>>
      tpu.wait_indirect_dma semaphore(%arg64 : memref<!tpu.dma_semaphore, #tpu.memory_space<semaphore_mem>>) src(%dma_wait3A_225 : memref<4194304xf32, #tpu.memory_space<hbm>>) dst(%arg51 : memref<2048xf32, #tpu.memory_space<vmem>>)
      %dma_wait3A_226 = arith.constant 0 : i32
      %dma_wait3A_227 = tpu.memref_slice %arg4[%dma_wait3A_226] : memref<4194304xf32, #tpu.memory_space<hbm>> -> memref<4194304xf32, #tpu.memory_space<hbm>>
      tpu.wait_indirect_dma semaphore(%arg64 : memref<!tpu.dma_semaphore, #tpu.memory_space<semaphore_mem>>) src(%dma_wait3A_227 : memref<4194304xf32, #tpu.memory_space<hbm>>) dst(%arg52 : memref<2048xf32, #tpu.memory_space<vmem>>)
      %dma_wait3A_228 = arith.constant 0 : i32
      %dma_wait3A_229 = tpu.memref_slice %arg4[%dma_wait3A_228] : memref<4194304xf32, #tpu.memory_space<hbm>> -> memref<4194304xf32, #tpu.memory_space<hbm>>
      tpu.wait_indirect_dma semaphore(%arg64 : memref<!tpu.dma_semaphore, #tpu.memory_space<semaphore_mem>>) src(%dma_wait3A_229 : memref<4194304xf32, #tpu.memory_space<hbm>>) dst(%arg53 : memref<2048xf32, #tpu.memory_space<vmem>>)
      %dma_wait3A_230 = arith.constant 0 : i32
      %dma_wait3A_231 = tpu.memref_slice %arg4[%dma_wait3A_230] : memref<4194304xf32, #tpu.memory_space<hbm>> -> memref<4194304xf32, #tpu.memory_space<hbm>>
      tpu.wait_indirect_dma semaphore(%arg64 : memref<!tpu.dma_semaphore, #tpu.memory_space<semaphore_mem>>) src(%dma_wait3A_231 : memref<4194304xf32, #tpu.memory_space<hbm>>) dst(%arg54 : memref<2048xf32, #tpu.memory_space<vmem>>)
      %dma_wait3A_232 = arith.constant 0 : i32
      %dma_wait3A_233 = tpu.memref_slice %arg4[%dma_wait3A_232] : memref<4194304xf32, #tpu.memory_space<hbm>> -> memref<4194304xf32, #tpu.memory_space<hbm>>
      tpu.wait_indirect_dma semaphore(%arg64 : memref<!tpu.dma_semaphore, #tpu.memory_space<semaphore_mem>>) src(%dma_wait3A_233 : memref<4194304xf32, #tpu.memory_space<hbm>>) dst(%arg55 : memref<2048xf32, #tpu.memory_space<vmem>>)
      %dma_wait3A_234 = arith.constant 0 : i32
      %dma_wait3A_235 = tpu.memref_slice %arg4[%dma_wait3A_234] : memref<4194304xf32, #tpu.memory_space<hbm>> -> memref<4194304xf32, #tpu.memory_space<hbm>>
      tpu.wait_indirect_dma semaphore(%arg64 : memref<!tpu.dma_semaphore, #tpu.memory_space<semaphore_mem>>) src(%dma_wait3A_235 : memref<4194304xf32, #tpu.memory_space<hbm>>) dst(%arg56 : memref<2048xf32, #tpu.memory_space<vmem>>)
      %dma_wait3A_236 = arith.constant 0 : i32
      %dma_wait3A_237 = tpu.memref_slice %arg4[%dma_wait3A_236] : memref<4194304xf32, #tpu.memory_space<hbm>> -> memref<4194304xf32, #tpu.memory_space<hbm>>
      tpu.wait_indirect_dma semaphore(%arg64 : memref<!tpu.dma_semaphore, #tpu.memory_space<semaphore_mem>>) src(%dma_wait3A_237 : memref<4194304xf32, #tpu.memory_space<hbm>>) dst(%arg57 : memref<2048xf32, #tpu.memory_space<vmem>>)
      %dma_wait3A_238 = arith.constant 0 : i32
      %dma_wait3A_239 = tpu.memref_slice %arg4[%dma_wait3A_238] : memref<4194304xf32, #tpu.memory_space<hbm>> -> memref<4194304xf32, #tpu.memory_space<hbm>>
      tpu.wait_indirect_dma semaphore(%arg64 : memref<!tpu.dma_semaphore, #tpu.memory_space<semaphore_mem>>) src(%dma_wait3A_239 : memref<4194304xf32, #tpu.memory_space<hbm>>) dst(%arg58 : memref<2048xf32, #tpu.memory_space<vmem>>)
      %scan3A_240 = arith.constant 0 : i32
      %scan3A_241 = arith.constant 0 : i32
      %scan3A_242 = arith.constant 128 : i32
      %scan3A_243 = arith.addi %scan3A_241, %scan3A_242 : i32
      %scan3A_244 = arith.constant 1 : i32
      %scan3A_245 = scf.for %scan3A_258 = %scan3A_241 to %scan3A_243 step %scan3A_244 iter_args(%scan3A_259 = %scan3A_240) -> (i32)  : i32 {
        %mul3A_260 = arith.constant 16 : i32
        %mul3A_261 = arith.muli %scan3A_258, %mul3A_260 : i32
        %get3A = arith.index_cast %mul3A_261 : i32 to index
        %get3A_262 = tpu.vector_load %arg8[%get3A] {strides = array<i32>} : memref<2048xf32, #tpu.memory_space<vmem>>, vector<16xf32>,
        %get3A_263 = arith.index_cast %mul3A_261 : i32 to index
        %get3A_264 = tpu.vector_load %arg10[%get3A_263] {strides = array<i32>} : memref<2048xf32, #tpu.memory_space<vmem>>, vector<16xf32>,
        %sub3A = arith.constant -1.000000e+00 : f32
        %sub3A_265 = vector.broadcast %sub3A : f32 to vector<16xf32>
        %sub3A_266 = arith.subf %get3A_262, %sub3A_265 : vector<16xf32>
        %mul3A_267 = arith.constant 2.000000e+00 : f32
        %mul3A_268 = vector.broadcast %mul3A_267 : f32 to vector<16xf32>
        %mul3A_269 = arith.mulf %mul3A_268, %sub3A_266 : vector<16xf32>
        %div3A = arith.constant 2.000000e+00 : f32
        %div3A_270 = vector.broadcast %div3A : f32 to vector<16xf32>
        %div3A_271 = arith.divf %mul3A_269, %div3A_270 : vector<16xf32>
        %sub3A_272 = arith.constant 1.000000e+00 : f32
        %sub3A_273 = vector.broadcast %sub3A_272 : f32 to vector<16xf32>
        %sub3A_274 = arith.subf %div3A_271, %sub3A_273 : vector<16xf32>
        %sub3A_275 = arith.constant -1.000000e+00 : f32
        %sub3A_276 = vector.broadcast %sub3A_275 : f32 to vector<16xf32>
        %sub3A_277 = arith.subf %get3A_264, %sub3A_276 : vector<16xf32>
        %mul3A_278 = arith.constant 2.000000e+00 : f32
        %mul3A_279 = vector.broadcast %mul3A_278 : f32 to vector<16xf32>
        %mul3A_280 = arith.mulf %mul3A_279, %sub3A_277 : vector<16xf32>
        %div3A_281 = arith.constant 2.000000e+00 : f32
        %div3A_282 = vector.broadcast %div3A_281 : f32 to vector<16xf32>
        %div3A_283 = arith.divf %mul3A_280, %div3A_282 : vector<16xf32>
        %sub3A_284 = arith.constant 1.000000e+00 : f32
        %sub3A_285 = vector.broadcast %sub3A_284 : f32 to vector<16xf32>
        %sub3A_286 = arith.subf %div3A_283, %sub3A_285 : vector<16xf32>
        %add3A_287 = arith.constant 1.000000e+00 : f32
        %add3A_288 = vector.broadcast %add3A_287 : f32 to vector<16xf32>
        %add3A_289 = arith.addf %sub3A_274, %add3A_288 : vector<16xf32>
        %mul3A_290 = arith.constant 1.023500e+03 : f32
        %mul3A_291 = vector.broadcast %mul3A_290 : f32 to vector<16xf32>
        %mul3A_292 = arith.mulf %add3A_289, %mul3A_291 : vector<16xf32>
        %add3A_293 = arith.constant 1.000000e+00 : f32
        %add3A_294 = vector.broadcast %add3A_293 : f32 to vector<16xf32>
        %add3A_295 = arith.addf %sub3A_286, %add3A_294 : vector<16xf32>
        %mul3A_296 = arith.constant 1.023500e+03 : f32
        %mul3A_297 = vector.broadcast %mul3A_296 : f32 to vector<16xf32>
        %mul3A_298 = arith.mulf %add3A_295, %mul3A_297 : vector<16xf32>
        %convert_element_type3A = arith.fptosi %mul3A_292 : vector<16xf32> to vector<16xi32>
        %convert_element_type3A_299 = arith.sitofp %convert_element_type3A : vector<16xi32> to vector<16xf32>
        %gt3A = arith.cmpf ogt, %convert_element_type3A_299, %mul3A_292 : vector<16xf32>
        %sub3A_300 = arith.constant 1 : i32
        %sub3A_301 = vector.broadcast %sub3A_300 : i32 to vector<16xi32>
        %sub3A_302 = arith.subi %convert_element_type3A, %sub3A_301 : vector<16xi32>
        %select_n3A = arith.select %gt3A, %sub3A_302, %convert_element_type3A : vector<16xi1>, vector<16xi32>
        %sub3A_303 = arith.constant 1.000000e+00 : f32
        %sub3A_304 = vector.broadcast %sub3A_303 : f32 to vector<16xf32>
        %sub3A_305 = arith.subf %convert_element_type3A_299, %sub3A_304 : vector<16xf32>
        %select_n3A_306 = arith.select %gt3A, %sub3A_305, %convert_element_type3A_299 : vector<16xi1>, vector<16xf32>
        %sub3A_307 = arith.subf %mul3A_292, %select_n3A_306 : vector<16xf32>
        %convert_element_type3A_308 = arith.fptosi %mul3A_298 : vector<16xf32> to vector<16xi32>
        %convert_element_type3A_309 = arith.sitofp %convert_element_type3A_308 : vector<16xi32> to vector<16xf32>
        %gt3A_310 = arith.cmpf ogt, %convert_element_type3A_309, %mul3A_298 : vector<16xf32>
        %sub3A_311 = arith.constant 1 : i32
        %sub3A_312 = vector.broadcast %sub3A_311 : i32 to vector<16xi32>
        %sub3A_313 = arith.subi %convert_element_type3A_308, %sub3A_312 : vector<16xi32>
        %select_n3A_314 = arith.select %gt3A_310, %sub3A_313, %convert_element_type3A_308 : vector<16xi1>, vector<16xi32>
        %sub3A_315 = arith.constant 1.000000e+00 : f32
        %sub3A_316 = vector.broadcast %sub3A_315 : f32 to vector<16xf32>
        %sub3A_317 = arith.subf %convert_element_type3A_309, %sub3A_316 : vector<16xf32>
        %select_n3A_318 = arith.select %gt3A_310, %sub3A_317, %convert_element_type3A_309 : vector<16xi1>, vector<16xf32>
        %sub3A_319 = arith.subf %mul3A_298, %select_n3A_318 : vector<16xf32>
        %mul3A_320 = arith.constant 16 : i32
        %mul3A_321 = arith.muli %scan3A_258, %mul3A_320 : i32
        %get3A_322 = arith.index_cast %mul3A_321 : i32 to index
        %get3A_323 = tpu.vector_load %arg47[%get3A_322] {strides = array<i32>} : memref<2048xf32, #tpu.memory_space<vmem>>, vector<16xf32>,
        %get3A_324 = arith.index_cast %mul3A_321 : i32 to index
        %get3A_325 = tpu.vector_load %arg48[%get3A_324] {strides = array<i32>} : memref<2048xf32, #tpu.memory_space<vmem>>, vector<16xf32>,
        %get3A_326 = arith.index_cast %mul3A_321 : i32 to index
        %get3A_327 = tpu.vector_load %arg49[%get3A_326] {strides = array<i32>} : memref<2048xf32, #tpu.memory_space<vmem>>, vector<16xf32>,
        %get3A_328 = arith.index_cast %mul3A_321 : i32 to index
        %get3A_329 = tpu.vector_load %arg50[%get3A_328] {strides = array<i32>} : memref<2048xf32, #tpu.memory_space<vmem>>, vector<16xf32>,
        %get3A_330 = arith.index_cast %mul3A_321 : i32 to index
        %get3A_331 = tpu.vector_load %arg51[%get3A_330] {strides = array<i32>} : memref<2048xf32, #tpu.memory_space<vmem>>, vector<16xf32>,
        %get3A_332 = arith.index_cast %mul3A_321 : i32 to index
        %get3A_333 = tpu.vector_load %arg52[%get3A_332] {strides = array<i32>} : memref<2048xf32, #tpu.memory_space<vmem>>, vector<16xf32>,
        %get3A_334 = arith.index_cast %mul3A_321 : i32 to index
        %get3A_335 = tpu.vector_load %arg53[%get3A_334] {strides = array<i32>} : memref<2048xf32, #tpu.memory_space<vmem>>, vector<16xf32>,
        %get3A_336 = arith.index_cast %mul3A_321 : i32 to index
        %get3A_337 = tpu.vector_load %arg54[%get3A_336] {strides = array<i32>} : memref<2048xf32, #tpu.memory_space<vmem>>, vector<16xf32>,
        %get3A_338 = arith.index_cast %mul3A_321 : i32 to index
        %get3A_339 = tpu.vector_load %arg55[%get3A_338] {strides = array<i32>} : memref<2048xf32, #tpu.memory_space<vmem>>, vector<16xf32>,
        %get3A_340 = arith.index_cast %mul3A_321 : i32 to index
        %get3A_341 = tpu.vector_load %arg56[%get3A_340] {strides = array<i32>} : memref<2048xf32, #tpu.memory_space<vmem>>, vector<16xf32>,
        %get3A_342 = arith.index_cast %mul3A_321 : i32 to index
        %get3A_343 = tpu.vector_load %arg57[%get3A_342] {strides = array<i32>} : memref<2048xf32, #tpu.memory_space<vmem>>, vector<16xf32>,
        %get3A_344 = arith.index_cast %mul3A_321 : i32 to index
        %get3A_345 = tpu.vector_load %arg58[%get3A_344] {strides = array<i32>} : memref<2048xf32, #tpu.memory_space<vmem>>, vector<16xf32>,
        %add3A_346 = arith.constant -1 : i32
        %add3A_347 = vector.broadcast %add3A_346 : i32 to vector<16xi32>
        %add3A_348 = arith.addi %select_n3A, %add3A_347 : vector<16xi32>
        %ge3A = arith.constant 0 : i32
        %ge3A_349 = vector.broadcast %ge3A : i32 to vector<16xi32>
        %ge3A_350 = arith.cmpi sge, %add3A_348, %ge3A_349 : vector<16xi32>
        %add3A_351 = arith.constant -1 : i32
        %add3A_352 = vector.broadcast %add3A_351 : i32 to vector<16xi32>
        %add3A_353 = arith.addi %select_n3A, %add3A_352 : vector<16xi32>
        %le3A = arith.constant 2047 : i32
        %le3A_354 = vector.broadcast %le3A : i32 to vector<16xi32>
        %le3A_355 = arith.cmpi sle, %add3A_353, %le3A_354 : vector<16xi32>
        %and3A = arith.andi %ge3A_350, %le3A_355 : vector<16xi1>
        %add3A_356 = arith.constant 0 : i32
        %add3A_357 = vector.broadcast %add3A_356 : i32 to vector<16xi32>
        %add3A_358 = arith.addi %select_n3A, %add3A_357 : vector<16xi32>
        %ge3A_359 = arith.constant 0 : i32
        %ge3A_360 = vector.broadcast %ge3A_359 : i32 to vector<16xi32>
        %ge3A_361 = arith.cmpi sge, %add3A_358, %ge3A_360 : vector<16xi32>
        %add3A_362 = arith.constant 0 : i32
        %add3A_363 = vector.broadcast %add3A_362 : i32 to vector<16xi32>
        %add3A_364 = arith.addi %select_n3A, %add3A_363 : vector<16xi32>
        %le3A_365 = arith.constant 2047 : i32
        %le3A_366 = vector.broadcast %le3A_365 : i32 to vector<16xi32>
        %le3A_367 = arith.cmpi sle, %add3A_364, %le3A_366 : vector<16xi32>
        %and3A_368 = arith.andi %ge3A_361, %le3A_367 : vector<16xi1>
        %add3A_369 = arith.constant 1 : i32
        %add3A_370 = vector.broadcast %add3A_369 : i32 to vector<16xi32>
        %add3A_371 = arith.addi %select_n3A, %add3A_370 : vector<16xi32>
        %ge3A_372 = arith.constant 0 : i32
        %ge3A_373 = vector.broadcast %ge3A_372 : i32 to vector<16xi32>
        %ge3A_374 = arith.cmpi sge, %add3A_371, %ge3A_373 : vector<16xi32>
        %add3A_375 = arith.constant 1 : i32
        %add3A_376 = vector.broadcast %add3A_375 : i32 to vector<16xi32>
        %add3A_377 = arith.addi %select_n3A, %add3A_376 : vector<16xi32>
        %le3A_378 = arith.constant 2047 : i32
        %le3A_379 = vector.broadcast %le3A_378 : i32 to vector<16xi32>
        %le3A_380 = arith.cmpi sle, %add3A_377, %le3A_379 : vector<16xi32>
        %and3A_381 = arith.andi %ge3A_374, %le3A_380 : vector<16xi1>
        %add3A_382 = arith.constant 2 : i32
        %add3A_383 = vector.broadcast %add3A_382 : i32 to vector<16xi32>
        %add3A_384 = arith.addi %select_n3A, %add3A_383 : vector<16xi32>
        %ge3A_385 = arith.constant 0 : i32
        %ge3A_386 = vector.broadcast %ge3A_385 : i32 to vector<16xi32>
        %ge3A_387 = arith.cmpi sge, %add3A_384, %ge3A_386 : vector<16xi32>
        %add3A_388 = arith.constant 2 : i32
        %add3A_389 = vector.broadcast %add3A_388 : i32 to vector<16xi32>
        %add3A_390 = arith.addi %select_n3A, %add3A_389 : vector<16xi32>
        %le3A_391 = arith.constant 2047 : i32
        %le3A_392 = vector.broadcast %le3A_391 : i32 to vector<16xi32>
        %le3A_393 = arith.cmpi sle, %add3A_390, %le3A_392 : vector<16xi32>
        %and3A_394 = arith.andi %ge3A_387, %le3A_393 : vector<16xi1>
        %add3A_395 = arith.constant -1 : i32
        %add3A_396 = vector.broadcast %add3A_395 : i32 to vector<16xi32>
        %add3A_397 = arith.addi %select_n3A_314, %add3A_396 : vector<16xi32>
        %ge3A_398 = arith.constant 0 : i32
        %ge3A_399 = vector.broadcast %ge3A_398 : i32 to vector<16xi32>
        %ge3A_400 = arith.cmpi sge, %add3A_397, %ge3A_399 : vector<16xi32>
        %add3A_401 = arith.constant -1 : i32
        %add3A_402 = vector.broadcast %add3A_401 : i32 to vector<16xi32>
        %add3A_403 = arith.addi %select_n3A_314, %add3A_402 : vector<16xi32>
        %le3A_404 = arith.constant 2047 : i32
        %le3A_405 = vector.broadcast %le3A_404 : i32 to vector<16xi32>
        %le3A_406 = arith.cmpi sle, %add3A_403, %le3A_405 : vector<16xi32>
        %and3A_407 = arith.andi %ge3A_400, %le3A_406 : vector<16xi1>
        %add3A_408 = arith.constant 0 : i32
        %add3A_409 = vector.broadcast %add3A_408 : i32 to vector<16xi32>
        %add3A_410 = arith.addi %select_n3A_314, %add3A_409 : vector<16xi32>
        %ge3A_411 = arith.constant 0 : i32
        %ge3A_412 = vector.broadcast %ge3A_411 : i32 to vector<16xi32>
        %ge3A_413 = arith.cmpi sge, %add3A_410, %ge3A_412 : vector<16xi32>
        %add3A_414 = arith.constant 0 : i32
        %add3A_415 = vector.broadcast %add3A_414 : i32 to vector<16xi32>
        %add3A_416 = arith.addi %select_n3A_314, %add3A_415 : vector<16xi32>
        %le3A_417 = arith.constant 2047 : i32
        %le3A_418 = vector.broadcast %le3A_417 : i32 to vector<16xi32>
        %le3A_419 = arith.cmpi sle, %add3A_416, %le3A_418 : vector<16xi32>
        %and3A_420 = arith.andi %ge3A_413, %le3A_419 : vector<16xi1>
        %add3A_421 = arith.constant 1 : i32
        %add3A_422 = vector.broadcast %add3A_421 : i32 to vector<16xi32>
        %add3A_423 = arith.addi %select_n3A_314, %add3A_422 : vector<16xi32>
        %ge3A_424 = arith.constant 0 : i32
        %ge3A_425 = vector.broadcast %ge3A_424 : i32 to vector<16xi32>
        %ge3A_426 = arith.cmpi sge, %add3A_423, %ge3A_425 : vector<16xi32>
        %add3A_427 = arith.constant 1 : i32
        %add3A_428 = vector.broadcast %add3A_427 : i32 to vector<16xi32>
        %add3A_429 = arith.addi %select_n3A_314, %add3A_428 : vector<16xi32>
        %le3A_430 = arith.constant 2047 : i32
        %le3A_431 = vector.broadcast %le3A_430 : i32 to vector<16xi32>
        %le3A_432 = arith.cmpi sle, %add3A_429, %le3A_431 : vector<16xi32>
        %and3A_433 = arith.andi %ge3A_426, %le3A_432 : vector<16xi1>
        %add3A_434 = arith.constant 2 : i32
        %add3A_435 = vector.broadcast %add3A_434 : i32 to vector<16xi32>
        %add3A_436 = arith.addi %select_n3A_314, %add3A_435 : vector<16xi32>
        %ge3A_437 = arith.constant 0 : i32
        %ge3A_438 = vector.broadcast %ge3A_437 : i32 to vector<16xi32>
        %ge3A_439 = arith.cmpi sge, %add3A_436, %ge3A_438 : vector<16xi32>
        %add3A_440 = arith.constant 2 : i32
        %add3A_441 = vector.broadcast %add3A_440 : i32 to vector<16xi32>
        %add3A_442 = arith.addi %select_n3A_314, %add3A_441 : vector<16xi32>
        %le3A_443 = arith.constant 2047 : i32
        %le3A_444 = vector.broadcast %le3A_443 : i32 to vector<16xi32>
        %le3A_445 = arith.cmpi sle, %add3A_442, %le3A_444 : vector<16xi32>
        %and3A_446 = arith.andi %ge3A_439, %le3A_445 : vector<16xi1>
        %and3A_447 = arith.andi %and3A_407, %and3A_368 : vector<16xi1>
        %jit3A = arith.constant 0.000000e+00 : f32
        %broadcast_in_dim3A = vector.broadcast %jit3A : f32 to vector<16xf32>
        %select_n3A_448 = arith.select %and3A_447, %get3A_323, %broadcast_in_dim3A : vector<16xi1>, vector<16xf32>
        %and3A_449 = arith.andi %and3A_407, %and3A_381 : vector<16xi1>
        %jit3A_450 = arith.constant 0.000000e+00 : f32
        %broadcast_in_dim3A_451 = vector.broadcast %jit3A_450 : f32 to vector<16xf32>
        %select_n3A_452 = arith.select %and3A_449, %get3A_325, %broadcast_in_dim3A_451 : vector<16xi1>, vector<16xf32>
        %and3A_453 = arith.andi %and3A_420, %and3A : vector<16xi1>
        %jit3A_454 = arith.constant 0.000000e+00 : f32
        %broadcast_in_dim3A_455 = vector.broadcast %jit3A_454 : f32 to vector<16xf32>
        %select_n3A_456 = arith.select %and3A_453, %get3A_327, %broadcast_in_dim3A_455 : vector<16xi1>, vector<16xf32>
        %and3A_457 = arith.andi %and3A_420, %and3A_368 : vector<16xi1>
        %jit3A_458 = arith.constant 0.000000e+00 : f32
        %broadcast_in_dim3A_459 = vector.broadcast %jit3A_458 : f32 to vector<16xf32>
        %select_n3A_460 = arith.select %and3A_457, %get3A_329, %broadcast_in_dim3A_459 : vector<16xi1>, vector<16xf32>
        %and3A_461 = arith.andi %and3A_420, %and3A_381 : vector<16xi1>
        %jit3A_462 = arith.constant 0.000000e+00 : f32
        %broadcast_in_dim3A_463 = vector.broadcast %jit3A_462 : f32 to vector<16xf32>
        %select_n3A_464 = arith.select %and3A_461, %get3A_331, %broadcast_in_dim3A_463 : vector<16xi1>, vector<16xf32>
        %and3A_465 = arith.andi %and3A_420, %and3A_394 : vector<16xi1>
        %jit3A_466 = arith.constant 0.000000e+00 : f32
        %broadcast_in_dim3A_467 = vector.broadcast %jit3A_466 : f32 to vector<16xf32>
        %select_n3A_468 = arith.select %and3A_465, %get3A_333, %broadcast_in_dim3A_467 : vector<16xi1>, vector<16xf32>
        %and3A_469 = arith.andi %and3A_433, %and3A : vector<16xi1>
        %jit3A_470 = arith.constant 0.000000e+00 : f32
        %broadcast_in_dim3A_471 = vector.broadcast %jit3A_470 : f32 to vector<16xf32>
        %select_n3A_472 = arith.select %and3A_469, %get3A_335, %broadcast_in_dim3A_471 : vector<16xi1>, vector<16xf32>
        %and3A_473 = arith.andi %and3A_433, %and3A_368 : vector<16xi1>
        %jit3A_474 = arith.constant 0.000000e+00 : f32
        %broadcast_in_dim3A_475 = vector.broadcast %jit3A_474 : f32 to vector<16xf32>
        %select_n3A_476 = arith.select %and3A_473, %get3A_337, %broadcast_in_dim3A_475 : vector<16xi1>, vector<16xf32>
        %and3A_477 = arith.andi %and3A_433, %and3A_381 : vector<16xi1>
        %jit3A_478 = arith.constant 0.000000e+00 : f32
        %broadcast_in_dim3A_479 = vector.broadcast %jit3A_478 : f32 to vector<16xf32>
        %select_n3A_480 = arith.select %and3A_477, %get3A_339, %broadcast_in_dim3A_479 : vector<16xi1>, vector<16xf32>
        %and3A_481 = arith.andi %and3A_433, %and3A_394 : vector<16xi1>
        %jit3A_482 = arith.constant 0.000000e+00 : f32
        %broadcast_in_dim3A_483 = vector.broadcast %jit3A_482 : f32 to vector<16xf32>
        %select_n3A_484 = arith.select %and3A_481, %get3A_341, %broadcast_in_dim3A_483 : vector<16xi1>, vector<16xf32>
        %and3A_485 = arith.andi %and3A_446, %and3A_368 : vector<16xi1>
        %jit3A_486 = arith.constant 0.000000e+00 : f32
        %broadcast_in_dim3A_487 = vector.broadcast %jit3A_486 : f32 to vector<16xf32>
        %select_n3A_488 = arith.select %and3A_485, %get3A_343, %broadcast_in_dim3A_487 : vector<16xi1>, vector<16xf32>
        %and3A_489 = arith.andi %and3A_446, %and3A_381 : vector<16xi1>
        %jit3A_490 = arith.constant 0.000000e+00 : f32
        %broadcast_in_dim3A_491 = vector.broadcast %jit3A_490 : f32 to vector<16xf32>
        %select_n3A_492 = arith.select %and3A_489, %get3A_345, %broadcast_in_dim3A_491 : vector<16xi1>, vector<16xf32>
        %jit3A_493 = arith.constant 0.000000e+00 : f32
        %jit3A_494 = arith.constant 2.047000e+03 : f32
        %max3A = vector.broadcast %jit3A_493 : f32 to vector<16xf32>
        %max3A_495 = arith.maximumf %max3A, %mul3A_292 : vector<16xf32>
        %min3A_496 = vector.broadcast %jit3A_494 : f32 to vector<16xf32>
        %min3A_497 = arith.minimumf %min3A_496, %max3A_495 : vector<16xf32>
        %jit3A_498 = arith.constant 0.000000e+00 : f32
        %jit3A_499 = arith.constant 2.047000e+03 : f32
        %max3A_500 = vector.broadcast %jit3A_498 : f32 to vector<16xf32>
        %max3A_501 = arith.maximumf %max3A_500, %mul3A_298 : vector<16xf32>
        %min3A_502 = vector.broadcast %jit3A_499 : f32 to vector<16xf32>
        %min3A_503 = arith.minimumf %min3A_502, %max3A_501 : vector<16xf32>
        %jit3A_504 = arith.constant 0.000000e+00 : f32
        %jit3A_505 = arith.constant 2.047000e+03 : f32
        %max3A_506 = vector.broadcast %jit3A_504 : f32 to vector<16xf32>
        %max3A_507 = arith.maximumf %max3A_506, %select_n3A_306 : vector<16xf32>
        %min3A_508 = vector.broadcast %jit3A_505 : f32 to vector<16xf32>
        %min3A_509 = arith.minimumf %min3A_508, %max3A_507 : vector<16xf32>
        %sub3A_510 = arith.subf %min3A_497, %min3A_509 : vector<16xf32>
        %jit3A_511 = arith.constant 0.000000e+00 : f32
        %jit3A_512 = arith.constant 2.047000e+03 : f32
        %max3A_513 = vector.broadcast %jit3A_511 : f32 to vector<16xf32>
        %max3A_514 = arith.maximumf %max3A_513, %select_n3A_318 : vector<16xf32>
        %min3A_515 = vector.broadcast %jit3A_512 : f32 to vector<16xf32>
        %min3A_516 = arith.minimumf %min3A_515, %max3A_514 : vector<16xf32>
        %sub3A_517 = arith.subf %min3A_503, %min3A_516 : vector<16xf32>
        %sub3A_518 = arith.constant 1.000000e+00 : f32
        %sub3A_519 = vector.broadcast %sub3A_518 : f32 to vector<16xf32>
        %sub3A_520 = arith.subf %sub3A_519, %sub3A_517 : vector<16xf32>
        %sub3A_521 = arith.constant 1.000000e+00 : f32
        %sub3A_522 = vector.broadcast %sub3A_521 : f32 to vector<16xf32>
        %sub3A_523 = arith.subf %sub3A_522, %sub3A_510 : vector<16xf32>
        %mul3A_524 = arith.mulf %sub3A_523, %get3A_329 : vector<16xf32>
        %mul3A_525 = arith.mulf %sub3A_510, %get3A_331 : vector<16xf32>
        %add3A_526 = arith.addf %mul3A_524, %mul3A_525 : vector<16xf32>
        %mul3A_527 = arith.mulf %sub3A_520, %add3A_526 : vector<16xf32>
        %sub3A_528 = arith.constant 1.000000e+00 : f32
        %sub3A_529 = vector.broadcast %sub3A_528 : f32 to vector<16xf32>
        %sub3A_530 = arith.subf %sub3A_529, %sub3A_510 : vector<16xf32>
        %mul3A_531 = arith.mulf %sub3A_530, %get3A_337 : vector<16xf32>
        %mul3A_532 = arith.mulf %sub3A_510, %get3A_339 : vector<16xf32>
        %add3A_533 = arith.addf %mul3A_531, %mul3A_532 : vector<16xf32>
        %mul3A_534 = arith.mulf %sub3A_517, %add3A_533 : vector<16xf32>
        %add3A_535 = arith.addf %mul3A_527, %mul3A_534 : vector<16xf32>
        %sub3A_536 = arith.constant 1.000000e+00 : f32
        %sub3A_537 = vector.broadcast %sub3A_536 : f32 to vector<16xf32>
        %sub3A_538 = arith.subf %sub3A_537, %sub3A_307 : vector<16xf32>
        %sub3A_539 = arith.constant 1.000000e+00 : f32
        %sub3A_540 = vector.broadcast %sub3A_539 : f32 to vector<16xf32>
        %sub3A_541 = arith.subf %sub3A_540, %sub3A_319 : vector<16xf32>
        %mul3A_542 = arith.mulf %sub3A_538, %select_n3A_464 : vector<16xf32>
        %mul3A_543 = arith.mulf %sub3A_307, %select_n3A_468 : vector<16xf32>
        %add3A_544 = arith.addf %mul3A_542, %mul3A_543 : vector<16xf32>
        %mul3A_545 = arith.mulf %sub3A_541, %add3A_544 : vector<16xf32>
        %mul3A_546 = arith.mulf %sub3A_538, %select_n3A_480 : vector<16xf32>
        %mul3A_547 = arith.mulf %sub3A_307, %select_n3A_484 : vector<16xf32>
        %add3A_548 = arith.addf %mul3A_546, %mul3A_547 : vector<16xf32>
        %mul3A_549 = arith.mulf %sub3A_319, %add3A_548 : vector<16xf32>
        %add3A_550 = arith.addf %mul3A_545, %mul3A_549 : vector<16xf32>
        %mul3A_551 = arith.mulf %sub3A_538, %select_n3A_456 : vector<16xf32>
        %mul3A_552 = arith.mulf %sub3A_307, %select_n3A_460 : vector<16xf32>
        %add3A_553 = arith.addf %mul3A_551, %mul3A_552 : vector<16xf32>
        %mul3A_554 = arith.mulf %sub3A_541, %add3A_553 : vector<16xf32>
        %mul3A_555 = arith.mulf %sub3A_538, %select_n3A_472 : vector<16xf32>
        %mul3A_556 = arith.mulf %sub3A_307, %select_n3A_476 : vector<16xf32>
        %add3A_557 = arith.addf %mul3A_555, %mul3A_556 : vector<16xf32>
        %mul3A_558 = arith.mulf %sub3A_319, %add3A_557 : vector<16xf32>
        %add3A_559 = arith.addf %mul3A_554, %mul3A_558 : vector<16xf32>
        %mul3A_560 = arith.mulf %sub3A_538, %select_n3A_476 : vector<16xf32>
        %mul3A_561 = arith.mulf %sub3A_307, %select_n3A_480 : vector<16xf32>
        %add3A_562 = arith.addf %mul3A_560, %mul3A_561 : vector<16xf32>
        %mul3A_563 = arith.mulf %sub3A_541, %add3A_562 : vector<16xf32>
        %mul3A_564 = arith.mulf %sub3A_538, %select_n3A_488 : vector<16xf32>
        %mul3A_565 = arith.mulf %sub3A_307, %select_n3A_492 : vector<16xf32>
        %add3A_566 = arith.addf %mul3A_564, %mul3A_565 : vector<16xf32>
        %mul3A_567 = arith.mulf %sub3A_319, %add3A_566 : vector<16xf32>
        %add3A_568 = arith.addf %mul3A_563, %mul3A_567 : vector<16xf32>
        %mul3A_569 = arith.mulf %sub3A_538, %select_n3A_448 : vector<16xf32>
        %mul3A_570 = arith.mulf %sub3A_307, %select_n3A_452 : vector<16xf32>
        %add3A_571 = arith.addf %mul3A_569, %mul3A_570 : vector<16xf32>
        %mul3A_572 = arith.mulf %sub3A_541, %add3A_571 : vector<16xf32>
        %mul3A_573 = arith.mulf %sub3A_538, %select_n3A_460 : vector<16xf32>
        %mul3A_574 = arith.mulf %sub3A_307, %select_n3A_464 : vector<16xf32>
        %add3A_575 = arith.addf %mul3A_573, %mul3A_574 : vector<16xf32>
        %mul3A_576 = arith.mulf %sub3A_319, %add3A_575 : vector<16xf32>
        %add3A_577 = arith.addf %mul3A_572, %mul3A_576 : vector<16xf32>
        %sub3A_578 = arith.subf %add3A_550, %add3A_559 : vector<16xf32>
        %mul3A_579 = arith.constant 5.117500e+02 : f32
        %mul3A_580 = vector.broadcast %mul3A_579 : f32 to vector<16xf32>
        %mul3A_581 = arith.mulf %sub3A_578, %mul3A_580 : vector<16xf32>
        %sub3A_582 = arith.subf %add3A_568, %add3A_577 : vector<16xf32>
        %mul3A_583 = arith.constant 5.117500e+02 : f32
        %mul3A_584 = vector.broadcast %mul3A_583 : f32 to vector<16xf32>
        %mul3A_585 = arith.mulf %sub3A_582, %mul3A_584 : vector<16xf32>
        %mul3A_586 = arith.mulf %mul3A_581, %mul3A_581 : vector<16xf32>
        %mul3A_587 = arith.mulf %mul3A_585, %mul3A_585 : vector<16xf32>
        %add3A_588 = arith.addf %mul3A_586, %mul3A_587 : vector<16xf32>
        %max3A_589 = arith.constant 9.99999996E-13 : f32
        %max3A_590 = vector.broadcast %max3A_589 : f32 to vector<16xf32>
        %max3A_591 = arith.maximumf %add3A_588, %max3A_590 : vector<16xf32>
        %div3A_592 = arith.divf %add3A_535, %max3A_591 : vector<16xf32>
        %bitcast_convert_type3A = tpu.bitcast %max3A_591 : vector<16xf32> -> vector<16xi32>
        %shift_right_arithmetic3A = arith.constant 1 : i32
        %shift_right_arithmetic3A_593 = vector.broadcast %shift_right_arithmetic3A : i32 to vector<16xi32>
        %shift_right_arithmetic3A_594 = arith.shrsi %bitcast_convert_type3A, %shift_right_arithmetic3A_593 : vector<16xi32>
        %sub3A_595 = arith.constant 1597463007 : i32
        %sub3A_596 = vector.broadcast %sub3A_595 : i32 to vector<16xi32>
        %sub3A_597 = arith.subi %sub3A_596, %shift_right_arithmetic3A_594 : vector<16xi32>
        %bitcast_convert_type3A_598 = tpu.bitcast %sub3A_597 : vector<16xi32> -> vector<16xf32>
        %mul3A_599 = arith.constant 5.000000e-01 : f32
        %mul3A_600 = vector.broadcast %mul3A_599 : f32 to vector<16xf32>
        %mul3A_601 = arith.mulf %mul3A_600, %max3A_591 : vector<16xf32>
        %mul3A_602 = arith.mulf %mul3A_601, %bitcast_convert_type3A_598 : vector<16xf32>
        %mul3A_603 = arith.mulf %mul3A_602, %bitcast_convert_type3A_598 : vector<16xf32>
        %sub3A_604 = arith.constant 1.500000e+00 : f32
        %sub3A_605 = vector.broadcast %sub3A_604 : f32 to vector<16xf32>
        %sub3A_606 = arith.subf %sub3A_605, %mul3A_603 : vector<16xf32>
        %mul3A_607 = arith.mulf %bitcast_convert_type3A_598, %sub3A_606 : vector<16xf32>
        %mul3A_608 = arith.mulf %mul3A_601, %mul3A_607 : vector<16xf32>
        %mul3A_609 = arith.mulf %mul3A_608, %mul3A_607 : vector<16xf32>
        %sub3A_610 = arith.constant 1.500000e+00 : f32
        %sub3A_611 = vector.broadcast %sub3A_610 : f32 to vector<16xf32>
        %sub3A_612 = arith.subf %sub3A_611, %mul3A_609 : vector<16xf32>
        %mul3A_613 = arith.mulf %mul3A_607, %sub3A_612 : vector<16xf32>
        %mul3A_614 = arith.mulf %mul3A_601, %mul3A_613 : vector<16xf32>
        %mul3A_615 = arith.mulf %mul3A_614, %mul3A_613 : vector<16xf32>
        %sub3A_616 = arith.constant 1.500000e+00 : f32
        %sub3A_617 = vector.broadcast %sub3A_616 : f32 to vector<16xf32>
        %sub3A_618 = arith.subf %sub3A_617, %mul3A_615 : vector<16xf32>
        %mul3A_619 = arith.mulf %mul3A_613, %sub3A_618 : vector<16xf32>
        %mul3A_620 = arith.constant 1.000000e-03 : f32
        %mul3A_621 = vector.broadcast %mul3A_620 : f32 to vector<16xf32>
        %mul3A_622 = arith.mulf %mul3A_621, %mul3A_619 : vector<16xf32>
        %add3A_623 = arith.addf %div3A_592, %mul3A_622 : vector<16xf32>
        %mul3A_624 = arith.mulf %add3A_623, %mul3A_581 : vector<16xf32>
        %sub3A_625 = arith.subf %get3A_262, %mul3A_624 : vector<16xf32>
        %mul3A_626 = arith.mulf %add3A_623, %mul3A_585 : vector<16xf32>
        %sub3A_627 = arith.subf %get3A_264, %mul3A_626 : vector<16xf32>
        %gt3A_628 = arith.constant 0.000000e+00 : f32
        %gt3A_629 = vector.broadcast %gt3A_628 : f32 to vector<16xf32>
        %gt3A_630 = arith.cmpf ogt, %add3A_535, %gt3A_629 : vector<16xf32>
        %mul3A_631 = arith.constant 16 : i32
        %mul3A_632 = arith.muli %scan3A_258, %mul3A_631 : i32
        %select_n3A_633 = arith.select %gt3A_630, %sub3A_625, %get3A_262 : vector<16xi1>, vector<16xf32>
        %swap3A = arith.index_cast %mul3A_632 : i32 to index
        %swap3A_634 = tpu.vector_load %arg60[%swap3A] {strides = array<i32>} : memref<2048xf32, #tpu.memory_space<vmem>>, vector<16xf32>,
        tpu.vector_store %arg60[%swap3A], %select_n3A_633 {strides = array<i32>} : memref<2048xf32, #tpu.memory_space<vmem>>, vector<16xf32>,
        %select_n3A_635 = arith.select %gt3A_630, %sub3A_627, %get3A_264 : vector<16xi1>, vector<16xf32>
        %swap3A_636 = arith.index_cast %mul3A_632 : i32 to index
        %swap3A_637 = tpu.vector_load %arg62[%swap3A_636] {strides = array<i32>} : memref<2048xf32, #tpu.memory_space<vmem>>, vector<16xf32>,
        tpu.vector_store %arg62[%swap3A_636], %select_n3A_635 {strides = array<i32>} : memref<2048xf32, #tpu.memory_space<vmem>>, vector<16xf32>,
        %scan3A_638 = arith.constant 0 : i32
        scf.yield %scan3A_638 : i32
      }
      %scan3A_246 = arith.constant 128 : i32
      %mul3A_247 = arith.constant 32 : i32
      %mul3A_248 = arith.muli %mul3A_247, %add3A_215 : i32
      %add3A_249 = arith.addi %add3A, %mul3A_248 : i32
      %min3A_250 = arith.constant 976 : i32
      %min3A_251 = arith.minsi %add3A_249, %min3A_250 : i32
      %mul3A_252 = arith.constant 2048 : i32
      %mul3A_253 = arith.muli %min3A_251, %mul3A_252 : i32
      %min3A_254 = arith.constant 1997952 : i32
      %min3A_255 = arith.minsi %mul3A_253, %min3A_254 : i32
      %multiple_of3A_256 = tpu.assume_multiple %min3A_255, 8 : i32
      "tpu.region"() ({
        %run_scoped3A = tpu.sem_alloc : memref<!tpu.dma_semaphore, #tpu.memory_space<semaphore_mem>>
        %dma_start3A_258 = tpu.memref_slice %arg5[%multiple_of3A_256] : memref<2000000xf32, #tpu.memory_space<hbm>> -> memref<2048xf32, #tpu.memory_space<hbm>>
        %dma_start3A_259 = tpu.memref_slice %arg5[%multiple_of3A_256] : memref<2000000xf32, #tpu.memory_space<hbm>> -> memref<2048xf32, #tpu.memory_space<hbm>>
        tpu.enqueue_dma source(%arg60 : memref<2048xf32, #tpu.memory_space<vmem>>) target(%dma_start3A_259 : memref<2048xf32, #tpu.memory_space<hbm>>) target_semaphore(%run_scoped3A : memref<!tpu.dma_semaphore, #tpu.memory_space<semaphore_mem>>)
        %dma_wait3A_260 = tpu.memref_slice %arg5[%multiple_of3A_256] : memref<2000000xf32, #tpu.memory_space<hbm>> -> memref<2048xf32, #tpu.memory_space<hbm>>
        %dma_wait3A_261 = tpu.memref_slice %arg5[%multiple_of3A_256] : memref<2000000xf32, #tpu.memory_space<hbm>> -> memref<2048xf32, #tpu.memory_space<hbm>>
        tpu.wait_dma2 semaphore(%run_scoped3A : memref<!tpu.dma_semaphore, #tpu.memory_space<semaphore_mem>>) src(%arg60 : memref<2048xf32, #tpu.memory_space<vmem>>) dst(%dma_wait3A_261 : memref<2048xf32, #tpu.memory_space<hbm>>)
        tpu.yield
      }) : () -> ()
      "tpu.region"() ({
        %run_scoped3A = tpu.sem_alloc : memref<!tpu.dma_semaphore, #tpu.memory_space<semaphore_mem>>
        %dma_start3A_258 = tpu.memref_slice %arg6[%multiple_of3A_256] : memref<2000000xf32, #tpu.memory_space<hbm>> -> memref<2048xf32, #tpu.memory_space<hbm>>
        %dma_start3A_259 = tpu.memref_slice %arg6[%multiple_of3A_256] : memref<2000000xf32, #tpu.memory_space<hbm>> -> memref<2048xf32, #tpu.memory_space<hbm>>
        tpu.enqueue_dma source(%arg62 : memref<2048xf32, #tpu.memory_space<vmem>>) target(%dma_start3A_259 : memref<2048xf32, #tpu.memory_space<hbm>>) target_semaphore(%run_scoped3A : memref<!tpu.dma_semaphore, #tpu.memory_space<semaphore_mem>>)
        %dma_wait3A_260 = tpu.memref_slice %arg6[%multiple_of3A_256] : memref<2000000xf32, #tpu.memory_space<hbm>> -> memref<2048xf32, #tpu.memory_space<hbm>>
        %dma_wait3A_261 = tpu.memref_slice %arg6[%multiple_of3A_256] : memref<2000000xf32, #tpu.memory_space<hbm>> -> memref<2048xf32, #tpu.memory_space<hbm>>
        tpu.wait_dma2 semaphore(%run_scoped3A : memref<!tpu.dma_semaphore, #tpu.memory_space<semaphore_mem>>) src(%arg62 : memref<2048xf32, #tpu.memory_space<vmem>>) dst(%dma_wait3A_261 : memref<2048xf32, #tpu.memory_space<hbm>>)
        tpu.yield
      }) : () -> ()
      %scan3A_257 = arith.constant 0 : i32
      scf.yield %scan3A_257 : i32
    }
    %scan3A_43 = arith.constant 16 : i32
    %dma_wait3A = arith.constant 0 : i32
    %dma_wait3A_44 = tpu.memref_slice %arg4[%dma_wait3A] : memref<4194304xf32, #tpu.memory_space<hbm>> -> memref<4194304xf32, #tpu.memory_space<hbm>>
    tpu.wait_indirect_dma semaphore(%arg63 : memref<!tpu.dma_semaphore, #tpu.memory_space<semaphore_mem>>) src(%dma_wait3A_44 : memref<4194304xf32, #tpu.memory_space<hbm>>) dst(%arg35 : memref<2048xf32, #tpu.memory_space<vmem>>)
    %dma_wait3A_45 = arith.constant 0 : i32
    %dma_wait3A_46 = tpu.memref_slice %arg4[%dma_wait3A_45] : memref<4194304xf32, #tpu.memory_space<hbm>> -> memref<4194304xf32, #tpu.memory_space<hbm>>
    tpu.wait_indirect_dma semaphore(%arg63 : memref<!tpu.dma_semaphore, #tpu.memory_space<semaphore_mem>>) src(%dma_wait3A_46 : memref<4194304xf32, #tpu.memory_space<hbm>>) dst(%arg36 : memref<2048xf32, #tpu.memory_space<vmem>>)
    %dma_wait3A_47 = arith.constant 0 : i32
    %dma_wait3A_48 = tpu.memref_slice %arg4[%dma_wait3A_47] : memref<4194304xf32, #tpu.memory_space<hbm>> -> memref<4194304xf32, #tpu.memory_space<hbm>>
    tpu.wait_indirect_dma semaphore(%arg63 : memref<!tpu.dma_semaphore, #tpu.memory_space<semaphore_mem>>) src(%dma_wait3A_48 : memref<4194304xf32, #tpu.memory_space<hbm>>) dst(%arg37 : memref<2048xf32, #tpu.memory_space<vmem>>)
    %dma_wait3A_49 = arith.constant 0 : i32
    %dma_wait3A_50 = tpu.memref_slice %arg4[%dma_wait3A_49] : memref<4194304xf32, #tpu.memory_space<hbm>> -> memref<4194304xf32, #tpu.memory_space<hbm>>
    tpu.wait_indirect_dma semaphore(%arg63 : memref<!tpu.dma_semaphore, #tpu.memory_space<semaphore_mem>>) src(%dma_wait3A_50 : memref<4194304xf32, #tpu.memory_space<hbm>>) dst(%arg38 : memref<2048xf32, #tpu.memory_space<vmem>>)
    %dma_wait3A_51 = arith.constant 0 : i32
    %dma_wait3A_52 = tpu.memref_slice %arg4[%dma_wait3A_51] : memref<4194304xf32, #tpu.memory_space<hbm>> -> memref<4194304xf32, #tpu.memory_space<hbm>>
    tpu.wait_indirect_dma semaphore(%arg63 : memref<!tpu.dma_semaphore, #tpu.memory_space<semaphore_mem>>) src(%dma_wait3A_52 : memref<4194304xf32, #tpu.memory_space<hbm>>) dst(%arg39 : memref<2048xf32, #tpu.memory_space<vmem>>)
    %dma_wait3A_53 = arith.constant 0 : i32
    %dma_wait3A_54 = tpu.memref_slice %arg4[%dma_wait3A_53] : memref<4194304xf32, #tpu.memory_space<hbm>> -> memref<4194304xf32, #tpu.memory_space<hbm>>
    tpu.wait_indirect_dma semaphore(%arg63 : memref<!tpu.dma_semaphore, #tpu.memory_space<semaphore_mem>>) src(%dma_wait3A_54 : memref<4194304xf32, #tpu.memory_space<hbm>>) dst(%arg40 : memref<2048xf32, #tpu.memory_space<vmem>>)
    %dma_wait3A_55 = arith.constant 0 : i32
    %dma_wait3A_56 = tpu.memref_slice %arg4[%dma_wait3A_55] : memref<4194304xf32, #tpu.memory_space<hbm>> -> memref<4194304xf32, #tpu.memory_space<hbm>>
    tpu.wait_indirect_dma semaphore(%arg63 : memref<!tpu.dma_semaphore, #tpu.memory_space<semaphore_mem>>) src(%dma_wait3A_56 : memref<4194304xf32, #tpu.memory_space<hbm>>) dst(%arg41 : memref<2048xf32, #tpu.memory_space<vmem>>)
    %dma_wait3A_57 = arith.constant 0 : i32
    %dma_wait3A_58 = tpu.memref_slice %arg4[%dma_wait3A_57] : memref<4194304xf32, #tpu.memory_space<hbm>> -> memref<4194304xf32, #tpu.memory_space<hbm>>
    tpu.wait_indirect_dma semaphore(%arg63 : memref<!tpu.dma_semaphore, #tpu.memory_space<semaphore_mem>>) src(%dma_wait3A_58 : memref<4194304xf32, #tpu.memory_space<hbm>>) dst(%arg42 : memref<2048xf32, #tpu.memory_space<vmem>>)
    %dma_wait3A_59 = arith.constant 0 : i32
    %dma_wait3A_60 = tpu.memref_slice %arg4[%dma_wait3A_59] : memref<4194304xf32, #tpu.memory_space<hbm>> -> memref<4194304xf32, #tpu.memory_space<hbm>>
    tpu.wait_indirect_dma semaphore(%arg63 : memref<!tpu.dma_semaphore, #tpu.memory_space<semaphore_mem>>) src(%dma_wait3A_60 : memref<4194304xf32, #tpu.memory_space<hbm>>) dst(%arg43 : memref<2048xf32, #tpu.memory_space<vmem>>)
    %dma_wait3A_61 = arith.constant 0 : i32
    %dma_wait3A_62 = tpu.memref_slice %arg4[%dma_wait3A_61] : memref<4194304xf32, #tpu.memory_space<hbm>> -> memref<4194304xf32, #tpu.memory_space<hbm>>
    tpu.wait_indirect_dma semaphore(%arg63 : memref<!tpu.dma_semaphore, #tpu.memory_space<semaphore_mem>>) src(%dma_wait3A_62 : memref<4194304xf32, #tpu.memory_space<hbm>>) dst(%arg44 : memref<2048xf32, #tpu.memory_space<vmem>>)
    %dma_wait3A_63 = arith.constant 0 : i32
    %dma_wait3A_64 = tpu.memref_slice %arg4[%dma_wait3A_63] : memref<4194304xf32, #tpu.memory_space<hbm>> -> memref<4194304xf32, #tpu.memory_space<hbm>>
    tpu.wait_indirect_dma semaphore(%arg63 : memref<!tpu.dma_semaphore, #tpu.memory_space<semaphore_mem>>) src(%dma_wait3A_64 : memref<4194304xf32, #tpu.memory_space<hbm>>) dst(%arg45 : memref<2048xf32, #tpu.memory_space<vmem>>)
    %dma_wait3A_65 = arith.constant 0 : i32
    %dma_wait3A_66 = tpu.memref_slice %arg4[%dma_wait3A_65] : memref<4194304xf32, #tpu.memory_space<hbm>> -> memref<4194304xf32, #tpu.memory_space<hbm>>
    tpu.wait_indirect_dma semaphore(%arg63 : memref<!tpu.dma_semaphore, #tpu.memory_space<semaphore_mem>>) src(%dma_wait3A_66 : memref<4194304xf32, #tpu.memory_space<hbm>>) dst(%arg46 : memref<2048xf32, #tpu.memory_space<vmem>>)
    %scan3A_67 = arith.constant 0 : i32
    %scan3A_68 = arith.constant 0 : i32
    %scan3A_69 = arith.constant 128 : i32
    %scan3A_70 = arith.addi %scan3A_68, %scan3A_69 : i32
    %scan3A_71 = arith.constant 1 : i32
    %scan3A_72 = scf.for %scan3A_83 = %scan3A_68 to %scan3A_70 step %scan3A_71 iter_args(%scan3A_84 = %scan3A_67) -> (i32)  : i32 {
      %mul3A_85 = arith.constant 16 : i32
      %mul3A_86 = arith.muli %scan3A_83, %mul3A_85 : i32
      %get3A = arith.index_cast %mul3A_86 : i32 to index
      %get3A_87 = tpu.vector_load %arg7[%get3A] {strides = array<i32>} : memref<2048xf32, #tpu.memory_space<vmem>>, vector<16xf32>,
      %get3A_88 = arith.index_cast %mul3A_86 : i32 to index
      %get3A_89 = tpu.vector_load %arg9[%get3A_88] {strides = array<i32>} : memref<2048xf32, #tpu.memory_space<vmem>>, vector<16xf32>,
      %sub3A = arith.constant -1.000000e+00 : f32
      %sub3A_90 = vector.broadcast %sub3A : f32 to vector<16xf32>
      %sub3A_91 = arith.subf %get3A_87, %sub3A_90 : vector<16xf32>
      %mul3A_92 = arith.constant 2.000000e+00 : f32
      %mul3A_93 = vector.broadcast %mul3A_92 : f32 to vector<16xf32>
      %mul3A_94 = arith.mulf %mul3A_93, %sub3A_91 : vector<16xf32>
      %div3A = arith.constant 2.000000e+00 : f32
      %div3A_95 = vector.broadcast %div3A : f32 to vector<16xf32>
      %div3A_96 = arith.divf %mul3A_94, %div3A_95 : vector<16xf32>
      %sub3A_97 = arith.constant 1.000000e+00 : f32
      %sub3A_98 = vector.broadcast %sub3A_97 : f32 to vector<16xf32>
      %sub3A_99 = arith.subf %div3A_96, %sub3A_98 : vector<16xf32>
      %sub3A_100 = arith.constant -1.000000e+00 : f32
      %sub3A_101 = vector.broadcast %sub3A_100 : f32 to vector<16xf32>
      %sub3A_102 = arith.subf %get3A_89, %sub3A_101 : vector<16xf32>
      %mul3A_103 = arith.constant 2.000000e+00 : f32
      %mul3A_104 = vector.broadcast %mul3A_103 : f32 to vector<16xf32>
      %mul3A_105 = arith.mulf %mul3A_104, %sub3A_102 : vector<16xf32>
      %div3A_106 = arith.constant 2.000000e+00 : f32
      %div3A_107 = vector.broadcast %div3A_106 : f32 to vector<16xf32>
      %div3A_108 = arith.divf %mul3A_105, %div3A_107 : vector<16xf32>
      %sub3A_109 = arith.constant 1.000000e+00 : f32
      %sub3A_110 = vector.broadcast %sub3A_109 : f32 to vector<16xf32>
      %sub3A_111 = arith.subf %div3A_108, %sub3A_110 : vector<16xf32>
      %add3A_112 = arith.constant 1.000000e+00 : f32
      %add3A_113 = vector.broadcast %add3A_112 : f32 to vector<16xf32>
      %add3A_114 = arith.addf %sub3A_99, %add3A_113 : vector<16xf32>
      %mul3A_115 = arith.constant 1.023500e+03 : f32
      %mul3A_116 = vector.broadcast %mul3A_115 : f32 to vector<16xf32>
      %mul3A_117 = arith.mulf %add3A_114, %mul3A_116 : vector<16xf32>
      %add3A_118 = arith.constant 1.000000e+00 : f32
      %add3A_119 = vector.broadcast %add3A_118 : f32 to vector<16xf32>
      %add3A_120 = arith.addf %sub3A_111, %add3A_119 : vector<16xf32>
      %mul3A_121 = arith.constant 1.023500e+03 : f32
      %mul3A_122 = vector.broadcast %mul3A_121 : f32 to vector<16xf32>
      %mul3A_123 = arith.mulf %add3A_120, %mul3A_122 : vector<16xf32>
      %convert_element_type3A = arith.fptosi %mul3A_117 : vector<16xf32> to vector<16xi32>
      %convert_element_type3A_124 = arith.sitofp %convert_element_type3A : vector<16xi32> to vector<16xf32>
      %gt3A = arith.cmpf ogt, %convert_element_type3A_124, %mul3A_117 : vector<16xf32>
      %sub3A_125 = arith.constant 1 : i32
      %sub3A_126 = vector.broadcast %sub3A_125 : i32 to vector<16xi32>
      %sub3A_127 = arith.subi %convert_element_type3A, %sub3A_126 : vector<16xi32>
      %select_n3A = arith.select %gt3A, %sub3A_127, %convert_element_type3A : vector<16xi1>, vector<16xi32>
      %sub3A_128 = arith.constant 1.000000e+00 : f32
      %sub3A_129 = vector.broadcast %sub3A_128 : f32 to vector<16xf32>
      %sub3A_130 = arith.subf %convert_element_type3A_124, %sub3A_129 : vector<16xf32>
      %select_n3A_131 = arith.select %gt3A, %sub3A_130, %convert_element_type3A_124 : vector<16xi1>, vector<16xf32>
      %sub3A_132 = arith.subf %mul3A_117, %select_n3A_131 : vector<16xf32>
      %convert_element_type3A_133 = arith.fptosi %mul3A_123 : vector<16xf32> to vector<16xi32>
      %convert_element_type3A_134 = arith.sitofp %convert_element_type3A_133 : vector<16xi32> to vector<16xf32>
      %gt3A_135 = arith.cmpf ogt, %convert_element_type3A_134, %mul3A_123 : vector<16xf32>
      %sub3A_136 = arith.constant 1 : i32
      %sub3A_137 = vector.broadcast %sub3A_136 : i32 to vector<16xi32>
      %sub3A_138 = arith.subi %convert_element_type3A_133, %sub3A_137 : vector<16xi32>
      %select_n3A_139 = arith.select %gt3A_135, %sub3A_138, %convert_element_type3A_133 : vector<16xi1>, vector<16xi32>
      %sub3A_140 = arith.constant 1.000000e+00 : f32
      %sub3A_141 = vector.broadcast %sub3A_140 : f32 to vector<16xf32>
      %sub3A_142 = arith.subf %convert_element_type3A_134, %sub3A_141 : vector<16xf32>
      %select_n3A_143 = arith.select %gt3A_135, %sub3A_142, %convert_element_type3A_134 : vector<16xi1>, vector<16xf32>
      %sub3A_144 = arith.subf %mul3A_123, %select_n3A_143 : vector<16xf32>
      %mul3A_145 = arith.constant 16 : i32
      %mul3A_146 = arith.muli %scan3A_83, %mul3A_145 : i32
      %get3A_147 = arith.index_cast %mul3A_146 : i32 to index
      %get3A_148 = tpu.vector_load %arg35[%get3A_147] {strides = array<i32>} : memref<2048xf32, #tpu.memory_space<vmem>>, vector<16xf32>,
      %get3A_149 = arith.index_cast %mul3A_146 : i32 to index
      %get3A_150 = tpu.vector_load %arg36[%get3A_149] {strides = array<i32>} : memref<2048xf32, #tpu.memory_space<vmem>>, vector<16xf32>,
      %get3A_151 = arith.index_cast %mul3A_146 : i32 to index
      %get3A_152 = tpu.vector_load %arg37[%get3A_151] {strides = array<i32>} : memref<2048xf32, #tpu.memory_space<vmem>>, vector<16xf32>,
      %get3A_153 = arith.index_cast %mul3A_146 : i32 to index
      %get3A_154 = tpu.vector_load %arg38[%get3A_153] {strides = array<i32>} : memref<2048xf32, #tpu.memory_space<vmem>>, vector<16xf32>,
      %get3A_155 = arith.index_cast %mul3A_146 : i32 to index
      %get3A_156 = tpu.vector_load %arg39[%get3A_155] {strides = array<i32>} : memref<2048xf32, #tpu.memory_space<vmem>>, vector<16xf32>,
      %get3A_157 = arith.index_cast %mul3A_146 : i32 to index
      %get3A_158 = tpu.vector_load %arg40[%get3A_157] {strides = array<i32>} : memref<2048xf32, #tpu.memory_space<vmem>>, vector<16xf32>,
      %get3A_159 = arith.index_cast %mul3A_146 : i32 to index
      %get3A_160 = tpu.vector_load %arg41[%get3A_159] {strides = array<i32>} : memref<2048xf32, #tpu.memory_space<vmem>>, vector<16xf32>,
      %get3A_161 = arith.index_cast %mul3A_146 : i32 to index
      %get3A_162 = tpu.vector_load %arg42[%get3A_161] {strides = array<i32>} : memref<2048xf32, #tpu.memory_space<vmem>>, vector<16xf32>,
      %get3A_163 = arith.index_cast %mul3A_146 : i32 to index
      %get3A_164 = tpu.vector_load %arg43[%get3A_163] {strides = array<i32>} : memref<2048xf32, #tpu.memory_space<vmem>>, vector<16xf32>,
      %get3A_165 = arith.index_cast %mul3A_146 : i32 to index
      %get3A_166 = tpu.vector_load %arg44[%get3A_165] {strides = array<i32>} : memref<2048xf32, #tpu.memory_space<vmem>>, vector<16xf32>,
      %get3A_167 = arith.index_cast %mul3A_146 : i32 to index
      %get3A_168 = tpu.vector_load %arg45[%get3A_167] {strides = array<i32>} : memref<2048xf32, #tpu.memory_space<vmem>>, vector<16xf32>,
      %get3A_169 = arith.index_cast %mul3A_146 : i32 to index
      %get3A_170 = tpu.vector_load %arg46[%get3A_169] {strides = array<i32>} : memref<2048xf32, #tpu.memory_space<vmem>>, vector<16xf32>,
      %add3A_171 = arith.constant -1 : i32
      %add3A_172 = vector.broadcast %add3A_171 : i32 to vector<16xi32>
      %add3A_173 = arith.addi %select_n3A, %add3A_172 : vector<16xi32>
      %ge3A = arith.constant 0 : i32
      %ge3A_174 = vector.broadcast %ge3A : i32 to vector<16xi32>
      %ge3A_175 = arith.cmpi sge, %add3A_173, %ge3A_174 : vector<16xi32>
      %add3A_176 = arith.constant -1 : i32
      %add3A_177 = vector.broadcast %add3A_176 : i32 to vector<16xi32>
      %add3A_178 = arith.addi %select_n3A, %add3A_177 : vector<16xi32>
      %le3A = arith.constant 2047 : i32
      %le3A_179 = vector.broadcast %le3A : i32 to vector<16xi32>
      %le3A_180 = arith.cmpi sle, %add3A_178, %le3A_179 : vector<16xi32>
      %and3A = arith.andi %ge3A_175, %le3A_180 : vector<16xi1>
      %add3A_181 = arith.constant 0 : i32
      %add3A_182 = vector.broadcast %add3A_181 : i32 to vector<16xi32>
      %add3A_183 = arith.addi %select_n3A, %add3A_182 : vector<16xi32>
      %ge3A_184 = arith.constant 0 : i32
      %ge3A_185 = vector.broadcast %ge3A_184 : i32 to vector<16xi32>
      %ge3A_186 = arith.cmpi sge, %add3A_183, %ge3A_185 : vector<16xi32>
      %add3A_187 = arith.constant 0 : i32
      %add3A_188 = vector.broadcast %add3A_187 : i32 to vector<16xi32>
      %add3A_189 = arith.addi %select_n3A, %add3A_188 : vector<16xi32>
      %le3A_190 = arith.constant 2047 : i32
      %le3A_191 = vector.broadcast %le3A_190 : i32 to vector<16xi32>
      %le3A_192 = arith.cmpi sle, %add3A_189, %le3A_191 : vector<16xi32>
      %and3A_193 = arith.andi %ge3A_186, %le3A_192 : vector<16xi1>
      %add3A_194 = arith.constant 1 : i32
      %add3A_195 = vector.broadcast %add3A_194 : i32 to vector<16xi32>
      %add3A_196 = arith.addi %select_n3A, %add3A_195 : vector<16xi32>
      %ge3A_197 = arith.constant 0 : i32
      %ge3A_198 = vector.broadcast %ge3A_197 : i32 to vector<16xi32>
      %ge3A_199 = arith.cmpi sge, %add3A_196, %ge3A_198 : vector<16xi32>
      %add3A_200 = arith.constant 1 : i32
      %add3A_201 = vector.broadcast %add3A_200 : i32 to vector<16xi32>
      %add3A_202 = arith.addi %select_n3A, %add3A_201 : vector<16xi32>
      %le3A_203 = arith.constant 2047 : i32
      %le3A_204 = vector.broadcast %le3A_203 : i32 to vector<16xi32>
      %le3A_205 = arith.cmpi sle, %add3A_202, %le3A_204 : vector<16xi32>
      %and3A_206 = arith.andi %ge3A_199, %le3A_205 : vector<16xi1>
      %add3A_207 = arith.constant 2 : i32
      %add3A_208 = vector.broadcast %add3A_207 : i32 to vector<16xi32>
      %add3A_209 = arith.addi %select_n3A, %add3A_208 : vector<16xi32>
      %ge3A_210 = arith.constant 0 : i32
      %ge3A_211 = vector.broadcast %ge3A_210 : i32 to vector<16xi32>
      %ge3A_212 = arith.cmpi sge, %add3A_209, %ge3A_211 : vector<16xi32>
      %add3A_213 = arith.constant 2 : i32
      %add3A_214 = vector.broadcast %add3A_213 : i32 to vector<16xi32>
      %add3A_215 = arith.addi %select_n3A, %add3A_214 : vector<16xi32>
      %le3A_216 = arith.constant 2047 : i32
      %le3A_217 = vector.broadcast %le3A_216 : i32 to vector<16xi32>
      %le3A_218 = arith.cmpi sle, %add3A_215, %le3A_217 : vector<16xi32>
      %and3A_219 = arith.andi %ge3A_212, %le3A_218 : vector<16xi1>
      %add3A_220 = arith.constant -1 : i32
      %add3A_221 = vector.broadcast %add3A_220 : i32 to vector<16xi32>
      %add3A_222 = arith.addi %select_n3A_139, %add3A_221 : vector<16xi32>
      %ge3A_223 = arith.constant 0 : i32
      %ge3A_224 = vector.broadcast %ge3A_223 : i32 to vector<16xi32>
      %ge3A_225 = arith.cmpi sge, %add3A_222, %ge3A_224 : vector<16xi32>
      %add3A_226 = arith.constant -1 : i32
      %add3A_227 = vector.broadcast %add3A_226 : i32 to vector<16xi32>
      %add3A_228 = arith.addi %select_n3A_139, %add3A_227 : vector<16xi32>
      %le3A_229 = arith.constant 2047 : i32
      %le3A_230 = vector.broadcast %le3A_229 : i32 to vector<16xi32>
      %le3A_231 = arith.cmpi sle, %add3A_228, %le3A_230 : vector<16xi32>
      %and3A_232 = arith.andi %ge3A_225, %le3A_231 : vector<16xi1>
      %add3A_233 = arith.constant 0 : i32
      %add3A_234 = vector.broadcast %add3A_233 : i32 to vector<16xi32>
      %add3A_235 = arith.addi %select_n3A_139, %add3A_234 : vector<16xi32>
      %ge3A_236 = arith.constant 0 : i32
      %ge3A_237 = vector.broadcast %ge3A_236 : i32 to vector<16xi32>
      %ge3A_238 = arith.cmpi sge, %add3A_235, %ge3A_237 : vector<16xi32>
      %add3A_239 = arith.constant 0 : i32
      %add3A_240 = vector.broadcast %add3A_239 : i32 to vector<16xi32>
      %add3A_241 = arith.addi %select_n3A_139, %add3A_240 : vector<16xi32>
      %le3A_242 = arith.constant 2047 : i32
      %le3A_243 = vector.broadcast %le3A_242 : i32 to vector<16xi32>
      %le3A_244 = arith.cmpi sle, %add3A_241, %le3A_243 : vector<16xi32>
      %and3A_245 = arith.andi %ge3A_238, %le3A_244 : vector<16xi1>
      %add3A_246 = arith.constant 1 : i32
      %add3A_247 = vector.broadcast %add3A_246 : i32 to vector<16xi32>
      %add3A_248 = arith.addi %select_n3A_139, %add3A_247 : vector<16xi32>
      %ge3A_249 = arith.constant 0 : i32
      %ge3A_250 = vector.broadcast %ge3A_249 : i32 to vector<16xi32>
      %ge3A_251 = arith.cmpi sge, %add3A_248, %ge3A_250 : vector<16xi32>
      %add3A_252 = arith.constant 1 : i32
      %add3A_253 = vector.broadcast %add3A_252 : i32 to vector<16xi32>
      %add3A_254 = arith.addi %select_n3A_139, %add3A_253 : vector<16xi32>
      %le3A_255 = arith.constant 2047 : i32
      %le3A_256 = vector.broadcast %le3A_255 : i32 to vector<16xi32>
      %le3A_257 = arith.cmpi sle, %add3A_254, %le3A_256 : vector<16xi32>
      %and3A_258 = arith.andi %ge3A_251, %le3A_257 : vector<16xi1>
      %add3A_259 = arith.constant 2 : i32
      %add3A_260 = vector.broadcast %add3A_259 : i32 to vector<16xi32>
      %add3A_261 = arith.addi %select_n3A_139, %add3A_260 : vector<16xi32>
      %ge3A_262 = arith.constant 0 : i32
      %ge3A_263 = vector.broadcast %ge3A_262 : i32 to vector<16xi32>
      %ge3A_264 = arith.cmpi sge, %add3A_261, %ge3A_263 : vector<16xi32>
      %add3A_265 = arith.constant 2 : i32
      %add3A_266 = vector.broadcast %add3A_265 : i32 to vector<16xi32>
      %add3A_267 = arith.addi %select_n3A_139, %add3A_266 : vector<16xi32>
      %le3A_268 = arith.constant 2047 : i32
      %le3A_269 = vector.broadcast %le3A_268 : i32 to vector<16xi32>
      %le3A_270 = arith.cmpi sle, %add3A_267, %le3A_269 : vector<16xi32>
      %and3A_271 = arith.andi %ge3A_264, %le3A_270 : vector<16xi1>
      %and3A_272 = arith.andi %and3A_232, %and3A_193 : vector<16xi1>
      %jit3A = arith.constant 0.000000e+00 : f32
      %broadcast_in_dim3A = vector.broadcast %jit3A : f32 to vector<16xf32>
      %select_n3A_273 = arith.select %and3A_272, %get3A_148, %broadcast_in_dim3A : vector<16xi1>, vector<16xf32>
      %and3A_274 = arith.andi %and3A_232, %and3A_206 : vector<16xi1>
      %jit3A_275 = arith.constant 0.000000e+00 : f32
      %broadcast_in_dim3A_276 = vector.broadcast %jit3A_275 : f32 to vector<16xf32>
      %select_n3A_277 = arith.select %and3A_274, %get3A_150, %broadcast_in_dim3A_276 : vector<16xi1>, vector<16xf32>
      %and3A_278 = arith.andi %and3A_245, %and3A : vector<16xi1>
      %jit3A_279 = arith.constant 0.000000e+00 : f32
      %broadcast_in_dim3A_280 = vector.broadcast %jit3A_279 : f32 to vector<16xf32>
      %select_n3A_281 = arith.select %and3A_278, %get3A_152, %broadcast_in_dim3A_280 : vector<16xi1>, vector<16xf32>
      %and3A_282 = arith.andi %and3A_245, %and3A_193 : vector<16xi1>
      %jit3A_283 = arith.constant 0.000000e+00 : f32
      %broadcast_in_dim3A_284 = vector.broadcast %jit3A_283 : f32 to vector<16xf32>
      %select_n3A_285 = arith.select %and3A_282, %get3A_154, %broadcast_in_dim3A_284 : vector<16xi1>, vector<16xf32>
      %and3A_286 = arith.andi %and3A_245, %and3A_206 : vector<16xi1>
      %jit3A_287 = arith.constant 0.000000e+00 : f32
      %broadcast_in_dim3A_288 = vector.broadcast %jit3A_287 : f32 to vector<16xf32>
      %select_n3A_289 = arith.select %and3A_286, %get3A_156, %broadcast_in_dim3A_288 : vector<16xi1>, vector<16xf32>
      %and3A_290 = arith.andi %and3A_245, %and3A_219 : vector<16xi1>
      %jit3A_291 = arith.constant 0.000000e+00 : f32
      %broadcast_in_dim3A_292 = vector.broadcast %jit3A_291 : f32 to vector<16xf32>
      %select_n3A_293 = arith.select %and3A_290, %get3A_158, %broadcast_in_dim3A_292 : vector<16xi1>, vector<16xf32>
      %and3A_294 = arith.andi %and3A_258, %and3A : vector<16xi1>
      %jit3A_295 = arith.constant 0.000000e+00 : f32
      %broadcast_in_dim3A_296 = vector.broadcast %jit3A_295 : f32 to vector<16xf32>
      %select_n3A_297 = arith.select %and3A_294, %get3A_160, %broadcast_in_dim3A_296 : vector<16xi1>, vector<16xf32>
      %and3A_298 = arith.andi %and3A_258, %and3A_193 : vector<16xi1>
      %jit3A_299 = arith.constant 0.000000e+00 : f32
      %broadcast_in_dim3A_300 = vector.broadcast %jit3A_299 : f32 to vector<16xf32>
      %select_n3A_301 = arith.select %and3A_298, %get3A_162, %broadcast_in_dim3A_300 : vector<16xi1>, vector<16xf32>
      %and3A_302 = arith.andi %and3A_258, %and3A_206 : vector<16xi1>
      %jit3A_303 = arith.constant 0.000000e+00 : f32
      %broadcast_in_dim3A_304 = vector.broadcast %jit3A_303 : f32 to vector<16xf32>
      %select_n3A_305 = arith.select %and3A_302, %get3A_164, %broadcast_in_dim3A_304 : vector<16xi1>, vector<16xf32>
      %and3A_306 = arith.andi %and3A_258, %and3A_219 : vector<16xi1>
      %jit3A_307 = arith.constant 0.000000e+00 : f32
      %broadcast_in_dim3A_308 = vector.broadcast %jit3A_307 : f32 to vector<16xf32>
      %select_n3A_309 = arith.select %and3A_306, %get3A_166, %broadcast_in_dim3A_308 : vector<16xi1>, vector<16xf32>
      %and3A_310 = arith.andi %and3A_271, %and3A_193 : vector<16xi1>
      %jit3A_311 = arith.constant 0.000000e+00 : f32
      %broadcast_in_dim3A_312 = vector.broadcast %jit3A_311 : f32 to vector<16xf32>
      %select_n3A_313 = arith.select %and3A_310, %get3A_168, %broadcast_in_dim3A_312 : vector<16xi1>, vector<16xf32>
      %and3A_314 = arith.andi %and3A_271, %and3A_206 : vector<16xi1>
      %jit3A_315 = arith.constant 0.000000e+00 : f32
      %broadcast_in_dim3A_316 = vector.broadcast %jit3A_315 : f32 to vector<16xf32>
      %select_n3A_317 = arith.select %and3A_314, %get3A_170, %broadcast_in_dim3A_316 : vector<16xi1>, vector<16xf32>
      %jit3A_318 = arith.constant 0.000000e+00 : f32
      %jit3A_319 = arith.constant 2.047000e+03 : f32
      %max3A = vector.broadcast %jit3A_318 : f32 to vector<16xf32>
      %max3A_320 = arith.maximumf %max3A, %mul3A_117 : vector<16xf32>
      %min3A_321 = vector.broadcast %jit3A_319 : f32 to vector<16xf32>
      %min3A_322 = arith.minimumf %min3A_321, %max3A_320 : vector<16xf32>
      %jit3A_323 = arith.constant 0.000000e+00 : f32
      %jit3A_324 = arith.constant 2.047000e+03 : f32
      %max3A_325 = vector.broadcast %jit3A_323 : f32 to vector<16xf32>
      %max3A_326 = arith.maximumf %max3A_325, %mul3A_123 : vector<16xf32>
      %min3A_327 = vector.broadcast %jit3A_324 : f32 to vector<16xf32>
      %min3A_328 = arith.minimumf %min3A_327, %max3A_326 : vector<16xf32>
      %jit3A_329 = arith.constant 0.000000e+00 : f32
      %jit3A_330 = arith.constant 2.047000e+03 : f32
      %max3A_331 = vector.broadcast %jit3A_329 : f32 to vector<16xf32>
      %max3A_332 = arith.maximumf %max3A_331, %select_n3A_131 : vector<16xf32>
      %min3A_333 = vector.broadcast %jit3A_330 : f32 to vector<16xf32>
      %min3A_334 = arith.minimumf %min3A_333, %max3A_332 : vector<16xf32>
      %sub3A_335 = arith.subf %min3A_322, %min3A_334 : vector<16xf32>
      %jit3A_336 = arith.constant 0.000000e+00 : f32
      %jit3A_337 = arith.constant 2.047000e+03 : f32
      %max3A_338 = vector.broadcast %jit3A_336 : f32 to vector<16xf32>
      %max3A_339 = arith.maximumf %max3A_338, %select_n3A_143 : vector<16xf32>
      %min3A_340 = vector.broadcast %jit3A_337 : f32 to vector<16xf32>
      %min3A_341 = arith.minimumf %min3A_340, %max3A_339 : vector<16xf32>
      %sub3A_342 = arith.subf %min3A_328, %min3A_341 : vector<16xf32>
      %sub3A_343 = arith.constant 1.000000e+00 : f32
      %sub3A_344 = vector.broadcast %sub3A_343 : f32 to vector<16xf32>
      %sub3A_345 = arith.subf %sub3A_344, %sub3A_342 : vector<16xf32>
      %sub3A_346 = arith.constant 1.000000e+00 : f32
      %sub3A_347 = vector.broadcast %sub3A_346 : f32 to vector<16xf32>
      %sub3A_348 = arith.subf %sub3A_347, %sub3A_335 : vector<16xf32>
      %mul3A_349 = arith.mulf %sub3A_348, %get3A_154 : vector<16xf32>
      %mul3A_350 = arith.mulf %sub3A_335, %get3A_156 : vector<16xf32>
      %add3A_351 = arith.addf %mul3A_349, %mul3A_350 : vector<16xf32>
      %mul3A_352 = arith.mulf %sub3A_345, %add3A_351 : vector<16xf32>
      %sub3A_353 = arith.constant 1.000000e+00 : f32
      %sub3A_354 = vector.broadcast %sub3A_353 : f32 to vector<16xf32>
      %sub3A_355 = arith.subf %sub3A_354, %sub3A_335 : vector<16xf32>
      %mul3A_356 = arith.mulf %sub3A_355, %get3A_162 : vector<16xf32>
      %mul3A_357 = arith.mulf %sub3A_335, %get3A_164 : vector<16xf32>
      %add3A_358 = arith.addf %mul3A_356, %mul3A_357 : vector<16xf32>
      %mul3A_359 = arith.mulf %sub3A_342, %add3A_358 : vector<16xf32>
      %add3A_360 = arith.addf %mul3A_352, %mul3A_359 : vector<16xf32>
      %sub3A_361 = arith.constant 1.000000e+00 : f32
      %sub3A_362 = vector.broadcast %sub3A_361 : f32 to vector<16xf32>
      %sub3A_363 = arith.subf %sub3A_362, %sub3A_132 : vector<16xf32>
      %sub3A_364 = arith.constant 1.000000e+00 : f32
      %sub3A_365 = vector.broadcast %sub3A_364 : f32 to vector<16xf32>
      %sub3A_366 = arith.subf %sub3A_365, %sub3A_144 : vector<16xf32>
      %mul3A_367 = arith.mulf %sub3A_363, %select_n3A_289 : vector<16xf32>
      %mul3A_368 = arith.mulf %sub3A_132, %select_n3A_293 : vector<16xf32>
      %add3A_369 = arith.addf %mul3A_367, %mul3A_368 : vector<16xf32>
      %mul3A_370 = arith.mulf %sub3A_366, %add3A_369 : vector<16xf32>
      %mul3A_371 = arith.mulf %sub3A_363, %select_n3A_305 : vector<16xf32>
      %mul3A_372 = arith.mulf %sub3A_132, %select_n3A_309 : vector<16xf32>
      %add3A_373 = arith.addf %mul3A_371, %mul3A_372 : vector<16xf32>
      %mul3A_374 = arith.mulf %sub3A_144, %add3A_373 : vector<16xf32>
      %add3A_375 = arith.addf %mul3A_370, %mul3A_374 : vector<16xf32>
      %mul3A_376 = arith.mulf %sub3A_363, %select_n3A_281 : vector<16xf32>
      %mul3A_377 = arith.mulf %sub3A_132, %select_n3A_285 : vector<16xf32>
      %add3A_378 = arith.addf %mul3A_376, %mul3A_377 : vector<16xf32>
      %mul3A_379 = arith.mulf %sub3A_366, %add3A_378 : vector<16xf32>
      %mul3A_380 = arith.mulf %sub3A_363, %select_n3A_297 : vector<16xf32>
      %mul3A_381 = arith.mulf %sub3A_132, %select_n3A_301 : vector<16xf32>
      %add3A_382 = arith.addf %mul3A_380, %mul3A_381 : vector<16xf32>
      %mul3A_383 = arith.mulf %sub3A_144, %add3A_382 : vector<16xf32>
      %add3A_384 = arith.addf %mul3A_379, %mul3A_383 : vector<16xf32>
      %mul3A_385 = arith.mulf %sub3A_363, %select_n3A_301 : vector<16xf32>
      %mul3A_386 = arith.mulf %sub3A_132, %select_n3A_305 : vector<16xf32>
      %add3A_387 = arith.addf %mul3A_385, %mul3A_386 : vector<16xf32>
      %mul3A_388 = arith.mulf %sub3A_366, %add3A_387 : vector<16xf32>
      %mul3A_389 = arith.mulf %sub3A_363, %select_n3A_313 : vector<16xf32>
      %mul3A_390 = arith.mulf %sub3A_132, %select_n3A_317 : vector<16xf32>
      %add3A_391 = arith.addf %mul3A_389, %mul3A_390 : vector<16xf32>
      %mul3A_392 = arith.mulf %sub3A_144, %add3A_391 : vector<16xf32>
      %add3A_393 = arith.addf %mul3A_388, %mul3A_392 : vector<16xf32>
      %mul3A_394 = arith.mulf %sub3A_363, %select_n3A_273 : vector<16xf32>
      %mul3A_395 = arith.mulf %sub3A_132, %select_n3A_277 : vector<16xf32>
      %add3A_396 = arith.addf %mul3A_394, %mul3A_395 : vector<16xf32>
      %mul3A_397 = arith.mulf %sub3A_366, %add3A_396 : vector<16xf32>
      %mul3A_398 = arith.mulf %sub3A_363, %select_n3A_285 : vector<16xf32>
      %mul3A_399 = arith.mulf %sub3A_132, %select_n3A_289 : vector<16xf32>
      %add3A_400 = arith.addf %mul3A_398, %mul3A_399 : vector<16xf32>
      %mul3A_401 = arith.mulf %sub3A_144, %add3A_400 : vector<16xf32>
      %add3A_402 = arith.addf %mul3A_397, %mul3A_401 : vector<16xf32>
      %sub3A_403 = arith.subf %add3A_375, %add3A_384 : vector<16xf32>
      %mul3A_404 = arith.constant 5.117500e+02 : f32
      %mul3A_405 = vector.broadcast %mul3A_404 : f32 to vector<16xf32>
      %mul3A_406 = arith.mulf %sub3A_403, %mul3A_405 : vector<16xf32>
      %sub3A_407 = arith.subf %add3A_393, %add3A_402 : vector<16xf32>
      %mul3A_408 = arith.constant 5.117500e+02 : f32
      %mul3A_409 = vector.broadcast %mul3A_408 : f32 to vector<16xf32>
      %mul3A_410 = arith.mulf %sub3A_407, %mul3A_409 : vector<16xf32>
      %mul3A_411 = arith.mulf %mul3A_406, %mul3A_406 : vector<16xf32>
      %mul3A_412 = arith.mulf %mul3A_410, %mul3A_410 : vector<16xf32>
      %add3A_413 = arith.addf %mul3A_411, %mul3A_412 : vector<16xf32>
      %max3A_414 = arith.constant 9.99999996E-13 : f32
      %max3A_415 = vector.broadcast %max3A_414 : f32 to vector<16xf32>
      %max3A_416 = arith.maximumf %add3A_413, %max3A_415 : vector<16xf32>
      %div3A_417 = arith.divf %add3A_360, %max3A_416 : vector<16xf32>
      %bitcast_convert_type3A = tpu.bitcast %max3A_416 : vector<16xf32> -> vector<16xi32>
      %shift_right_arithmetic3A = arith.constant 1 : i32
      %shift_right_arithmetic3A_418 = vector.broadcast %shift_right_arithmetic3A : i32 to vector<16xi32>
      %shift_right_arithmetic3A_419 = arith.shrsi %bitcast_convert_type3A, %shift_right_arithmetic3A_418 : vector<16xi32>
      %sub3A_420 = arith.constant 1597463007 : i32
      %sub3A_421 = vector.broadcast %sub3A_420 : i32 to vector<16xi32>
      %sub3A_422 = arith.subi %sub3A_421, %shift_right_arithmetic3A_419 : vector<16xi32>
      %bitcast_convert_type3A_423 = tpu.bitcast %sub3A_422 : vector<16xi32> -> vector<16xf32>
      %mul3A_424 = arith.constant 5.000000e-01 : f32
      %mul3A_425 = vector.broadcast %mul3A_424 : f32 to vector<16xf32>
      %mul3A_426 = arith.mulf %mul3A_425, %max3A_416 : vector<16xf32>
      %mul3A_427 = arith.mulf %mul3A_426, %bitcast_convert_type3A_423 : vector<16xf32>
      %mul3A_428 = arith.mulf %mul3A_427, %bitcast_convert_type3A_423 : vector<16xf32>
      %sub3A_429 = arith.constant 1.500000e+00 : f32
      %sub3A_430 = vector.broadcast %sub3A_429 : f32 to vector<16xf32>
      %sub3A_431 = arith.subf %sub3A_430, %mul3A_428 : vector<16xf32>
      %mul3A_432 = arith.mulf %bitcast_convert_type3A_423, %sub3A_431 : vector<16xf32>
      %mul3A_433 = arith.mulf %mul3A_426, %mul3A_432 : vector<16xf32>
      %mul3A_434 = arith.mulf %mul3A_433, %mul3A_432 : vector<16xf32>
      %sub3A_435 = arith.constant 1.500000e+00 : f32
      %sub3A_436 = vector.broadcast %sub3A_435 : f32 to vector<16xf32>
      %sub3A_437 = arith.subf %sub3A_436, %mul3A_434 : vector<16xf32>
      %mul3A_438 = arith.mulf %mul3A_432, %sub3A_437 : vector<16xf32>
      %mul3A_439 = arith.mulf %mul3A_426, %mul3A_438 : vector<16xf32>
      %mul3A_440 = arith.mulf %mul3A_439, %mul3A_438 : vector<16xf32>
      %sub3A_441 = arith.constant 1.500000e+00 : f32
      %sub3A_442 = vector.broadcast %sub3A_441 : f32 to vector<16xf32>
      %sub3A_443 = arith.subf %sub3A_442, %mul3A_440 : vector<16xf32>
      %mul3A_444 = arith.mulf %mul3A_438, %sub3A_443 : vector<16xf32>
      %mul3A_445 = arith.constant 1.000000e-03 : f32
      %mul3A_446 = vector.broadcast %mul3A_445 : f32 to vector<16xf32>
      %mul3A_447 = arith.mulf %mul3A_446, %mul3A_444 : vector<16xf32>
      %add3A_448 = arith.addf %div3A_417, %mul3A_447 : vector<16xf32>
      %mul3A_449 = arith.mulf %add3A_448, %mul3A_406 : vector<16xf32>
      %sub3A_450 = arith.subf %get3A_87, %mul3A_449 : vector<16xf32>
      %mul3A_451 = arith.mulf %add3A_448, %mul3A_410 : vector<16xf32>
      %sub3A_452 = arith.subf %get3A_89, %mul3A_451 : vector<16xf32>
      %gt3A_453 = arith.constant 0.000000e+00 : f32
      %gt3A_454 = vector.broadcast %gt3A_453 : f32 to vector<16xf32>
      %gt3A_455 = arith.cmpf ogt, %add3A_360, %gt3A_454 : vector<16xf32>
      %mul3A_456 = arith.constant 16 : i32
      %mul3A_457 = arith.muli %scan3A_83, %mul3A_456 : i32
      %select_n3A_458 = arith.select %gt3A_455, %sub3A_450, %get3A_87 : vector<16xi1>, vector<16xf32>
      %swap3A = arith.index_cast %mul3A_457 : i32 to index
      %swap3A_459 = tpu.vector_load %arg59[%swap3A] {strides = array<i32>} : memref<2048xf32, #tpu.memory_space<vmem>>, vector<16xf32>,
      tpu.vector_store %arg59[%swap3A], %select_n3A_458 {strides = array<i32>} : memref<2048xf32, #tpu.memory_space<vmem>>, vector<16xf32>,
      %select_n3A_460 = arith.select %gt3A_455, %sub3A_452, %get3A_89 : vector<16xi1>, vector<16xf32>
      %swap3A_461 = arith.index_cast %mul3A_457 : i32 to index
      %swap3A_462 = tpu.vector_load %arg61[%swap3A_461] {strides = array<i32>} : memref<2048xf32, #tpu.memory_space<vmem>>, vector<16xf32>,
      tpu.vector_store %arg61[%swap3A_461], %select_n3A_460 {strides = array<i32>} : memref<2048xf32, #tpu.memory_space<vmem>>, vector<16xf32>,
      %scan3A_463 = arith.constant 0 : i32
      scf.yield %scan3A_463 : i32
    }
    %scan3A_73 = arith.constant 128 : i32
    %add3A_74 = arith.constant 1024 : i32
    %add3A_75 = arith.addi %add3A, %add3A_74 : i32
    %min3A_76 = arith.constant 976 : i32
    %min3A_77 = arith.minsi %add3A_75, %min3A_76 : i32
    %mul3A_78 = arith.constant 2048 : i32
    %mul3A_79 = arith.muli %min3A_77, %mul3A_78 : i32
    %min3A_80 = arith.constant 1997952 : i32
    %min3A_81 = arith.minsi %mul3A_79, %min3A_80 : i32
    %multiple_of3A_82 = tpu.assume_multiple %min3A_81, 8 : i32
    "tpu.region"() ({
      %run_scoped3A = tpu.sem_alloc : memref<!tpu.dma_semaphore, #tpu.memory_space<semaphore_mem>>
      %dma_start3A_83 = tpu.memref_slice %arg5[%multiple_of3A_82] : memref<2000000xf32, #tpu.memory_space<hbm>> -> memref<2048xf32, #tpu.memory_space<hbm>>
      %dma_start3A_84 = tpu.memref_slice %arg5[%multiple_of3A_82] : memref<2000000xf32, #tpu.memory_space<hbm>> -> memref<2048xf32, #tpu.memory_space<hbm>>
      tpu.enqueue_dma source(%arg59 : memref<2048xf32, #tpu.memory_space<vmem>>) target(%dma_start3A_84 : memref<2048xf32, #tpu.memory_space<hbm>>) target_semaphore(%run_scoped3A : memref<!tpu.dma_semaphore, #tpu.memory_space<semaphore_mem>>)
      %dma_wait3A_85 = tpu.memref_slice %arg5[%multiple_of3A_82] : memref<2000000xf32, #tpu.memory_space<hbm>> -> memref<2048xf32, #tpu.memory_space<hbm>>
      %dma_wait3A_86 = tpu.memref_slice %arg5[%multiple_of3A_82] : memref<2000000xf32, #tpu.memory_space<hbm>> -> memref<2048xf32, #tpu.memory_space<hbm>>
      tpu.wait_dma2 semaphore(%run_scoped3A : memref<!tpu.dma_semaphore, #tpu.memory_space<semaphore_mem>>) src(%arg59 : memref<2048xf32, #tpu.memory_space<vmem>>) dst(%dma_wait3A_86 : memref<2048xf32, #tpu.memory_space<hbm>>)
      tpu.yield
    }) : () -> ()
    "tpu.region"() ({
      %run_scoped3A = tpu.sem_alloc : memref<!tpu.dma_semaphore, #tpu.memory_space<semaphore_mem>>
      %dma_start3A_83 = tpu.memref_slice %arg6[%multiple_of3A_82] : memref<2000000xf32, #tpu.memory_space<hbm>> -> memref<2048xf32, #tpu.memory_space<hbm>>
      %dma_start3A_84 = tpu.memref_slice %arg6[%multiple_of3A_82] : memref<2000000xf32, #tpu.memory_space<hbm>> -> memref<2048xf32, #tpu.memory_space<hbm>>
      tpu.enqueue_dma source(%arg61 : memref<2048xf32, #tpu.memory_space<vmem>>) target(%dma_start3A_84 : memref<2048xf32, #tpu.memory_space<hbm>>) target_semaphore(%run_scoped3A : memref<!tpu.dma_semaphore, #tpu.memory_space<semaphore_mem>>)
      %dma_wait3A_85 = tpu.memref_slice %arg6[%multiple_of3A_82] : memref<2000000xf32, #tpu.memory_space<hbm>> -> memref<2048xf32, #tpu.memory_space<hbm>>
      %dma_wait3A_86 = tpu.memref_slice %arg6[%multiple_of3A_82] : memref<2000000xf32, #tpu.memory_space<hbm>> -> memref<2048xf32, #tpu.memory_space<hbm>>
      tpu.wait_dma2 semaphore(%run_scoped3A : memref<!tpu.dma_semaphore, #tpu.memory_space<semaphore_mem>>) src(%arg61 : memref<2048xf32, #tpu.memory_space<vmem>>) dst(%dma_wait3A_86 : memref<2048xf32, #tpu.memory_space<hbm>>)
      tpu.yield
    }) : () -> ()
    return
  }
}

</mosaic_0001>

<sc_bundles>
// kernel: kernel.3.cloned.1.call-start
scs
__scs_entry_jumppad:
0x0: {  	(pc) =	sbr.rel $0x88, $3  }
0x1: {  	(tag) =	ssettag $0x0;
	lr =	simm.s32 $0x1  }
0x2: {  	[smem:$0x3F9F] =	sst lr;
	_ =	strace $0xD0000000  }
0x3: {  	_ = 	snop  }
0x4: {  	_ = 	snop  }
0x5: {  	_ = 	snop  }
0x6: {  	_ = 	snop  }
0x7: {  	_ = 	snop  }
__scs_overlays_trampoline_lowered:
0x8: {  	[smem:$0x3FAE] =	sst s0  }
0x9: {  	[smem:$0x3FAF] =	sst s1  }
0xa: {  	[smem:$0x3FB0] =	sst s2  }
0xb: {  	[smem:$0x3FB1] =	sst s3  }
0xc: {  	[smem:$0x3FB2] =	sst s4  }
0xd: {  	[smem:$0x3FB3] =	sst s5  }
0xe: {  	[smem:$0x3FB4] =	sst s6  }
0xf: {  	[smem:$0x3FB5] =	sst s7  }
0x10: {  	[smem:$0x3FB6] =	sst s8  }
0x11: {  	[smem:$0x3FB7] =	sst s9;
	s0 =	simm.s32 @!p0 $0x0  }
0x12: {  	s1 =	sld [smem:$0x3F9D];
	s0 =	simm.s32 @p0 $0x1  }
0x13: {  	[smem:$0x3FB8] =	sst s0;
	s0 =	simm.s32 @!p1 $0x0  }
0x14: {  	s2 =	sld [smem:$0x3F9C];
	s0 =	simm.s32 @p1 $0x1  }
0x15: {  	[smem:$0x3FB9] =	sst s0;
	s0 =	simm.s32 @!p2 $0x0  }
0x16: {  	s3 =	sld [smem:$0x3FDB];
	s0 =	simm.s32 @p2 $0x1  }
0x17: {  	s4 =	simm.s32 $0x1BF5;
	[smem:$0x3FBB] =	sst s0  }
0x18: {  	s0 =	sld [smem:$0x3F9E];
	_ =	swait.ge [sflag:s4], $0x0  }
0x19: {  	s7 =	sld [smem:$0x3F9F]  }
0x1a: {  	s8 =	sadd.s32 $0xFFFFE003, lr  }
0x1b: {  	s9 =	sadd.s32 $0xFFFFFEF7, lr;
	s5 =	simm.s32 $0xFFFFFFFF;
	p2 =	slt.u32 s8, $0xFFFFF086  }
0x1c: {  	p1 =	slt.u32 s9, $0xF7A;
	s5 =	simm.s32 @!p2 $0x0  }
0x1d: {  	s5 =	simm.s32 @p1 $0x1;
	p0 =	seq.s32 s7, s2  }
0x1e: {  	s7 =	smul.u32 @!p0 $0xF7A, s2;
	p2 =	seq.s32 @!p0 s5, $0x0  }
0x1f: {  	s9 =	smul.u32 $0xF7A, s1;
	s8 =	simm.s32 @!p0 $0x1BF5;
	p2 =	por !p2, p0  }
0x20: {  	[sflag:s8] =	ssyncset.s32 @!p0 $0xFFFFF086;
	s6 =	sadd.s32 @!p0 s3, s7;
	s7 =	simm.s32 @!p0 $0x108  }
0x21: {  	s3 =	sadd.s32 s3, s9;
	s6 =	sadd.s32 @!p0 $0x88, s6;
	s7 =	simm.s32 @p2 $0x1082  }
0x22: {  	[simem:s7], [sflag:s8] =	dma.local @!p0 [hbm:s6], $0xF7A  }
0x23: {  	s9 =	sor.u32 $0xD0000000, s2;
	s6 =	simm.s32 $0x108;
	_ =	swait.ge @!p0 [sflag:s8], $0x0  }
0x24: {  	s3 =	sadd.s32 $0x88, s3;
	s6 =	simm.s32 @!p1 $0x1082;
	[sflag:s4] =	ssyncset.s32 $0xFFFFF086  }
0x25: {  	[simem:s6], [sflag:s4] =	dma.local [hbm:s3], $0xF7A  }
0x26: {  	[smem:$0x3F9F] =	sst s1;
	(tag) =	ssettag s2;
	_ =	strace s9  }
0x27: {  	s1 =	sld [smem:$0x3FAF]  }
0x28: {  	s2 =	sld [smem:$0x3FB0]  }
0x29: {  	s4 =	sld [smem:$0x3FB2]  }
0x2a: {  	p0 =	seq.s32 s5, $0x0;
	s5 =	sld [smem:$0x3FB3]  }
0x2b: {  	s6 =	sld [smem:$0x3FB4]  }
0x2c: {  	s7 =	sld [smem:$0x3FB5]  }
0x2d: {  	s3 =	simm.s32 $0x108;
	s8 =	sld [smem:$0x3FB6]  }
0x2e: {  	s3 =	simm.s32 @!p0 $0x1082;
	s9 =	sld [smem:$0x3FB7]  }
0x2f: {  	lr =	sadd.s32 s0, s3;
	s0 =	sld [smem:$0x3FAE]  }
0x30: {  	s3 =	sld [smem:$0x3FB1]  }
0x31: {  	[smem:$0x3FBA] =	sst s10  }
0x32: {  	s10 =	sld [smem:$0x3FB8];
	_ =	sdelay $0x3  }
0x33: {  	p0 =	seq.s32 s10, $0x1;
	s10 =	sld [smem:$0x3FBA];
	_ =	sdelay $0x3  }
0x34: {  	[smem:$0x3FBA] =	sst s10  }
0x35: {  	s10 =	sld [smem:$0x3FB9];
	_ =	sdelay $0x3  }
0x36: {  	p1 =	seq.s32 s10, $0x1;
	s10 =	sld [smem:$0x3FBA];
	_ =	sdelay $0x3  }
0x37: {  	[smem:$0x3FBA] =	sst s10  }
0x38: {  	s10 =	sld [smem:$0x3FBB]  }
0x39: {  	_ = 	snop;
	(pc) =	sbr.ind lr, $3  }
0x3a: {  	_ = 	snop  }
0x3b: {  	_ = 	snop  }
0x3c: {  	p2 =	seq.s32 s10, $0x1;
	s10 =	sld [smem:$0x3FBA]  }
0x3d: {  	_ =	shalt  }
0x3e: {  	_ =	shalt  }
0x3f: {  	_ =	shalt  }
0x40: {  	_ =	shalt  }
0x41: {  	_ =	shalt  }
0x42: {  	_ =	shalt  }
0x43: {  	_ =	shalt  }
0x44: {  	_ =	shalt  }
0x45: {  	_ =	shalt  }
0x46: {  	_ =	shalt  }
0x47: {  	_ =	shalt  }
0x48: {  	_ =	shalt  }
0x49: {  	_ =	shalt  }
0x4a: {  	_ =	shalt  }
0x4b: {  	_ =	shalt  }
0x4c: {  	_ =	shalt  }
0x4d: {  	_ =	shalt  }
0x4e: {  	_ =	shalt  }
0x4f: {  	_ =	shalt  }
0x50: {  	_ =	shalt  }
0x51: {  	_ =	shalt  }
0x52: {  	_ =	shalt  }
0x53: {  	_ =	shalt  }
0x54: {  	_ =	shalt  }
0x55: {  	_ =	shalt  }
0x56: {  	_ =	shalt  }
0x57: {  	_ =	shalt  }
0x58: {  	_ =	shalt  }
0x59: {  	_ =	shalt  }
0x5a: {  	_ =	shalt  }
0x5b: {  	_ =	shalt  }
0x5c: {  	_ =	shalt  }
0x5d: {  	_ =	shalt  }
0x5e: {  	_ =	shalt  }
0x5f: {  	_ =	shalt  }
0x60: {  	_ =	shalt  }
0x61: {  	_ =	shalt  }
0x62: {  	_ =	shalt  }
0x63: {  	_ =	shalt  }
0x64: {  	_ =	shalt  }
0x65: {  	_ =	shalt  }
0x66: {  	_ =	shalt  }
0x67: {  	_ =	shalt  }
0x68: {  	_ =	shalt  }
0x69: {  	_ =	shalt  }
0x6a: {  	_ =	shalt  }
0x6b: {  	_ =	shalt  }
0x6c: {  	_ =	shalt  }
0x6d: {  	_ =	shalt  }
0x6e: {  	_ =	shalt  }
0x6f: {  	_ =	shalt  }
0x70: {  	_ =	shalt  }
0x71: {  	_ =	shalt  }
0x72: {  	_ =	shalt  }
0x73: {  	_ =	shalt  }
0x74: {  	_ =	shalt  }
0x75: {  	_ =	shalt  }
0x76: {  	_ =	shalt  }
0x77: {  	_ =	shalt  }
0x78: {  	_ =	shalt  }
0x79: {  	_ =	shalt  }
0x7a: {  	_ =	shalt  }
0x7b: {  	_ =	shalt  }
0x7c: {  	_ =	shalt  }
0x7d: {  	_ =	shalt  }
0x7e: {  	_ =	shalt  }
0x7f: {  	_ =	shalt  }
0x80: {  	_ =	shalt  }
0x81: {  	_ =	shalt  }
0x82: {  	_ =	shalt  }
0x83: {  	_ =	shalt  }
0x84: {  	_ =	shalt  }
0x85: {  	_ =	shalt  }
0x86: {  	_ =	shalt  }
0x87: {  	_ =	shalt  }
.Lfunc_end0:
.L_simem_size_0:
called_computation_lowered:
.L_overlay_start_0:
0x88: {  	s2 =	sld [smem:$0x3FD9]  }
0x89: {  	s3 =	sld [smem:$0x3FFE];
	_ =	sdelay $0x1  }
0x8a: {  	s1 =	srdreg.scid  }
0x8b: {  	s0 =	sand.u32 $0x1, s1  }
0x8c: {  	s17 =	sshll.u32 s0, $0xA;
	s2 =	sadd.s32 s3, s2  }
0x8d: {  	s2 =	sadd.s32 s2, s17  }
0x8e: {  	[smem:$0x3FC6] =	sst s2  }
0x8f: {  	_ = 	snop  }
0x90: {  	s2 =	sld [smem:$0x3FD0];
	(tm) =	ssettm $0x1  }
0x91: {  	s18 =	sld [smem:$0x3FFB];
	_ =	sdelay $0x3  }
0x92: {  	_ =	strace s18  }
0x93: {  	s3 =	sld [smem:$0x3FFC];
	_ =	sdelay $0x3  }
0x94: {  	_ =	strace s3  }
0x95: {  	s3 =	sld [smem:$0x3FFD];
	_ =	sdelay $0x3  }
0x96: {  	_ =	strace s3  }
0x97: {  	_ =	strace $0x8FFFFFFF  }
0x98: {  	s19 =	sld [smem:$0x3FDB];
	_ =	sdelay $0x1  }
0x99: {  	s4 =	simm.s32 $_scs_section_size  }
0x9a: {  	s5 =	simm.s32 $_size__tile_overlayer_lowered;
	s6 =	simm.s32 $_tile_overlayer_lowered  }
0x9b: {  	s22 =	simm.s32 $0x1BFF;
	s21 =	sshll.u32 s6, $0x1;
	s3 =	sadd.s32 s4, s19  }
0x9c: {  	s7 =	simm.s32 $0x0;
	s20 =	sshll.u32 s5, $0x1;
	s5 =	sadd.s32 s21, s3  }
0x9d: {  	[timem:s7], [sflag:s22] =	dma.local [hbm:s5], s20  }
0x9e: {  	_ =	swait.ge [sflag:s22], s20  }
0x9f: {  	s4 =	ssub.s32 $0x0, s20;
	[sflag:s22] =	ssyncset.done $0x0  }
0xa0: {  	[sflag:s22] =	ssyncadd.s32 s4;
	_ =	sdelay $0x1  }
0xa1: {  	s23 =	simm.s32 $0x1B8B  }
0xa2: {  	_ =	swait.ge [sflag:s23], $0x1  }
0xa3: {  	[sflag:s23] =	ssyncset.done $0x0  }
0xa4: {  	s25 =	simm.s32 $0x1B8E;
	s24 =	sld [smem:$0x3FFE];
	[sflag:s23] =	ssyncadd.s32 $0xFFFFFFFF  }
0xa5: {  	s26 =	simm.s32 $execute0_lowered;
	[smem:$0x3FD2] =	sst s25  }
0xa6: {  	s5 =	sshll.u32 s26, $0x1;
	_ =	strace $0x80000046;
	[dreg:$0x1] =	wrdreg $0xFFFFFFFF  }
0xa7: {  	s28 =	simm.s32 $_size_execute0_lowered;
	s3 =	sadd.s32 s3, s5;
	[dreg:$0x0] =	wrdreg $0x0  }
0xa8: {  	s5 =	sshll.u32 s28, $0x1;
	[dreg:$0x2] =	wrdreg s3  }
0xa9: {  	[dreg:$0x3] =	wrdreg s5  }
0xaa: {  	[dreg:$0x4] =	wrdreg $0xC0  }
0xab: {  	_ =	task [dreg:s7], $0x5FFFF  }
0xac: {  	[dreg:$0x1] =	wrdreg $0xFFFFFFFF  }
0xad: {  	[dreg:$0x0] =	wrdreg $0x60  }
0xae: {  	[dreg:$0x2] =	wrdreg s24  }
0xaf: {  	[dreg:$0x3] =	wrdreg s2  }
0xb0: {  	[dreg:$0x4] =	wrdreg $0x9  }
0xb1: {  	_ =	task.clear_ibuf [dreg:s7], $0x5FFFF;
	_ =	strace $0x90000046  }
0xb2: {  	s29 =	simm.s32 $0x9;
	_ =	strace $0x80000048  }
0xb3: {  	_ =	swait.ge [sflag:s29], $0x1  }
0xb4: {  	[sflag:s29] =	ssyncadd.s32 $0xFFFFFFFF  }
0xb5: {  	_ =	strace $0x90000048  }
0xb6: {  	_ =	sfence  }
0xb7: {  	s30 =	sld [smem:$0x0];
	_ =	sdelay $0x2  }
0xb8: {  	s31 =	sshll.u32 s1, $0xD;
	s1 =	sshrl.u32 s1, $0x2  }
0xb9: {  	s3 =	sand.u32 $0x4000, s31;
	s1 =	sadd.s32 s1, s30  }
0xba: {  	s0 =	sor.u32 s3, s0;
	s1 =	sshll.u32 s1, $0x11  }
0xbb: {  	s0 =	sor.u32 s1, s0  }
0xbc: {  	s0 =	sadd.s32 $0x8F2B, s0  }
0xbd: {  	[sflag:s0] =	ssyncadd.remote.s32 $0x1  }
0xbe: {  	_ =	sfence.sel $0xFFFF  }
0xbf: {  	[dreg:$0x0] =	wrdreg $0xFFFFFFFF;
	(pc) =	sbr.abs _section_cstart, $3  }
0xc0: {  	[dreg:$0x1] =	wrdreg $0xFFFFFFFF  }
0xc1: {  	_ =	task.clear_ibuf [dreg:s7], $0x2FFFF;
	_ =	strace $0x9FFFFFFF  }
0xc2: {  	(tm) =	ssettm $0x7FFFFFFF  }
0xc3: {  	_ =	shalt  }
tec
execute0_lowered:
.L_overlay_start_1:
0x0: {  	(tag) =	ssettag $0x1  }
0x1: {  	s0 =	rddreg [dreg:$0x0]  }
0x2: {  	s1 =	rddreg [dreg:$0x1];
	s2 =	simm.s32 $0x0;
	s3 =	srdreg.scid  }
0x3: {  	s6 =	stileid.u32;
	s15 =	simm.s32 $0x3;
	s17 =	simm.s32 $0x800  }
0x4: {  	s12 =	simm.s32 $0x12000;
	s13 =	simm.s32 $0x6800;
	[smem:$0x7FF] =	sst s2  }
0x5: {  	s14 =	simm.s32 $0x12800;
	s16 =	simm.s32 $0x7000;
	v0 =	vimm.f32 $2.000000000e+00;
	_ =	strace $0x80000047  }
0x6: {  	s18 =	simm.s32 $0x13000;
	s19 =	simm.s32 $0x7800;
	s20 =	simm.s32 $0x13800;
	(erf) = vrcp.f32 v0  }
0x7: {  	s21 =	simm.s32 $0x1;
	s22 =	simm.s32 $0x1A000;
	s23 =	simm.s32 $0x1B000  }
0x8: {  	s4 =	sadd.s32 $0x1800, s0;
	s5 =	sadd.s32 $0x3EA00, s0;
	s3 =	sand.u32 $0x1, s3  }
0x9: {  	s7 =	sshll.u32 s6, $0x1;
	s6 =	sadd.s32 $0xBEA00, s0;
	s8 =	sadd.s32 $0xFBC00, s0  }
0xa: {  	s30 =	sadd.s32 $0xFB990, s0;
	s0 =	sadd.s32 $0x138B90, s0;
	s7 =	sor.u32 s3, s7  }
0xb: {  	s9 =	ssub.s32 $0x2, s3;
	[dreg:$0x5] =	wrdreg s30;
	s10 =	sshll.u32 s7, $0x8  }
0xc: {  	[dreg:$0x6] =	wrdreg s0;
	s26 =	sshrl.u32 s9, $0x1;
	s28 =	sadd.s32 s4, s10  }
0xd: {  	s3 =	ssub.s32 s9, s26;
	s29 =	sadd.s32 s1, s10;
	[dreg:$0x3] =	wrdreg s28  }
0xe: {  	s24 =	simm.s32 $0x2;
	[dreg:$0x4] =	wrdreg s29;
	s31 =	smax.u32 s3, $0x1  }
0xf: {  	v1 =	vimm.s32 $0x0;
	s11 =	sor.u32 $0x40, s7;
	s3 =	simm.s32 $0x0;
	[dreg:$0x7] =	wrdreg s31;
	v0 =	vpop (erf)  }
.LBB2_1:
0x10: {  	[dreg:$0x8] =	wrdreg s3  }
0x11: {  	s0 =	rddreg [dreg:$0x3]  }
0x12: {  	[tilespmem:s2], [sflag:$0x3] =	stream.linear.gather [hbm4b:s0+s2], $0x800, $0x38;
	[tilespmem:$0x1C000] =	vst v63  }
0x13: {  	_ =	swait.ge [sflag:s15], $0x800  }
0x14: {  	[sflag:s15] =	ssyncset.done $0x0  }
0x15: {  	s31 =	simm.s32 $0x1000;
	s30 =	rddreg [dreg:$0x4];
	[sflag:s15] =	ssyncadd.s32 $0xFFFFF800  }
0x16: {  	[tilespmem:s31], [sflag:$0x3] =	stream.linear.gather [hbm4b:s30+s2], $0x800, $0x38;
	[tilespmem:$0x1C000] =	vst v63  }
0x17: {  	_ =	swait.ge [sflag:s15], $0x800  }
0x18: {  	[sflag:s15] =	ssyncset.done $0x0  }
0x19: {  	s3 =	simm.s32 $0x0;
	[sflag:s15] =	ssyncadd.s32 $0xFFFFF800  }
0x1a: {  	v2 =	vld [tilespmem:s3+$0x1000]  }
0x1b: {  	v3 =	vld [tilespmem:s3+$0x0]  }
0x1c: {  	s0 =	simm.s32 $0x10  }
0x1d: {  	v8 =	vld [tilespmem:s0+$0x1000]  }
0x1e: {  	v9 =	vld [tilespmem:s0+$0x0]  }
0x1f: {  	v2 =	vadd.f32 $1.000000000e+00, v2  }
0x20: {  	v3 =	vadd.f32 $1.000000000e+00, v3  }
0x21: {  	v2 =	vadd.f32 v2, v2  }
0x22: {  	v8 =	vadd.f32 $1.000000000e+00, v8;
	v3 =	vadd.f32 v3, v3  }
0x23: {  	v9 =	vadd.f32 $1.000000000e+00, v9;
	v2 =	vmul.f32 v2, v0  }
0x24: {  	v8 =	vadd.f32 v8, v8;
	v3 =	vmul.f32 v3, v0  }
0x25: {  	v9 =	vadd.f32 v9, v9;
	v2 =	vadd.f32 $-1.000000000e+00, v2  }
0x26: {  	v3 =	vadd.f32 $-1.000000000e+00, v3  }
0x27: {  	v8 =	vmul.f32 v8, v0;
	v9 =	vmul.f32 v9, v0;
	v2 =	vadd.f32 $1.000000000e+00, v2  }
0x28: {  	v3 =	vadd.f32 $1.000000000e+00, v3  }
0x29: {  	v8 =	vadd.f32 $-1.000000000e+00, v8;
	v9 =	vadd.f32 $-1.000000000e+00, v9;
	v2 =	vmul.f32 $1.023500000e+03, v2  }
0x2a: {  	v3 =	vmul.f32 $1.023500000e+03, v3  }
0x2b: {  	v8 =	vadd.f32 $1.000000000e+00, v8;
	v9 =	vadd.f32 $1.000000000e+00, v9;
	v4 =	vtrunc.f32 v2  }
0x2c: {  	v5 =	vtrunc.f32 v3;
	v6 =	vcvt.f32.s32 v4;
	vm0 =	vlt.f32 v2, v4  }
0x2d: {  	v2 =	vcvt.f32.s32 v5;
	vm1 =	vlt.f32 v3, v5;
	v3 =	vsel vm0, $0xFFFFFFFF, v1  }
0x2e: {  	v8 =	vmul.f32 $1.023500000e+03, v8;
	v4 =	vsel vm1, $0xFFFFFFFF, v1;
	v3 =	vadd.s32 v6, v3  }
0x2f: {  	v9 =	vmul.f32 $1.023500000e+03, v9;
	v2 =	vadd.s32 v2, v4;
	v4 =	vadd.s32 $0xFFFFFFFF, v3  }
0x30: {  	v5 =	vadd.s32 $0x2, v3;
	v6 =	vadd.s32 $0x1, v2;
	v7 =	vadd.s32 $0x1, v3  }
0x31: {  	v10 =	vadd.s32 $0xFFFFFFFF, v2;
	v11 =	vadd.s32 $0x2, v2;
	vm0 =	vgt.s32 v5, $0x0  }
0x32: {  	vm1 =	vgt.s32 v6, $0x0;
	vm2 =	vgt.s32 v4, $0x0;
	vm3 =	vgt.s32 v10, $0x0  }
0x33: {  	v5 =	vnsel vm0, $0x0, v5;
	v6 =	vnsel vm1, $0x0, v6;
	vm0 =	vgt.s32 v7, $0x0  }
0x34: {  	vm1 =	vgt.s32 v3, $0x0;
	v4 =	vnsel vm2, $0x0, v4;
	v10 =	vnsel vm3, $0x0, v10  }
0x35: {  	v5 =	vmin.u32 v5, $0x7FF;
	v6 =	vmin.u32 v6, $0x7FF;
	v7 =	vnsel vm0, $0x0, v7  }
0x36: {  	vm0 =	vgt.s32 v11, $0x0;
	v3 =	vnsel vm1, $0x0, v3;
	vm1 =	vgt.s32 v2, $0x0  }
0x37: {  	v4 =	vmin.u32 v4, $0x7FF;
	v10 =	vmin.u32 v10, $0x7FF;
	v5 =	vshll.u32 v5, $0xB  }
0x38: {  	v2 =	vnsel vm1, $0x0, v2;
	v4 =	vshll.u32 v4, $0xB;
	v12 =	vor.u32 v6, v5  }
0x39: {  	v7 =	vmin.u32 v7, $0x7FF;
	v2 =	vmin.u32 v2, $0x7FF;
	v61 =	vor.u32 v6, v4;
	[tilespmem:s3+$0x7800] =	vst v12  }
0x3a: {  	v11 =	vnsel vm0, $0x0, v11;
	v7 =	vshll.u32 v7, $0xB;
	v4 =	vor.u32 v2, v4;
	[tilespmem:s3+$0x2800] =	vst v61  }
0x3b: {  	v3 =	vmin.u32 v3, $0x7FF;
	v11 =	vmin.u32 v11, $0x7FF;
	v62 =	vor.u32 v10, v7;
	[tilespmem:s3+$0x2000] =	vst v4  }
0x3c: {  	v3 =	vshll.u32 v3, $0xB;
	v13 =	vor.u32 v6, v7;
	v5 =	vor.u32 v2, v5;
	[tilespmem:s3+$0x5000] =	vst v62  }
0x3d: {  	v10 =	vor.u32 v10, v3;
	v63 =	vor.u32 v2, v3;
	v14 =	vor.u32 v6, v3;
	[tilespmem:s3+$0x6000] =	vst v13  }
0x3e: {  	v4 =	vor.u32 v2, v7;
	v7 =	vor.u32 v11, v7;
	v2 =	vtrunc.f32 v8;
	[tilespmem:s3+$0x7000] =	vst v5  }
0x3f: {  	[tilespmem:s3+$0x5800] =	vst v4;
	v4 =	vtrunc.f32 v9;
	v6 =	vcvt.f32.s32 v2;
	vm0 =	vlt.f32 v8, v2  }
0x40: {  	[tilespmem:s3+$0x3000] =	vst v10;
	v2 =	vcvt.f32.s32 v4;
	vm1 =	vlt.f32 v9, v4;
	v4 =	vsel vm0, $0xFFFFFFFF, v1  }
0x41: {  	v5 =	vor.u32 v11, v3;
	[tilespmem:s3+$0x6800] =	vst v7;
	v7 =	vsel vm1, $0xFFFFFFFF, v1;
	v3 =	vadd.s32 v6, v4  }
0x42: {  	[tilespmem:s3+$0x3800] =	vst v63;
	v2 =	vadd.s32 v2, v7;
	v4 =	vadd.s32 $0xFFFFFFFF, v3;
	v7 =	vadd.s32 $0x2, v3  }
0x43: {  	s9 =	simm.s32 $0x20;
	s25 =	simm.s32 $0xC0;
	[tilespmem:s3+$0x4000] =	vst v14;
	v6 =	vadd.s32 $0x1, v3;
	v8 =	vadd.s32 $0x1, v2;
	vm0 =	vgt.s32 v7, $0x0  }
.LBB2_2:
0x44: {  	p0 =	sne.s32 s25, $0x1FC0;
	v9 =	vld [tilespmem:s9+$0x1000];
	vm1 =	vgt.s32 v8, $0x0;
	vm2 =	vgt.s32 v4, $0x0;
	v7 =	vnsel vm0, $0x0, v7;
	[tilespmem:s3+$0x4800] =	vst v5;
	s3 =	smov.u32 s0;
	s0 =	smov.u32 s9  }
0x45: {  	vm0 =	vgt.s32 v6, $0x0;
	v5 =	vld [tilespmem:s0+$0x0];
	v8 =	vnsel vm1, $0x0, v8;
	v7 =	vmin.u32 v7, $0x7FF  }
0x46: {  	v10 =	vadd.s32 $0xFFFFFFFF, v2;
	v8 =	vmin.u32 v8, $0x7FF;
	v7 =	vshll.u32 v7, $0xB  }
0x47: {  	v11 =	vadd.s32 $0x2, v2;
	vm1 =	vgt.s32 v3, $0x0;
	v12 =	vor.u32 v8, v7  }
0x48: {  	vm3 =	vgt.s32 v10, $0x0;
	v4 =	vnsel vm2, $0x0, v4;
	v6 =	vnsel vm0, $0x0, v6;
	[tilespmem:s3+$0x7800] =	vst v12  }
0x49: {  	vm0 =	vgt.s32 v11, $0x0;
	v3 =	vnsel vm1, $0x0, v3;
	v9 =	vadd.f32 $1.000000000e+00, v9  }
0x4a: {  	vm1 =	vgt.s32 v2, $0x0;
	v4 =	vmin.u32 v4, $0x7FF;
	v5 =	vadd.f32 $1.000000000e+00, v5  }
0x4b: {  	v10 =	vnsel vm3, $0x0, v10;
	v6 =	vmin.u32 v6, $0x7FF;
	v9 =	vadd.f32 v9, v9  }
0x4c: {  	v11 =	vnsel vm0, $0x0, v11;
	v3 =	vmin.u32 v3, $0x7FF;
	v5 =	vadd.f32 v5, v5  }
0x4d: {  	v2 =	vnsel vm1, $0x0, v2;
	v4 =	vshll.u32 v4, $0xB;
	v9 =	vmul.f32 v9, v0  }
0x4e: {  	v10 =	vmin.u32 v10, $0x7FF;
	v6 =	vshll.u32 v6, $0xB;
	v5 =	vmul.f32 v5, v0  }
0x4f: {  	v11 =	vmin.u32 v11, $0x7FF;
	v3 =	vshll.u32 v3, $0xB;
	v9 =	vadd.f32 $-1.000000000e+00, v9  }
0x50: {  	v2 =	vmin.u32 v2, $0x7FF;
	v12 =	vor.u32 v8, v4;
	v5 =	vadd.f32 $-1.000000000e+00, v5  }
0x51: {  	v4 =	vor.u32 v2, v4;
	v9 =	vadd.f32 $1.000000000e+00, v9;
	[tilespmem:s3+$0x2800] =	vst v12;
	v12 =	vor.u32 v10, v6  }
0x52: {  	v13 =	vor.u32 v8, v6;
	v5 =	vadd.f32 $1.000000000e+00, v5;
	[tilespmem:s3+$0x2000] =	vst v4;
	v4 =	vor.u32 v2, v6  }
0x53: {  	v7 =	vor.u32 v2, v7;
	v6 =	vor.u32 v11, v6;
	v9 =	vmul.f32 $1.023500000e+03, v9;
	[tilespmem:s3+$0x5000] =	vst v12  }
0x54: {  	v14 =	vor.u32 v2, v3;
	v10 =	vor.u32 v10, v3;
	v12 =	vmul.f32 $1.023500000e+03, v5;
	[tilespmem:s3+$0x5800] =	vst v4  }
0x55: {  	v15 =	vor.u32 v8, v3;
	v5 =	vor.u32 v11, v3;
	v2 =	vtrunc.f32 v9;
	[tilespmem:s3+$0x6000] =	vst v13  }
.Ltmp0:
0x56: {  	v3 =	vtrunc.f32 v12;
	v4 =	vcvt.f32.s32 v2;
	vm0 =	vlt.f32 v9, v2;
	[tilespmem:s3+$0x6800] =	vst v6;
	(pc) =	sbr.rel @p0 .LBB2_2-.Ltmp0, $4  }
0x57: {  	v2 =	vcvt.f32.s32 v3;
	vm1 =	vlt.f32 v12, v3;
	v3 =	vsel vm0, $0xFFFFFFFF, v1;
	[tilespmem:s3+$0x7000] =	vst v7  }
0x58: {  	v6 =	vsel vm1, $0xFFFFFFFF, v1;
	v3 =	vadd.s32 v4, v3;
	[tilespmem:s3+$0x3000] =	vst v10  }
0x59: {  	v2 =	vadd.s32 v2, v6;
	v4 =	vadd.s32 $0xFFFFFFFF, v3;
	v7 =	vadd.s32 $0x2, v3;
	[tilespmem:s3+$0x3800] =	vst v14  }
0x5a: {  	s9 =	sshra.s32 s25, $0x2;
	s25 =	sadd.s32 $0x40, s25;
	v6 =	vadd.s32 $0x1, v3;
	v8 =	vadd.s32 $0x1, v2;
	vm0 =	vgt.s32 v7, $0x0;
	[tilespmem:s3+$0x4000] =	vst v15  }
0x5b: {  	v9 =	vld [tilespmem:s9+$0x1000];
	[tilespmem:s3+$0x4800] =	vst v5;
	vm1 =	vgt.s32 v8, $0x0  }
0x5c: {  	vm2 =	vgt.s32 v4, $0x0;
	v36 =	vnsel vm0, $0x0, v7;
	vm14 =	vgt.s32 v6, $0x0;
	v37 =	vld [tilespmem:s9+$0x0]  }
0x5d: {  	v10 =	vadd.s32 $0xFFFFFFFF, v2;
	v11 =	vadd.s32 $0x2, v2;
	vm15 =	vgt.s32 v3, $0x0  }
0x5e: {  	vm5 =	vgt.s32 v2, $0x0;
	v8 =	vnsel vm1, $0x0, v8;
	v5 =	vmin.u32 v36, $0x7FF  }
0x5f: {  	vm3 =	vgt.s32 v10, $0x0;
	v4 =	vnsel vm2, $0x0, v4;
	v6 =	vnsel vm14, $0x0, v6  }
0x60: {  	vm4 =	vgt.s32 v11, $0x0;
	v3 =	vnsel vm15, $0x0, v3;
	v9 =	vadd.f32 $1.000000000e+00, v9  }
0x61: {  	v2 =	vnsel vm5, $0x0, v2;
	v8 =	vmin.u32 v8, $0x7FF;
	v7 =	vadd.f32 $1.000000000e+00, v37  }
0x62: {  	v5 =	vshll.u32 v5, $0xB;
	v4 =	vmin.u32 v4, $0x7FF;
	v9 =	vadd.f32 v9, v9  }
0x63: {  	v10 =	vnsel vm3, $0x0, v10;
	v6 =	vmin.u32 v6, $0x7FF;
	v7 =	vadd.f32 v7, v7  }
0x64: {  	v11 =	vnsel vm4, $0x0, v11;
	v3 =	vmin.u32 v3, $0x7FF;
	v9 =	vmul.f32 v9, v0  }
0x65: {  	v2 =	vmin.u32 v2, $0x7FF;
	v12 =	vor.u32 v8, v5;
	v7 =	vmul.f32 v7, v0  }
0x66: {  	v4 =	vshll.u32 v4, $0xB;
	v10 =	vmin.u32 v10, $0x7FF;
	v9 =	vadd.f32 $-1.000000000e+00, v9  }
0x67: {  	v6 =	vshll.u32 v6, $0xB;
	v11 =	vmin.u32 v11, $0x7FF;
	v7 =	vadd.f32 $-1.000000000e+00, v7  }
0x68: {  	v3 =	vshll.u32 v3, $0xB;
	v5 =	vor.u32 v2, v5;
	v9 =	vadd.f32 $1.000000000e+00, v9  }
0x69: {  	v13 =	vor.u32 v8, v4;
	v4 =	vor.u32 v2, v4;
	v7 =	vadd.f32 $1.000000000e+00, v7  }
0x6a: {  	v14 =	vor.u32 v10, v6;
	v15 =	vor.u32 v2, v6;
	v9 =	vmul.f32 $1.023500000e+03, v9  }
0x6b: {  	v16 =	vor.u32 v8, v6;
	v6 =	vor.u32 v11, v6;
	v7 =	vmul.f32 $1.023500000e+03, v7  }
0x6c: {  	v10 =	vor.u32 v10, v3;
	[tilespmem:s0+$0x7800] =	vst v12;
	v2 =	vor.u32 v2, v3;
	v17 =	vtrunc.f32 v9  }
0x6d: {  	[tilespmem:s0+$0x7000] =	vst v5;
	vm6 =	vlt.f32 v9, v17;
	v38 =	vtrunc.f32 v7;
	v39 =	vcvt.f32.s32 v17  }
0x6e: {  	[tilespmem:s0+$0x2800] =	vst v13;
	vm7 =	vlt.f32 v7, v38;
	v40 =	vcvt.f32.s32 v38;
	v42 =	vsel vm6, $0xFFFFFFFF, v1  }
0x6f: {  	v41 =	vor.u32 v8, v3;
	[tilespmem:s0+$0x2000] =	vst v4;
	v43 =	vsel vm7, $0xFFFFFFFF, v1;
	v8 =	vadd.s32 v39, v42  }
0x70: {  	v3 =	vor.u32 v11, v3;
	[tilespmem:s0+$0x5000] =	vst v14;
	v7 =	vadd.s32 v40, v43;
	v44 =	vadd.s32 $0xFFFFFFFF, v8  }
0x71: {  	[tilespmem:s0+$0x5800] =	vst v15;
	v45 =	vadd.s32 $0x2, v8;
	v47 =	vadd.s32 $0x1, v8;
	v46 =	vadd.s32 $0x1, v7  }
0x72: {  	[tilespmem:s0+$0x6000] =	vst v16;
	vm8 =	vgt.s32 v45, $0x0;
	vm10 =	vgt.s32 v44, $0x0;
	vm11 =	vgt.s32 v47, $0x0  }
0x73: {  	[tilespmem:s0+$0x6800] =	vst v6;
	v51 =	vadd.s32 $0xFFFFFFFF, v7;
	v53 =	vadd.s32 $0x2, v7;
	vm13 =	vgt.s32 v7, $0x0  }
0x74: {  	[tilespmem:s0+$0x3000] =	vst v10;
	vm9 =	vgt.s32 v46, $0x0;
	v48 =	vnsel vm8, $0x0, v45;
	vm12 =	vgt.s32 v51, $0x0  }
0x75: {  	[tilespmem:s0+$0x3800] =	vst v2;
	v9 =	vnsel vm10, $0x0, v44;
	v49 =	vnsel vm9, $0x0, v46;
	v50 =	vmin.u32 v48, $0x7FF  }
0x76: {  	[tilespmem:s0+$0x4000] =	vst v41;
	v9 =	vmin.u32 v9, $0x7FF;
	v52 =	vmin.u32 v49, $0x7FF;
	v5 =	vshll.u32 v50, $0xB  }
0x77: {  	[tilespmem:s0+$0x4800] =	vst v3;
	v55 =	vnsel vm13, $0x0, v7;
	v56 =	vshll.u32 v9, $0xB;
	v2 =	vor.u32 v52, v5  }
0x78: {  	v54 =	vnsel vm11, $0x0, v47;
	v57 =	vmin.u32 v55, $0x7FF;
	v58 =	vor.u32 v52, v56;
	[tilespmem:s9+$0x7800] =	vst v2  }
0x79: {  	v3 =	vnsel vm12, $0x0, v51;
	v7 =	vor.u32 v57, v56;
	v2 =	vmin.u32 v54, $0x7FF;
	[tilespmem:s9+$0x2800] =	vst v58  }
0x7a: {  	v3 =	vmin.u32 v3, $0x7FF;
	v5 =	vor.u32 v57, v5;
	[tilespmem:s9+$0x2000] =	vst v7;
	v2 =	vshll.u32 v2, $0xB  }
0x7b: {  	vm15 =	vgt.s32 v8, $0x0;
	vm14 =	vgt.s32 v53, $0x0;
	[tilespmem:s9+$0x7000] =	vst v5;
	v59 =	vor.u32 v3, v2  }
0x7c: {  	v62 =	vnsel vm15, $0x0, v8;
	v60 =	vnsel vm14, $0x0, v53;
	v61 =	vor.u32 v57, v2;
	[tilespmem:s9+$0x5000] =	vst v59  }
0x7d: {  	v6 =	vmin.u32 v62, $0x7FF;
	v7 =	vmin.u32 v60, $0x7FF;
	v63 =	vor.u32 v52, v2;
	[tilespmem:s9+$0x5800] =	vst v61  }
0x7e: {  	v6 =	vshll.u32 v6, $0xB;
	v2 =	vor.u32 v7, v2;
	[tilespmem:s9+$0x6000] =	vst v63  }
0x7f: {  	[tilespmem:s9+$0x6800] =	vst v2;
	v2 =	vor.u32 v3, v6  }
0x80: {  	v3 =	vor.u32 v57, v6;
	[tilespmem:s9+$0x3000] =	vst v2  }
0x81: {  	v2 =	vor.u32 v52, v6;
	[tilespmem:s9+$0x3800] =	vst v3  }
0x82: {  	v3 =	vor.u32 v7, v6;
	[tilespmem:s9+$0x4000] =	vst v2  }
0x83: {  	s10 =	simm.s32 $0xE000;
	[tilespmem:s9+$0x4800] =	vst v3;
	s9 =	simm.s32 $0x2000  }
0x84: {  	[tilespmem:s10], [sflag:$0x1] =	stream.indirect.gather [hbm4b:s5+s17], $0x1, s9, s17, $0xb8;
	[tilespmem:$0x1C000] =	vst v63  }
0x85: {  	s25 =	simm.s32 $0x2800;
	s26 =	simm.s32 $0xE800  }
0x86: {  	[tilespmem:s26], [sflag:$0x1] =	stream.indirect.gather [hbm4b:s5+s17], $0x1, s25, s17, $0xb8;
	[tilespmem:$0x1C000] =	vst v63  }
0x87: {  	s28 =	simm.s32 $0x3000;
	s29 =	simm.s32 $0xF000  }
0x88: {  	[tilespmem:s29], [sflag:$0x1] =	stream.indirect.gather [hbm4b:s5+s17], $0x1, s28, s17, $0xb8;
	[tilespmem:$0x1C000] =	vst v63  }
0x89: {  	s30 =	simm.s32 $0x3800;
	s31 =	simm.s32 $0xF800  }
0x8a: {  	[tilespmem:s31], [sflag:$0x1] =	stream.indirect.gather [hbm4b:s5+s17], $0x1, s30, s17, $0xb8;
	[tilespmem:$0x1C000] =	vst v63  }
0x8b: {  	s3 =	simm.s32 $0x4000;
	s9 =	simm.s32 $0x10000  }
0x8c: {  	[tilespmem:s9], [sflag:$0x1] =	stream.indirect.gather [hbm4b:s5+s17], $0x1, s3, s17, $0xb8;
	[tilespmem:$0x1C000] =	vst v63  }
0x8d: {  	s10 =	simm.s32 $0x4800;
	s25 =	simm.s32 $0x10800  }
0x8e: {  	[tilespmem:s25], [sflag:$0x1] =	stream.indirect.gather [hbm4b:s5+s17], $0x1, s10, s17, $0xb8;
	[tilespmem:$0x1C000] =	vst v63  }
0x8f: {  	s26 =	simm.s32 $0x5000;
	s28 =	simm.s32 $0x11000  }
0x90: {  	[tilespmem:s28], [sflag:$0x1] =	stream.indirect.gather [hbm4b:s5+s17], $0x1, s26, s17, $0xb8;
	[tilespmem:$0x1C000] =	vst v63  }
0x91: {  	s29 =	simm.s32 $0x5800;
	s30 =	simm.s32 $0x11800  }
0x92: {  	[tilespmem:s30], [sflag:$0x1] =	stream.indirect.gather [hbm4b:s5+s17], $0x1, s29, s17, $0xb8;
	[tilespmem:$0x1C000] =	vst v63  }
0x93: {  	s31 =	simm.s32 $0x6000  }
0x94: {  	[tilespmem:s12], [sflag:$0x1] =	stream.indirect.gather [hbm4b:s5+s17], $0x1, s31, s17, $0xb8;
	[tilespmem:$0x1C000] =	vst v63  }
0x95: {  	_ = 	snop  }
0x96: {  	[tilespmem:s14], [sflag:$0x1] =	stream.indirect.gather [hbm4b:s5+s17], $0x1, s13, s17, $0xb8;
	[tilespmem:$0x1C000] =	vst v63  }
0x97: {  	_ = 	snop  }
0x98: {  	[tilespmem:s18], [sflag:$0x1] =	stream.indirect.gather [hbm4b:s5+s17], $0x1, s16, s17, $0xb8;
	[tilespmem:$0x1C000] =	vst v63  }
0x99: {  	s25 =	simm.s32 $0x0;
	s26 =	simm.s32 $0x0  }
0x9a: {  	[tilespmem:s20], [sflag:$0x1] =	stream.indirect.gather [hbm4b:s5+s17], $0x1, s19, s17, $0xb8;
	[tilespmem:$0x1C000] =	vst v63  }
.LBB2_4:
0x9b: {  	s29 =	sshll.u32 s26, $0x6  }
0x9c: {  	s30 =	sor.u32 s29, s7  }
0x9d: {  	s0 =	sor.u32 $0x20, s30  }
0x9e: {  	s0 =	smin.u32 s0, $0x3D0  }
0x9f: {  	s0 =	sshll.u32 s0, $0xB  }
0xa0: {  	s0 =	smin.u32 s0, $0x1E7C80  }
0xa1: {  	s28 =	sshrl.u32 s0, $0x3  }
0xa2: {  	s0 =	sadd.s32 s4, s28  }
0xa3: {  	[tilespmem:s17], [sflag:$0x3] =	stream.linear.gather [hbm4b:s0+s25], $0x800, $0x38;
	[tilespmem:$0x1C000] =	vst v63  }
0xa4: {  	_ =	swait.ge [sflag:s15], $0x800  }
0xa5: {  	[sflag:s15] =	ssyncset.done $0x0  }
0xa6: {  	s3 =	simm.s32 $0x1800;
	s10 =	sadd.s32 s1, s28;
	[sflag:s15] =	ssyncadd.s32 $0xFFFFF800  }
0xa7: {  	[tilespmem:s3], [sflag:$0x3] =	stream.linear.gather [hbm4b:s10+s25], $0x800, $0x38;
	[tilespmem:$0x1C000] =	vst v63  }
0xa8: {  	_ =	swait.ge [sflag:s15], $0x800  }
0xa9: {  	[sflag:s15] =	ssyncset.done $0x0  }
0xaa: {  	s3 =	simm.s32 $0x0;
	[sflag:s15] =	ssyncadd.s32 $0xFFFFF800  }
0xab: {  	v2 =	vld [tilespmem:s3+$0x1800]  }
0xac: {  	v3 =	vld [tilespmem:s3+$0x800]  }
0xad: {  	s0 =	simm.s32 $0x10  }
0xae: {  	v8 =	vld [tilespmem:s0+$0x1800]  }
0xaf: {  	v9 =	vld [tilespmem:s0+$0x800]  }
0xb0: {  	v2 =	vadd.f32 $1.000000000e+00, v2  }
0xb1: {  	v3 =	vadd.f32 $1.000000000e+00, v3  }
0xb2: {  	v2 =	vadd.f32 v2, v2  }
0xb3: {  	v8 =	vadd.f32 $1.000000000e+00, v8;
	v3 =	vadd.f32 v3, v3  }
0xb4: {  	v9 =	vadd.f32 $1.000000000e+00, v9;
	v2 =	vmul.f32 v2, v0  }
0xb5: {  	v8 =	vadd.f32 v8, v8;
	v3 =	vmul.f32 v3, v0  }
0xb6: {  	v9 =	vadd.f32 v9, v9;
	v2 =	vadd.f32 $-1.000000000e+00, v2  }
0xb7: {  	v3 =	vadd.f32 $-1.000000000e+00, v3  }
0xb8: {  	v8 =	vmul.f32 v8, v0;
	v9 =	vmul.f32 v9, v0;
	v2 =	vadd.f32 $1.000000000e+00, v2  }
0xb9: {  	v3 =	vadd.f32 $1.000000000e+00, v3  }
0xba: {  	v8 =	vadd.f32 $-1.000000000e+00, v8;
	v9 =	vadd.f32 $-1.000000000e+00, v9;
	v2 =	vmul.f32 $1.023500000e+03, v2  }
0xbb: {  	v3 =	vmul.f32 $1.023500000e+03, v3  }
0xbc: {  	v8 =	vadd.f32 $1.000000000e+00, v8;
	v9 =	vadd.f32 $1.000000000e+00, v9;
	v4 =	vtrunc.f32 v2  }
0xbd: {  	v5 =	vtrunc.f32 v3;
	v6 =	vcvt.f32.s32 v4;
	vm0 =	vlt.f32 v2, v4  }
0xbe: {  	v2 =	vcvt.f32.s32 v5;
	vm1 =	vlt.f32 v3, v5;
	v3 =	vsel vm0, $0xFFFFFFFF, v1  }
0xbf: {  	v8 =	vmul.f32 $1.023500000e+03, v8;
	v4 =	vsel vm1, $0xFFFFFFFF, v1;
	v3 =	vadd.s32 v6, v3  }
0xc0: {  	v9 =	vmul.f32 $1.023500000e+03, v9;
	v2 =	vadd.s32 v2, v4;
	v4 =	vadd.s32 $0xFFFFFFFF, v3  }
0xc1: {  	v5 =	vadd.s32 $0x2, v3;
	v6 =	vadd.s32 $0x1, v2;
	v7 =	vadd.s32 $0x1, v3  }
0xc2: {  	v10 =	vadd.s32 $0xFFFFFFFF, v2;
	v11 =	vadd.s32 $0x2, v2;
	vm0 =	vgt.s32 v5, $0x0  }
0xc3: {  	vm1 =	vgt.s32 v6, $0x0;
	vm2 =	vgt.s32 v4, $0x0;
	vm3 =	vgt.s32 v10, $0x0  }
0xc4: {  	v5 =	vnsel vm0, $0x0, v5;
	v6 =	vnsel vm1, $0x0, v6;
	vm0 =	vgt.s32 v7, $0x0  }
0xc5: {  	vm1 =	vgt.s32 v3, $0x0;
	v4 =	vnsel vm2, $0x0, v4;
	v10 =	vnsel vm3, $0x0, v10  }
0xc6: {  	v5 =	vmin.u32 v5, $0x7FF;
	v6 =	vmin.u32 v6, $0x7FF;
	v7 =	vnsel vm0, $0x0, v7  }
0xc7: {  	vm0 =	vgt.s32 v11, $0x0;
	v3 =	vnsel vm1, $0x0, v3;
	vm1 =	vgt.s32 v2, $0x0  }
0xc8: {  	v4 =	vmin.u32 v4, $0x7FF;
	v10 =	vmin.u32 v10, $0x7FF;
	v5 =	vshll.u32 v5, $0xB  }
0xc9: {  	v2 =	vnsel vm1, $0x0, v2;
	v4 =	vshll.u32 v4, $0xB;
	v12 =	vor.u32 v6, v5  }
0xca: {  	v7 =	vmin.u32 v7, $0x7FF;
	v2 =	vmin.u32 v2, $0x7FF;
	v61 =	vor.u32 v6, v4;
	[tilespmem:s3+$0xD800] =	vst v12  }
0xcb: {  	v11 =	vnsel vm0, $0x0, v11;
	v7 =	vshll.u32 v7, $0xB;
	v4 =	vor.u32 v2, v4;
	[tilespmem:s3+$0x8800] =	vst v61  }
0xcc: {  	v3 =	vmin.u32 v3, $0x7FF;
	v11 =	vmin.u32 v11, $0x7FF;
	v62 =	vor.u32 v10, v7;
	[tilespmem:s3+$0x8000] =	vst v4  }
0xcd: {  	v3 =	vshll.u32 v3, $0xB;
	v13 =	vor.u32 v6, v7;
	v5 =	vor.u32 v2, v5;
	[tilespmem:s3+$0xB000] =	vst v62  }
0xce: {  	v10 =	vor.u32 v10, v3;
	v63 =	vor.u32 v2, v3;
	v14 =	vor.u32 v6, v3;
	[tilespmem:s3+$0xC000] =	vst v13  }
0xcf: {  	v4 =	vor.u32 v2, v7;
	v7 =	vor.u32 v11, v7;
	v2 =	vtrunc.f32 v8;
	[tilespmem:s3+$0xD000] =	vst v5  }
0xd0: {  	[tilespmem:s3+$0xB800] =	vst v4;
	v4 =	vtrunc.f32 v9;
	v6 =	vcvt.f32.s32 v2;
	vm0 =	vlt.f32 v8, v2  }
0xd1: {  	[tilespmem:s3+$0x9000] =	vst v10;
	v2 =	vcvt.f32.s32 v4;
	vm1 =	vlt.f32 v9, v4;
	v4 =	vsel vm0, $0xFFFFFFFF, v1  }
0xd2: {  	v5 =	vor.u32 v11, v3;
	[tilespmem:s3+$0xC800] =	vst v7;
	v7 =	vsel vm1, $0xFFFFFFFF, v1;
	v3 =	vadd.s32 v6, v4  }
0xd3: {  	[tilespmem:s3+$0x9800] =	vst v63;
	v2 =	vadd.s32 v2, v7;
	v4 =	vadd.s32 $0xFFFFFFFF, v3;
	v7 =	vadd.s32 $0x2, v3  }
0xd4: {  	s9 =	simm.s32 $0x20;
	s31 =	simm.s32 $0xC0;
	[tilespmem:s3+$0xA000] =	vst v14;
	v6 =	vadd.s32 $0x1, v3;
	v8 =	vadd.s32 $0x1, v2;
	vm0 =	vgt.s32 v7, $0x0  }
.LBB2_5:
0xd5: {  	p0 =	sne.s32 s31, $0x1FC0;
	v9 =	vld [tilespmem:s9+$0x1800];
	vm1 =	vgt.s32 v8, $0x0;
	vm2 =	vgt.s32 v4, $0x0;
	v7 =	vnsel vm0, $0x0, v7;
	[tilespmem:s3+$0xA800] =	vst v5;
	s3 =	smov.u32 s0;
	s0 =	smov.u32 s9  }
0xd6: {  	vm0 =	vgt.s32 v6, $0x0;
	v5 =	vld [tilespmem:s0+$0x800];
	v8 =	vnsel vm1, $0x0, v8;
	v7 =	vmin.u32 v7, $0x7FF  }
0xd7: {  	v10 =	vadd.s32 $0xFFFFFFFF, v2;
	v8 =	vmin.u32 v8, $0x7FF;
	v7 =	vshll.u32 v7, $0xB  }
0xd8: {  	v11 =	vadd.s32 $0x2, v2;
	vm1 =	vgt.s32 v3, $0x0;
	v12 =	vor.u32 v8, v7  }
0xd9: {  	vm3 =	vgt.s32 v10, $0x0;
	v4 =	vnsel vm2, $0x0, v4;
	v6 =	vnsel vm0, $0x0, v6;
	[tilespmem:s3+$0xD800] =	vst v12  }
0xda: {  	vm0 =	vgt.s32 v11, $0x0;
	v3 =	vnsel vm1, $0x0, v3;
	v9 =	vadd.f32 $1.000000000e+00, v9  }
0xdb: {  	vm1 =	vgt.s32 v2, $0x0;
	v4 =	vmin.u32 v4, $0x7FF;
	v5 =	vadd.f32 $1.000000000e+00, v5  }
0xdc: {  	v10 =	vnsel vm3, $0x0, v10;
	v6 =	vmin.u32 v6, $0x7FF;
	v9 =	vadd.f32 v9, v9  }
0xdd: {  	v11 =	vnsel vm0, $0x0, v11;
	v3 =	vmin.u32 v3, $0x7FF;
	v5 =	vadd.f32 v5, v5  }
0xde: {  	v2 =	vnsel vm1, $0x0, v2;
	v4 =	vshll.u32 v4, $0xB;
	v9 =	vmul.f32 v9, v0  }
0xdf: {  	v10 =	vmin.u32 v10, $0x7FF;
	v6 =	vshll.u32 v6, $0xB;
	v5 =	vmul.f32 v5, v0  }
0xe0: {  	v11 =	vmin.u32 v11, $0x7FF;
	v3 =	vshll.u32 v3, $0xB;
	v9 =	vadd.f32 $-1.000000000e+00, v9  }
0xe1: {  	v2 =	vmin.u32 v2, $0x7FF;
	v12 =	vor.u32 v8, v4;
	v5 =	vadd.f32 $-1.000000000e+00, v5  }
0xe2: {  	v4 =	vor.u32 v2, v4;
	v9 =	vadd.f32 $1.000000000e+00, v9;
	[tilespmem:s3+$0x8800] =	vst v12;
	v12 =	vor.u32 v10, v6  }
0xe3: {  	v13 =	vor.u32 v8, v6;
	v5 =	vadd.f32 $1.000000000e+00, v5;
	[tilespmem:s3+$0x8000] =	vst v4;
	v4 =	vor.u32 v2, v6  }
0xe4: {  	v7 =	vor.u32 v2, v7;
	v6 =	vor.u32 v11, v6;
	v9 =	vmul.f32 $1.023500000e+03, v9;
	[tilespmem:s3+$0xB000] =	vst v12  }
0xe5: {  	v14 =	vor.u32 v2, v3;
	v10 =	vor.u32 v10, v3;
	v12 =	vmul.f32 $1.023500000e+03, v5;
	[tilespmem:s3+$0xB800] =	vst v4  }
0xe6: {  	v15 =	vor.u32 v8, v3;
	v5 =	vor.u32 v11, v3;
	v2 =	vtrunc.f32 v9;
	[tilespmem:s3+$0xC000] =	vst v13  }
.Ltmp1:
0xe7: {  	v3 =	vtrunc.f32 v12;
	v4 =	vcvt.f32.s32 v2;
	vm0 =	vlt.f32 v9, v2;
	[tilespmem:s3+$0xC800] =	vst v6;
	(pc) =	sbr.rel @p0 .LBB2_5-.Ltmp1, $4  }
0xe8: {  	v2 =	vcvt.f32.s32 v3;
	vm1 =	vlt.f32 v12, v3;
	v3 =	vsel vm0, $0xFFFFFFFF, v1;
	[tilespmem:s3+$0xD000] =	vst v7  }
0xe9: {  	v6 =	vsel vm1, $0xFFFFFFFF, v1;
	v3 =	vadd.s32 v4, v3;
	[tilespmem:s3+$0x9000] =	vst v10  }
0xea: {  	v2 =	vadd.s32 v2, v6;
	v4 =	vadd.s32 $0xFFFFFFFF, v3;
	v7 =	vadd.s32 $0x2, v3;
	[tilespmem:s3+$0x9800] =	vst v14  }
0xeb: {  	s9 =	sshra.s32 s31, $0x2;
	s31 =	sadd.s32 $0x40, s31;
	v6 =	vadd.s32 $0x1, v3;
	v8 =	vadd.s32 $0x1, v2;
	vm0 =	vgt.s32 v7, $0x0;
	[tilespmem:s3+$0xA000] =	vst v15  }
0xec: {  	v9 =	vld [tilespmem:s9+$0x1800];
	[tilespmem:s3+$0xA800] =	vst v5  }
0xed: {  	vm1 =	vgt.s32 v8, $0x0;
	vm2 =	vgt.s32 v4, $0x0;
	v5 =	vnsel vm0, $0x0, v7;
	v7 =	vld [tilespmem:s9+$0x800]  }
0xee: {  	vm8 =	vgt.s32 v6, $0x0;
	v10 =	vadd.s32 $0xFFFFFFFF, v2;
	v11 =	vadd.s32 $0x2, v2  }
0xef: {  	vm9 =	vgt.s32 v3, $0x0;
	vm11 =	vgt.s32 v2, $0x0;
	v8 =	vnsel vm1, $0x0, v8  }
0xf0: {  	v5 =	vmin.u32 v5, $0x7FF;
	vm3 =	vgt.s32 v10, $0x0;
	v4 =	vnsel vm2, $0x0, v4  }
0xf1: {  	v6 =	vnsel vm8, $0x0, v6;
	vm10 =	vgt.s32 v11, $0x0;
	v9 =	vadd.f32 $1.000000000e+00, v9  }
0xf2: {  	v3 =	vnsel vm9, $0x0, v3;
	v2 =	vnsel vm11, $0x0, v2;
	v7 =	vadd.f32 $1.000000000e+00, v7  }
0xf3: {  	v8 =	vmin.u32 v8, $0x7FF;
	v5 =	vshll.u32 v5, $0xB;
	v9 =	vadd.f32 v9, v9  }
0xf4: {  	v4 =	vmin.u32 v4, $0x7FF;
	v10 =	vnsel vm3, $0x0, v10;
	v7 =	vadd.f32 v7, v7  }
0xf5: {  	v6 =	vmin.u32 v6, $0x7FF;
	v11 =	vnsel vm10, $0x0, v11;
	v9 =	vmul.f32 v9, v0  }
0xf6: {  	v3 =	vmin.u32 v3, $0x7FF;
	v2 =	vmin.u32 v2, $0x7FF;
	v7 =	vmul.f32 v7, v0  }
0xf7: {  	v12 =	vor.u32 v8, v5;
	v4 =	vshll.u32 v4, $0xB;
	v9 =	vadd.f32 $-1.000000000e+00, v9  }
0xf8: {  	v10 =	vmin.u32 v10, $0x7FF;
	v6 =	vshll.u32 v6, $0xB;
	v7 =	vadd.f32 $-1.000000000e+00, v7  }
0xf9: {  	v11 =	vmin.u32 v11, $0x7FF;
	v3 =	vshll.u32 v3, $0xB;
	v9 =	vadd.f32 $1.000000000e+00, v9  }
0xfa: {  	v5 =	vor.u32 v2, v5;
	v13 =	vor.u32 v8, v4;
	v7 =	vadd.f32 $1.000000000e+00, v7  }
0xfb: {  	v4 =	vor.u32 v2, v4;
	v14 =	vor.u32 v10, v6;
	v9 =	vmul.f32 $1.023500000e+03, v9  }
0xfc: {  	v15 =	vor.u32 v2, v6;
	v16 =	vor.u32 v8, v6;
	v7 =	vmul.f32 $1.023500000e+03, v7  }
0xfd: {  	v6 =	vor.u32 v11, v6;
	v10 =	vor.u32 v10, v3;
	v17 =	vtrunc.f32 v9  }
0xfe: {  	[tilespmem:s0+$0xD800] =	vst v12;
	v2 =	vor.u32 v2, v3;
	v12 =	vtrunc.f32 v7;
	v18 =	vcvt.f32.s32 v17  }
0xff: {  	[tilespmem:s0+$0xD000] =	vst v5;
	vm12 =	vlt.f32 v9, v17;
	v9 =	vcvt.f32.s32 v12;
	vm13 =	vlt.f32 v7, v12  }
0x100: {  	[tilespmem:s0+$0x8000] =	vst v4;
	v4 =	vor.u32 v8, v3;
	v7 =	vsel vm12, $0xFFFFFFFF, v1;
	v8 =	vsel vm13, $0xFFFFFFFF, v1  }
0x101: {  	[tilespmem:s0+$0x8800] =	vst v13;
	v3 =	vor.u32 v11, v3;
	v7 =	vadd.s32 v18, v7;
	v8 =	vadd.s32 v9, v8  }
0x102: {  	[tilespmem:s0+$0xB000] =	vst v14;
	v9 =	vadd.s32 $0xFFFFFFFF, v7;
	v11 =	vadd.s32 $0x2, v7;
	v13 =	vadd.s32 $0x1, v7  }
0x103: {  	[tilespmem:s0+$0xB800] =	vst v15;
	v12 =	vadd.s32 $0x1, v8;
	vm14 =	vgt.s32 v11, $0x0;
	vm4 =	vgt.s32 v9, $0x0  }
0x104: {  	[tilespmem:s0+$0xC800] =	vst v6;
	vm5 =	vgt.s32 v13, $0x0;
	vm7 =	vgt.s32 v8, $0x0;
	vm15 =	vgt.s32 v12, $0x0  }
0x105: {  	[tilespmem:s0+$0xA000] =	vst v4;
	v6 =	vnsel vm14, $0x0, v11;
	v9 =	vnsel vm4, $0x0, v9;
	v4 =	vnsel vm5, $0x0, v13  }
0x106: {  	[tilespmem:s0+$0xC000] =	vst v16;
	v11 =	vnsel vm15, $0x0, v12;
	v5 =	vmin.u32 v6, $0x7FF;
	v6 =	vadd.s32 $0xFFFFFFFF, v8  }
0x107: {  	[tilespmem:s0+$0x9000] =	vst v10;
	v9 =	vmin.u32 v9, $0x7FF;
	v10 =	vmin.u32 v11, $0x7FF;
	v5 =	vshll.u32 v5, $0xB  }
0x108: {  	[tilespmem:s0+$0x9800] =	vst v2;
	v11 =	vadd.s32 $0x2, v8;
	vm6 =	vgt.s32 v6, $0x0;
	v2 =	vor.u32 v10, v5  }
0x109: {  	[tilespmem:s0+$0xA800] =	vst v3;
	v3 =	vnsel vm6, $0x0, v6;
	v6 =	vnsel vm7, $0x0, v8;
	v8 =	vshll.u32 v9, $0xB  }
0x10a: {  	[tilespmem:s9+$0xD800] =	vst v2;
	v2 =	vmin.u32 v4, $0x7FF;
	v4 =	vmin.u32 v6, $0x7FF;
	v6 =	vor.u32 v10, v8  }
0x10b: {  	v8 =	vor.u32 v4, v8;
	[tilespmem:s9+$0x8800] =	vst v6  }
0x10c: {  	v3 =	vmin.u32 v3, $0x7FF;
	v2 =	vshll.u32 v2, $0xB;
	v5 =	vor.u32 v4, v5;
	[tilespmem:s9+$0x8000] =	vst v8  }
0x10d: {  	vm9 =	vgt.s32 v7, $0x0;
	vm8 =	vgt.s32 v11, $0x0;
	v6 =	vor.u32 v3, v2;
	[tilespmem:s9+$0xD000] =	vst v5  }
0x10e: {  	v8 =	vnsel vm8, $0x0, v11;
	v9 =	vor.u32 v4, v2;
	[tilespmem:s9+$0xB000] =	vst v6;
	v6 =	vnsel vm9, $0x0, v7  }
0x10f: {  	v7 =	vmin.u32 v8, $0x7FF;
	v8 =	vor.u32 v10, v2;
	[tilespmem:s9+$0xB800] =	vst v9;
	v6 =	vmin.u32 v6, $0x7FF  }
0x110: {  	v2 =	vor.u32 v7, v2;
	[tilespmem:s9+$0xC000] =	vst v8;
	v6 =	vshll.u32 v6, $0xB  }
0x111: {  	[tilespmem:s9+$0xC800] =	vst v2;
	v2 =	vor.u32 v3, v6  }
0x112: {  	v3 =	vor.u32 v4, v6;
	[tilespmem:s9+$0x9000] =	vst v2  }
0x113: {  	v2 =	vor.u32 v10, v6;
	[tilespmem:s9+$0x9800] =	vst v3  }
0x114: {  	v3 =	vor.u32 v7, v6;
	[tilespmem:s9+$0xA000] =	vst v2  }
0x115: {  	s10 =	simm.s32 $0x14000;
	[tilespmem:s9+$0xA800] =	vst v3;
	s9 =	simm.s32 $0x8000  }
0x116: {  	[tilespmem:s10], [sflag:$0x2] =	stream.indirect.gather [hbm4b:s5+s17], $0x1, s9, s17, $0xb8;
	[tilespmem:$0x1C000] =	vst v63  }
0x117: {  	s9 =	simm.s32 $0x8800;
	s10 =	simm.s32 $0x14800  }
0x118: {  	[tilespmem:s10], [sflag:$0x2] =	stream.indirect.gather [hbm4b:s5+s17], $0x1, s9, s17, $0xb8;
	[tilespmem:$0x1C000] =	vst v63  }
0x119: {  	s9 =	simm.s32 $0x9000;
	s10 =	simm.s32 $0x15000  }
0x11a: {  	[tilespmem:s10], [sflag:$0x2] =	stream.indirect.gather [hbm4b:s5+s17], $0x1, s9, s17, $0xb8;
	[tilespmem:$0x1C000] =	vst v63  }
0x11b: {  	s9 =	simm.s32 $0x9800;
	s10 =	simm.s32 $0x15800  }
0x11c: {  	[tilespmem:s10], [sflag:$0x2] =	stream.indirect.gather [hbm4b:s5+s17], $0x1, s9, s17, $0xb8;
	[tilespmem:$0x1C000] =	vst v63  }
0x11d: {  	s9 =	simm.s32 $0xA000;
	s10 =	simm.s32 $0x16000  }
0x11e: {  	[tilespmem:s10], [sflag:$0x2] =	stream.indirect.gather [hbm4b:s5+s17], $0x1, s9, s17, $0xb8;
	[tilespmem:$0x1C000] =	vst v63  }
0x11f: {  	s9 =	simm.s32 $0xA800;
	s10 =	simm.s32 $0x16800  }
0x120: {  	[tilespmem:s10], [sflag:$0x2] =	stream.indirect.gather [hbm4b:s5+s17], $0x1, s9, s17, $0xb8;
	[tilespmem:$0x1C000] =	vst v63  }
0x121: {  	s9 =	simm.s32 $0xB000;
	s10 =	simm.s32 $0x17000  }
0x122: {  	[tilespmem:s10], [sflag:$0x2] =	stream.indirect.gather [hbm4b:s5+s17], $0x1, s9, s17, $0xb8;
	[tilespmem:$0x1C000] =	vst v63  }
0x123: {  	s9 =	simm.s32 $0xB800;
	s10 =	simm.s32 $0x17800  }
0x124: {  	[tilespmem:s10], [sflag:$0x2] =	stream.indirect.gather [hbm4b:s5+s17], $0x1, s9, s17, $0xb8;
	[tilespmem:$0x1C000] =	vst v63  }
0x125: {  	s9 =	simm.s32 $0xC000;
	s10 =	simm.s32 $0x18000  }
0x126: {  	[tilespmem:s10], [sflag:$0x2] =	stream.indirect.gather [hbm4b:s5+s17], $0x1, s9, s17, $0xb8;
	[tilespmem:$0x1C000] =	vst v63  }
0x127: {  	s9 =	simm.s32 $0xC800;
	s10 =	simm.s32 $0x18800  }
0x128: {  	[tilespmem:s10], [sflag:$0x2] =	stream.indirect.gather [hbm4b:s5+s17], $0x1, s9, s17, $0xb8;
	[tilespmem:$0x1C000] =	vst v63  }
0x129: {  	s9 =	simm.s32 $0xD000;
	s10 =	simm.s32 $0x19000  }
0x12a: {  	[tilespmem:s10], [sflag:$0x2] =	stream.indirect.gather [hbm4b:s5+s17], $0x1, s9, s17, $0xb8;
	[tilespmem:$0x1C000] =	vst v63  }
0x12b: {  	s9 =	simm.s32 $0xD800;
	s10 =	simm.s32 $0x19800  }
0x12c: {  	[tilespmem:s10], [sflag:$0x2] =	stream.indirect.gather [hbm4b:s5+s17], $0x1, s9, s17, $0xb8;
	[tilespmem:$0x1C000] =	vst v63  }
0x12d: {  	_ =	swait.ge [sflag:s21], $0x800  }
0x12e: {  	[sflag:s21] =	ssyncset.done $0x0  }
0x12f: {  	[sflag:s21] =	ssyncadd.s32 $0xFFFFF800  }
0x130: {  	_ =	swait.ge [sflag:s21], $0x800  }
0x131: {  	[sflag:s21] =	ssyncset.done $0x0  }
0x132: {  	[sflag:s21] =	ssyncadd.s32 $0xFFFFF800  }
0x133: {  	_ =	swait.ge [sflag:s21], $0x800  }
0x134: {  	[sflag:s21] =	ssyncset.done $0x0  }
0x135: {  	[sflag:s21] =	ssyncadd.s32 $0xFFFFF800  }
0x136: {  	_ =	swait.ge [sflag:s21], $0x800  }
0x137: {  	[sflag:s21] =	ssyncset.done $0x0  }
0x138: {  	[sflag:s21] =	ssyncadd.s32 $0xFFFFF800  }
0x139: {  	_ =	swait.ge [sflag:s21], $0x800  }
0x13a: {  	[sflag:s21] =	ssyncset.done $0x0  }
0x13b: {  	[sflag:s21] =	ssyncadd.s32 $0xFFFFF800  }
0x13c: {  	_ =	swait.ge [sflag:s21], $0x800  }
0x13d: {  	[sflag:s21] =	ssyncset.done $0x0  }
0x13e: {  	[sflag:s21] =	ssyncadd.s32 $0xFFFFF800  }
0x13f: {  	_ =	swait.ge [sflag:s21], $0x800  }
0x140: {  	[sflag:s21] =	ssyncset.done $0x0  }
0x141: {  	[sflag:s21] =	ssyncadd.s32 $0xFFFFF800  }
0x142: {  	_ =	swait.ge [sflag:s21], $0x800  }
0x143: {  	[sflag:s21] =	ssyncset.done $0x0  }
0x144: {  	[sflag:s21] =	ssyncadd.s32 $0xFFFFF800  }
0x145: {  	_ =	swait.ge [sflag:s21], $0x800  }
0x146: {  	[sflag:s21] =	ssyncset.done $0x0  }
0x147: {  	[sflag:s21] =	ssyncadd.s32 $0xFFFFF800  }
0x148: {  	_ =	swait.ge [sflag:s21], $0x800  }
0x149: {  	[sflag:s21] =	ssyncset.done $0x0  }
0x14a: {  	[sflag:s21] =	ssyncadd.s32 $0xFFFFF800  }
0x14b: {  	_ =	swait.ge [sflag:s21], $0x800  }
0x14c: {  	[sflag:s21] =	ssyncset.done $0x0  }
0x14d: {  	[sflag:s21] =	ssyncadd.s32 $0xFFFFF800  }
0x14e: {  	_ =	swait.ge [sflag:s21], $0x800  }
0x14f: {  	[sflag:s21] =	ssyncset.done $0x0  }
0x150: {  	s31 =	simm.s32 $0x0;
	[sflag:s21] =	ssyncadd.s32 $0xFFFFF800  }
0x151: {  	v2 =	vld [tilespmem:s31+$0x1000]  }
0x152: {  	v3 =	vld [tilespmem:s31+$0x0];
	_ =	sdelay $0x3  }
0x153: {  	v4 =	vadd.f32 $1.000000000e+00, v2  }
0x154: {  	v5 =	vadd.f32 $1.000000000e+00, v3  }
0x155: {  	v4 =	vadd.f32 v4, v4  }
0x156: {  	v5 =	vadd.f32 v5, v5  }
0x157: {  	v4 =	vmul.f32 v4, v0  }
0x158: {  	v5 =	vmul.f32 v5, v0  }
0x159: {  	v4 =	vadd.f32 $-1.000000000e+00, v4  }
0x15a: {  	v5 =	vadd.f32 $-1.000000000e+00, v5  }
0x15b: {  	v4 =	vadd.f32 $1.000000000e+00, v4  }
0x15c: {  	v5 =	vadd.f32 $1.000000000e+00, v5  }
0x15d: {  	v4 =	vmul.f32 $1.023500000e+03, v4  }
0x15e: {  	v5 =	vmul.f32 $1.023500000e+03, v5  }
0x15f: {  	v6 =	vtrunc.f32 v4  }
0x160: {  	v7 =	vtrunc.f32 v5;
	v6 =	vcvt.f32.s32 v6  }
0x161: {  	v7 =	vcvt.f32.s32 v7  }
0x162: {  	v8 =	vcvt.s32.f32 v6  }
0x163: {  	v10 =	vcvt.s32.f32 v7  }
0x164: {  	v12 =	vmax.f32 v4, $0.0e+00;
	v13 =	vmax.f32 v5, $0.0e+00;
	vm10 =	vlt.f32 v4, v8  }
0x165: {  	v9 =	vadd.f32 $-1.000000000e+00, v8;
	vm11 =	vlt.f32 v5, v10;
	v11 =	vsel vm10, $0xFFFFFFFF, v1  }
0x166: {  	v16 =	vsel vm11, $0xFFFFFFFF, v1;
	v6 =	vadd.s32 v6, v11;
	v11 =	vadd.f32 $-1.000000000e+00, v10  }
0x167: {  	v8 =	vsel vm10, v9, v8;
	v7 =	vadd.s32 v7, v16;
	v14 =	vadd.s32 $0xFFFFFFFF, v6  }
0x168: {  	v15 =	vmax.f32 v8, $0.0e+00;
	v20 =	vadd.s32 $0x1, v6;
	v19 =	vadd.s32 $0x2, v6  }
0x169: {  	v18 =	vor.u32 v7, v6;
	v25 =	vadd.s32 $0xFFFFFFFF, v7;
	v22 =	vmin.f32 v15, $2.047000000e+03  }
0x16a: {  	v17 =	vld [tilespmem:s31+$0x12000];
	v11 =	vsel vm11, v11, v10;
	v10 =	vadd.s32 $0x1, v7;
	v15 =	vor.u32 v7, v20  }
0x16b: {  	v21 =	vld [tilespmem:s31+$0xE800];
	vm14 =	vlt.u32 v18, $0x800;
	v26 =	vor.u32 v7, v14;
	v27 =	vor.u32 v25, v6  }
0x16c: {  	v30 =	vld [tilespmem:s31+$0xE000];
	v25 =	vor.u32 v25, v20;
	v18 =	vsub.f32 v4, v8;
	v4 =	vor.u32 v7, v19  }
0x16d: {  	v9 =	vld [tilespmem:s31+$0x11800];
	v7 =	vadd.s32 $0x2, v7;
	vm12 =	vlt.u32 v15, $0x800;
	v15 =	vor.u32 v10, v20  }
0x16e: {  	v16 =	vld [tilespmem:s31+$0xF800];
	v14 =	vor.u32 v10, v14;
	vm6 =	vlt.u32 v26, $0x800;
	vm7 =	vlt.u32 v27, $0x800  }
0x16f: {  	vm8 =	vlt.u32 v4, $0x800;
	vm11 =	vlt.u32 v25, $0x800;
	vm13 =	vlt.u32 v15, $0x800  }
0x170: {  	v28 =	vld [tilespmem:s31+$0x13800];
	v15 =	vor.u32 v10, v19;
	vm15 =	vlt.u32 v14, $0x800;
	v14 =	vsub.f32 v5, v11  }
0x171: {  	v31 =	vld [tilespmem:s31+$0x12800];
	v19 =	vsub.f32 $1.000000000e+00, v18;
	v10 =	vor.u32 v10, v6;
	v30 =	vnsel vm6, $0x0, v30  }
0x172: {  	v8 =	vld [tilespmem:s31+$0xF000];
	v6 =	vor.u32 v7, v6;
	v23 =	vnsel vm12, $0x0, v9;
	v24 =	vnsel vm13, $0x0, v17  }
0x173: {  	v29 =	vnsel vm14, $0x0, v16;
	v5 =	vnsel vm15, $0x0, v21;
	vm4 =	vlt.u32 v15, $0x800  }
0x174: {  	s0 =	simm.s32 $0x10;
	v27 =	vld [tilespmem:s31+$0x11000];
	vm5 =	vlt.u32 v10, $0x800;
	v15 =	vor.u32 v7, v20;
	vm10 =	vlt.u32 v6, $0x800  }
0x175: {  	v4 =	vld [tilespmem:s0+$0x1000];
	v6 =	vmin.f32 v13, $2.047000000e+03;
	v10 =	vnsel vm4, $0x0, v28;
	v28 =	vmul.f32 v29, v14  }
0x176: {  	v20 =	vld [tilespmem:s31+$0x10800];
	vm9 =	vlt.u32 v15, $0x800;
	v32 =	vmul.f32 v24, v14;
	v13 =	vsub.f32 $1.000000000e+00, v14  }
0x177: {  	v21 =	vld [tilespmem:s31+$0x13000];
	v26 =	vmul.f32 v10, v14;
	v8 =	vnsel vm7, $0x0, v8;
	v10 =	vnsel vm9, $0x0, v31  }
0x178: {  	v7 =	vld [tilespmem:s31+$0x10000];
	v31 =	vmul.f32 v5, v14;
	v5 =	vmax.f32 v11, $0.0e+00;
	v33 =	vmul.f32 v10, v14  }
0x179: {  	v10 =	vmul.f32 v23, v14;
	v11 =	vmin.f32 v5, $2.047000000e+03;
	v5 =	vld [tilespmem:s0+$0x0];
	v24 =	vmul.f32 v24, v13  }
0x17a: {  	v15 =	vnsel vm11, $0x0, v27;
	v8 =	vmul.f32 v8, v13;
	v23 =	vmul.f32 v23, v13  }
0x17b: {  	v29 =	vmul.f32 v29, v13;
	v25 =	vnsel vm10, $0x0, v20;
	v20 =	vadd.f32 $1.000000000e+00, v4  }
0x17c: {  	v6 =	vsub.f32 v6, v11;
	v15 =	vmul.f32 v15, v13;
	v11 =	vmul.f32 v30, v13  }
0x17d: {  	v21 =	vnsel vm8, $0x0, v21;
	v8 =	vadd.f32 v28, v8;
	v20 =	vadd.f32 v20, v20  }
0x17e: {  	v27 =	vnsel vm5, $0x0, v7;
	v23 =	vadd.f32 v32, v23;
	v28 =	vadd.f32 $1.000000000e+00, v5  }
0x17f: {  	v24 =	vadd.f32 v33, v24;
	v21 =	vmul.f32 v21, v13;
	v30 =	vmul.f32 v20, v0  }
0x180: {  	v17 =	vmul.f32 v6, v17;
	v20 =	vmul.f32 v8, v19;
	v8 =	vadd.f32 v28, v28  }
0x181: {  	v61 =	vmul.f32 v27, v14;
	v21 =	vadd.f32 v26, v21;
	v26 =	vadd.f32 $-1.000000000e+00, v30  }
0x182: {  	v11 =	vadd.f32 v31, v11;
	v23 =	vmul.f32 v23, v19;
	v8 =	vmul.f32 v8, v0  }
0x183: {  	v28 =	vadd.f32 v61, v29;
	v21 =	vmul.f32 v21, v18;
	v26 =	vadd.f32 $1.000000000e+00, v26  }
0x184: {  	v13 =	vmul.f32 v27, v13;
	v27 =	vmul.f32 v6, v7;
	v8 =	vadd.f32 $-1.000000000e+00, v8  }
0x185: {  	v29 =	vadd.f32 v21, v23;
	v23 =	vmul.f32 v28, v18;
	v28 =	vmul.f32 $1.023500000e+03, v26  }
0x186: {  	v11 =	vmul.f32 v11, v19;
	v26 =	vsub.f32 $1.000000000e+00, v6;
	v8 =	vadd.f32 $1.000000000e+00, v8  }
0x187: {  	v12 =	vmin.f32 v12, $2.047000000e+03;
	v21 =	vmul.f32 v24, v18;
	v6 =	vtrunc.f32 v28  }
0x188: {  	v7 =	vadd.f32 v11, v23;
	v16 =	vmul.f32 v26, v16;
	v8 =	vmul.f32 $1.023500000e+03, v8  }
0x189: {  	v23 =	vsub.f32 v12, v22;
	v11 =	vcvt.f32.s32 v6;
	v6 =	vmul.f32 v25, v14  }
0x18a: {  	v24 =	vsub.f32 v29, v7;
	v9 =	vmul.f32 v26, v9;
	v27 =	vadd.f32 v16, v27  }
0x18b: {  	v7 =	vtrunc.f32 v8;
	v12 =	vcvt.s32.f32 v11;
	v25 =	vadd.f32 v6, v13  }
0x18c: {  	v6 =	vadd.f32 v9, v17;
	v17 =	vmax.f32 v28, $0.0e+00;
	v13 =	vmax.f32 v8, $0.0e+00  }
0x18d: {  	v7 =	vcvt.f32.s32 v7;
	v59 =	vmin.f32 v13, $2.047000000e+03;
	v17 =	vmin.f32 v17, $2.047000000e+03  }
0x18e: {  	vm12 =	vlt.f32 v28, v12;
	v9 =	vadd.f32 $-1.000000000e+00, v12;
	v19 =	vmul.f32 v25, v19  }
0x18f: {  	v25 =	vsub.f32 $1.000000000e+00, v23;
	v14 =	vcvt.s32.f32 v7;
	v22 =	vsel vm12, $0xFFFFFFFF, v1  }
0x190: {  	v6 =	vmul.f32 v6, v23;
	v11 =	vadd.s32 v11, v22;
	v9 =	vsel vm12, v9, v12  }
0x191: {  	v19 =	vadd.f32 v21, v19;
	v25 =	vmul.f32 v27, v25;
	v22 =	vadd.f32 $-1.000000000e+00, v14  }
0x192: {  	vm13 =	vlt.f32 v8, v14;
	v12 =	vadd.s32 $0xFFFFFFFF, v11;
	v26 =	vmax.f32 v9, $0.0e+00  }
0x193: {  	v62 =	vadd.s32 $0x1, v11;
	v34 =	vadd.s32 $0x2, v11;
	v30 =	vsel vm13, $0xFFFFFFFF, v1  }
0x194: {  	v9 =	vsub.f32 v28, v9;
	v33 =	vmin.f32 v26, $2.047000000e+03;
	v7 =	vadd.s32 v7, v30  }
0x195: {  	v35 =	vld [tilespmem:s0+$0xE800];
	v14 =	vsel vm13, v22, v14;
	v22 =	vadd.s32 $0x1, v7;
	v30 =	vor.u32 v7, v62  }
0x196: {  	v41 =	vld [tilespmem:s0+$0x13800];
	v36 =	vor.u32 v7, v11;
	v39 =	vadd.s32 $0xFFFFFFFF, v7;
	v63 =	vor.u32 v7, v12  }
0x197: {  	v29 =	vld [tilespmem:s0+$0x11800];
	v28 =	vor.u32 v7, v34;
	v7 =	vadd.s32 $0x2, v7;
	v44 =	vsub.f32 v8, v14  }
0x198: {  	v43 =	vld [tilespmem:s0+$0xE000];
	vm14 =	vlt.u32 v30, $0x800;
	v30 =	vor.u32 v22, v62;
	v38 =	vor.u32 v22, v34  }
0x199: {  	v49 =	vld [tilespmem:s0+$0x13000];
	vm4 =	vlt.u32 v36, $0x800;
	v40 =	vor.u32 v39, v11;
	v39 =	vor.u32 v39, v62  }
0x19a: {  	v31 =	vld [tilespmem:s0+$0x12000];
	v12 =	vor.u32 v22, v12;
	v22 =	vor.u32 v22, v11;
	vm8 =	vlt.u32 v63, $0x800  }
0x19b: {  	v26 =	vld [tilespmem:s0+$0xF800];
	v32 =	vor.u32 v7, v62;
	vm10 =	vlt.u32 v28, $0x800;
	v7 =	vor.u32 v7, v11  }
0x19c: {  	v48 =	vld [tilespmem:s0+$0xF000];
	v37 =	vnsel vm14, $0x0, v29;
	vm15 =	vlt.u32 v30, $0x800;
	vm5 =	vlt.u32 v12, $0x800  }
0x19d: {  	v45 =	vld [tilespmem:s0+$0x12800];
	v12 =	vsub.f32 $1.000000000e+00, v9;
	vm6 =	vlt.u32 v38, $0x800;
	vm7 =	vlt.u32 v22, $0x800  }
0x19e: {  	v51 =	vld [tilespmem:s0+$0x10800];
	v43 =	vnsel vm8, $0x0, v43;
	vm9 =	vlt.u32 v40, $0x800;
	vm11 =	vlt.u32 v32, $0x800  }
0x19f: {  	v55 =	vld [tilespmem:s0+$0x10000];
	v53 =	vnsel vm10, $0x0, v49;
	vm12 =	vlt.u32 v7, $0x800;
	vm13 =	vlt.u32 v39, $0x800  }
0x1a0: {  	v58 =	vsub.f32 $1.000000000e+00, v44;
	v30 =	vnsel vm15, $0x0, v31;
	v42 =	vnsel vm4, $0x0, v26  }
0x1a1: {  	v52 =	vld [tilespmem:s0+$0x11000];
	v8 =	vnsel vm5, $0x0, v35;
	v22 =	vnsel vm6, $0x0, v41;
	v28 =	vnsel vm9, $0x0, v48  }
0x1a2: {  	v56 =	vnsel vm11, $0x0, v45;
	v11 =	vmul.f32 v37, v44;
	v50 =	vmul.f32 v42, v44  }
0x1a3: {  	v41 =	vnsel vm12, $0x0, v51;
	v22 =	vmul.f32 v22, v44;
	v54 =	vmul.f32 v30, v44  }
0x1a4: {  	s3 =	simm.s32 $0x20;
	v47 =	vnsel vm7, $0x0, v55;
	v57 =	vmul.f32 v8, v44;
	v40 =	vmul.f32 v56, v44  }
0x1a5: {  	v7 =	vld [tilespmem:s3+$0x1000];
	v8 =	vmax.f32 v14, $0.0e+00;
	v43 =	vmul.f32 v43, v58;
	v60 =	vmul.f32 v37, v58  }
0x1a6: {  	v14 =	vnsel vm13, $0x0, v52;
	v16 =	vmul.f32 v53, v58;
	v63 =	vmul.f32 v42, v58  }
0x1a7: {  	v42 =	vmul.f32 v47, v44;
	v46 =	vmin.f32 v8, $2.047000000e+03;
	v13 =	vmul.f32 v14, v58  }
0x1a8: {  	v14 =	vmul.f32 v28, v58;
	v8 =	vld [tilespmem:s3+$0x0];
	v28 =	vsub.f32 v59, v46;
	v61 =	vadd.f32 v54, v60  }
0x1a9: {  	v30 =	vmul.f32 v30, v58;
	v16 =	vadd.f32 v22, v16;
	v36 =	vadd.f32 v42, v63  }
0x1aa: {  	v48 =	vmul.f32 v47, v58;
	v45 =	vadd.f32 v57, v43;
	v62 =	vadd.f32 $1.000000000e+00, v7  }
0x1ab: {  	v49 =	vmul.f32 v41, v44;
	v30 =	vadd.f32 v40, v30;
	v46 =	vadd.f32 v10, v15  }
0x1ac: {  	v10 =	vsub.f32 v17, v33;
	v31 =	vmul.f32 v28, v31;
	v34 =	vadd.f32 v62, v62  }
0x1ad: {  	v32 =	vmul.f32 v61, v12;
	v18 =	vmul.f32 v46, v18;
	v22 =	vadd.f32 $1.000000000e+00, v8  }
0x1ae: {  	v14 =	vadd.f32 v50, v14;
	v16 =	vmul.f32 v16, v9;
	v34 =	vmul.f32 v34, v0  }
0x1af: {  	v37 =	vmul.f32 v45, v12;
	v18 =	vadd.f32 v18, v20;
	v22 =	vadd.f32 v22, v22  }
0x1b0: {  	v32 =	vadd.f32 v16, v32;
	v16 =	vmul.f32 v30, v9;
	v34 =	vadd.f32 $-1.000000000e+00, v34  }
0x1b1: {  	v30 =	vsub.f32 $1.000000000e+00, v28;
	v19 =	vsub.f32 v19, v18;
	v22 =	vmul.f32 v22, v0  }
0x1b2: {  	v36 =	vmul.f32 v36, v9;
	v53 =	vmul.f32 v28, v55;
	v17 =	vadd.f32 $1.000000000e+00, v34  }
0x1b3: {  	v38 =	vmul.f32 v30, v26;
	v19 =	vmul.f32 $5.117500000e+02, v19;
	v15 =	vadd.f32 $-1.000000000e+00, v22  }
0x1b4: {  	v18 =	vmul.f32 $5.117500000e+02, v24;
	v22 =	vadd.f32 v37, v36;
	v37 =	vmul.f32 $1.023500000e+03, v17  }
0x1b5: {  	v59 =	vmul.f32 v19, v19;
	v17 =	vmul.f32 v30, v29;
	v50 =	vadd.f32 $1.000000000e+00, v15  }
0x1b6: {  	v30 =	vmul.f32 v18, v18;
	v15 =	vsub.f32 v32, v22;
	v29 =	vtrunc.f32 v37  }
0x1b7: {  	v22 =	vadd.f32 v49, v48;
	v28 =	vmul.f32 $1.023500000e+03, v50;
	v29 =	vcvt.f32.s32 v29  }
0x1b8: {  	v14 =	vmul.f32 v14, v12;
	v31 =	vadd.f32 v17, v31;
	v30 =	vadd.f32 v30, v59  }
0x1b9: {  	v17 =	vmax.f32 v37, $0.0e+00;
	v56 =	vtrunc.f32 v28;
	v57 =	vcvt.s32.f32 v29  }
0x1ba: {  	v23 =	vmul.f32 v31, v10;
	v44 =	vmax.f32 v30, $9.999999960e-13;
	v32 =	vcvt.f32.s32 v56  }
0x1bb: {  	v33 =	vmax.f32 v28, $0.0e+00;
	v30 =	vmul.f32 $5.000000000e-01, v44;
	vm14 =	vlt.f32 v37, v57  }
0x1bc: {  	v21 =	vadd.f32 $-1.000000000e+00, v57;
	v20 =	vcvt.s32.f32 v32;
	v31 =	vsel vm14, $0xFFFFFFFF, v1  }
0x1bd: {  	(erf) = vrcp.f32 v44;
	v33 =	vmin.f32 v33, $2.047000000e+03;
	v29 =	vadd.s32 v29, v31  }
0x1be: {  	v31 =	vsel vm14, v21, v57;
	v26 =	vadd.f32 $-1.000000000e+00, v20;
	vm15 =	vlt.f32 v28, v20  }
0x1bf: {  	v36 =	vadd.s32 $0xFFFFFFFF, v29;
	v39 =	vadd.s32 $0x1, v29;
	v58 =	vsel vm15, $0xFFFFFFFF, v1  }
0x1c0: {  	v24 =	vmax.f32 v31, $0.0e+00;
	v60 =	vadd.s32 $0x2, v29;
	v32 =	vadd.s32 v32, v58  }
0x1c1: {  	v24 =	vmin.f32 v24, $2.047000000e+03;
	v43 =	vsel vm15, v26, v20;
	v41 =	vadd.s32 $0x1, v32  }
0x1c2: {  	v26 =	vor.u32 v32, v39;
	v61 =	vor.u32 v32, v29;
	v56 =	vadd.s32 $0xFFFFFFFF, v32  }
0x1c3: {  	v21 =	vld [tilespmem:s3+$0x11800];
	v57 =	vor.u32 v32, v36;
	v54 =	vadd.s32 $0x2, v32;
	vm4 =	vlt.u32 v26, $0x800  }
0x1c4: {  	v26 =	vor.u32 v41, v39;
	v62 =	vor.u32 v41, v60;
	vm6 =	vlt.u32 v61, $0x800  }
0x1c5: {  	v48 =	vor.u32 v56, v29;
	v52 =	vor.u32 v56, v39;
	v61 =	vor.u32 v41, v29  }
0x1c6: {  	v27 =	vld [tilespmem:s3+$0x12000];
	vm10 =	vlt.u32 v57, $0x800;
	vm5 =	vlt.u32 v26, $0x800;
	v26 =	vshra.s32 v44, $0x1  }
0x1c7: {  	v51 =	vld [tilespmem:s3+$0x13800];
	v39 =	vor.u32 v54, v39;
	v29 =	vor.u32 v54, v29;
	v49 =	vsub.s32 $0x5F3759DF, v26  }
0x1c8: {  	v59 =	vld [tilespmem:s3+$0xE000];
	v34 =	vnsel vm4, $0x0, v21;
	vm8 =	vlt.u32 v62, $0x800;
	v58 =	vmul.f32 v49, v30  }
0x1c9: {  	v20 =	vld [tilespmem:s3+$0xF800];
	vm9 =	vlt.u32 v61, $0x800;
	v26 =	vsub.f32 v37, v31;
	v31 =	vor.u32 v41, v36  }
0x1ca: {  	v63 =	vld [tilespmem:s3+$0xE800];
	vm11 =	vlt.u32 v48, $0x800;
	vm7 =	vlt.u32 v31, $0x800;
	v31 =	vmul.f32 v49, v58  }
0x1cb: {  	vm12 =	vlt.u32 v39, $0x800;
	vm14 =	vlt.u32 v29, $0x800;
	vm15 =	vlt.u32 v52, $0x800  }
0x1cc: {  	v29 =	vmax.f32 v43, $0.0e+00;
	v36 =	vor.u32 v32, v60;
	v60 =	vld [tilespmem:s3+$0xF000];
	v31 =	vsub.f32 $1.500000000e+00, v31  }
0x1cd: {  	v50 =	vnsel vm5, $0x0, v27;
	v32 =	vsub.f32 v28, v43;
	v62 =	vnsel vm8, $0x0, v51  }
0x1ce: {  	v41 =	vld [tilespmem:s3+$0x12800];
	v51 =	vnsel vm10, $0x0, v59;
	v35 =	vnsel vm6, $0x0, v20;
	v37 =	vmul.f32 v49, v31  }
0x1cf: {  	v29 =	vmin.f32 v29, $2.047000000e+03;
	v45 =	vnsel vm7, $0x0, v63;
	v42 =	vmul.f32 v35, v32;
	v63 =	vld [tilespmem:s3+$0x10800]  }
0x1d0: {  	v55 =	vld [tilespmem:s3+$0x13000];
	vm13 =	vlt.u32 v36, $0x800;
	v40 =	vmul.f32 v62, v32;
	v61 =	vmul.f32 v37, v30  }
0x1d1: {  	v48 =	vmul.f32 v50, v32;
	v43 =	vsub.f32 $1.000000000e+00, v32;
	v56 =	vnsel vm11, $0x0, v60;
	v60 =	vld [tilespmem:s3+$0x11000]  }
0x1d2: {  	v36 =	vsub.f32 v33, v29;
	v46 =	vmul.f32 v45, v32;
	v31 =	vld [tilespmem:s3+$0x10000];
	v62 =	vmul.f32 v61, v37  }
0x1d3: {  	v29 =	vadd.f32 v38, v53;
	v51 =	vmul.f32 v51, v43;
	v50 =	vmul.f32 v50, v43  }
0x1d4: {  	v41 =	vnsel vm12, $0x0, v41;
	v39 =	vnsel vm14, $0x0, v63;
	v63 =	vsub.f32 $1.500000000e+00, v62  }
0x1d5: {  	v28 =	vsub.f32 $1.000000000e+00, v26;
	v45 =	vmul.f32 v41, v32;
	v41 =	vmul.f32 v34, v32  }
0x1d6: {  	v49 =	vnsel vm13, $0x0, v55;
	v52 =	vnsel vm15, $0x0, v60;
	v37 =	vmul.f32 v63, v37  }
0x1d7: {  	s9 =	simm.s32 $0xC0;
	v47 =	vmul.f32 v52, v43;
	v52 =	vmul.f32 v56, v43;
	v44 =	vnsel vm9, $0x0, v31  }
.LBB2_7:
0x1d8: {  	s10 =	sshra.s32 s9, $0x2;
	p0 =	sne.s32 s9, $0x1FC0;
	s9 =	sadd.s32 $0x40, s9;
	v33 =	vmul.f32 v34, v43;
	v25 =	vadd.f32 v6, v25;
	v30 =	vmul.f32 v37, v30;
	v6 =	vmovc v23  }
0x1d9: {  	v27 =	vmul.f32 v36, v27;
	v38 =	vmul.f32 v49, v43;
	v23 =	vld [tilespmem:s10+$0x1000];
	v34 =	vadd.f32 v42, v52;
	v42 =	vpop (erf)  }
0x1da: {  	v35 =	vmul.f32 v35, v43;
	v49 =	vld [tilespmem:s10+$0x0];
	v33 =	vadd.f32 v48, v33;
	v48 =	vmul.f32 v44, v32  }
0x1db: {  	v38 =	vadd.f32 v40, v38;
	v40 =	vmul.f32 v42, v25;
	v34 =	vmul.f32 v34, v28  }
0x1dc: {  	v30 =	vmul.f32 v30, v37;
	v33 =	vmul.f32 v33, v28;
	v35 =	vadd.f32 v48, v35  }
0x1dd: {  	v42 =	vadd.f32 v45, v50;
	v45 =	vadd.f32 v46, v51;
	v38 =	vmul.f32 v38, v26  }
0x1de: {  	v17 =	vmin.f32 v17, $2.047000000e+03;
	v30 =	vsub.f32 $1.500000000e+00, v30;
	v46 =	vadd.f32 $1.000000000e+00, v23  }
0x1df: {  	v33 =	vadd.f32 v38, v33;
	v38 =	vmul.f32 v45, v28;
	v48 =	vadd.f32 $1.000000000e+00, v49  }
0x1e0: {  	v35 =	vmul.f32 v35, v26;
	v30 =	vmul.f32 v30, v37;
	v45 =	vadd.f32 v46, v46  }
0x1e1: {  	v42 =	vmul.f32 v42, v26;
	v46 =	vadd.f32 v11, v13;
	v11 =	vmovc v41;
	v37 =	vadd.f32 v48, v48  }
0x1e2: {  	v24 =	vsub.f32 v17, v24;
	v17 =	vadd.f32 v38, v35;
	v13 =	vmovc v47;
	v41 =	vmul.f32 v45, v0  }
0x1e3: {  	v30 =	vmul.f32 $1.000000050e-03, v30;
	v35 =	vmul.f32 v37, v0;
	v37 =	vsub.f32 $1.000000000e+00, v36  }
0x1e4: {  	vm0 =	vgt.f32 v25, $0.0e+00;
	v38 =	vadd.f32 $-1.000000000e+00, v41;
	v41 =	vsub.f32 v33, v17  }
0x1e5: {  	v25 =	vmul.f32 v44, v43;
	v30 =	vadd.f32 v30, v40;
	v17 =	vadd.f32 $-1.000000000e+00, v35  }
0x1e6: {  	v33 =	vmul.f32 v36, v31;
	v31 =	vmul.f32 v39, v32;
	v35 =	vadd.f32 $1.000000000e+00, v38  }
0x1e7: {  	v19 =	vmul.f32 v30, v19;
	v21 =	vmul.f32 v37, v21;
	v17 =	vadd.f32 $1.000000000e+00, v17  }
0x1e8: {  	v18 =	vmul.f32 v30, v18;
	v25 =	vadd.f32 v31, v25;
	v32 =	vmul.f32 $1.023500000e+03, v35  }
0x1e9: {  	v19 =	vsub.f32 v3, v19;
	v21 =	vadd.f32 v21, v27;
	v31 =	vmul.f32 $1.023500000e+03, v17  }
0x1ea: {  	v18 =	vsub.f32 v2, v18;
	v27 =	vtrunc.f32 v32;
	v17 =	vmax.f32 v32, $0.0e+00  }
0x1eb: {  	v19 =	vsel vm0, v19, v3;
	v3 =	vmovc v5;
	v5 =	vmovc v8;
	v27 =	vcvt.f32.s32 v27;
	v36 =	vmax.f32 v31, $0.0e+00  }
0x1ec: {  	v12 =	vmul.f32 v22, v12;
	v18 =	vsel vm0, v18, v2;
	v2 =	vmovc v4;
	v38 =	vtrunc.f32 v31;
	[tilespmem:s31+$0x1A000] =	vst v19  }
0x1ed: {  	v30 =	vsub.f32 $1.000000000e+00, v10;
	v39 =	vmul.f32 v46, v9;
	v4 =	vmovc v7;
	v7 =	vmovc v23;
	v19 =	vcvt.s32.f32 v27;
	[tilespmem:s31+$0x1B000] =	vst v18;
	s31 =	smov.u32 s0;
	s0 =	smov.u32 s3;
	s3 =	smov.u32 s10  }
0x1ee: {  	v40 =	vadd.f32 v16, v12;
	v16 =	vmovc v42;
	v8 =	vmovc v49;
	v23 =	vmul.f32 v21, v24;
	v35 =	vcvt.f32.s32 v38  }
0x1ef: {  	v10 =	vmovc v24;
	v21 =	vadd.f32 v39, v14;
	v14 =	vmovc v34;
	vm0 =	vlt.f32 v32, v19;
	v18 =	vadd.f32 $-1.000000000e+00, v19  }
0x1f0: {  	v9 =	vmovc v26;
	v22 =	vmovc v25;
	v38 =	vmul.f32 v37, v20;
	v34 =	vcvt.s32.f32 v35;
	v24 =	vsel vm0, $0xFFFFFFFF, v1  }
0x1f1: {  	v12 =	vmovc v28;
	v25 =	vmul.f32 v29, v30;
	v20 =	vsub.f32 v40, v21;
	v37 =	vadd.s32 v27, v24  }
0x1f2: {  	v26 =	vadd.f32 $-1.000000000e+00, v34;
	v28 =	vsel vm0, v18, v19;
	v18 =	vmul.f32 $5.117500000e+02, v15;
	v15 =	vmovc v41;
	v21 =	vld [tilespmem:s3+$0x11800]  }
0x1f3: {  	v19 =	vmul.f32 $5.117500000e+02, v20;
	v39 =	vadd.s32 $0xFFFFFFFF, v37;
	v40 =	vadd.s32 $0x1, v37;
	v29 =	vld [tilespmem:s3+$0x10800]  }
0x1f4: {  	vm0 =	vlt.f32 v31, v34;
	v20 =	vmax.f32 v28, $0.0e+00;
	v30 =	vmul.f32 v18, v18  }
0x1f5: {  	v41 =	vsel vm0, $0xFFFFFFFF, v1;
	v24 =	vmin.f32 v20, $2.047000000e+03;
	v20 =	vmul.f32 v19, v19;
	v27 =	vld [tilespmem:s3+$0x12000]  }
0x1f6: {  	v43 =	vsel vm0, v26, v34;
	v42 =	vadd.s32 $0x2, v37;
	v41 =	vadd.s32 v35, v41  }
0x1f7: {  	v45 =	vadd.s32 $0x1, v41;
	v26 =	vor.u32 v41, v40;
	v30 =	vadd.f32 v30, v20;
	v44 =	vld [tilespmem:s3+$0xE800]  }
0x1f8: {  	v35 =	vor.u32 v41, v37;
	vm0 =	vlt.u32 v26, $0x800;
	v26 =	vor.u32 v45, v40;
	v20 =	vld [tilespmem:s3+$0xF800]  }
0x1f9: {  	v34 =	vnsel vm0, $0x0, v21;
	vm0 =	vlt.u32 v26, $0x800;
	v47 =	vmax.f32 v30, $9.999999960e-13  }
0x1fa: {  	v46 =	vor.u32 v45, v42;
	v26 =	vshra.s32 v47, $0x1;
	v50 =	vnsel vm0, $0x0, v27  }
0x1fb: {  	v48 =	vadd.s32 $0xFFFFFFFF, v41;
	v30 =	vmul.f32 $5.000000000e-01, v47;
	vm0 =	vlt.u32 v35, $0x800  }
0x1fc: {  	v49 =	vor.u32 v41, v39;
	v52 =	vor.u32 v48, v37;
	v53 =	vsub.s32 $0x5F3759DF, v26;
	v51 =	vld [tilespmem:s3+$0x11000]  }
0x1fd: {  	v55 =	vor.u32 v48, v40;
	v48 =	vmul.f32 v53, v30;
	v54 =	vld [tilespmem:s3+$0x13800];
	v35 =	vnsel vm0, $0x0, v20  }
0x1fe: {  	v26 =	vsub.f32 v32, v28;
	v28 =	vor.u32 v45, v39;
	v39 =	vor.u32 v41, v42;
	v56 =	vld [tilespmem:s3+$0x12800]  }
0x1ff: {  	v41 =	vadd.s32 $0x2, v41;
	v42 =	vmul.f32 v53, v48;
	vm0 =	vlt.u32 v28, $0x800;
	v57 =	vld [tilespmem:s3+$0xE000]  }
0x200: {  	v32 =	vsub.f32 v31, v43;
	v28 =	vsub.f32 $1.000000000e+00, v26;
	v44 =	vnsel vm0, $0x0, v44;
	v31 =	vld [tilespmem:s3+$0xF000]  }
0x201: {  	vm1 =	vlt.u32 v46, $0x800;
	v45 =	vor.u32 v45, v37;
	v46 =	vsub.f32 $1.500000000e+00, v42;
	v48 =	vld [tilespmem:s3+$0x13000]  }
0x202: {  	vm0 =	vlt.u32 v45, $0x800;
	v42 =	vmul.f32 v35, v32;
	v45 =	vnsel vm1, $0x0, v54  }
0x203: {  	vm1 =	vlt.u32 v49, $0x800;
	v49 =	vor.u32 v41, v40;
	v40 =	vmul.f32 v45, v32  }
0x204: {  	v54 =	vnsel vm1, $0x0, v57;
	vm1 =	vlt.u32 v52, $0x800;
	v52 =	vmul.f32 v53, v46  }
0x205: {  	vm2 =	vlt.u32 v39, $0x800;
	v53 =	vnsel vm1, $0x0, v31;
	vm1 =	vlt.u32 v49, $0x800  }
0x206: {  	v49 =	vnsel vm2, $0x0, v48;
	v48 =	vmul.f32 v50, v32;
	v39 =	vmul.f32 v52, v30  }
0x207: {  	v46 =	vmul.f32 v44, v32;
	v45 =	vnsel vm1, $0x0, v56;
	v31 =	vld [tilespmem:s3+$0x10000];
	(erf) = vrcp.f32 v47  }
0x208: {  	v37 =	vor.u32 v41, v37;
	v45 =	vmul.f32 v45, v32;
	v44 =	vmul.f32 v39, v52  }
0x209: {  	v41 =	vmul.f32 v34, v32;
	vm1 =	vlt.u32 v37, $0x800;
	vm2 =	vlt.u32 v55, $0x800  }
.Ltmp2:
0x20a: {  	v39 =	vnsel vm1, $0x0, v29;
	v29 =	vmax.f32 v43, $0.0e+00;
	v37 =	vsub.f32 $1.500000000e+00, v44;
	(pc) =	sbr.rel @p0 .LBB2_7-.Ltmp2, $4  }
0x20b: {  	v36 =	vmin.f32 v36, $2.047000000e+03;
	v43 =	vsub.f32 $1.000000000e+00, v32;
	v29 =	vmin.f32 v29, $2.047000000e+03  }
0x20c: {  	v47 =	vnsel vm2, $0x0, v51;
	v44 =	vnsel vm0, $0x0, v31;
	v37 =	vmul.f32 v37, v52  }
0x20d: {  	v36 =	vsub.f32 v36, v29;
	v47 =	vmul.f32 v47, v43;
	v51 =	vmul.f32 v54, v43  }
0x20e: {  	v50 =	vmul.f32 v50, v43;
	v29 =	vadd.f32 v38, v33;
	v52 =	vmul.f32 v53, v43  }
0x20f: {  	v33 =	vmul.f32 v34, v43;
	v61 =	vmul.f32 v49, v43  }
0x210: {  	v35 =	vmul.f32 v35, v43;
	v62 =	vmul.f32 v44, v32  }
0x211: {  	v63 =	vadd.f32 v46, v51;
	v11 =	vadd.f32 v11, v13;
	v43 =	vmul.f32 v44, v43  }
0x212: {  	v44 =	vmul.f32 v39, v32;
	v38 =	vadd.f32 v42, v52;
	v45 =	vadd.f32 v45, v50  }
0x213: {  	v12 =	vmul.f32 v22, v12;
	v33 =	vadd.f32 v48, v33;
	v34 =	vadd.f32 v40, v61  }
0x214: {  	v40 =	vmul.f32 v63, v28;
	v42 =	vadd.f32 v62, v35;
	v9 =	vmul.f32 v11, v9  }
0x215: {  	v46 =	vadd.f32 v44, v43;
	v48 =	vadd.f32 v41, v47;
	v38 =	vmul.f32 v38, v28  }
0x216: {  	v12 =	vadd.f32 v16, v12;
	v33 =	vmul.f32 v33, v28;
	v34 =	vmul.f32 v34, v26  }
0x217: {  	v49 =	vmul.f32 v45, v26;
	v11 =	vmul.f32 v42, v26;
	v9 =	vadd.f32 v9, v14  }
0x218: {  	v13 =	vmul.f32 v46, v28;
	v51 =	vmul.f32 v48, v26;
	v50 =	vadd.f32 v34, v33  }
0x219: {  	v11 =	vadd.f32 v40, v11;
	v9 =	vsub.f32 v12, v9  }
0x21a: {  	v52 =	vadd.f32 v49, v13;
	v53 =	vadd.f32 v51, v38  }
0x21b: {  	v15 =	vmul.f32 $5.117500000e+02, v15;
	v9 =	vmul.f32 $5.117500000e+02, v9  }
0x21c: {  	v11 =	vsub.f32 v50, v11;
	v12 =	vsub.f32 v52, v53  }
0x21d: {  	v54 =	vmul.f32 v15, v15;
	v55 =	vmul.f32 v9, v9  }
0x21e: {  	v11 =	vmul.f32 $5.117500000e+02, v11;
	v12 =	vmul.f32 $5.117500000e+02, v12;
	_ =	sdelay $0x1  }
0x21f: {  	v13 =	vadd.f32 v54, v55;
	v56 =	vmul.f32 v11, v11;
	v57 =	vmul.f32 v12, v12;
	_ =	sdelay $0x1  }
0x220: {  	v13 =	vmax.f32 v13, $9.999999960e-13;
	v14 =	vadd.f32 v56, v57  }
0x221: {  	v58 =	vshra.s32 v13, $0x1;
	v59 =	vmul.f32 $5.000000000e-01, v13  }
0x222: {  	v60 =	vsub.s32 $0x5F3759DF, v58;
	v14 =	vmax.f32 v14, $9.999999960e-13  }
0x223: {  	v22 =	vmul.f32 v60, v59;
	v61 =	vshra.s32 v14, $0x1;
	v62 =	vmul.f32 $5.000000000e-01, v14  }
0x224: {  	v28 =	vsub.s32 $0x5F3759DF, v61  }
0x225: {  	v22 =	vmul.f32 v60, v22;
	v63 =	vmul.f32 v28, v62;
	_ =	sdelay $0x1  }
0x226: {  	v22 =	vsub.f32 $1.500000000e+00, v22;
	v33 =	vmul.f32 v28, v63;
	_ =	sdelay $0x1  }
0x227: {  	v16 =	vmul.f32 v60, v22;
	v38 =	vsub.f32 $1.500000000e+00, v33;
	_ =	sdelay $0x1  }
0x228: {  	v39 =	vmul.f32 v16, v59;
	v22 =	vmul.f32 v28, v38  }
0x229: {  	v30 =	vmul.f32 v37, v30  }
0x22a: {  	v40 =	vmul.f32 v39, v16;
	v41 =	vmul.f32 v22, v62  }
0x22b: {  	v27 =	vmul.f32 v36, v27;
	v31 =	vmul.f32 v36, v31  }
0x22c: {  	v10 =	vsub.f32 $1.000000000e+00, v10;
	v42 =	vsub.f32 $1.500000000e+00, v40;
	v44 =	vmul.f32 v41, v22  }
0x22d: {  	v6 =	vadd.f32 v6, v25;
	v30 =	vmul.f32 v30, v37;
	v45 =	vpop (erf);
	(erf) = vrcp.f32 v13  }
0x22e: {  	v10 =	vmul.f32 v29, v10;
	v46 =	vmul.f32 v42, v16;
	v49 =	vsub.f32 $1.500000000e+00, v44  }
0x22f: {  	v47 =	vmul.f32 v45, v6;
	v50 =	vsub.f32 $1.000000000e+00, v36;
	(erf) = vrcp.f32 v14  }
0x230: {  	v17 =	vmin.f32 v17, $2.047000000e+03;
	v26 =	vmul.f32 v46, v59;
	v51 =	vmul.f32 v49, v22  }
0x231: {  	v43 =	vsub.f32 $1.500000000e+00, v30;
	v21 =	vmul.f32 v50, v21;
	v20 =	vmul.f32 v50, v20  }
0x232: {  	v17 =	vsub.f32 v17, v24;
	v52 =	vmul.f32 v26, v46;
	v53 =	vmul.f32 v51, v62  }
0x233: {  	v48 =	vmul.f32 v43, v37;
	v21 =	vadd.f32 v21, v27;
	v20 =	vadd.f32 v20, v31  }
0x234: {  	v54 =	vsub.f32 $1.000000000e+00, v17;
	v22 =	vsub.f32 $1.500000000e+00, v52;
	v24 =	vmul.f32 v53, v51  }
0x235: {  	v10 =	vadd.f32 v23, v10;
	v25 =	vmul.f32 $1.000000050e-03, v48;
	v17 =	vmul.f32 v21, v17  }
0x236: {  	v20 =	vmul.f32 v20, v54;
	v55 =	vpop (erf);
	v13 =	vmul.f32 v22, v46;
	v56 =	vsub.f32 $1.500000000e+00, v24  }
0x237: {  	v21 =	vmul.f32 v55, v10;
	v16 =	vadd.f32 v25, v47  }
0x238: {  	v17 =	vadd.f32 v17, v20;
	v13 =	vmul.f32 $1.000000050e-03, v13;
	v14 =	vmul.f32 v56, v51  }
0x239: {  	v57 =	vpop (erf);
	v19 =	vmul.f32 v16, v19;
	v16 =	vmul.f32 v16, v18  }
0x23a: {  	v18 =	vmul.f32 v57, v17;
	v13 =	vadd.f32 v13, v21;
	v14 =	vmul.f32 $1.000000050e-03, v14  }
0x23b: {  	vm0 =	vgt.f32 v6, $0.0e+00;
	v6 =	vsub.f32 v3, v19  }
0x23c: {  	v16 =	vsub.f32 v2, v16;
	v9 =	vmul.f32 v13, v9;
	v14 =	vadd.f32 v14, v18  }
0x23d: {  	v3 =	vsel vm0, v6, v3;
	v6 =	vmul.f32 v13, v15  }
0x23e: {  	v2 =	vsel vm0, v16, v2;
	v9 =	vsub.f32 v5, v9;
	v12 =	vmul.f32 v14, v12  }
0x23f: {  	vm0 =	vgt.f32 v10, $0.0e+00;
	[tilespmem:s31+$0x1A000] =	vst v3;
	v3 =	vsub.f32 v4, v6;
	v6 =	vmul.f32 v14, v11  }
0x240: {  	s9 =	smin.u32 s30, $0x3D0;
	[tilespmem:s31+$0x1B000] =	vst v2;
	v2 =	vsel vm0, v9, v5;
	v5 =	vsub.f32 v8, v12  }
0x241: {  	s9 =	sshll.u32 s9, $0xB;
	[tilespmem:s0+$0x1A000] =	vst v2;
	v2 =	vsel vm0, v3, v4;
	vm0 =	vgt.f32 v17, $0.0e+00;
	v3 =	vsub.f32 v7, v6  }
0x242: {  	s30 =	smin.u32 s9, $0x1E7C80;
	[tilespmem:s0+$0x1B000] =	vst v2;
	v2 =	vsel vm0, v5, v8  }
0x243: {  	s0 =	sshrl.u32 s30, $0x3;
	[tilespmem:s3+$0x1A000] =	vst v2;
	v2 =	vsel vm0, v3, v7  }
0x244: {  	s9 =	simm.s32 $0x0;
	s31 =	sadd.s32 s6, s0;
	[tilespmem:s3+$0x1B000] =	vst v2  }
0x245: {  	[hbm4b:s31+s9] =	stream.linear.scatter [tilespmem:s22], [sflag:$0x3], $0x800, $0x38;
	[tilespmem:$0x1C000] =	vst v63  }
0x246: {  	_ =	swait.ge [sflag:s15], $0x800  }
0x247: {  	[sflag:s15] =	ssyncset.done $0x0  }
0x248: {  	s10 =	sadd.s32 s11, s29;
	s0 =	sadd.s32 s8, s0;
	[sflag:s15] =	ssyncadd.s32 $0xFFFFF800  }
0x249: {  	[hbm4b:s0+s9] =	stream.linear.scatter [tilespmem:s23], [sflag:$0x3], $0x800, $0x38;
	[tilespmem:$0x1C000] =	vst v63  }
0x24a: {  	s0 =	smin.u32 s10, $0x3D0  }
0x24b: {  	s0 =	sshll.u32 s0, $0xB  }
0x24c: {  	_ =	swait.ge [sflag:s15], $0x800;
	s0 =	smin.u32 s0, $0x1E7C80  }
0x24d: {  	[sflag:s15] =	ssyncset.done $0x0;
	s0 =	sshrl.u32 s0, $0x3  }
0x24e: {  	[sflag:s15] =	ssyncadd.s32 $0xFFFFF800;
	s30 =	sadd.s32 s4, s0  }
0x24f: {  	[tilespmem:s9], [sflag:$0x3] =	stream.linear.gather [hbm4b:s30+s9], $0x800, $0x38;
	[tilespmem:$0x1C000] =	vst v63  }
0x250: {  	_ =	swait.ge [sflag:s15], $0x800  }
0x251: {  	[sflag:s15] =	ssyncset.done $0x0  }
0x252: {  	s31 =	simm.s32 $0x1000;
	s0 =	sadd.s32 s1, s0;
	[sflag:s15] =	ssyncadd.s32 $0xFFFFF800  }
0x253: {  	[tilespmem:s31], [sflag:$0x3] =	stream.linear.gather [hbm4b:s0+s9], $0x800, $0x38;
	[tilespmem:$0x1C000] =	vst v63  }
0x254: {  	_ =	swait.ge [sflag:s15], $0x800  }
0x255: {  	[sflag:s15] =	ssyncset.done $0x0  }
0x256: {  	s3 =	simm.s32 $0x0;
	[sflag:s15] =	ssyncadd.s32 $0xFFFFF800  }
0x257: {  	v2 =	vld [tilespmem:s3+$0x1000]  }
0x258: {  	v3 =	vld [tilespmem:s3+$0x0]  }
0x259: {  	s0 =	simm.s32 $0x10  }
0x25a: {  	v8 =	vld [tilespmem:s0+$0x1000]  }
0x25b: {  	v9 =	vld [tilespmem:s0+$0x0]  }
0x25c: {  	v2 =	vadd.f32 $1.000000000e+00, v2  }
0x25d: {  	v3 =	vadd.f32 $1.000000000e+00, v3  }
0x25e: {  	v2 =	vadd.f32 v2, v2  }
0x25f: {  	v8 =	vadd.f32 $1.000000000e+00, v8;
	v3 =	vadd.f32 v3, v3  }
0x260: {  	v9 =	vadd.f32 $1.000000000e+00, v9;
	v2 =	vmul.f32 v2, v0  }
0x261: {  	v8 =	vadd.f32 v8, v8;
	v3 =	vmul.f32 v3, v0  }
0x262: {  	v9 =	vadd.f32 v9, v9;
	v2 =	vadd.f32 $-1.000000000e+00, v2  }
0x263: {  	v3 =	vadd.f32 $-1.000000000e+00, v3  }
0x264: {  	v8 =	vmul.f32 v8, v0;
	v9 =	vmul.f32 v9, v0;
	v2 =	vadd.f32 $1.000000000e+00, v2  }
0x265: {  	v3 =	vadd.f32 $1.000000000e+00, v3  }
0x266: {  	v8 =	vadd.f32 $-1.000000000e+00, v8;
	v9 =	vadd.f32 $-1.000000000e+00, v9;
	v2 =	vmul.f32 $1.023500000e+03, v2  }
0x267: {  	v3 =	vmul.f32 $1.023500000e+03, v3  }
0x268: {  	v8 =	vadd.f32 $1.000000000e+00, v8;
	v9 =	vadd.f32 $1.000000000e+00, v9;
	v4 =	vtrunc.f32 v2  }
0x269: {  	v5 =	vtrunc.f32 v3;
	v6 =	vcvt.f32.s32 v4;
	vm0 =	vlt.f32 v2, v4  }
0x26a: {  	v2 =	vcvt.f32.s32 v5;
	vm1 =	vlt.f32 v3, v5;
	v3 =	vsel vm0, $0xFFFFFFFF, v1  }
0x26b: {  	v8 =	vmul.f32 $1.023500000e+03, v8;
	v4 =	vsel vm1, $0xFFFFFFFF, v1;
	v3 =	vadd.s32 v6, v3  }
0x26c: {  	v9 =	vmul.f32 $1.023500000e+03, v9;
	v2 =	vadd.s32 v2, v4;
	v4 =	vadd.s32 $0xFFFFFFFF, v3  }
0x26d: {  	v5 =	vadd.s32 $0x2, v3;
	v6 =	vadd.s32 $0x1, v2;
	v7 =	vadd.s32 $0x1, v3  }
0x26e: {  	v10 =	vadd.s32 $0xFFFFFFFF, v2;
	v11 =	vadd.s32 $0x2, v2;
	vm0 =	vgt.s32 v5, $0x0  }
0x26f: {  	vm1 =	vgt.s32 v6, $0x0;
	vm2 =	vgt.s32 v4, $0x0;
	vm3 =	vgt.s32 v10, $0x0  }
0x270: {  	v5 =	vnsel vm0, $0x0, v5;
	v6 =	vnsel vm1, $0x0, v6;
	vm0 =	vgt.s32 v7, $0x0  }
0x271: {  	vm1 =	vgt.s32 v3, $0x0;
	v4 =	vnsel vm2, $0x0, v4;
	v10 =	vnsel vm3, $0x0, v10  }
0x272: {  	v5 =	vmin.u32 v5, $0x7FF;
	v6 =	vmin.u32 v6, $0x7FF;
	v7 =	vnsel vm0, $0x0, v7  }
0x273: {  	vm0 =	vgt.s32 v11, $0x0;
	v3 =	vnsel vm1, $0x0, v3;
	vm1 =	vgt.s32 v2, $0x0  }
0x274: {  	v4 =	vmin.u32 v4, $0x7FF;
	v10 =	vmin.u32 v10, $0x7FF;
	v5 =	vshll.u32 v5, $0xB  }
0x275: {  	v2 =	vnsel vm1, $0x0, v2;
	v4 =	vshll.u32 v4, $0xB;
	v58 =	vor.u32 v6, v5  }
0x276: {  	v7 =	vmin.u32 v7, $0x7FF;
	v2 =	vmin.u32 v2, $0x7FF;
	v59 =	vor.u32 v6, v4;
	[tilespmem:s3+$0x7800] =	vst v58  }
0x277: {  	v11 =	vnsel vm0, $0x0, v11;
	v7 =	vshll.u32 v7, $0xB;
	v4 =	vor.u32 v2, v4;
	[tilespmem:s3+$0x2800] =	vst v59  }
0x278: {  	v3 =	vmin.u32 v3, $0x7FF;
	v11 =	vmin.u32 v11, $0x7FF;
	v60 =	vor.u32 v10, v7;
	[tilespmem:s3+$0x2000] =	vst v4  }
0x279: {  	v3 =	vshll.u32 v3, $0xB;
	v61 =	vor.u32 v6, v7;
	v5 =	vor.u32 v2, v5;
	[tilespmem:s3+$0x5000] =	vst v60  }
0x27a: {  	v10 =	vor.u32 v10, v3;
	v62 =	vor.u32 v2, v3;
	v63 =	vor.u32 v6, v3;
	[tilespmem:s3+$0x6000] =	vst v61  }
0x27b: {  	v4 =	vor.u32 v2, v7;
	v7 =	vor.u32 v11, v7;
	v2 =	vtrunc.f32 v8;
	[tilespmem:s3+$0x7000] =	vst v5  }
0x27c: {  	[tilespmem:s3+$0x5800] =	vst v4;
	v4 =	vtrunc.f32 v9;
	v6 =	vcvt.f32.s32 v2;
	vm0 =	vlt.f32 v8, v2  }
0x27d: {  	[tilespmem:s3+$0x3000] =	vst v10;
	v2 =	vcvt.f32.s32 v4;
	vm1 =	vlt.f32 v9, v4;
	v4 =	vsel vm0, $0xFFFFFFFF, v1  }
0x27e: {  	v5 =	vor.u32 v11, v3;
	[tilespmem:s3+$0x6800] =	vst v7;
	v7 =	vsel vm1, $0xFFFFFFFF, v1;
	v3 =	vadd.s32 v6, v4  }
0x27f: {  	[tilespmem:s3+$0x3800] =	vst v62;
	v2 =	vadd.s32 v2, v7;
	v4 =	vadd.s32 $0xFFFFFFFF, v3;
	v7 =	vadd.s32 $0x2, v3  }
0x280: {  	s29 =	simm.s32 $0xC0;
	s9 =	simm.s32 $0x20;
	[tilespmem:s3+$0x4000] =	vst v63;
	v6 =	vadd.s32 $0x1, v3;
	v8 =	vadd.s32 $0x1, v2;
	vm0 =	vgt.s32 v7, $0x0  }
.LBB2_9:
0x281: {  	p0 =	sne.s32 s29, $0x1FC0;
	v9 =	vld [tilespmem:s9+$0x1000];
	vm1 =	vgt.s32 v8, $0x0;
	vm2 =	vgt.s32 v4, $0x0;
	v7 =	vnsel vm0, $0x0, v7;
	[tilespmem:s3+$0x4800] =	vst v5;
	s3 =	smov.u32 s0;
	s0 =	smov.u32 s9  }
0x282: {  	vm0 =	vgt.s32 v6, $0x0;
	v5 =	vld [tilespmem:s0+$0x0];
	v8 =	vnsel vm1, $0x0, v8;
	v7 =	vmin.u32 v7, $0x7FF  }
0x283: {  	v10 =	vadd.s32 $0xFFFFFFFF, v2;
	v8 =	vmin.u32 v8, $0x7FF;
	v7 =	vshll.u32 v7, $0xB  }
0x284: {  	v11 =	vadd.s32 $0x2, v2;
	vm1 =	vgt.s32 v3, $0x0;
	v12 =	vor.u32 v8, v7  }
0x285: {  	vm3 =	vgt.s32 v10, $0x0;
	v4 =	vnsel vm2, $0x0, v4;
	v6 =	vnsel vm0, $0x0, v6;
	[tilespmem:s3+$0x7800] =	vst v12  }
0x286: {  	vm0 =	vgt.s32 v11, $0x0;
	v3 =	vnsel vm1, $0x0, v3;
	v9 =	vadd.f32 $1.000000000e+00, v9  }
0x287: {  	vm1 =	vgt.s32 v2, $0x0;
	v4 =	vmin.u32 v4, $0x7FF;
	v5 =	vadd.f32 $1.000000000e+00, v5  }
0x288: {  	v10 =	vnsel vm3, $0x0, v10;
	v6 =	vmin.u32 v6, $0x7FF;
	v9 =	vadd.f32 v9, v9  }
0x289: {  	v11 =	vnsel vm0, $0x0, v11;
	v3 =	vmin.u32 v3, $0x7FF;
	v5 =	vadd.f32 v5, v5  }
0x28a: {  	v2 =	vnsel vm1, $0x0, v2;
	v4 =	vshll.u32 v4, $0xB;
	v9 =	vmul.f32 v9, v0  }
0x28b: {  	v10 =	vmin.u32 v10, $0x7FF;
	v6 =	vshll.u32 v6, $0xB;
	v5 =	vmul.f32 v5, v0  }
0x28c: {  	v11 =	vmin.u32 v11, $0x7FF;
	v3 =	vshll.u32 v3, $0xB;
	v9 =	vadd.f32 $-1.000000000e+00, v9  }
0x28d: {  	v2 =	vmin.u32 v2, $0x7FF;
	v12 =	vor.u32 v8, v4;
	v5 =	vadd.f32 $-1.000000000e+00, v5  }
0x28e: {  	v4 =	vor.u32 v2, v4;
	v9 =	vadd.f32 $1.000000000e+00, v9;
	[tilespmem:s3+$0x2800] =	vst v12;
	v12 =	vor.u32 v10, v6  }
0x28f: {  	v13 =	vor.u32 v8, v6;
	v5 =	vadd.f32 $1.000000000e+00, v5;
	[tilespmem:s3+$0x2000] =	vst v4;
	v4 =	vor.u32 v2, v6  }
0x290: {  	v7 =	vor.u32 v2, v7;
	v6 =	vor.u32 v11, v6;
	v9 =	vmul.f32 $1.023500000e+03, v9;
	[tilespmem:s3+$0x5000] =	vst v12  }
0x291: {  	v14 =	vor.u32 v2, v3;
	v10 =	vor.u32 v10, v3;
	v12 =	vmul.f32 $1.023500000e+03, v5;
	[tilespmem:s3+$0x5800] =	vst v4  }
0x292: {  	v15 =	vor.u32 v8, v3;
	v5 =	vor.u32 v11, v3;
	v2 =	vtrunc.f32 v9;
	[tilespmem:s3+$0x6000] =	vst v13  }
.Ltmp3:
0x293: {  	v3 =	vtrunc.f32 v12;
	v4 =	vcvt.f32.s32 v2;
	vm0 =	vlt.f32 v9, v2;
	[tilespmem:s3+$0x6800] =	vst v6;
	(pc) =	sbr.rel @p0 .LBB2_9-.Ltmp3, $4  }
0x294: {  	v2 =	vcvt.f32.s32 v3;
	vm1 =	vlt.f32 v12, v3;
	v3 =	vsel vm0, $0xFFFFFFFF, v1;
	[tilespmem:s3+$0x7000] =	vst v7  }
0x295: {  	v6 =	vsel vm1, $0xFFFFFFFF, v1;
	v3 =	vadd.s32 v4, v3;
	[tilespmem:s3+$0x3000] =	vst v10  }
0x296: {  	v2 =	vadd.s32 v2, v6;
	v4 =	vadd.s32 $0xFFFFFFFF, v3;
	v7 =	vadd.s32 $0x2, v3;
	[tilespmem:s3+$0x3800] =	vst v14  }
0x297: {  	s9 =	sshra.s32 s29, $0x2;
	s29 =	sadd.s32 $0x40, s29;
	v6 =	vadd.s32 $0x1, v3;
	v8 =	vadd.s32 $0x1, v2;
	vm0 =	vgt.s32 v7, $0x0;
	[tilespmem:s3+$0x4000] =	vst v15  }
0x298: {  	v9 =	vld [tilespmem:s9+$0x1000];
	[tilespmem:s3+$0x4800] =	vst v5  }
0x299: {  	vm1 =	vgt.s32 v8, $0x0;
	vm2 =	vgt.s32 v4, $0x0;
	v5 =	vnsel vm0, $0x0, v7;
	v7 =	vld [tilespmem:s9+$0x0]  }
0x29a: {  	vm8 =	vgt.s32 v6, $0x0;
	v10 =	vadd.s32 $0xFFFFFFFF, v2;
	v11 =	vadd.s32 $0x2, v2  }
0x29b: {  	vm9 =	vgt.s32 v3, $0x0;
	vm11 =	vgt.s32 v2, $0x0;
	v8 =	vnsel vm1, $0x0, v8  }
0x29c: {  	v5 =	vmin.u32 v5, $0x7FF;
	vm3 =	vgt.s32 v10, $0x0;
	v4 =	vnsel vm2, $0x0, v4  }
0x29d: {  	v6 =	vnsel vm8, $0x0, v6;
	vm10 =	vgt.s32 v11, $0x0;
	v9 =	vadd.f32 $1.000000000e+00, v9  }
0x29e: {  	v3 =	vnsel vm9, $0x0, v3;
	v2 =	vnsel vm11, $0x0, v2;
	v7 =	vadd.f32 $1.000000000e+00, v7  }
0x29f: {  	v8 =	vmin.u32 v8, $0x7FF;
	v5 =	vshll.u32 v5, $0xB;
	v9 =	vadd.f32 v9, v9  }
0x2a0: {  	v4 =	vmin.u32 v4, $0x7FF;
	v10 =	vnsel vm3, $0x0, v10;
	v7 =	vadd.f32 v7, v7  }
0x2a1: {  	v6 =	vmin.u32 v6, $0x7FF;
	v11 =	vnsel vm10, $0x0, v11;
	v9 =	vmul.f32 v9, v0  }
0x2a2: {  	v3 =	vmin.u32 v3, $0x7FF;
	v2 =	vmin.u32 v2, $0x7FF;
	v7 =	vmul.f32 v7, v0  }
0x2a3: {  	v12 =	vor.u32 v8, v5;
	v4 =	vshll.u32 v4, $0xB;
	v9 =	vadd.f32 $-1.000000000e+00, v9  }
0x2a4: {  	v10 =	vmin.u32 v10, $0x7FF;
	v6 =	vshll.u32 v6, $0xB;
	v7 =	vadd.f32 $-1.000000000e+00, v7  }
0x2a5: {  	v11 =	vmin.u32 v11, $0x7FF;
	v3 =	vshll.u32 v3, $0xB;
	v9 =	vadd.f32 $1.000000000e+00, v9  }
0x2a6: {  	v5 =	vor.u32 v2, v5;
	v13 =	vor.u32 v8, v4;
	v7 =	vadd.f32 $1.000000000e+00, v7  }
0x2a7: {  	v4 =	vor.u32 v2, v4;
	v14 =	vor.u32 v10, v6;
	v9 =	vmul.f32 $1.023500000e+03, v9  }
0x2a8: {  	v15 =	vor.u32 v2, v6;
	v16 =	vor.u32 v8, v6;
	v7 =	vmul.f32 $1.023500000e+03, v7  }
0x2a9: {  	v6 =	vor.u32 v11, v6;
	v10 =	vor.u32 v10, v3;
	v17 =	vtrunc.f32 v9  }
0x2aa: {  	[tilespmem:s0+$0x7800] =	vst v12;
	v2 =	vor.u32 v2, v3;
	v12 =	vtrunc.f32 v7;
	v18 =	vcvt.f32.s32 v17  }
0x2ab: {  	[tilespmem:s0+$0x7000] =	vst v5;
	vm12 =	vlt.f32 v9, v17;
	v9 =	vcvt.f32.s32 v12;
	vm13 =	vlt.f32 v7, v12  }
0x2ac: {  	[tilespmem:s0+$0x2000] =	vst v4;
	v4 =	vor.u32 v8, v3;
	v7 =	vsel vm12, $0xFFFFFFFF, v1;
	v8 =	vsel vm13, $0xFFFFFFFF, v1  }
0x2ad: {  	[tilespmem:s0+$0x2800] =	vst v13;
	v3 =	vor.u32 v11, v3;
	v7 =	vadd.s32 v18, v7;
	v8 =	vadd.s32 v9, v8  }
0x2ae: {  	[tilespmem:s0+$0x5000] =	vst v14;
	v9 =	vadd.s32 $0xFFFFFFFF, v7;
	v11 =	vadd.s32 $0x2, v7;
	v13 =	vadd.s32 $0x1, v7  }
0x2af: {  	[tilespmem:s0+$0x5800] =	vst v15;
	v12 =	vadd.s32 $0x1, v8;
	vm14 =	vgt.s32 v11, $0x0;
	vm4 =	vgt.s32 v9, $0x0  }
0x2b0: {  	[tilespmem:s0+$0x6800] =	vst v6;
	vm5 =	vgt.s32 v13, $0x0;
	vm7 =	vgt.s32 v8, $0x0;
	vm15 =	vgt.s32 v12, $0x0  }
0x2b1: {  	[tilespmem:s0+$0x4000] =	vst v4;
	v6 =	vnsel vm14, $0x0, v11;
	v9 =	vnsel vm4, $0x0, v9;
	v4 =	vnsel vm5, $0x0, v13  }
0x2b2: {  	[tilespmem:s0+$0x6000] =	vst v16;
	v11 =	vnsel vm15, $0x0, v12;
	v5 =	vmin.u32 v6, $0x7FF;
	v6 =	vadd.s32 $0xFFFFFFFF, v8  }
0x2b3: {  	[tilespmem:s0+$0x3000] =	vst v10;
	v9 =	vmin.u32 v9, $0x7FF;
	v10 =	vmin.u32 v11, $0x7FF;
	v5 =	vshll.u32 v5, $0xB  }
0x2b4: {  	[tilespmem:s0+$0x3800] =	vst v2;
	v11 =	vadd.s32 $0x2, v8;
	vm6 =	vgt.s32 v6, $0x0;
	v2 =	vor.u32 v10, v5  }
0x2b5: {  	[tilespmem:s0+$0x4800] =	vst v3;
	v3 =	vnsel vm6, $0x0, v6;
	v6 =	vnsel vm7, $0x0, v8;
	v8 =	vshll.u32 v9, $0xB  }
0x2b6: {  	[tilespmem:s9+$0x7800] =	vst v2;
	v2 =	vmin.u32 v4, $0x7FF;
	v4 =	vmin.u32 v6, $0x7FF;
	v6 =	vor.u32 v10, v8  }
0x2b7: {  	v8 =	vor.u32 v4, v8;
	[tilespmem:s9+$0x2800] =	vst v6  }
0x2b8: {  	v3 =	vmin.u32 v3, $0x7FF;
	v2 =	vshll.u32 v2, $0xB;
	v5 =	vor.u32 v4, v5;
	[tilespmem:s9+$0x2000] =	vst v8  }
0x2b9: {  	vm9 =	vgt.s32 v7, $0x0;
	vm8 =	vgt.s32 v11, $0x0;
	v6 =	vor.u32 v3, v2;
	[tilespmem:s9+$0x7000] =	vst v5  }
0x2ba: {  	v8 =	vnsel vm8, $0x0, v11;
	v9 =	vor.u32 v4, v2;
	[tilespmem:s9+$0x5000] =	vst v6;
	v6 =	vnsel vm9, $0x0, v7  }
0x2bb: {  	v7 =	vmin.u32 v8, $0x7FF;
	v8 =	vor.u32 v10, v2;
	[tilespmem:s9+$0x5800] =	vst v9;
	v6 =	vmin.u32 v6, $0x7FF  }
0x2bc: {  	v2 =	vor.u32 v7, v2;
	[tilespmem:s9+$0x6000] =	vst v8;
	v6 =	vshll.u32 v6, $0xB  }
0x2bd: {  	[tilespmem:s9+$0x6800] =	vst v2;
	v2 =	vor.u32 v3, v6  }
0x2be: {  	v3 =	vor.u32 v4, v6;
	[tilespmem:s9+$0x3000] =	vst v2  }
0x2bf: {  	v2 =	vor.u32 v10, v6;
	[tilespmem:s9+$0x3800] =	vst v3  }
0x2c0: {  	v3 =	vor.u32 v7, v6;
	[tilespmem:s9+$0x4000] =	vst v2  }
0x2c1: {  	s10 =	simm.s32 $0xE000;
	[tilespmem:s9+$0x4800] =	vst v3;
	s9 =	simm.s32 $0x2000  }
0x2c2: {  	[tilespmem:s10], [sflag:$0x1] =	stream.indirect.gather [hbm4b:s5+s17], $0x1, s9, s17, $0xb8;
	[tilespmem:$0x1C000] =	vst v63  }
0x2c3: {  	s30 =	simm.s32 $0x2800;
	s31 =	simm.s32 $0xE800  }
0x2c4: {  	[tilespmem:s31], [sflag:$0x1] =	stream.indirect.gather [hbm4b:s5+s17], $0x1, s30, s17, $0xb8;
	[tilespmem:$0x1C000] =	vst v63  }
0x2c5: {  	s9 =	simm.s32 $0x3000;
	s10 =	simm.s32 $0xF000  }
0x2c6: {  	[tilespmem:s10], [sflag:$0x1] =	stream.indirect.gather [hbm4b:s5+s17], $0x1, s9, s17, $0xb8;
	[tilespmem:$0x1C000] =	vst v63  }
0x2c7: {  	s30 =	simm.s32 $0x3800;
	s31 =	simm.s32 $0xF800  }
0x2c8: {  	[tilespmem:s31], [sflag:$0x1] =	stream.indirect.gather [hbm4b:s5+s17], $0x1, s30, s17, $0xb8;
	[tilespmem:$0x1C000] =	vst v63  }
0x2c9: {  	s9 =	simm.s32 $0x4000;
	s10 =	simm.s32 $0x10000  }
0x2ca: {  	[tilespmem:s10], [sflag:$0x1] =	stream.indirect.gather [hbm4b:s5+s17], $0x1, s9, s17, $0xb8;
	[tilespmem:$0x1C000] =	vst v63  }
0x2cb: {  	s30 =	simm.s32 $0x4800;
	s31 =	simm.s32 $0x10800  }
0x2cc: {  	[tilespmem:s31], [sflag:$0x1] =	stream.indirect.gather [hbm4b:s5+s17], $0x1, s30, s17, $0xb8;
	[tilespmem:$0x1C000] =	vst v63  }
0x2cd: {  	s3 =	simm.s32 $0x5000;
	s9 =	simm.s32 $0x11000  }
0x2ce: {  	[tilespmem:s9], [sflag:$0x1] =	stream.indirect.gather [hbm4b:s5+s17], $0x1, s3, s17, $0xb8;
	[tilespmem:$0x1C000] =	vst v63  }
0x2cf: {  	s10 =	simm.s32 $0x5800;
	s30 =	simm.s32 $0x11800  }
0x2d0: {  	[tilespmem:s30], [sflag:$0x1] =	stream.indirect.gather [hbm4b:s5+s17], $0x1, s10, s17, $0xb8;
	[tilespmem:$0x1C000] =	vst v63  }
0x2d1: {  	s31 =	simm.s32 $0x6000  }
0x2d2: {  	[tilespmem:s12], [sflag:$0x1] =	stream.indirect.gather [hbm4b:s5+s17], $0x1, s31, s17, $0xb8;
	[tilespmem:$0x1C000] =	vst v63  }
0x2d3: {  	_ = 	snop  }
0x2d4: {  	[tilespmem:s14], [sflag:$0x1] =	stream.indirect.gather [hbm4b:s5+s17], $0x1, s13, s17, $0xb8;
	[tilespmem:$0x1C000] =	vst v63  }
0x2d5: {  	_ = 	snop  }
0x2d6: {  	[tilespmem:s18], [sflag:$0x1] =	stream.indirect.gather [hbm4b:s5+s17], $0x1, s16, s17, $0xb8;
	[tilespmem:$0x1C000] =	vst v63  }
0x2d7: {  	_ = 	snop  }
0x2d8: {  	[tilespmem:s20], [sflag:$0x1] =	stream.indirect.gather [hbm4b:s5+s17], $0x1, s19, s17, $0xb8;
	[tilespmem:$0x1C000] =	vst v63  }
0x2d9: {  	_ =	swait.ge [sflag:s24], $0x800  }
0x2da: {  	[sflag:s24] =	ssyncset.done $0x0  }
0x2db: {  	[sflag:s24] =	ssyncadd.s32 $0xFFFFF800  }
0x2dc: {  	_ =	swait.ge [sflag:s24], $0x800  }
0x2dd: {  	[sflag:s24] =	ssyncset.done $0x0  }
0x2de: {  	[sflag:s24] =	ssyncadd.s32 $0xFFFFF800  }
0x2df: {  	_ =	swait.ge [sflag:s24], $0x800  }
0x2e0: {  	[sflag:s24] =	ssyncset.done $0x0  }
0x2e1: {  	[sflag:s24] =	ssyncadd.s32 $0xFFFFF800  }
0x2e2: {  	_ =	swait.ge [sflag:s24], $0x800  }
0x2e3: {  	[sflag:s24] =	ssyncset.done $0x0  }
0x2e4: {  	[sflag:s24] =	ssyncadd.s32 $0xFFFFF800  }
0x2e5: {  	_ =	swait.ge [sflag:s24], $0x800  }
0x2e6: {  	[sflag:s24] =	ssyncset.done $0x0  }
0x2e7: {  	[sflag:s24] =	ssyncadd.s32 $0xFFFFF800  }
0x2e8: {  	_ =	swait.ge [sflag:s24], $0x800  }
0x2e9: {  	[sflag:s24] =	ssyncset.done $0x0  }
0x2ea: {  	[sflag:s24] =	ssyncadd.s32 $0xFFFFF800  }
0x2eb: {  	_ =	swait.ge [sflag:s24], $0x800  }
0x2ec: {  	[sflag:s24] =	ssyncset.done $0x0  }
0x2ed: {  	[sflag:s24] =	ssyncadd.s32 $0xFFFFF800  }
0x2ee: {  	_ =	swait.ge [sflag:s24], $0x800  }
0x2ef: {  	[sflag:s24] =	ssyncset.done $0x0  }
0x2f0: {  	[sflag:s24] =	ssyncadd.s32 $0xFFFFF800  }
0x2f1: {  	_ =	swait.ge [sflag:s24], $0x800  }
0x2f2: {  	[sflag:s24] =	ssyncset.done $0x0  }
0x2f3: {  	[sflag:s24] =	ssyncadd.s32 $0xFFFFF800  }
0x2f4: {  	_ =	swait.ge [sflag:s24], $0x800  }
0x2f5: {  	[sflag:s24] =	ssyncset.done $0x0  }
0x2f6: {  	[sflag:s24] =	ssyncadd.s32 $0xFFFFF800  }
0x2f7: {  	_ =	swait.ge [sflag:s24], $0x800  }
0x2f8: {  	[sflag:s24] =	ssyncset.done $0x0  }
0x2f9: {  	[sflag:s24] =	ssyncadd.s32 $0xFFFFF800  }
0x2fa: {  	_ =	swait.ge [sflag:s24], $0x800  }
0x2fb: {  	[sflag:s24] =	ssyncset.done $0x0  }
0x2fc: {  	s29 =	simm.s32 $0x0;
	[sflag:s24] =	ssyncadd.s32 $0xFFFFF800  }
0x2fd: {  	v2 =	vld [tilespmem:s29+$0x1800]  }
0x2fe: {  	v3 =	vld [tilespmem:s29+$0x800];
	_ =	sdelay $0x3  }
0x2ff: {  	v4 =	vadd.f32 $1.000000000e+00, v2  }
0x300: {  	v5 =	vadd.f32 $1.000000000e+00, v3  }
0x301: {  	v4 =	vadd.f32 v4, v4  }
0x302: {  	v5 =	vadd.f32 v5, v5  }
0x303: {  	v4 =	vmul.f32 v4, v0  }
0x304: {  	v5 =	vmul.f32 v5, v0  }
0x305: {  	v4 =	vadd.f32 $-1.000000000e+00, v4  }
0x306: {  	v5 =	vadd.f32 $-1.000000000e+00, v5  }
0x307: {  	v4 =	vadd.f32 $1.000000000e+00, v4  }
0x308: {  	v5 =	vadd.f32 $1.000000000e+00, v5  }
0x309: {  	v4 =	vmul.f32 $1.023500000e+03, v4  }
0x30a: {  	v5 =	vmul.f32 $1.023500000e+03, v5  }
0x30b: {  	v6 =	vtrunc.f32 v4  }
0x30c: {  	v7 =	vtrunc.f32 v5;
	v6 =	vcvt.f32.s32 v6  }
0x30d: {  	v7 =	vcvt.f32.s32 v7  }
0x30e: {  	v8 =	vcvt.s32.f32 v6  }
0x30f: {  	v10 =	vcvt.s32.f32 v7  }
0x310: {  	v12 =	vmax.f32 v4, $0.0e+00;
	v13 =	vmax.f32 v5, $0.0e+00;
	vm10 =	vlt.f32 v4, v8  }
0x311: {  	v9 =	vadd.f32 $-1.000000000e+00, v8;
	vm11 =	vlt.f32 v5, v10;
	v11 =	vsel vm10, $0xFFFFFFFF, v1  }
0x312: {  	v16 =	vsel vm11, $0xFFFFFFFF, v1;
	v6 =	vadd.s32 v6, v11;
	v11 =	vadd.f32 $-1.000000000e+00, v10  }
0x313: {  	v8 =	vsel vm10, v9, v8;
	v7 =	vadd.s32 v7, v16;
	v14 =	vadd.s32 $0xFFFFFFFF, v6  }
0x314: {  	v15 =	vmax.f32 v8, $0.0e+00;
	v20 =	vadd.s32 $0x1, v6;
	v19 =	vadd.s32 $0x2, v6  }
0x315: {  	v18 =	vor.u32 v7, v6;
	v25 =	vadd.s32 $0xFFFFFFFF, v7;
	v22 =	vmin.f32 v15, $2.047000000e+03  }
0x316: {  	v17 =	vld [tilespmem:s29+$0x18000];
	v11 =	vsel vm11, v11, v10;
	v10 =	vadd.s32 $0x1, v7;
	v15 =	vor.u32 v7, v20  }
0x317: {  	v21 =	vld [tilespmem:s29+$0x14800];
	vm14 =	vlt.u32 v18, $0x800;
	v26 =	vor.u32 v7, v14;
	v27 =	vor.u32 v25, v6  }
0x318: {  	v30 =	vld [tilespmem:s29+$0x14000];
	v25 =	vor.u32 v25, v20;
	v18 =	vsub.f32 v4, v8;
	v4 =	vor.u32 v7, v19  }
0x319: {  	v9 =	vld [tilespmem:s29+$0x17800];
	v7 =	vadd.s32 $0x2, v7;
	vm12 =	vlt.u32 v15, $0x800;
	v15 =	vor.u32 v10, v20  }
0x31a: {  	v16 =	vld [tilespmem:s29+$0x15800];
	v14 =	vor.u32 v10, v14;
	vm6 =	vlt.u32 v26, $0x800;
	vm7 =	vlt.u32 v27, $0x800  }
0x31b: {  	vm8 =	vlt.u32 v4, $0x800;
	vm11 =	vlt.u32 v25, $0x800;
	vm13 =	vlt.u32 v15, $0x800  }
0x31c: {  	v28 =	vld [tilespmem:s29+$0x19800];
	v15 =	vor.u32 v10, v19;
	vm15 =	vlt.u32 v14, $0x800;
	v14 =	vsub.f32 v5, v11  }
0x31d: {  	v31 =	vld [tilespmem:s29+$0x18800];
	v19 =	vsub.f32 $1.000000000e+00, v18;
	v10 =	vor.u32 v10, v6;
	v30 =	vnsel vm6, $0x0, v30  }
0x31e: {  	v8 =	vld [tilespmem:s29+$0x15000];
	v6 =	vor.u32 v7, v6;
	v23 =	vnsel vm12, $0x0, v9;
	v24 =	vnsel vm13, $0x0, v17  }
0x31f: {  	v29 =	vnsel vm14, $0x0, v16;
	v5 =	vnsel vm15, $0x0, v21;
	vm4 =	vlt.u32 v15, $0x800  }
0x320: {  	s0 =	simm.s32 $0x10;
	v27 =	vld [tilespmem:s29+$0x17000];
	vm5 =	vlt.u32 v10, $0x800;
	v15 =	vor.u32 v7, v20;
	vm10 =	vlt.u32 v6, $0x800  }
0x321: {  	v4 =	vld [tilespmem:s0+$0x1800];
	v6 =	vmin.f32 v13, $2.047000000e+03;
	v10 =	vnsel vm4, $0x0, v28;
	v28 =	vmul.f32 v29, v14  }
0x322: {  	v20 =	vld [tilespmem:s29+$0x16800];
	vm9 =	vlt.u32 v15, $0x800;
	v32 =	vmul.f32 v24, v14;
	v13 =	vsub.f32 $1.000000000e+00, v14  }
0x323: {  	v21 =	vld [tilespmem:s29+$0x19000];
	v26 =	vmul.f32 v10, v14;
	v8 =	vnsel vm7, $0x0, v8;
	v10 =	vnsel vm9, $0x0, v31  }
0x324: {  	v7 =	vld [tilespmem:s29+$0x16000];
	v31 =	vmul.f32 v5, v14;
	v5 =	vmax.f32 v11, $0.0e+00;
	v33 =	vmul.f32 v10, v14  }
0x325: {  	v10 =	vmul.f32 v23, v14;
	v11 =	vmin.f32 v5, $2.047000000e+03;
	v5 =	vld [tilespmem:s0+$0x800];
	v24 =	vmul.f32 v24, v13  }
0x326: {  	v15 =	vnsel vm11, $0x0, v27;
	v8 =	vmul.f32 v8, v13;
	v23 =	vmul.f32 v23, v13  }
0x327: {  	v29 =	vmul.f32 v29, v13;
	v25 =	vnsel vm10, $0x0, v20;
	v20 =	vadd.f32 $1.000000000e+00, v4  }
0x328: {  	v6 =	vsub.f32 v6, v11;
	v15 =	vmul.f32 v15, v13;
	v11 =	vmul.f32 v30, v13  }
0x329: {  	v21 =	vnsel vm8, $0x0, v21;
	v8 =	vadd.f32 v28, v8;
	v20 =	vadd.f32 v20, v20  }
0x32a: {  	v27 =	vnsel vm5, $0x0, v7;
	v23 =	vadd.f32 v32, v23;
	v28 =	vadd.f32 $1.000000000e+00, v5  }
0x32b: {  	v24 =	vadd.f32 v33, v24;
	v21 =	vmul.f32 v21, v13;
	v30 =	vmul.f32 v20, v0  }
0x32c: {  	v17 =	vmul.f32 v6, v17;
	v20 =	vmul.f32 v8, v19;
	v8 =	vadd.f32 v28, v28  }
0x32d: {  	v61 =	vmul.f32 v27, v14;
	v21 =	vadd.f32 v26, v21;
	v26 =	vadd.f32 $-1.000000000e+00, v30  }
0x32e: {  	v11 =	vadd.f32 v31, v11;
	v23 =	vmul.f32 v23, v19;
	v8 =	vmul.f32 v8, v0  }
0x32f: {  	v28 =	vadd.f32 v61, v29;
	v21 =	vmul.f32 v21, v18;
	v26 =	vadd.f32 $1.000000000e+00, v26  }
0x330: {  	v13 =	vmul.f32 v27, v13;
	v27 =	vmul.f32 v6, v7;
	v8 =	vadd.f32 $-1.000000000e+00, v8  }
0x331: {  	v29 =	vadd.f32 v21, v23;
	v23 =	vmul.f32 v28, v18;
	v28 =	vmul.f32 $1.023500000e+03, v26  }
0x332: {  	v11 =	vmul.f32 v11, v19;
	v26 =	vsub.f32 $1.000000000e+00, v6;
	v8 =	vadd.f32 $1.000000000e+00, v8  }
0x333: {  	v12 =	vmin.f32 v12, $2.047000000e+03;
	v21 =	vmul.f32 v24, v18;
	v6 =	vtrunc.f32 v28  }
0x334: {  	v7 =	vadd.f32 v11, v23;
	v16 =	vmul.f32 v26, v16;
	v8 =	vmul.f32 $1.023500000e+03, v8  }
0x335: {  	v23 =	vsub.f32 v12, v22;
	v11 =	vcvt.f32.s32 v6;
	v6 =	vmul.f32 v25, v14  }
0x336: {  	v24 =	vsub.f32 v29, v7;
	v9 =	vmul.f32 v26, v9;
	v27 =	vadd.f32 v16, v27  }
0x337: {  	v7 =	vtrunc.f32 v8;
	v12 =	vcvt.s32.f32 v11;
	v25 =	vadd.f32 v6, v13  }
0x338: {  	v6 =	vadd.f32 v9, v17;
	v17 =	vmax.f32 v28, $0.0e+00;
	v13 =	vmax.f32 v8, $0.0e+00  }
0x339: {  	v7 =	vcvt.f32.s32 v7;
	v59 =	vmin.f32 v13, $2.047000000e+03;
	v17 =	vmin.f32 v17, $2.047000000e+03  }
0x33a: {  	vm12 =	vlt.f32 v28, v12;
	v9 =	vadd.f32 $-1.000000000e+00, v12;
	v19 =	vmul.f32 v25, v19  }
0x33b: {  	v25 =	vsub.f32 $1.000000000e+00, v23;
	v14 =	vcvt.s32.f32 v7;
	v22 =	vsel vm12, $0xFFFFFFFF, v1  }
0x33c: {  	v6 =	vmul.f32 v6, v23;
	v11 =	vadd.s32 v11, v22;
	v9 =	vsel vm12, v9, v12  }
0x33d: {  	v19 =	vadd.f32 v21, v19;
	v25 =	vmul.f32 v27, v25;
	v22 =	vadd.f32 $-1.000000000e+00, v14  }
0x33e: {  	vm13 =	vlt.f32 v8, v14;
	v12 =	vadd.s32 $0xFFFFFFFF, v11;
	v26 =	vmax.f32 v9, $0.0e+00  }
0x33f: {  	v62 =	vadd.s32 $0x1, v11;
	v34 =	vadd.s32 $0x2, v11;
	v30 =	vsel vm13, $0xFFFFFFFF, v1  }
0x340: {  	v9 =	vsub.f32 v28, v9;
	v33 =	vmin.f32 v26, $2.047000000e+03;
	v7 =	vadd.s32 v7, v30  }
0x341: {  	v35 =	vld [tilespmem:s0+$0x14800];
	v14 =	vsel vm13, v22, v14;
	v22 =	vadd.s32 $0x1, v7;
	v30 =	vor.u32 v7, v62  }
0x342: {  	v41 =	vld [tilespmem:s0+$0x19800];
	v36 =	vor.u32 v7, v11;
	v39 =	vadd.s32 $0xFFFFFFFF, v7;
	v63 =	vor.u32 v7, v12  }
0x343: {  	v29 =	vld [tilespmem:s0+$0x17800];
	v28 =	vor.u32 v7, v34;
	v7 =	vadd.s32 $0x2, v7;
	v44 =	vsub.f32 v8, v14  }
0x344: {  	v43 =	vld [tilespmem:s0+$0x14000];
	vm14 =	vlt.u32 v30, $0x800;
	v30 =	vor.u32 v22, v62;
	v38 =	vor.u32 v22, v34  }
0x345: {  	v49 =	vld [tilespmem:s0+$0x19000];
	vm4 =	vlt.u32 v36, $0x800;
	v40 =	vor.u32 v39, v11;
	v39 =	vor.u32 v39, v62  }
0x346: {  	v31 =	vld [tilespmem:s0+$0x18000];
	v12 =	vor.u32 v22, v12;
	v22 =	vor.u32 v22, v11;
	vm8 =	vlt.u32 v63, $0x800  }
0x347: {  	v26 =	vld [tilespmem:s0+$0x15800];
	v32 =	vor.u32 v7, v62;
	vm10 =	vlt.u32 v28, $0x800;
	v7 =	vor.u32 v7, v11  }
0x348: {  	v48 =	vld [tilespmem:s0+$0x15000];
	v37 =	vnsel vm14, $0x0, v29;
	vm15 =	vlt.u32 v30, $0x800;
	vm5 =	vlt.u32 v12, $0x800  }
0x349: {  	v45 =	vld [tilespmem:s0+$0x18800];
	v12 =	vsub.f32 $1.000000000e+00, v9;
	vm6 =	vlt.u32 v38, $0x800;
	vm7 =	vlt.u32 v22, $0x800  }
0x34a: {  	v51 =	vld [tilespmem:s0+$0x16800];
	v43 =	vnsel vm8, $0x0, v43;
	vm9 =	vlt.u32 v40, $0x800;
	vm11 =	vlt.u32 v32, $0x800  }
0x34b: {  	v55 =	vld [tilespmem:s0+$0x16000];
	v53 =	vnsel vm10, $0x0, v49;
	vm12 =	vlt.u32 v7, $0x800;
	vm13 =	vlt.u32 v39, $0x800  }
0x34c: {  	v58 =	vsub.f32 $1.000000000e+00, v44;
	v30 =	vnsel vm15, $0x0, v31;
	v42 =	vnsel vm4, $0x0, v26  }
0x34d: {  	v52 =	vld [tilespmem:s0+$0x17000];
	v8 =	vnsel vm5, $0x0, v35;
	v22 =	vnsel vm6, $0x0, v41;
	v28 =	vnsel vm9, $0x0, v48  }
0x34e: {  	v56 =	vnsel vm11, $0x0, v45;
	v11 =	vmul.f32 v37, v44;
	v50 =	vmul.f32 v42, v44  }
0x34f: {  	v41 =	vnsel vm12, $0x0, v51;
	v22 =	vmul.f32 v22, v44;
	v54 =	vmul.f32 v30, v44  }
0x350: {  	s3 =	simm.s32 $0x20;
	v47 =	vnsel vm7, $0x0, v55;
	v57 =	vmul.f32 v8, v44;
	v40 =	vmul.f32 v56, v44  }
0x351: {  	v7 =	vld [tilespmem:s3+$0x1800];
	v8 =	vmax.f32 v14, $0.0e+00;
	v43 =	vmul.f32 v43, v58;
	v60 =	vmul.f32 v37, v58  }
0x352: {  	v14 =	vnsel vm13, $0x0, v52;
	v16 =	vmul.f32 v53, v58;
	v63 =	vmul.f32 v42, v58  }
0x353: {  	v42 =	vmul.f32 v47, v44;
	v46 =	vmin.f32 v8, $2.047000000e+03;
	v13 =	vmul.f32 v14, v58  }
0x354: {  	v14 =	vmul.f32 v28, v58;
	v8 =	vld [tilespmem:s3+$0x800];
	v28 =	vsub.f32 v59, v46;
	v61 =	vadd.f32 v54, v60  }
0x355: {  	v30 =	vmul.f32 v30, v58;
	v16 =	vadd.f32 v22, v16;
	v36 =	vadd.f32 v42, v63  }
0x356: {  	v48 =	vmul.f32 v47, v58;
	v45 =	vadd.f32 v57, v43;
	v62 =	vadd.f32 $1.000000000e+00, v7  }
0x357: {  	v49 =	vmul.f32 v41, v44;
	v30 =	vadd.f32 v40, v30;
	v46 =	vadd.f32 v10, v15  }
0x358: {  	v10 =	vsub.f32 v17, v33;
	v31 =	vmul.f32 v28, v31;
	v34 =	vadd.f32 v62, v62  }
0x359: {  	v32 =	vmul.f32 v61, v12;
	v18 =	vmul.f32 v46, v18;
	v22 =	vadd.f32 $1.000000000e+00, v8  }
0x35a: {  	v14 =	vadd.f32 v50, v14;
	v16 =	vmul.f32 v16, v9;
	v34 =	vmul.f32 v34, v0  }
0x35b: {  	v37 =	vmul.f32 v45, v12;
	v18 =	vadd.f32 v18, v20;
	v22 =	vadd.f32 v22, v22  }
0x35c: {  	v32 =	vadd.f32 v16, v32;
	v16 =	vmul.f32 v30, v9;
	v34 =	vadd.f32 $-1.000000000e+00, v34  }
0x35d: {  	v30 =	vsub.f32 $1.000000000e+00, v28;
	v19 =	vsub.f32 v19, v18;
	v22 =	vmul.f32 v22, v0  }
0x35e: {  	v36 =	vmul.f32 v36, v9;
	v53 =	vmul.f32 v28, v55;
	v17 =	vadd.f32 $1.000000000e+00, v34  }
0x35f: {  	v38 =	vmul.f32 v30, v26;
	v19 =	vmul.f32 $5.117500000e+02, v19;
	v15 =	vadd.f32 $-1.000000000e+00, v22  }
0x360: {  	v18 =	vmul.f32 $5.117500000e+02, v24;
	v22 =	vadd.f32 v37, v36;
	v37 =	vmul.f32 $1.023500000e+03, v17  }
0x361: {  	v59 =	vmul.f32 v19, v19;
	v17 =	vmul.f32 v30, v29;
	v50 =	vadd.f32 $1.000000000e+00, v15  }
0x362: {  	v30 =	vmul.f32 v18, v18;
	v15 =	vsub.f32 v32, v22;
	v29 =	vtrunc.f32 v37  }
0x363: {  	v22 =	vadd.f32 v49, v48;
	v28 =	vmul.f32 $1.023500000e+03, v50;
	v29 =	vcvt.f32.s32 v29  }
0x364: {  	v14 =	vmul.f32 v14, v12;
	v31 =	vadd.f32 v17, v31;
	v30 =	vadd.f32 v30, v59  }
0x365: {  	v17 =	vmax.f32 v37, $0.0e+00;
	v56 =	vtrunc.f32 v28;
	v57 =	vcvt.s32.f32 v29  }
0x366: {  	v23 =	vmul.f32 v31, v10;
	v44 =	vmax.f32 v30, $9.999999960e-13;
	v32 =	vcvt.f32.s32 v56  }
0x367: {  	v33 =	vmax.f32 v28, $0.0e+00;
	v30 =	vmul.f32 $5.000000000e-01, v44;
	vm14 =	vlt.f32 v37, v57  }
0x368: {  	v21 =	vadd.f32 $-1.000000000e+00, v57;
	v20 =	vcvt.s32.f32 v32;
	v31 =	vsel vm14, $0xFFFFFFFF, v1  }
0x369: {  	(erf) = vrcp.f32 v44;
	v33 =	vmin.f32 v33, $2.047000000e+03;
	v29 =	vadd.s32 v29, v31  }
0x36a: {  	v31 =	vsel vm14, v21, v57;
	v26 =	vadd.f32 $-1.000000000e+00, v20;
	vm15 =	vlt.f32 v28, v20  }
0x36b: {  	v36 =	vadd.s32 $0xFFFFFFFF, v29;
	v39 =	vadd.s32 $0x1, v29;
	v58 =	vsel vm15, $0xFFFFFFFF, v1  }
0x36c: {  	v24 =	vmax.f32 v31, $0.0e+00;
	v60 =	vadd.s32 $0x2, v29;
	v32 =	vadd.s32 v32, v58  }
0x36d: {  	v24 =	vmin.f32 v24, $2.047000000e+03;
	v43 =	vsel vm15, v26, v20;
	v41 =	vadd.s32 $0x1, v32  }
0x36e: {  	v26 =	vor.u32 v32, v39;
	v61 =	vor.u32 v32, v29;
	v56 =	vadd.s32 $0xFFFFFFFF, v32  }
0x36f: {  	v21 =	vld [tilespmem:s3+$0x17800];
	v57 =	vor.u32 v32, v36;
	v54 =	vadd.s32 $0x2, v32;
	vm4 =	vlt.u32 v26, $0x800  }
0x370: {  	v26 =	vor.u32 v41, v39;
	v62 =	vor.u32 v41, v60;
	vm6 =	vlt.u32 v61, $0x800  }
0x371: {  	v48 =	vor.u32 v56, v29;
	v52 =	vor.u32 v56, v39;
	v61 =	vor.u32 v41, v29  }
0x372: {  	v27 =	vld [tilespmem:s3+$0x18000];
	vm10 =	vlt.u32 v57, $0x800;
	vm5 =	vlt.u32 v26, $0x800;
	v26 =	vshra.s32 v44, $0x1  }
0x373: {  	v51 =	vld [tilespmem:s3+$0x19800];
	v39 =	vor.u32 v54, v39;
	v29 =	vor.u32 v54, v29;
	v49 =	vsub.s32 $0x5F3759DF, v26  }
0x374: {  	v59 =	vld [tilespmem:s3+$0x14000];
	v34 =	vnsel vm4, $0x0, v21;
	vm8 =	vlt.u32 v62, $0x800;
	v58 =	vmul.f32 v49, v30  }
0x375: {  	v20 =	vld [tilespmem:s3+$0x15800];
	vm9 =	vlt.u32 v61, $0x800;
	v26 =	vsub.f32 v37, v31;
	v31 =	vor.u32 v41, v36  }
0x376: {  	v63 =	vld [tilespmem:s3+$0x14800];
	vm11 =	vlt.u32 v48, $0x800;
	vm7 =	vlt.u32 v31, $0x800;
	v31 =	vmul.f32 v49, v58  }
0x377: {  	vm12 =	vlt.u32 v39, $0x800;
	vm14 =	vlt.u32 v29, $0x800;
	vm15 =	vlt.u32 v52, $0x800  }
0x378: {  	v29 =	vmax.f32 v43, $0.0e+00;
	v36 =	vor.u32 v32, v60;
	v60 =	vld [tilespmem:s3+$0x15000];
	v31 =	vsub.f32 $1.500000000e+00, v31  }
0x379: {  	v50 =	vnsel vm5, $0x0, v27;
	v32 =	vsub.f32 v28, v43;
	v62 =	vnsel vm8, $0x0, v51  }
0x37a: {  	v41 =	vld [tilespmem:s3+$0x18800];
	v51 =	vnsel vm10, $0x0, v59;
	v35 =	vnsel vm6, $0x0, v20;
	v37 =	vmul.f32 v49, v31  }
0x37b: {  	v29 =	vmin.f32 v29, $2.047000000e+03;
	v45 =	vnsel vm7, $0x0, v63;
	v42 =	vmul.f32 v35, v32;
	v63 =	vld [tilespmem:s3+$0x16800]  }
0x37c: {  	v55 =	vld [tilespmem:s3+$0x19000];
	vm13 =	vlt.u32 v36, $0x800;
	v40 =	vmul.f32 v62, v32;
	v61 =	vmul.f32 v37, v30  }
0x37d: {  	v48 =	vmul.f32 v50, v32;
	v43 =	vsub.f32 $1.000000000e+00, v32;
	v56 =	vnsel vm11, $0x0, v60;
	v60 =	vld [tilespmem:s3+$0x17000]  }
0x37e: {  	v36 =	vsub.f32 v33, v29;
	v46 =	vmul.f32 v45, v32;
	v31 =	vld [tilespmem:s3+$0x16000];
	v62 =	vmul.f32 v61, v37  }
0x37f: {  	v29 =	vadd.f32 v38, v53;
	v51 =	vmul.f32 v51, v43;
	v50 =	vmul.f32 v50, v43  }
0x380: {  	v41 =	vnsel vm12, $0x0, v41;
	v39 =	vnsel vm14, $0x0, v63;
	v63 =	vsub.f32 $1.500000000e+00, v62  }
0x381: {  	v28 =	vsub.f32 $1.000000000e+00, v26;
	v45 =	vmul.f32 v41, v32;
	v41 =	vmul.f32 v34, v32  }
0x382: {  	v49 =	vnsel vm13, $0x0, v55;
	v52 =	vnsel vm15, $0x0, v60;
	v37 =	vmul.f32 v63, v37  }
0x383: {  	s9 =	simm.s32 $0xC0;
	v47 =	vmul.f32 v52, v43;
	v52 =	vmul.f32 v56, v43;
	v44 =	vnsel vm9, $0x0, v31  }
.LBB2_11:
0x384: {  	s10 =	sshra.s32 s9, $0x2;
	p0 =	sne.s32 s9, $0x1FC0;
	s9 =	sadd.s32 $0x40, s9;
	v33 =	vmul.f32 v34, v43;
	v25 =	vadd.f32 v6, v25;
	v30 =	vmul.f32 v37, v30;
	v6 =	vmovc v23  }
0x385: {  	v27 =	vmul.f32 v36, v27;
	v38 =	vmul.f32 v49, v43;
	v23 =	vld [tilespmem:s10+$0x1800];
	v34 =	vadd.f32 v42, v52;
	v42 =	vpop (erf)  }
0x386: {  	v35 =	vmul.f32 v35, v43;
	v49 =	vld [tilespmem:s10+$0x800];
	v33 =	vadd.f32 v48, v33;
	v48 =	vmul.f32 v44, v32  }
0x387: {  	v38 =	vadd.f32 v40, v38;
	v40 =	vmul.f32 v42, v25;
	v34 =	vmul.f32 v34, v28  }
0x388: {  	v30 =	vmul.f32 v30, v37;
	v33 =	vmul.f32 v33, v28;
	v35 =	vadd.f32 v48, v35  }
0x389: {  	v42 =	vadd.f32 v45, v50;
	v45 =	vadd.f32 v46, v51;
	v38 =	vmul.f32 v38, v26  }
0x38a: {  	v17 =	vmin.f32 v17, $2.047000000e+03;
	v30 =	vsub.f32 $1.500000000e+00, v30;
	v46 =	vadd.f32 $1.000000000e+00, v23  }
0x38b: {  	v33 =	vadd.f32 v38, v33;
	v38 =	vmul.f32 v45, v28;
	v48 =	vadd.f32 $1.000000000e+00, v49  }
0x38c: {  	v35 =	vmul.f32 v35, v26;
	v30 =	vmul.f32 v30, v37;
	v45 =	vadd.f32 v46, v46  }
0x38d: {  	v42 =	vmul.f32 v42, v26;
	v46 =	vadd.f32 v11, v13;
	v11 =	vmovc v41;
	v37 =	vadd.f32 v48, v48  }
0x38e: {  	v24 =	vsub.f32 v17, v24;
	v17 =	vadd.f32 v38, v35;
	v13 =	vmovc v47;
	v41 =	vmul.f32 v45, v0  }
0x38f: {  	v30 =	vmul.f32 $1.000000050e-03, v30;
	v35 =	vmul.f32 v37, v0;
	v37 =	vsub.f32 $1.000000000e+00, v36  }
0x390: {  	vm0 =	vgt.f32 v25, $0.0e+00;
	v38 =	vadd.f32 $-1.000000000e+00, v41;
	v41 =	vsub.f32 v33, v17  }
0x391: {  	v25 =	vmul.f32 v44, v43;
	v30 =	vadd.f32 v30, v40;
	v17 =	vadd.f32 $-1.000000000e+00, v35  }
0x392: {  	v33 =	vmul.f32 v36, v31;
	v31 =	vmul.f32 v39, v32;
	v35 =	vadd.f32 $1.000000000e+00, v38  }
0x393: {  	v19 =	vmul.f32 v30, v19;
	v21 =	vmul.f32 v37, v21;
	v17 =	vadd.f32 $1.000000000e+00, v17  }
0x394: {  	v18 =	vmul.f32 v30, v18;
	v25 =	vadd.f32 v31, v25;
	v32 =	vmul.f32 $1.023500000e+03, v35  }
0x395: {  	v19 =	vsub.f32 v3, v19;
	v21 =	vadd.f32 v21, v27;
	v31 =	vmul.f32 $1.023500000e+03, v17  }
0x396: {  	v18 =	vsub.f32 v2, v18;
	v27 =	vtrunc.f32 v32;
	v17 =	vmax.f32 v32, $0.0e+00  }
0x397: {  	v19 =	vsel vm0, v19, v3;
	v3 =	vmovc v5;
	v5 =	vmovc v8;
	v27 =	vcvt.f32.s32 v27;
	v36 =	vmax.f32 v31, $0.0e+00  }
0x398: {  	v12 =	vmul.f32 v22, v12;
	v18 =	vsel vm0, v18, v2;
	v2 =	vmovc v4;
	v38 =	vtrunc.f32 v31;
	[tilespmem:s29+$0x1A800] =	vst v19  }
0x399: {  	v30 =	vsub.f32 $1.000000000e+00, v10;
	v39 =	vmul.f32 v46, v9;
	v4 =	vmovc v7;
	v7 =	vmovc v23;
	v19 =	vcvt.s32.f32 v27;
	[tilespmem:s29+$0x1B800] =	vst v18;
	s29 =	smov.u32 s0;
	s0 =	smov.u32 s3;
	s3 =	smov.u32 s10  }
0x39a: {  	v40 =	vadd.f32 v16, v12;
	v16 =	vmovc v42;
	v8 =	vmovc v49;
	v23 =	vmul.f32 v21, v24;
	v35 =	vcvt.f32.s32 v38  }
0x39b: {  	v10 =	vmovc v24;
	v21 =	vadd.f32 v39, v14;
	v14 =	vmovc v34;
	vm0 =	vlt.f32 v32, v19;
	v18 =	vadd.f32 $-1.000000000e+00, v19  }
0x39c: {  	v9 =	vmovc v26;
	v22 =	vmovc v25;
	v38 =	vmul.f32 v37, v20;
	v34 =	vcvt.s32.f32 v35;
	v24 =	vsel vm0, $0xFFFFFFFF, v1  }
0x39d: {  	v12 =	vmovc v28;
	v25 =	vmul.f32 v29, v30;
	v20 =	vsub.f32 v40, v21;
	v37 =	vadd.s32 v27, v24  }
0x39e: {  	v26 =	vadd.f32 $-1.000000000e+00, v34;
	v28 =	vsel vm0, v18, v19;
	v18 =	vmul.f32 $5.117500000e+02, v15;
	v15 =	vmovc v41;
	v21 =	vld [tilespmem:s3+$0x17800]  }
0x39f: {  	v19 =	vmul.f32 $5.117500000e+02, v20;
	v39 =	vadd.s32 $0xFFFFFFFF, v37;
	v40 =	vadd.s32 $0x1, v37;
	v29 =	vld [tilespmem:s3+$0x16800]  }
0x3a0: {  	vm0 =	vlt.f32 v31, v34;
	v20 =	vmax.f32 v28, $0.0e+00;
	v30 =	vmul.f32 v18, v18  }
0x3a1: {  	v41 =	vsel vm0, $0xFFFFFFFF, v1;
	v24 =	vmin.f32 v20, $2.047000000e+03;
	v20 =	vmul.f32 v19, v19;
	v27 =	vld [tilespmem:s3+$0x18000]  }
0x3a2: {  	v43 =	vsel vm0, v26, v34;
	v42 =	vadd.s32 $0x2, v37;
	v41 =	vadd.s32 v35, v41  }
0x3a3: {  	v45 =	vadd.s32 $0x1, v41;
	v26 =	vor.u32 v41, v40;
	v30 =	vadd.f32 v30, v20;
	v44 =	vld [tilespmem:s3+$0x14800]  }
0x3a4: {  	v35 =	vor.u32 v41, v37;
	vm0 =	vlt.u32 v26, $0x800;
	v26 =	vor.u32 v45, v40;
	v20 =	vld [tilespmem:s3+$0x15800]  }
0x3a5: {  	v34 =	vnsel vm0, $0x0, v21;
	vm0 =	vlt.u32 v26, $0x800;
	v47 =	vmax.f32 v30, $9.999999960e-13  }
0x3a6: {  	v46 =	vor.u32 v45, v42;
	v26 =	vshra.s32 v47, $0x1;
	v50 =	vnsel vm0, $0x0, v27  }
0x3a7: {  	v48 =	vadd.s32 $0xFFFFFFFF, v41;
	v30 =	vmul.f32 $5.000000000e-01, v47;
	vm0 =	vlt.u32 v35, $0x800  }
0x3a8: {  	v49 =	vor.u32 v41, v39;
	v52 =	vor.u32 v48, v37;
	v53 =	vsub.s32 $0x5F3759DF, v26;
	v51 =	vld [tilespmem:s3+$0x17000]  }
0x3a9: {  	v55 =	vor.u32 v48, v40;
	v48 =	vmul.f32 v53, v30;
	v54 =	vld [tilespmem:s3+$0x19800];
	v35 =	vnsel vm0, $0x0, v20  }
0x3aa: {  	v26 =	vsub.f32 v32, v28;
	v28 =	vor.u32 v45, v39;
	v39 =	vor.u32 v41, v42;
	v56 =	vld [tilespmem:s3+$0x18800]  }
0x3ab: {  	v41 =	vadd.s32 $0x2, v41;
	v42 =	vmul.f32 v53, v48;
	vm0 =	vlt.u32 v28, $0x800;
	v57 =	vld [tilespmem:s3+$0x14000]  }
0x3ac: {  	v32 =	vsub.f32 v31, v43;
	v28 =	vsub.f32 $1.000000000e+00, v26;
	v44 =	vnsel vm0, $0x0, v44;
	v31 =	vld [tilespmem:s3+$0x15000]  }
0x3ad: {  	vm1 =	vlt.u32 v46, $0x800;
	v45 =	vor.u32 v45, v37;
	v46 =	vsub.f32 $1.500000000e+00, v42;
	v48 =	vld [tilespmem:s3+$0x19000]  }
0x3ae: {  	vm0 =	vlt.u32 v45, $0x800;
	v42 =	vmul.f32 v35, v32;
	v45 =	vnsel vm1, $0x0, v54  }
0x3af: {  	vm1 =	vlt.u32 v49, $0x800;
	v49 =	vor.u32 v41, v40;
	v40 =	vmul.f32 v45, v32  }
0x3b0: {  	v54 =	vnsel vm1, $0x0, v57;
	vm1 =	vlt.u32 v52, $0x800;
	v52 =	vmul.f32 v53, v46  }
0x3b1: {  	vm2 =	vlt.u32 v39, $0x800;
	v53 =	vnsel vm1, $0x0, v31;
	vm1 =	vlt.u32 v49, $0x800  }
0x3b2: {  	v49 =	vnsel vm2, $0x0, v48;
	v48 =	vmul.f32 v50, v32;
	v39 =	vmul.f32 v52, v30  }
0x3b3: {  	v46 =	vmul.f32 v44, v32;
	v45 =	vnsel vm1, $0x0, v56;
	v31 =	vld [tilespmem:s3+$0x16000];
	(erf) = vrcp.f32 v47  }
0x3b4: {  	v37 =	vor.u32 v41, v37;
	v45 =	vmul.f32 v45, v32;
	v44 =	vmul.f32 v39, v52  }
0x3b5: {  	v41 =	vmul.f32 v34, v32;
	vm1 =	vlt.u32 v37, $0x800;
	vm2 =	vlt.u32 v55, $0x800  }
.Ltmp4:
0x3b6: {  	v39 =	vnsel vm1, $0x0, v29;
	v29 =	vmax.f32 v43, $0.0e+00;
	v37 =	vsub.f32 $1.500000000e+00, v44;
	(pc) =	sbr.rel @p0 .LBB2_11-.Ltmp4, $4  }
0x3b7: {  	v36 =	vmin.f32 v36, $2.047000000e+03;
	v43 =	vsub.f32 $1.000000000e+00, v32;
	v29 =	vmin.f32 v29, $2.047000000e+03  }
0x3b8: {  	v47 =	vnsel vm2, $0x0, v51;
	v44 =	vnsel vm0, $0x0, v31;
	v37 =	vmul.f32 v37, v52  }
0x3b9: {  	v36 =	vsub.f32 v36, v29;
	v47 =	vmul.f32 v47, v43;
	v51 =	vmul.f32 v54, v43  }
0x3ba: {  	v50 =	vmul.f32 v50, v43;
	v29 =	vadd.f32 v38, v33;
	v52 =	vmul.f32 v53, v43  }
0x3bb: {  	v33 =	vmul.f32 v34, v43;
	v61 =	vmul.f32 v49, v43  }
0x3bc: {  	v35 =	vmul.f32 v35, v43;
	v62 =	vmul.f32 v44, v32  }
0x3bd: {  	v63 =	vadd.f32 v46, v51;
	v11 =	vadd.f32 v11, v13;
	v43 =	vmul.f32 v44, v43  }
0x3be: {  	v44 =	vmul.f32 v39, v32;
	v38 =	vadd.f32 v42, v52;
	v46 =	vadd.f32 v45, v50  }
0x3bf: {  	v12 =	vmul.f32 v22, v12;
	v50 =	vadd.f32 v41, v47;
	v33 =	vadd.f32 v48, v33  }
0x3c0: {  	v34 =	vadd.f32 v40, v61;
	v40 =	vmul.f32 v63, v28;
	v42 =	vadd.f32 v62, v35  }
0x3c1: {  	v9 =	vmul.f32 v11, v9;
	v49 =	vadd.f32 v44, v43;
	v38 =	vmul.f32 v38, v28  }
0x3c2: {  	v12 =	vadd.f32 v16, v12;
	v51 =	vmul.f32 v46, v26;
	v53 =	vmul.f32 v50, v26  }
0x3c3: {  	v33 =	vmul.f32 v33, v28;
	v34 =	vmul.f32 v34, v26;
	v9 =	vadd.f32 v9, v14  }
0x3c4: {  	v48 =	vmul.f32 v42, v26;
	v13 =	vmul.f32 v49, v28;
	v55 =	vadd.f32 v53, v38  }
0x3c5: {  	v52 =	vadd.f32 v34, v33;
	v9 =	vsub.f32 v12, v9  }
0x3c6: {  	v11 =	vadd.f32 v40, v48;
	v54 =	vadd.f32 v51, v13  }
0x3c7: {  	v15 =	vmul.f32 $5.117500000e+02, v15;
	v9 =	vmul.f32 $5.117500000e+02, v9  }
0x3c8: {  	v11 =	vsub.f32 v52, v11;
	v12 =	vsub.f32 v54, v55  }
0x3c9: {  	v56 =	vmul.f32 v15, v15;
	v57 =	vmul.f32 v9, v9  }
0x3ca: {  	v11 =	vmul.f32 $5.117500000e+02, v11;
	v12 =	vmul.f32 $5.117500000e+02, v12;
	_ =	sdelay $0x1  }
0x3cb: {  	v13 =	vadd.f32 v56, v57;
	v58 =	vmul.f32 v11, v11;
	v59 =	vmul.f32 v12, v12;
	_ =	sdelay $0x1  }
0x3cc: {  	v13 =	vmax.f32 v13, $9.999999960e-13;
	v14 =	vadd.f32 v58, v59  }
0x3cd: {  	v60 =	vshra.s32 v13, $0x1;
	v61 =	vmul.f32 $5.000000000e-01, v13  }
0x3ce: {  	v62 =	vsub.s32 $0x5F3759DF, v60;
	v14 =	vmax.f32 v14, $9.999999960e-13  }
0x3cf: {  	v22 =	vmul.f32 v62, v61;
	v63 =	vshra.s32 v14, $0x1;
	v38 =	vmul.f32 $5.000000000e-01, v14  }
0x3d0: {  	v28 =	vsub.s32 $0x5F3759DF, v63  }
0x3d1: {  	v22 =	vmul.f32 v62, v22;
	v39 =	vmul.f32 v28, v38;
	_ =	sdelay $0x1  }
0x3d2: {  	v22 =	vsub.f32 $1.500000000e+00, v22;
	v33 =	vmul.f32 v28, v39;
	_ =	sdelay $0x1  }
0x3d3: {  	v16 =	vmul.f32 v62, v22;
	v40 =	vsub.f32 $1.500000000e+00, v33;
	_ =	sdelay $0x1  }
0x3d4: {  	v41 =	vmul.f32 v16, v61;
	v22 =	vmul.f32 v28, v40  }
0x3d5: {  	v30 =	vmul.f32 v37, v30  }
0x3d6: {  	v42 =	vmul.f32 v41, v16;
	v43 =	vmul.f32 v22, v38  }
0x3d7: {  	v27 =	vmul.f32 v36, v27;
	v31 =	vmul.f32 v36, v31  }
0x3d8: {  	v10 =	vsub.f32 $1.000000000e+00, v10;
	v44 =	vsub.f32 $1.500000000e+00, v42;
	v46 =	vmul.f32 v43, v22  }
0x3d9: {  	v6 =	vadd.f32 v6, v25;
	v47 =	vpop (erf);
	v30 =	vmul.f32 v30, v37;
	(erf) = vrcp.f32 v13  }
0x3da: {  	v10 =	vmul.f32 v29, v10;
	v48 =	vmul.f32 v44, v16;
	v51 =	vsub.f32 $1.500000000e+00, v46  }
0x3db: {  	v49 =	vmul.f32 v47, v6;
	v52 =	vsub.f32 $1.000000000e+00, v36;
	(erf) = vrcp.f32 v14  }
0x3dc: {  	v17 =	vmin.f32 v17, $2.047000000e+03;
	v26 =	vmul.f32 v48, v61;
	v53 =	vmul.f32 v51, v22  }
0x3dd: {  	v45 =	vsub.f32 $1.500000000e+00, v30;
	v21 =	vmul.f32 v52, v21;
	v20 =	vmul.f32 v52, v20  }
0x3de: {  	v17 =	vsub.f32 v17, v24;
	v54 =	vmul.f32 v26, v48;
	v55 =	vmul.f32 v53, v38  }
0x3df: {  	v50 =	vmul.f32 v45, v37;
	v21 =	vadd.f32 v21, v27;
	v20 =	vadd.f32 v20, v31  }
0x3e0: {  	v56 =	vsub.f32 $1.000000000e+00, v17;
	v22 =	vsub.f32 $1.500000000e+00, v54;
	v24 =	vmul.f32 v55, v53  }
0x3e1: {  	v10 =	vadd.f32 v23, v10;
	v25 =	vmul.f32 $1.000000050e-03, v50;
	v17 =	vmul.f32 v21, v17  }
0x3e2: {  	v20 =	vmul.f32 v20, v56;
	v57 =	vpop (erf);
	v13 =	vmul.f32 v22, v48;
	v58 =	vsub.f32 $1.500000000e+00, v24  }
0x3e3: {  	v21 =	vmul.f32 v57, v10;
	v16 =	vadd.f32 v25, v49  }
0x3e4: {  	v17 =	vadd.f32 v17, v20;
	v13 =	vmul.f32 $1.000000050e-03, v13;
	v14 =	vmul.f32 v58, v53  }
0x3e5: {  	v59 =	vpop (erf);
	v19 =	vmul.f32 v16, v19;
	v16 =	vmul.f32 v16, v18  }
0x3e6: {  	v18 =	vmul.f32 v59, v17;
	v13 =	vadd.f32 v13, v21;
	v14 =	vmul.f32 $1.000000050e-03, v14  }
0x3e7: {  	vm0 =	vgt.f32 v6, $0.0e+00  }
0x3e8: {  	v60 =	vsub.f32 v3, v19;
	v9 =	vmul.f32 v13, v9;
	v14 =	vadd.f32 v14, v18  }
0x3e9: {  	vm14 =	vgt.f32 v10, $0.0e+00;
	v16 =	vsub.f32 v2, v16;
	v61 =	vmul.f32 v13, v15  }
0x3ea: {  	v3 =	vsel vm0, v60, v3;
	v9 =	vsub.f32 v5, v9;
	v12 =	vmul.f32 v14, v12  }
0x3eb: {  	v2 =	vsel vm0, v16, v2;
	[tilespmem:s29+$0x1A800] =	vst v3;
	v3 =	vsub.f32 v4, v61;
	v62 =	vmul.f32 v14, v11  }
0x3ec: {  	[tilespmem:s29+$0x1B800] =	vst v2;
	v2 =	vsel vm14, v9, v5;
	v63 =	vsub.f32 v8, v12  }
0x3ed: {  	vm15 =	vgt.f32 v17, $0.0e+00;
	[tilespmem:s0+$0x1A800] =	vst v2;
	v2 =	vsel vm14, v3, v4;
	v3 =	vsub.f32 v7, v62  }
0x3ee: {  	[tilespmem:s0+$0x1B800] =	vst v2;
	v2 =	vsel vm15, v63, v8  }
0x3ef: {  	[tilespmem:s3+$0x1A800] =	vst v2;
	v2 =	vsel vm15, v3, v7  }
0x3f0: {  	s10 =	sadd.s32 s6, s28;
	s29 =	simm.s32 $0x1A800;
	[tilespmem:s3+$0x1B800] =	vst v2  }
0x3f1: {  	[hbm4b:s10+s2] =	stream.linear.scatter [tilespmem:s29], [sflag:$0x3], $0x800, $0x38;
	[tilespmem:$0x1C000] =	vst v63  }
0x3f2: {  	s26 =	sadd.s32 $0x1, s26;
	_ =	swait.ge [sflag:s15], $0x800  }
0x3f3: {  	s30 =	sadd.s32 s8, s28;
	p0 =	sne.s32 s26, $0x10;
	[sflag:s15] =	ssyncset.done $0x0  }
.Ltmp5:
0x3f4: {  	s31 =	simm.s32 $0x1B800;
	[sflag:s15] =	ssyncadd.s32 $0xFFFFF800;
	(pc) =	sbr.rel @p0 .LBB2_4-.Ltmp5, $4  }
0x3f5: {  	[hbm4b:s30+s2] =	stream.linear.scatter [tilespmem:s31], [sflag:$0x3], $0x800, $0x38;
	[tilespmem:$0x1C000] =	vst v63  }
0x3f6: {  	_ =	swait.ge [sflag:s15], $0x800  }
0x3f7: {  	[sflag:s15] =	ssyncset.done $0x0  }
0x3f8: {  	[sflag:s15] =	ssyncadd.s32 $0xFFFFF800  }
0x3f9: {  	_ =	swait.ge [sflag:s21], $0x800  }
0x3fa: {  	[sflag:s21] =	ssyncset.done $0x0  }
0x3fb: {  	[sflag:s21] =	ssyncadd.s32 $0xFFFFF800  }
0x3fc: {  	_ =	swait.ge [sflag:s21], $0x800  }
0x3fd: {  	[sflag:s21] =	ssyncset.done $0x0  }
0x3fe: {  	[sflag:s21] =	ssyncadd.s32 $0xFFFFF800  }
0x3ff: {  	_ =	swait.ge [sflag:s21], $0x800  }
0x400: {  	[sflag:s21] =	ssyncset.done $0x0  }
0x401: {  	[sflag:s21] =	ssyncadd.s32 $0xFFFFF800  }
0x402: {  	_ =	swait.ge [sflag:s21], $0x800  }
0x403: {  	[sflag:s21] =	ssyncset.done $0x0  }
0x404: {  	[sflag:s21] =	ssyncadd.s32 $0xFFFFF800  }
0x405: {  	_ =	swait.ge [sflag:s21], $0x800  }
0x406: {  	[sflag:s21] =	ssyncset.done $0x0  }
0x407: {  	[sflag:s21] =	ssyncadd.s32 $0xFFFFF800  }
0x408: {  	_ =	swait.ge [sflag:s21], $0x800  }
0x409: {  	[sflag:s21] =	ssyncset.done $0x0  }
0x40a: {  	[sflag:s21] =	ssyncadd.s32 $0xFFFFF800  }
0x40b: {  	_ =	swait.ge [sflag:s21], $0x800  }
0x40c: {  	[sflag:s21] =	ssyncset.done $0x0  }
0x40d: {  	[sflag:s21] =	ssyncadd.s32 $0xFFFFF800  }
0x40e: {  	_ =	swait.ge [sflag:s21], $0x800  }
0x40f: {  	[sflag:s21] =	ssyncset.done $0x0  }
0x410: {  	[sflag:s21] =	ssyncadd.s32 $0xFFFFF800  }
0x411: {  	_ =	swait.ge [sflag:s21], $0x800  }
0x412: {  	[sflag:s21] =	ssyncset.done $0x0  }
0x413: {  	[sflag:s21] =	ssyncadd.s32 $0xFFFFF800  }
0x414: {  	_ =	swait.ge [sflag:s21], $0x800  }
0x415: {  	[sflag:s21] =	ssyncset.done $0x0  }
0x416: {  	[sflag:s21] =	ssyncadd.s32 $0xFFFFF800  }
0x417: {  	_ =	swait.ge [sflag:s21], $0x800  }
0x418: {  	[sflag:s21] =	ssyncset.done $0x0  }
0x419: {  	[sflag:s21] =	ssyncadd.s32 $0xFFFFF800  }
0x41a: {  	_ =	swait.ge [sflag:s21], $0x800  }
0x41b: {  	[sflag:s21] =	ssyncset.done $0x0  }
0x41c: {  	s25 =	simm.s32 $0x0;
	[sflag:s21] =	ssyncadd.s32 $0xFFFFF800  }
0x41d: {  	v2 =	vld [tilespmem:s25+$0x1000]  }
0x41e: {  	v3 =	vld [tilespmem:s25+$0x0];
	_ =	sdelay $0x3  }
0x41f: {  	v4 =	vadd.f32 $1.000000000e+00, v2  }
0x420: {  	v5 =	vadd.f32 $1.000000000e+00, v3  }
0x421: {  	v4 =	vadd.f32 v4, v4  }
0x422: {  	v5 =	vadd.f32 v5, v5  }
0x423: {  	v4 =	vmul.f32 v4, v0  }
0x424: {  	v5 =	vmul.f32 v5, v0  }
0x425: {  	v4 =	vadd.f32 $-1.000000000e+00, v4  }
0x426: {  	v5 =	vadd.f32 $-1.000000000e+00, v5  }
0x427: {  	v4 =	vadd.f32 $1.000000000e+00, v4  }
0x428: {  	v5 =	vadd.f32 $1.000000000e+00, v5  }
0x429: {  	v4 =	vmul.f32 $1.023500000e+03, v4  }
0x42a: {  	v5 =	vmul.f32 $1.023500000e+03, v5  }
0x42b: {  	v6 =	vtrunc.f32 v4  }
0x42c: {  	v7 =	vtrunc.f32 v5;
	v6 =	vcvt.f32.s32 v6  }
0x42d: {  	v7 =	vcvt.f32.s32 v7  }
0x42e: {  	v8 =	vcvt.s32.f32 v6  }
0x42f: {  	v10 =	vcvt.s32.f32 v7  }
0x430: {  	v12 =	vmax.f32 v4, $0.0e+00;
	v13 =	vmax.f32 v5, $0.0e+00;
	vm0 =	vlt.f32 v4, v8  }
0x431: {  	v9 =	vadd.f32 $-1.000000000e+00, v8;
	vm13 =	vlt.f32 v5, v10;
	v11 =	vsel vm0, $0xFFFFFFFF, v1  }
0x432: {  	v16 =	vsel vm13, $0xFFFFFFFF, v1;
	v6 =	vadd.s32 v6, v11;
	v11 =	vadd.f32 $-1.000000000e+00, v10  }
0x433: {  	v8 =	vsel vm0, v9, v8;
	v7 =	vadd.s32 v7, v16;
	v14 =	vadd.s32 $0xFFFFFFFF, v6  }
0x434: {  	v15 =	vmax.f32 v8, $0.0e+00;
	v20 =	vadd.s32 $0x1, v6;
	v19 =	vadd.s32 $0x2, v6  }
0x435: {  	v18 =	vor.u32 v7, v6;
	v25 =	vadd.s32 $0xFFFFFFFF, v7;
	v22 =	vmin.f32 v15, $2.047000000e+03  }
0x436: {  	v17 =	vld [tilespmem:s25+$0x12000];
	v11 =	vsel vm13, v11, v10;
	v10 =	vadd.s32 $0x1, v7;
	v15 =	vor.u32 v7, v20  }
0x437: {  	v21 =	vld [tilespmem:s25+$0xE800];
	vm4 =	vlt.u32 v18, $0x800;
	v26 =	vor.u32 v7, v14;
	v27 =	vor.u32 v25, v6  }
0x438: {  	v30 =	vld [tilespmem:s25+$0xE000];
	v25 =	vor.u32 v25, v20;
	v18 =	vsub.f32 v4, v8;
	v4 =	vor.u32 v7, v19  }
0x439: {  	v9 =	vld [tilespmem:s25+$0x11800];
	v7 =	vadd.s32 $0x2, v7;
	vm14 =	vlt.u32 v15, $0x800;
	v15 =	vor.u32 v10, v20  }
0x43a: {  	v16 =	vld [tilespmem:s25+$0xF800];
	v14 =	vor.u32 v10, v14;
	vm7 =	vlt.u32 v26, $0x800;
	vm8 =	vlt.u32 v27, $0x800  }
0x43b: {  	vm2 =	vlt.u32 v4, $0x800;
	vm11 =	vlt.u32 v25, $0x800;
	vm15 =	vlt.u32 v15, $0x800  }
0x43c: {  	v28 =	vld [tilespmem:s25+$0x13800];
	v15 =	vor.u32 v10, v19;
	vm5 =	vlt.u32 v14, $0x800;
	v14 =	vsub.f32 v5, v11  }
0x43d: {  	v31 =	vld [tilespmem:s25+$0x12800];
	v19 =	vsub.f32 $1.000000000e+00, v18;
	v10 =	vor.u32 v10, v6;
	v30 =	vnsel vm7, $0x0, v30  }
0x43e: {  	v8 =	vld [tilespmem:s25+$0xF000];
	v6 =	vor.u32 v7, v6;
	v23 =	vnsel vm14, $0x0, v9;
	v24 =	vnsel vm15, $0x0, v17  }
0x43f: {  	v29 =	vnsel vm4, $0x0, v16;
	v5 =	vnsel vm5, $0x0, v21;
	vm1 =	vlt.u32 v15, $0x800  }
0x440: {  	s0 =	simm.s32 $0x10;
	v27 =	vld [tilespmem:s25+$0x11000];
	vm6 =	vlt.u32 v10, $0x800;
	v15 =	vor.u32 v7, v20;
	vm10 =	vlt.u32 v6, $0x800  }
0x441: {  	v4 =	vld [tilespmem:s0+$0x1000];
	v6 =	vmin.f32 v13, $2.047000000e+03;
	v10 =	vnsel vm1, $0x0, v28;
	v28 =	vmul.f32 v29, v14  }
0x442: {  	v20 =	vld [tilespmem:s25+$0x10800];
	vm9 =	vlt.u32 v15, $0x800;
	v32 =	vmul.f32 v24, v14;
	v13 =	vsub.f32 $1.000000000e+00, v14  }
0x443: {  	v21 =	vld [tilespmem:s25+$0x13000];
	v26 =	vmul.f32 v10, v14;
	v8 =	vnsel vm8, $0x0, v8;
	v10 =	vnsel vm9, $0x0, v31  }
0x444: {  	v7 =	vld [tilespmem:s25+$0x10000];
	v31 =	vmul.f32 v5, v14;
	v5 =	vmax.f32 v11, $0.0e+00;
	v33 =	vmul.f32 v10, v14  }
0x445: {  	v10 =	vmul.f32 v23, v14;
	v11 =	vmin.f32 v5, $2.047000000e+03;
	v5 =	vld [tilespmem:s0+$0x0];
	v24 =	vmul.f32 v24, v13  }
0x446: {  	v15 =	vnsel vm11, $0x0, v27;
	v8 =	vmul.f32 v8, v13;
	v23 =	vmul.f32 v23, v13  }
0x447: {  	v29 =	vmul.f32 v29, v13;
	v25 =	vnsel vm10, $0x0, v20;
	v20 =	vadd.f32 $1.000000000e+00, v4  }
0x448: {  	v6 =	vsub.f32 v6, v11;
	v15 =	vmul.f32 v15, v13;
	v11 =	vmul.f32 v30, v13  }
0x449: {  	v21 =	vnsel vm2, $0x0, v21;
	v8 =	vadd.f32 v28, v8;
	v20 =	vadd.f32 v20, v20  }
0x44a: {  	v27 =	vnsel vm6, $0x0, v7;
	v23 =	vadd.f32 v32, v23;
	v28 =	vadd.f32 $1.000000000e+00, v5  }
0x44b: {  	v24 =	vadd.f32 v33, v24;
	v21 =	vmul.f32 v21, v13;
	v30 =	vmul.f32 v20, v0  }
0x44c: {  	v17 =	vmul.f32 v6, v17;
	v20 =	vmul.f32 v8, v19;
	v8 =	vadd.f32 v28, v28  }
0x44d: {  	v61 =	vmul.f32 v27, v14;
	v21 =	vadd.f32 v26, v21;
	v26 =	vadd.f32 $-1.000000000e+00, v30  }
0x44e: {  	v11 =	vadd.f32 v31, v11;
	v23 =	vmul.f32 v23, v19;
	v8 =	vmul.f32 v8, v0  }
0x44f: {  	v28 =	vadd.f32 v61, v29;
	v21 =	vmul.f32 v21, v18;
	v26 =	vadd.f32 $1.000000000e+00, v26  }
0x450: {  	v13 =	vmul.f32 v27, v13;
	v27 =	vmul.f32 v6, v7;
	v8 =	vadd.f32 $-1.000000000e+00, v8  }
0x451: {  	v29 =	vadd.f32 v21, v23;
	v23 =	vmul.f32 v28, v18;
	v28 =	vmul.f32 $1.023500000e+03, v26  }
0x452: {  	v11 =	vmul.f32 v11, v19;
	v26 =	vsub.f32 $1.000000000e+00, v6;
	v8 =	vadd.f32 $1.000000000e+00, v8  }
0x453: {  	v12 =	vmin.f32 v12, $2.047000000e+03;
	v21 =	vmul.f32 v24, v18;
	v6 =	vtrunc.f32 v28  }
0x454: {  	v7 =	vadd.f32 v11, v23;
	v16 =	vmul.f32 v26, v16;
	v8 =	vmul.f32 $1.023500000e+03, v8  }
0x455: {  	v23 =	vsub.f32 v12, v22;
	v11 =	vcvt.f32.s32 v6;
	v6 =	vmul.f32 v25, v14  }
0x456: {  	v24 =	vsub.f32 v29, v7;
	v9 =	vmul.f32 v26, v9;
	v27 =	vadd.f32 v16, v27  }
0x457: {  	v7 =	vtrunc.f32 v8;
	v12 =	vcvt.s32.f32 v11;
	v25 =	vadd.f32 v6, v13  }
0x458: {  	v6 =	vadd.f32 v9, v17;
	v17 =	vmax.f32 v28, $0.0e+00;
	v13 =	vmax.f32 v8, $0.0e+00  }
0x459: {  	v7 =	vcvt.f32.s32 v7;
	v59 =	vmin.f32 v13, $2.047000000e+03;
	v17 =	vmin.f32 v17, $2.047000000e+03  }
0x45a: {  	vm12 =	vlt.f32 v28, v12;
	v9 =	vadd.f32 $-1.000000000e+00, v12;
	v19 =	vmul.f32 v25, v19  }
0x45b: {  	v25 =	vsub.f32 $1.000000000e+00, v23;
	v14 =	vcvt.s32.f32 v7;
	v22 =	vsel vm12, $0xFFFFFFFF, v1  }
0x45c: {  	v6 =	vmul.f32 v6, v23;
	v11 =	vadd.s32 v11, v22;
	v9 =	vsel vm12, v9, v12  }
0x45d: {  	v19 =	vadd.f32 v21, v19;
	v25 =	vmul.f32 v27, v25;
	v22 =	vadd.f32 $-1.000000000e+00, v14  }
0x45e: {  	vm13 =	vlt.f32 v8, v14;
	v12 =	vadd.s32 $0xFFFFFFFF, v11;
	v26 =	vmax.f32 v9, $0.0e+00  }
0x45f: {  	v62 =	vadd.s32 $0x1, v11;
	v34 =	vadd.s32 $0x2, v11;
	v30 =	vsel vm13, $0xFFFFFFFF, v1  }
0x460: {  	v9 =	vsub.f32 v28, v9;
	v33 =	vmin.f32 v26, $2.047000000e+03;
	v7 =	vadd.s32 v7, v30  }
0x461: {  	v35 =	vld [tilespmem:s0+$0xE800];
	v14 =	vsel vm13, v22, v14;
	v22 =	vadd.s32 $0x1, v7;
	v30 =	vor.u32 v7, v62  }
0x462: {  	v41 =	vld [tilespmem:s0+$0x13800];
	v36 =	vor.u32 v7, v11;
	v39 =	vadd.s32 $0xFFFFFFFF, v7;
	v63 =	vor.u32 v7, v12  }
0x463: {  	v29 =	vld [tilespmem:s0+$0x11800];
	v28 =	vor.u32 v7, v34;
	v7 =	vadd.s32 $0x2, v7;
	v44 =	vsub.f32 v8, v14  }
0x464: {  	v43 =	vld [tilespmem:s0+$0xE000];
	vm14 =	vlt.u32 v30, $0x800;
	v30 =	vor.u32 v22, v62;
	v38 =	vor.u32 v22, v34  }
0x465: {  	v49 =	vld [tilespmem:s0+$0x13000];
	vm4 =	vlt.u32 v36, $0x800;
	v40 =	vor.u32 v39, v11;
	v39 =	vor.u32 v39, v62  }
0x466: {  	v31 =	vld [tilespmem:s0+$0x12000];
	v12 =	vor.u32 v22, v12;
	v22 =	vor.u32 v22, v11;
	vm8 =	vlt.u32 v63, $0x800  }
0x467: {  	v26 =	vld [tilespmem:s0+$0xF800];
	v32 =	vor.u32 v7, v62;
	vm10 =	vlt.u32 v28, $0x800;
	v7 =	vor.u32 v7, v11  }
0x468: {  	v48 =	vld [tilespmem:s0+$0xF000];
	v37 =	vnsel vm14, $0x0, v29;
	vm15 =	vlt.u32 v30, $0x800;
	vm5 =	vlt.u32 v12, $0x800  }
0x469: {  	v45 =	vld [tilespmem:s0+$0x12800];
	v12 =	vsub.f32 $1.000000000e+00, v9;
	vm6 =	vlt.u32 v38, $0x800;
	vm7 =	vlt.u32 v22, $0x800  }
0x46a: {  	v51 =	vld [tilespmem:s0+$0x10800];
	v43 =	vnsel vm8, $0x0, v43;
	vm9 =	vlt.u32 v40, $0x800;
	vm11 =	vlt.u32 v32, $0x800  }
0x46b: {  	v55 =	vld [tilespmem:s0+$0x10000];
	v53 =	vnsel vm10, $0x0, v49;
	vm12 =	vlt.u32 v7, $0x800;
	vm13 =	vlt.u32 v39, $0x800  }
0x46c: {  	v58 =	vsub.f32 $1.000000000e+00, v44;
	v30 =	vnsel vm15, $0x0, v31;
	v42 =	vnsel vm4, $0x0, v26  }
0x46d: {  	v52 =	vld [tilespmem:s0+$0x11000];
	v8 =	vnsel vm5, $0x0, v35;
	v22 =	vnsel vm6, $0x0, v41;
	v28 =	vnsel vm9, $0x0, v48  }
0x46e: {  	v56 =	vnsel vm11, $0x0, v45;
	v11 =	vmul.f32 v37, v44;
	v50 =	vmul.f32 v42, v44  }
0x46f: {  	v41 =	vnsel vm12, $0x0, v51;
	v22 =	vmul.f32 v22, v44;
	v54 =	vmul.f32 v30, v44  }
0x470: {  	s3 =	simm.s32 $0x20;
	v47 =	vnsel vm7, $0x0, v55;
	v57 =	vmul.f32 v8, v44;
	v40 =	vmul.f32 v56, v44  }
0x471: {  	v7 =	vld [tilespmem:s3+$0x1000];
	v8 =	vmax.f32 v14, $0.0e+00;
	v43 =	vmul.f32 v43, v58;
	v60 =	vmul.f32 v37, v58  }
0x472: {  	v14 =	vnsel vm13, $0x0, v52;
	v16 =	vmul.f32 v53, v58;
	v63 =	vmul.f32 v42, v58  }
0x473: {  	v42 =	vmul.f32 v47, v44;
	v46 =	vmin.f32 v8, $2.047000000e+03;
	v13 =	vmul.f32 v14, v58  }
0x474: {  	v14 =	vmul.f32 v28, v58;
	v8 =	vld [tilespmem:s3+$0x0];
	v28 =	vsub.f32 v59, v46;
	v61 =	vadd.f32 v54, v60  }
0x475: {  	v30 =	vmul.f32 v30, v58;
	v16 =	vadd.f32 v22, v16;
	v36 =	vadd.f32 v42, v63  }
0x476: {  	v48 =	vmul.f32 v47, v58;
	v45 =	vadd.f32 v57, v43;
	v62 =	vadd.f32 $1.000000000e+00, v7  }
0x477: {  	v49 =	vmul.f32 v41, v44;
	v30 =	vadd.f32 v40, v30;
	v46 =	vadd.f32 v10, v15  }
0x478: {  	v10 =	vsub.f32 v17, v33;
	v31 =	vmul.f32 v28, v31;
	v34 =	vadd.f32 v62, v62  }
0x479: {  	v32 =	vmul.f32 v61, v12;
	v18 =	vmul.f32 v46, v18;
	v22 =	vadd.f32 $1.000000000e+00, v8  }
0x47a: {  	v14 =	vadd.f32 v50, v14;
	v16 =	vmul.f32 v16, v9;
	v34 =	vmul.f32 v34, v0  }
0x47b: {  	v37 =	vmul.f32 v45, v12;
	v18 =	vadd.f32 v18, v20;
	v22 =	vadd.f32 v22, v22  }
0x47c: {  	v32 =	vadd.f32 v16, v32;
	v16 =	vmul.f32 v30, v9;
	v34 =	vadd.f32 $-1.000000000e+00, v34  }
0x47d: {  	v30 =	vsub.f32 $1.000000000e+00, v28;
	v19 =	vsub.f32 v19, v18;
	v22 =	vmul.f32 v22, v0  }
0x47e: {  	v36 =	vmul.f32 v36, v9;
	v53 =	vmul.f32 v28, v55;
	v17 =	vadd.f32 $1.000000000e+00, v34  }
0x47f: {  	v38 =	vmul.f32 v30, v26;
	v19 =	vmul.f32 $5.117500000e+02, v19;
	v15 =	vadd.f32 $-1.000000000e+00, v22  }
0x480: {  	v18 =	vmul.f32 $5.117500000e+02, v24;
	v22 =	vadd.f32 v37, v36;
	v37 =	vmul.f32 $1.023500000e+03, v17  }
0x481: {  	v59 =	vmul.f32 v19, v19;
	v17 =	vmul.f32 v30, v29;
	v50 =	vadd.f32 $1.000000000e+00, v15  }
0x482: {  	v30 =	vmul.f32 v18, v18;
	v15 =	vsub.f32 v32, v22;
	v29 =	vtrunc.f32 v37  }
0x483: {  	v22 =	vadd.f32 v49, v48;
	v28 =	vmul.f32 $1.023500000e+03, v50;
	v29 =	vcvt.f32.s32 v29  }
0x484: {  	v14 =	vmul.f32 v14, v12;
	v31 =	vadd.f32 v17, v31;
	v30 =	vadd.f32 v30, v59  }
0x485: {  	v17 =	vmax.f32 v37, $0.0e+00;
	v56 =	vtrunc.f32 v28;
	v57 =	vcvt.s32.f32 v29  }
0x486: {  	v23 =	vmul.f32 v31, v10;
	v44 =	vmax.f32 v30, $9.999999960e-13;
	v32 =	vcvt.f32.s32 v56  }
0x487: {  	v33 =	vmax.f32 v28, $0.0e+00;
	v30 =	vmul.f32 $5.000000000e-01, v44;
	vm14 =	vlt.f32 v37, v57  }
0x488: {  	v21 =	vadd.f32 $-1.000000000e+00, v57;
	v20 =	vcvt.s32.f32 v32;
	v31 =	vsel vm14, $0xFFFFFFFF, v1  }
0x489: {  	(erf) = vrcp.f32 v44;
	v33 =	vmin.f32 v33, $2.047000000e+03;
	v29 =	vadd.s32 v29, v31  }
0x48a: {  	v31 =	vsel vm14, v21, v57;
	v26 =	vadd.f32 $-1.000000000e+00, v20;
	vm15 =	vlt.f32 v28, v20  }
0x48b: {  	v36 =	vadd.s32 $0xFFFFFFFF, v29;
	v39 =	vadd.s32 $0x1, v29;
	v58 =	vsel vm15, $0xFFFFFFFF, v1  }
0x48c: {  	v24 =	vmax.f32 v31, $0.0e+00;
	v60 =	vadd.s32 $0x2, v29;
	v32 =	vadd.s32 v32, v58  }
0x48d: {  	v24 =	vmin.f32 v24, $2.047000000e+03;
	v43 =	vsel vm15, v26, v20;
	v41 =	vadd.s32 $0x1, v32  }
0x48e: {  	v26 =	vor.u32 v32, v39;
	v61 =	vor.u32 v32, v29;
	v56 =	vadd.s32 $0xFFFFFFFF, v32  }
0x48f: {  	v21 =	vld [tilespmem:s3+$0x11800];
	v57 =	vor.u32 v32, v36;
	v54 =	vadd.s32 $0x2, v32;
	vm4 =	vlt.u32 v26, $0x800  }
0x490: {  	v26 =	vor.u32 v41, v39;
	v62 =	vor.u32 v41, v60;
	vm6 =	vlt.u32 v61, $0x800  }
0x491: {  	v48 =	vor.u32 v56, v29;
	v52 =	vor.u32 v56, v39;
	v61 =	vor.u32 v41, v29  }
0x492: {  	v27 =	vld [tilespmem:s3+$0x12000];
	vm10 =	vlt.u32 v57, $0x800;
	vm5 =	vlt.u32 v26, $0x800;
	v26 =	vshra.s32 v44, $0x1  }
0x493: {  	v51 =	vld [tilespmem:s3+$0x13800];
	v39 =	vor.u32 v54, v39;
	v29 =	vor.u32 v54, v29;
	v49 =	vsub.s32 $0x5F3759DF, v26  }
0x494: {  	v59 =	vld [tilespmem:s3+$0xE000];
	v34 =	vnsel vm4, $0x0, v21;
	vm8 =	vlt.u32 v62, $0x800;
	v58 =	vmul.f32 v49, v30  }
0x495: {  	v20 =	vld [tilespmem:s3+$0xF800];
	vm9 =	vlt.u32 v61, $0x800;
	v26 =	vsub.f32 v37, v31;
	v31 =	vor.u32 v41, v36  }
0x496: {  	v63 =	vld [tilespmem:s3+$0xE800];
	vm11 =	vlt.u32 v48, $0x800;
	vm7 =	vlt.u32 v31, $0x800;
	v31 =	vmul.f32 v49, v58  }
0x497: {  	vm12 =	vlt.u32 v39, $0x800;
	vm14 =	vlt.u32 v29, $0x800;
	vm15 =	vlt.u32 v52, $0x800  }
0x498: {  	v29 =	vmax.f32 v43, $0.0e+00;
	v36 =	vor.u32 v32, v60;
	v60 =	vld [tilespmem:s3+$0xF000];
	v31 =	vsub.f32 $1.500000000e+00, v31  }
0x499: {  	v50 =	vnsel vm5, $0x0, v27;
	v32 =	vsub.f32 v28, v43;
	v62 =	vnsel vm8, $0x0, v51  }
0x49a: {  	v41 =	vld [tilespmem:s3+$0x12800];
	v51 =	vnsel vm10, $0x0, v59;
	v35 =	vnsel vm6, $0x0, v20;
	v37 =	vmul.f32 v49, v31  }
0x49b: {  	v29 =	vmin.f32 v29, $2.047000000e+03;
	v45 =	vnsel vm7, $0x0, v63;
	v42 =	vmul.f32 v35, v32;
	v63 =	vld [tilespmem:s3+$0x10800]  }
0x49c: {  	v55 =	vld [tilespmem:s3+$0x13000];
	vm13 =	vlt.u32 v36, $0x800;
	v40 =	vmul.f32 v62, v32;
	v61 =	vmul.f32 v37, v30  }
0x49d: {  	v48 =	vmul.f32 v50, v32;
	v43 =	vsub.f32 $1.000000000e+00, v32;
	v56 =	vnsel vm11, $0x0, v60;
	v60 =	vld [tilespmem:s3+$0x11000]  }
0x49e: {  	v36 =	vsub.f32 v33, v29;
	v46 =	vmul.f32 v45, v32;
	v31 =	vld [tilespmem:s3+$0x10000];
	v62 =	vmul.f32 v61, v37  }
0x49f: {  	v29 =	vadd.f32 v38, v53;
	v51 =	vmul.f32 v51, v43;
	v50 =	vmul.f32 v50, v43  }
0x4a0: {  	v41 =	vnsel vm12, $0x0, v41;
	v39 =	vnsel vm14, $0x0, v63;
	v63 =	vsub.f32 $1.500000000e+00, v62  }
0x4a1: {  	v28 =	vsub.f32 $1.000000000e+00, v26;
	v45 =	vmul.f32 v41, v32;
	v41 =	vmul.f32 v34, v32  }
0x4a2: {  	v49 =	vnsel vm13, $0x0, v55;
	v52 =	vnsel vm15, $0x0, v60;
	v37 =	vmul.f32 v63, v37  }
0x4a3: {  	s9 =	simm.s32 $0xC0;
	v47 =	vmul.f32 v52, v43;
	v52 =	vmul.f32 v56, v43;
	v44 =	vnsel vm9, $0x0, v31  }
.LBB2_14:
0x4a4: {  	s10 =	sshra.s32 s9, $0x2;
	p0 =	sne.s32 s9, $0x1FC0;
	s9 =	sadd.s32 $0x40, s9;
	v33 =	vmul.f32 v34, v43;
	v25 =	vadd.f32 v6, v25;
	v30 =	vmul.f32 v37, v30;
	v6 =	vmovc v23  }
0x4a5: {  	v27 =	vmul.f32 v36, v27;
	v38 =	vmul.f32 v49, v43;
	v23 =	vld [tilespmem:s10+$0x1000];
	v34 =	vadd.f32 v42, v52;
	v42 =	vpop (erf)  }
0x4a6: {  	v35 =	vmul.f32 v35, v43;
	v49 =	vld [tilespmem:s10+$0x0];
	v33 =	vadd.f32 v48, v33;
	v48 =	vmul.f32 v44, v32  }
0x4a7: {  	v38 =	vadd.f32 v40, v38;
	v40 =	vmul.f32 v42, v25;
	v34 =	vmul.f32 v34, v28  }
0x4a8: {  	v30 =	vmul.f32 v30, v37;
	v33 =	vmul.f32 v33, v28;
	v35 =	vadd.f32 v48, v35  }
0x4a9: {  	v42 =	vadd.f32 v45, v50;
	v45 =	vadd.f32 v46, v51;
	v38 =	vmul.f32 v38, v26  }
0x4aa: {  	v17 =	vmin.f32 v17, $2.047000000e+03;
	v30 =	vsub.f32 $1.500000000e+00, v30;
	v46 =	vadd.f32 $1.000000000e+00, v23  }
0x4ab: {  	v33 =	vadd.f32 v38, v33;
	v38 =	vmul.f32 v45, v28;
	v48 =	vadd.f32 $1.000000000e+00, v49  }
0x4ac: {  	v35 =	vmul.f32 v35, v26;
	v30 =	vmul.f32 v30, v37;
	v45 =	vadd.f32 v46, v46  }
0x4ad: {  	v42 =	vmul.f32 v42, v26;
	v46 =	vadd.f32 v11, v13;
	v11 =	vmovc v41;
	v37 =	vadd.f32 v48, v48  }
0x4ae: {  	v24 =	vsub.f32 v17, v24;
	v17 =	vadd.f32 v38, v35;
	v13 =	vmovc v47;
	v41 =	vmul.f32 v45, v0  }
0x4af: {  	v30 =	vmul.f32 $1.000000050e-03, v30;
	v35 =	vmul.f32 v37, v0;
	v37 =	vsub.f32 $1.000000000e+00, v36  }
0x4b0: {  	vm0 =	vgt.f32 v25, $0.0e+00;
	v38 =	vadd.f32 $-1.000000000e+00, v41;
	v41 =	vsub.f32 v33, v17  }
0x4b1: {  	v25 =	vmul.f32 v44, v43;
	v30 =	vadd.f32 v30, v40;
	v17 =	vadd.f32 $-1.000000000e+00, v35  }
0x4b2: {  	v33 =	vmul.f32 v36, v31;
	v31 =	vmul.f32 v39, v32;
	v35 =	vadd.f32 $1.000000000e+00, v38  }
0x4b3: {  	v19 =	vmul.f32 v30, v19;
	v21 =	vmul.f32 v37, v21;
	v17 =	vadd.f32 $1.000000000e+00, v17  }
0x4b4: {  	v18 =	vmul.f32 v30, v18;
	v25 =	vadd.f32 v31, v25;
	v32 =	vmul.f32 $1.023500000e+03, v35  }
0x4b5: {  	v19 =	vsub.f32 v3, v19;
	v21 =	vadd.f32 v21, v27;
	v31 =	vmul.f32 $1.023500000e+03, v17  }
0x4b6: {  	v18 =	vsub.f32 v2, v18;
	v27 =	vtrunc.f32 v32;
	v17 =	vmax.f32 v32, $0.0e+00  }
0x4b7: {  	v19 =	vsel vm0, v19, v3;
	v3 =	vmovc v5;
	v5 =	vmovc v8;
	v27 =	vcvt.f32.s32 v27;
	v36 =	vmax.f32 v31, $0.0e+00  }
0x4b8: {  	v12 =	vmul.f32 v22, v12;
	v18 =	vsel vm0, v18, v2;
	v2 =	vmovc v4;
	v38 =	vtrunc.f32 v31;
	[tilespmem:s25+$0x1A000] =	vst v19  }
0x4b9: {  	v30 =	vsub.f32 $1.000000000e+00, v10;
	v39 =	vmul.f32 v46, v9;
	v4 =	vmovc v7;
	v7 =	vmovc v23;
	v19 =	vcvt.s32.f32 v27;
	[tilespmem:s25+$0x1B000] =	vst v18;
	s25 =	smov.u32 s0;
	s0 =	smov.u32 s3;
	s3 =	smov.u32 s10  }
0x4ba: {  	v40 =	vadd.f32 v16, v12;
	v16 =	vmovc v42;
	v8 =	vmovc v49;
	v23 =	vmul.f32 v21, v24;
	v35 =	vcvt.f32.s32 v38  }
0x4bb: {  	v10 =	vmovc v24;
	v21 =	vadd.f32 v39, v14;
	v14 =	vmovc v34;
	vm0 =	vlt.f32 v32, v19;
	v18 =	vadd.f32 $-1.000000000e+00, v19  }
0x4bc: {  	v9 =	vmovc v26;
	v22 =	vmovc v25;
	v38 =	vmul.f32 v37, v20;
	v34 =	vcvt.s32.f32 v35;
	v24 =	vsel vm0, $0xFFFFFFFF, v1  }
0x4bd: {  	v12 =	vmovc v28;
	v25 =	vmul.f32 v29, v30;
	v20 =	vsub.f32 v40, v21;
	v37 =	vadd.s32 v27, v24  }
0x4be: {  	v26 =	vadd.f32 $-1.000000000e+00, v34;
	v28 =	vsel vm0, v18, v19;
	v18 =	vmul.f32 $5.117500000e+02, v15;
	v15 =	vmovc v41;
	v21 =	vld [tilespmem:s3+$0x11800]  }
0x4bf: {  	v19 =	vmul.f32 $5.117500000e+02, v20;
	v39 =	vadd.s32 $0xFFFFFFFF, v37;
	v40 =	vadd.s32 $0x1, v37;
	v29 =	vld [tilespmem:s3+$0x10800]  }
0x4c0: {  	vm0 =	vlt.f32 v31, v34;
	v20 =	vmax.f32 v28, $0.0e+00;
	v30 =	vmul.f32 v18, v18  }
0x4c1: {  	v41 =	vsel vm0, $0xFFFFFFFF, v1;
	v24 =	vmin.f32 v20, $2.047000000e+03;
	v20 =	vmul.f32 v19, v19;
	v27 =	vld [tilespmem:s3+$0x12000]  }
0x4c2: {  	v43 =	vsel vm0, v26, v34;
	v42 =	vadd.s32 $0x2, v37;
	v41 =	vadd.s32 v35, v41  }
0x4c3: {  	v45 =	vadd.s32 $0x1, v41;
	v26 =	vor.u32 v41, v40;
	v30 =	vadd.f32 v30, v20;
	v44 =	vld [tilespmem:s3+$0xE800]  }
0x4c4: {  	v35 =	vor.u32 v41, v37;
	vm0 =	vlt.u32 v26, $0x800;
	v26 =	vor.u32 v45, v40;
	v20 =	vld [tilespmem:s3+$0xF800]  }
0x4c5: {  	v34 =	vnsel vm0, $0x0, v21;
	vm0 =	vlt.u32 v26, $0x800;
	v47 =	vmax.f32 v30, $9.999999960e-13  }
0x4c6: {  	v46 =	vor.u32 v45, v42;
	v26 =	vshra.s32 v47, $0x1;
	v50 =	vnsel vm0, $0x0, v27  }
0x4c7: {  	v48 =	vadd.s32 $0xFFFFFFFF, v41;
	v30 =	vmul.f32 $5.000000000e-01, v47;
	vm0 =	vlt.u32 v35, $0x800  }
0x4c8: {  	v49 =	vor.u32 v41, v39;
	v52 =	vor.u32 v48, v37;
	v53 =	vsub.s32 $0x5F3759DF, v26;
	v51 =	vld [tilespmem:s3+$0x11000]  }
0x4c9: {  	v55 =	vor.u32 v48, v40;
	v48 =	vmul.f32 v53, v30;
	v54 =	vld [tilespmem:s3+$0x13800];
	v35 =	vnsel vm0, $0x0, v20  }
0x4ca: {  	v26 =	vsub.f32 v32, v28;
	v28 =	vor.u32 v45, v39;
	v39 =	vor.u32 v41, v42;
	v56 =	vld [tilespmem:s3+$0x12800]  }
0x4cb: {  	v41 =	vadd.s32 $0x2, v41;
	v42 =	vmul.f32 v53, v48;
	vm0 =	vlt.u32 v28, $0x800;
	v57 =	vld [tilespmem:s3+$0xE000]  }
0x4cc: {  	v32 =	vsub.f32 v31, v43;
	v28 =	vsub.f32 $1.000000000e+00, v26;
	v44 =	vnsel vm0, $0x0, v44;
	v31 =	vld [tilespmem:s3+$0xF000]  }
0x4cd: {  	vm1 =	vlt.u32 v46, $0x800;
	v45 =	vor.u32 v45, v37;
	v46 =	vsub.f32 $1.500000000e+00, v42;
	v48 =	vld [tilespmem:s3+$0x13000]  }
0x4ce: {  	vm0 =	vlt.u32 v45, $0x800;
	v42 =	vmul.f32 v35, v32;
	v45 =	vnsel vm1, $0x0, v54  }
0x4cf: {  	vm1 =	vlt.u32 v49, $0x800;
	v49 =	vor.u32 v41, v40;
	v40 =	vmul.f32 v45, v32  }
0x4d0: {  	v54 =	vnsel vm1, $0x0, v57;
	vm1 =	vlt.u32 v52, $0x800;
	v52 =	vmul.f32 v53, v46  }
0x4d1: {  	vm2 =	vlt.u32 v39, $0x800;
	v53 =	vnsel vm1, $0x0, v31;
	vm1 =	vlt.u32 v49, $0x800  }
0x4d2: {  	v49 =	vnsel vm2, $0x0, v48;
	v48 =	vmul.f32 v50, v32;
	v39 =	vmul.f32 v52, v30  }
0x4d3: {  	v46 =	vmul.f32 v44, v32;
	v45 =	vnsel vm1, $0x0, v56;
	v31 =	vld [tilespmem:s3+$0x10000];
	(erf) = vrcp.f32 v47  }
0x4d4: {  	v37 =	vor.u32 v41, v37;
	v45 =	vmul.f32 v45, v32;
	v44 =	vmul.f32 v39, v52  }
0x4d5: {  	v41 =	vmul.f32 v34, v32;
	vm1 =	vlt.u32 v37, $0x800;
	vm2 =	vlt.u32 v55, $0x800  }
.Ltmp6:
0x4d6: {  	v39 =	vnsel vm1, $0x0, v29;
	v29 =	vmax.f32 v43, $0.0e+00;
	v37 =	vsub.f32 $1.500000000e+00, v44;
	(pc) =	sbr.rel @p0 .LBB2_14-.Ltmp6, $4  }
0x4d7: {  	v36 =	vmin.f32 v36, $2.047000000e+03;
	v43 =	vsub.f32 $1.000000000e+00, v32;
	v29 =	vmin.f32 v29, $2.047000000e+03  }
0x4d8: {  	v47 =	vnsel vm2, $0x0, v51;
	v44 =	vnsel vm0, $0x0, v31;
	v37 =	vmul.f32 v37, v52  }
0x4d9: {  	v36 =	vsub.f32 v36, v29;
	v47 =	vmul.f32 v47, v43;
	v51 =	vmul.f32 v54, v43  }
0x4da: {  	v50 =	vmul.f32 v50, v43;
	v29 =	vadd.f32 v38, v33;
	v52 =	vmul.f32 v53, v43  }
0x4db: {  	v33 =	vmul.f32 v34, v43;
	v61 =	vmul.f32 v49, v43  }
0x4dc: {  	v35 =	vmul.f32 v35, v43;
	v62 =	vmul.f32 v44, v32  }
0x4dd: {  	v63 =	vadd.f32 v46, v51;
	v11 =	vadd.f32 v11, v13;
	v43 =	vmul.f32 v44, v43  }
0x4de: {  	v44 =	vmul.f32 v39, v32;
	v38 =	vadd.f32 v42, v52;
	v46 =	vadd.f32 v45, v50  }
0x4df: {  	v12 =	vmul.f32 v22, v12;
	v50 =	vadd.f32 v41, v47;
	v33 =	vadd.f32 v48, v33  }
0x4e0: {  	v34 =	vadd.f32 v40, v61;
	v40 =	vmul.f32 v63, v28;
	v42 =	vadd.f32 v62, v35  }
0x4e1: {  	v9 =	vmul.f32 v11, v9;
	v49 =	vadd.f32 v44, v43;
	v38 =	vmul.f32 v38, v28  }
0x4e2: {  	v12 =	vadd.f32 v16, v12;
	v51 =	vmul.f32 v46, v26;
	v53 =	vmul.f32 v50, v26  }
0x4e3: {  	v33 =	vmul.f32 v33, v28;
	v34 =	vmul.f32 v34, v26;
	v9 =	vadd.f32 v9, v14  }
0x4e4: {  	v48 =	vmul.f32 v42, v26;
	v13 =	vmul.f32 v49, v28;
	v55 =	vadd.f32 v53, v38  }
0x4e5: {  	v52 =	vadd.f32 v34, v33;
	v9 =	vsub.f32 v12, v9  }
0x4e6: {  	v11 =	vadd.f32 v40, v48;
	v54 =	vadd.f32 v51, v13  }
0x4e7: {  	v15 =	vmul.f32 $5.117500000e+02, v15;
	v9 =	vmul.f32 $5.117500000e+02, v9  }
0x4e8: {  	v11 =	vsub.f32 v52, v11;
	v12 =	vsub.f32 v54, v55  }
0x4e9: {  	v56 =	vmul.f32 v15, v15;
	v57 =	vmul.f32 v9, v9  }
0x4ea: {  	v11 =	vmul.f32 $5.117500000e+02, v11;
	v12 =	vmul.f32 $5.117500000e+02, v12;
	_ =	sdelay $0x1  }
0x4eb: {  	v13 =	vadd.f32 v56, v57;
	v58 =	vmul.f32 v11, v11;
	v59 =	vmul.f32 v12, v12;
	_ =	sdelay $0x1  }
0x4ec: {  	v13 =	vmax.f32 v13, $9.999999960e-13;
	v14 =	vadd.f32 v58, v59  }
0x4ed: {  	v60 =	vshra.s32 v13, $0x1;
	v61 =	vmul.f32 $5.000000000e-01, v13  }
0x4ee: {  	v62 =	vsub.s32 $0x5F3759DF, v60;
	v14 =	vmax.f32 v14, $9.999999960e-13  }
0x4ef: {  	v22 =	vmul.f32 v62, v61;
	v63 =	vshra.s32 v14, $0x1;
	v38 =	vmul.f32 $5.000000000e-01, v14  }
0x4f0: {  	v28 =	vsub.s32 $0x5F3759DF, v63  }
0x4f1: {  	v22 =	vmul.f32 v62, v22;
	v39 =	vmul.f32 v28, v38;
	_ =	sdelay $0x1  }
0x4f2: {  	v22 =	vsub.f32 $1.500000000e+00, v22;
	v33 =	vmul.f32 v28, v39;
	_ =	sdelay $0x1  }
0x4f3: {  	v16 =	vmul.f32 v62, v22;
	v40 =	vsub.f32 $1.500000000e+00, v33;
	_ =	sdelay $0x1  }
0x4f4: {  	v41 =	vmul.f32 v16, v61;
	v22 =	vmul.f32 v28, v40  }
0x4f5: {  	v30 =	vmul.f32 v37, v30  }
0x4f6: {  	v42 =	vmul.f32 v41, v16;
	v43 =	vmul.f32 v22, v38  }
0x4f7: {  	v27 =	vmul.f32 v36, v27;
	v31 =	vmul.f32 v36, v31  }
0x4f8: {  	v10 =	vsub.f32 $1.000000000e+00, v10;
	v44 =	vsub.f32 $1.500000000e+00, v42;
	v46 =	vmul.f32 v43, v22  }
0x4f9: {  	v6 =	vadd.f32 v6, v25;
	v47 =	vpop (erf);
	v30 =	vmul.f32 v30, v37;
	(erf) = vrcp.f32 v13  }
0x4fa: {  	v10 =	vmul.f32 v29, v10;
	v48 =	vmul.f32 v44, v16;
	v51 =	vsub.f32 $1.500000000e+00, v46  }
0x4fb: {  	v49 =	vmul.f32 v47, v6;
	v52 =	vsub.f32 $1.000000000e+00, v36;
	(erf) = vrcp.f32 v14  }
0x4fc: {  	v17 =	vmin.f32 v17, $2.047000000e+03;
	v26 =	vmul.f32 v48, v61;
	v53 =	vmul.f32 v51, v22  }
0x4fd: {  	v45 =	vsub.f32 $1.500000000e+00, v30;
	v21 =	vmul.f32 v52, v21;
	v20 =	vmul.f32 v52, v20  }
0x4fe: {  	v17 =	vsub.f32 v17, v24;
	v54 =	vmul.f32 v26, v48;
	v55 =	vmul.f32 v53, v38  }
0x4ff: {  	v50 =	vmul.f32 v45, v37;
	v21 =	vadd.f32 v21, v27;
	v20 =	vadd.f32 v20, v31  }
0x500: {  	v56 =	vsub.f32 $1.000000000e+00, v17;
	v22 =	vsub.f32 $1.500000000e+00, v54;
	v24 =	vmul.f32 v55, v53  }
0x501: {  	v10 =	vadd.f32 v23, v10;
	v25 =	vmul.f32 $1.000000050e-03, v50;
	v17 =	vmul.f32 v21, v17  }
0x502: {  	v20 =	vmul.f32 v20, v56;
	v57 =	vpop (erf);
	v13 =	vmul.f32 v22, v48;
	v58 =	vsub.f32 $1.500000000e+00, v24  }
0x503: {  	v21 =	vmul.f32 v57, v10;
	v16 =	vadd.f32 v25, v49  }
0x504: {  	v17 =	vadd.f32 v17, v20;
	v13 =	vmul.f32 $1.000000050e-03, v13;
	v14 =	vmul.f32 v58, v53  }
0x505: {  	v59 =	vpop (erf);
	v19 =	vmul.f32 v16, v19;
	v16 =	vmul.f32 v16, v18  }
0x506: {  	v18 =	vmul.f32 v59, v17;
	v13 =	vadd.f32 v13, v21;
	v14 =	vmul.f32 $1.000000050e-03, v14  }
0x507: {  	vm0 =	vgt.f32 v6, $0.0e+00  }
0x508: {  	v60 =	vsub.f32 v3, v19;
	v9 =	vmul.f32 v13, v9;
	v14 =	vadd.f32 v14, v18  }
0x509: {  	vm14 =	vgt.f32 v10, $0.0e+00;
	v16 =	vsub.f32 v2, v16;
	v61 =	vmul.f32 v13, v15  }
0x50a: {  	v3 =	vsel vm0, v60, v3;
	v9 =	vsub.f32 v5, v9;
	v12 =	vmul.f32 v14, v12  }
0x50b: {  	v2 =	vsel vm0, v16, v2;
	[tilespmem:s25+$0x1A000] =	vst v3;
	v3 =	vsub.f32 v4, v61;
	v62 =	vmul.f32 v14, v11  }
0x50c: {  	[tilespmem:s25+$0x1B000] =	vst v2;
	v2 =	vsel vm14, v9, v5;
	v63 =	vsub.f32 v8, v12  }
0x50d: {  	vm15 =	vgt.f32 v17, $0.0e+00;
	[tilespmem:s0+$0x1A000] =	vst v2;
	v2 =	vsel vm14, v3, v4;
	v3 =	vsub.f32 v7, v62  }
0x50e: {  	[tilespmem:s0+$0x1B000] =	vst v2;
	v2 =	vsel vm15, v63, v8  }
0x50f: {  	[tilespmem:s3+$0x1A000] =	vst v2;
	v2 =	vsel vm15, v3, v7  }
0x510: {  	s28 =	rddreg [dreg:$0x5];
	[tilespmem:s3+$0x1B000] =	vst v2  }
0x511: {  	[hbm4b:s28+s2] =	stream.linear.scatter [tilespmem:s22], [sflag:$0x3], $0x800, $0x38;
	[tilespmem:$0x1C000] =	vst v63  }
0x512: {  	_ =	swait.ge [sflag:s15], $0x800  }
0x513: {  	[sflag:s15] =	ssyncset.done $0x0  }
0x514: {  	s29 =	rddreg [dreg:$0x6];
	[sflag:s15] =	ssyncadd.s32 $0xFFFFF800  }
0x515: {  	[hbm4b:s29+s2] =	stream.linear.scatter [tilespmem:s23], [sflag:$0x3], $0x800, $0x38;
	[tilespmem:$0x1C000] =	vst v63  }
0x516: {  	_ =	swait.ge [sflag:s15], $0x800  }
0x517: {  	s30 =	rddreg [dreg:$0x8]  }
0x518: {  	s31 =	rddreg [dreg:$0x7];
	s3 =	sadd.s32 $0x1, s30  }
0x519: {  	p0 =	sne.s32 s3, s31  }
.Ltmp7:
0x51a: {  	_ = 	snop;
	(pc) =	sbr.rel @p0 .LBB2_1-.Ltmp7, $3  }
0x51b: {  	_ =	sdelay $0x1  }
0x51c: {  	[sflag:s15] =	ssyncset.done $0x0  }
0x51d: {  	[sflag:s15] =	ssyncadd.s32 $0xFFFFF800  }
0x51e: {  	_ =	sfence.sel $0x180000  }
0x51f: {  	[bflag:$0x0] =	sbarrier.arrive $0xFFFF  }
0x520: {  	_ =	strace $0x90000047  }
0x521: {  	s0 =	stileid.u32;
	[bflag:$0x2] =	sbarrier.arrive $0xFFFF  }
0x522: {  	p0 =	sne.s32 s0, $0x0;
	s0 =	rddreg [dreg:$0x2]  }
0x523: {  	s0 =	sadd.s32 @!p0 $0x100000, s0  }
0x524: {  	[sflag:s0] =	ssyncadd.tile.s32 @!p0 $0x1;
	_ =	shalt  }
.Lfunc_end2:
_tile_overlayer_lowered:
.L_overlay_start_2:
0x525: {  	(tag) =	ssettag $0x2  }
0x526: {  	s0 =	rddreg [dreg:$0x0];
	s2 =	stileid.u32  }
0x527: {  	s1 =	rddreg [dreg:$0x1];
	p0 =	sne.s32 s2, $0x0  }
0x528: {  	s3 =	rddreg [dreg:$0x2];
	[bflag:$0x3] =	sbarrier.arrive $0xFFFF;
	s2 =	simm.s32 @!p0 $0x1C03  }
0x529: {  	[timem:s3], [sflag:s2] =	dma.local @!p0 [hbm:s0], s1  }
0x52a: {  	s0 =	simm.s32 @!p0 $0x3  }
0x52b: {  	_ =	swait.ge @!p0 [sflag:s0], s1  }
0x52c: {  	s1 =	ssub.s32 @!p0 $0x0, s1;
	[sflag:s0] =	ssyncset.done @!p0 $0x0  }
0x52d: {  	[sflag:s0] =	ssyncadd.s32 @!p0 s1  }
0x52e: {  	[bflag:$0x3] =	sbarrier.arrive $0xFFFF  }
0x52f: {  	_ =	shalt  }

</sc_bundles>
